<compile_context>
chip_gen: v7x
topology: tpu7x:2x2x1
jax: 0.10.2.dev20260603
libtpu: 0.0.44.dev20260713+nightly
codegen_flags: <defaults>
</compile_context>

<pallas_src>
import jax
import jax.numpy as jnp
from jax import lax
from jax.experimental import pallas as pl
from jax.experimental.pallas import tpu as pltpu
from jax.experimental.pallas import tpu_sc as plsc

_K = 32
_D = 32
_N = 32768
_NT = 16
_C = _N // _NT
_G = _C // 16
_DELTA_VAR = 0.5
_DELTA_DIST = 1.5
_ALPHA = 0.1
_BETA = 1.0
_GAMMA = 0.001
_EPS = 1e-12


def _vsqrt(x):
    i = plsc.bitcast(x, jnp.int32)
    i = 0x5F3759DF - (i >> 1)
    r = plsc.bitcast(i, jnp.float32)
    for _ in range(3):
        r = r * (1.5 - 0.5 * x * r * r)
    return x * r


def _splat(s):
    return jnp.zeros((16,), jnp.float32) + s


def _sc_body(f_hbm, l_hbm, out_hbm,
             fv, lv, accv, cnt2d, h2acc, meansv, scntv, mtv,
             pbuf, pcbuf, ph2buf, outv,
             psums_sp, pcnts_sp, means_sp, cnts_sp, ph2_sp):
    s = lax.axis_index("s")
    c = lax.axis_index("c")
    iota16 = lax.iota(jnp.int32, 16)
    ones16 = jnp.ones((16,), jnp.float32)
    zeros16 = jnp.zeros((16,), jnp.float32)

    pltpu.sync_copy(f_hbm.at[pl.ds(s * _C * _D, _C * _D)], fv)
    pltpu.sync_copy(l_hbm.at[pl.ds(s * _C, _C)], lv)

    @pl.loop(0, _K)
    def _(k):
        accv[pl.ds(k * _D, 16)] = zeros16
        accv[pl.ds(k * _D + 16, 16)] = zeros16
        cnt2d[pl.ds(k * 16, 16)] = zeros16
        h2acc[pl.ds(k * 16, 16)] = zeros16

    h2acc[pl.ds(_K * 16, 16)] = zeros16

    def _p1(g, carry):
        cur, a0, a1 = carry
        b = g * 16
        lblv = lv[pl.ds(b, 16)]
        plsc.addupdate_scatter(cnt2d, [lblv * 16 + iota16], ones16)
        l0 = lblv[0]
        l15 = lblv[15]
        fast = jnp.logical_and(l0 == cur, l0 == l15)

        def _fast(cur, a0, a1):
            for i in range(16):
                a0 = a0 + fv[pl.ds((b + i) * _D, 16)]
                a1 = a1 + fv[pl.ds((b + i) * _D + 16, 16)]
            return cur, a0, a1

        def _slow(cur, a0, a1):
            plsc.addupdate(accv.at[pl.ds(cur * _D, 16)], a0)
            plsc.addupdate(accv.at[pl.ds(cur * _D + 16, 16)], a1)
            for i in range(16):
                lbl = lblv[i]
                plsc.addupdate(accv.at[pl.ds(lbl * _D, 16)],
                               fv[pl.ds((b + i) * _D, 16)])
                plsc.addupdate(accv.at[pl.ds(lbl * _D + 16, 16)],
                               fv[pl.ds((b + i) * _D + 16, 16)])
            return l15, zeros16, zeros16

        return lax.cond(fast, _fast, _slow, cur, a0, a1)

    cur, a0, a1 = pl.loop(0, _G, init_carry=(lv[pl.ds(0, 16)][0], zeros16, zeros16))(_p1)
    plsc.addupdate(accv.at[pl.ds(cur * _D, 16)], a0)
    plsc.addupdate(accv.at[pl.ds(cur * _D + 16, 16)], a1)

    pltpu.sync_copy(accv, psums_sp.at[s])
    pltpu.sync_copy(cnt2d, pcnts_sp.at[s])
    plsc.subcore_barrier()

    @pl.loop(0, _NT)
    def _(tt):
        pltpu.sync_copy(psums_sp.at[tt, pl.ds(2 * s * _D, 2 * _D)], pbuf.at[tt])
        pltpu.sync_copy(pcnts_sp.at[tt, pl.ds(2 * s * 16, 32)], pcbuf.at[tt])

    for ki in range(2):
        k = 2 * s + ki

        def _red(tt, carry, ki=ki):
            s0, s1, cv = carry
            return (s0 + pbuf[tt, ki * _D:ki * _D + 16],
                    s1 + pbuf[tt, ki * _D + 16:ki * _D + 32],
                    cv + pcbuf[tt, ki * 16:ki * 16 + 16])

        s0, s1, cv = pl.loop(0, _NT, init_carry=(zeros16, zeros16, zeros16))(_red)
        safe = jnp.maximum(jnp.sum(cv), 1.0)
        safev = _splat(safe)
        meansv[pl.ds(k * _D, 16)] = s0 / safev
        meansv[pl.ds(k * _D + 16, 16)] = s1 / safev
        scntv[pl.ds(k * 16, 16)] = safev

    pltpu.sync_copy(meansv.at[pl.ds(2 * s * _D, 2 * _D)],
                    means_sp.at[pl.ds(2 * s * _D, 2 * _D)])
    pltpu.sync_copy(scntv.at[pl.ds(2 * s * 16, 32)], cnts_sp.at[pl.ds(2 * s * 16, 32)])
    plsc.subcore_barrier()

    pltpu.sync_copy(means_sp, meansv)
    pltpu.sync_copy(cnts_sp, scntv)

    @pl.loop(0, _G)
    def _(g):
        b = g * 16
        lblv = lv[pl.ds(b, 16)]
        pbase = (iota16 + b) * _D
        l0 = lblv[0]
        uniform = l0 == lblv[15]

        def _fast():
            mk0 = meansv[pl.ds(l0 * _D, 16)]
            mk1 = meansv[pl.ds(l0 * _D + 16, 16)]
            d2 = zeros16
            for d in range(_D):
                xd = plsc.load_gather(fv, [pbase + d])
                mkd = mk0[d] if d < 16 else mk1[d - 16]
                t = xd - mkd
                d2 = d2 + t * t
            return d2

        def _slow():
            mbase = lblv * _D
            d2 = zeros16
            for d in range(_D):
                xd = plsc.load_gather(fv, [pbase + d])
                md = plsc.load_gather(meansv, [mbase + d])
                t = xd - md
                d2 = d2 + t * t
            return d2

        d2 = lax.cond(uniform, _fast, _slow)
        dist = _vsqrt(jnp.maximum(d2, _EPS))
        h = jnp.maximum(dist - _DELTA_VAR, 0.0)
        plsc.addupdate_scatter(h2acc, [lblv * 16 + iota16], h * h)

    cbaseA = iota16 * _D
    cbaseB = (iota16 + 16) * _D
    r0 = zeros16
    r1 = zeros16
    for d in range(_D):
        colA = plsc.load_gather(meansv, [cbaseA + d])
        colB = plsc.load_gather(meansv, [cbaseB + d])
        mtv[d, 0:16] = colA
        mtv[d, 16:32] = colB
        r0 = r0 + colA * colA
        r1 = r1 + colB * colB
    regn0 = _vsqrt(jnp.maximum(r0, _EPS))
    regn1 = _vsqrt(jnp.maximum(r1, _EPS))
    reg_sum = jnp.sum(regn0) + jnp.sum(regn1)

    dist_part = jnp.float32(0.0)
    for ki in range(2):
        k = 2 * s + ki
        mk0 = meansv[pl.ds(k * _D, 16)]
        mk1 = meansv[pl.ds(k * _D + 16, 16)]
        for jc in range(2):
            pd2 = zeros16
            for d in range(_D):
                mkd = mk0[d] if d < 16 else mk1[d - 16]
                t = mtv[d, jc * 16:jc * 16 + 16] - mkd
                pd2 = pd2 + t * t
            jv = iota16 + 16 * jc
            diag = jv == k
            pd = _vsqrt(jnp.where(diag, 1.0, jnp.maximum(pd2, _EPS)))
            h = jnp.maximum(2.0 * _DELTA_DIST - pd, 0.0)
            dist_part = dist_part + jnp.sum(jnp.where(diag, 0.0, h * h))

    h2acc[pl.ds(_K * 16, 16)] = jnp.where(iota16 == 0, dist_part, 0.0)
    pltpu.sync_copy(h2acc, ph2_sp.at[s])
    plsc.subcore_barrier()

    @pl.when(jnp.logical_and(s == 0, c == 0))
    def _():
        pltpu.sync_copy(ph2_sp, ph2buf)

        def _var(k, vacc):
            def _acc(tt, a16):
                return a16 + ph2buf[tt, pl.ds(k * 16, 16)]

            a16 = pl.loop(0, _NT, init_carry=zeros16)(_acc)
            return vacc + a16 / scntv[pl.ds(k * 16, 16)]

        var_vacc = pl.loop(0, _K, init_carry=zeros16)(_var)
        var_loss = jnp.sum(var_vacc) * (1.0 / _K)

        def _dist(tt, a16):
            return a16 + ph2buf[tt, pl.ds(_K * 16, 16)]

        dist_v = pl.loop(0, _NT, init_carry=zeros16)(_dist)
        dist_loss = jnp.sum(dist_v) * (1.0 / (_K * (_K - 1)))

        reg_loss = reg_sum * (1.0 / _K)
        loss = _ALPHA * var_loss + _BETA * dist_loss + _GAMMA * reg_loss

        res = jnp.where(iota16 == 0, loss,
                        jnp.where(iota16 == 1, var_loss,
                                  jnp.where(iota16 == 2, dist_loss,
                                            jnp.where(iota16 == 3, reg_loss, 0.0))))
        outv[:] = res
        pltpu.sync_copy(outv, out_hbm)


@jax.jit
def _run(features, labels):
    mesh = plsc.VectorSubcoreMesh(core_axis_name="c", subcore_axis_name="s",
                                  num_cores=2, num_subcores=16)
    f = pl.kernel(
        _sc_body,
        out_type=jax.ShapeDtypeStruct((16,), jnp.float32),
        mesh=mesh,
        compiler_params=pltpu.CompilerParams(needs_layout_passes=False),
        scratch_types=[
            pltpu.VMEM((_C * _D,), jnp.float32),
            pltpu.VMEM((_C,), jnp.int32),
            pltpu.VMEM((_K * _D,), jnp.float32),
            pltpu.VMEM((_K * 16,), jnp.float32),
            pltpu.VMEM((_K * 16 + 16,), jnp.float32),
            pltpu.VMEM((_K * _D,), jnp.float32),
            pltpu.VMEM((_K * 16,), jnp.float32),
            pltpu.VMEM((_D, _K), jnp.float32),
            pltpu.VMEM((_NT, 2 * _D), jnp.float32),
            pltpu.VMEM((_NT, 32), jnp.float32),
            pltpu.VMEM((_NT, _K * 16 + 16), jnp.float32),
            pltpu.VMEM((16,), jnp.float32),
            pltpu.VMEM_SHARED((_NT, _K * _D), jnp.float32),
            pltpu.VMEM_SHARED((_NT, _K * 16), jnp.float32),
            pltpu.VMEM_SHARED((_K * _D,), jnp.float32),
            pltpu.VMEM_SHARED((_K * 16,), jnp.float32),
            pltpu.VMEM_SHARED((_NT, _K * 16 + 16), jnp.float32),
        ],
    )
    return f(features.reshape(-1), labels)


def kernel(features, labels):
    out = _run(features, labels)
    return out[0], out[1], out[2], out[3]

# --- scband reference (transcript-rebuilt; emitter-appended) ---
"""Pipeline reference for scband-discriminative-loss-2894807958207 (READ-ONLY COPY).

The authoritative reference and input builder live on the scoring server;
editing this copy changes nothing except your own understanding.
"""

import jax, jax.numpy as jnp
import numpy as np

K = 32
DELTA_VAR = 0.5
DELTA_DIST = 1.5
ALPHA = 0.1
BETA = 1.0
GAMMA = 0.001
EPS = 1e-12


def setup_inputs(seed: int = 0) -> dict:
    key = jax.random.key(seed)
    k1, k2 = jax.random.split(key)
    features = jax.random.normal(k1, (32768, 32), dtype=jnp.float32)
    labels = jnp.sort(jax.random.randint(k2, (32768,), 0, K))
    return {"features": features, "labels": labels}


def _combine(features, labels):
    n = features.shape[0]
    ones = jnp.ones((n,), dtype=features.dtype)
    counts = jax.ops.segment_sum(ones, labels, num_segments=K)
    sums = jax.ops.segment_sum(features, labels, num_segments=K)
    safe_counts = jnp.maximum(counts, 1.0)
    cluster_means = sums / safe_counts[:, None]

    # intra-cluster (variance) loss, norm p=2
    mu_per_point = cluster_means[labels]
    d2 = jnp.sum((features - mu_per_point) ** 2, axis=1)
    dists = jnp.sqrt(jnp.maximum(d2, EPS))
    hinge = jnp.maximum(dists - DELTA_VAR, 0.0)
    per_cluster = jax.ops.segment_sum(hinge ** 2, labels, num_segments=K) / safe_counts
    var_loss = jnp.sum(per_cluster) / float(K)

    # inter-cluster (distance) loss over i != j pairs
    diff = cluster_means[:, None, :] - cluster_means[None, :, :]
    pd2 = jnp.sum(diff ** 2, axis=-1)
    eye = jnp.eye(K, dtype=bool)
    pd = jnp.sqrt(jnp.where(eye, 1.0, jnp.maximum(pd2, EPS)))
    h = jnp.maximum(2.0 * DELTA_DIST - pd, 0.0)
    dist_loss = jnp.sum(jnp.where(eye, 0.0, h ** 2)) / float(K * (K - 1))

    # regularization: mean centroid norm
    reg_loss = jnp.sum(jnp.sqrt(jnp.maximum(jnp.sum(cluster_means ** 2, axis=1), EPS))) / float(K)

    loss = ALPHA * var_loss + BETA * dist_loss + GAMMA * reg_loss
    return loss, var_loss, dist_loss, reg_loss


def reference(features, labels):
    return _combine(features, labels)

if __name__ == "__main__":
    import jax
    _d = setup_inputs()
    print(jax.jit(kernel)(*tuple(_d.values())))

</pallas_src>

<mosaic_0001>
#map = affine_map<(d0, d1) -> (0)>
module attributes {stable_mosaic.version = 14 : i64} {
  func.func @_sc_body(%arg0: i32, %arg1: i32, %arg2: memref<1048576xf32, #tpu.memory_space<hbm>>, %arg3: memref<32768xi32, #tpu.memory_space<hbm>>, %arg4: memref<16xf32, #tpu.memory_space<hbm>>, %arg5: memref<65536xf32, #tpu.memory_space<vmem>>, %arg6: memref<2048xi32, #tpu.memory_space<vmem>>, %arg7: memref<1024xf32, #tpu.memory_space<vmem>>, %arg8: memref<512xf32, #tpu.memory_space<vmem>>, %arg9: memref<528xf32, #tpu.memory_space<vmem>>, %arg10: memref<1024xf32, #tpu.memory_space<vmem>>, %arg11: memref<512xf32, #tpu.memory_space<vmem>>, %arg12: memref<32x32xf32, #tpu.memory_space<vmem>>, %arg13: memref<16x64xf32, #tpu.memory_space<vmem>>, %arg14: memref<16x32xf32, #tpu.memory_space<vmem>>, %arg15: memref<16x528xf32, #tpu.memory_space<vmem>>, %arg16: memref<16xf32, #tpu.memory_space<vmem>>, %arg17: memref<16x1024xf32, #tpu.memory_space<vmem_shared>>, %arg18: memref<16x512xf32, #tpu.memory_space<vmem_shared>>, %arg19: memref<1024xf32, #tpu.memory_space<vmem_shared>>, %arg20: memref<512xf32, #tpu.memory_space<vmem_shared>>, %arg21: memref<16x528xf32, #tpu.memory_space<vmem_shared>>) attributes {dimension_semantics = [#tpu.dimension_semantics<core_parallel>, #tpu.dimension_semantics<subcore_parallel>], iteration_bounds = array<i64: 2, 16>, scalar_prefetch = 0 : i64, scratch_operands = 17 : i64, tpu.core_type = #tpu.core_type<sc_vector_subcore>, window_params = [{transform_indices = #map}, {transform_indices = #map}, {transform_indices = #map}]} {
    %iota3A = tpu.iota {dimensions = array<i32: 0>} : vector<16xi32>
    %broadcast_in_dim3A = arith.constant 1.000000e+00 : f32
    %broadcast_in_dim3A_0 = vector.broadcast %broadcast_in_dim3A : f32 to vector<16xf32>
    %broadcast_in_dim3A_1 = arith.constant 0.000000e+00 : f32
    %broadcast_in_dim3A_2 = vector.broadcast %broadcast_in_dim3A_1 : f32 to vector<16xf32>
    %mul3A = arith.constant 2048 : i32
    %mul3A_3 = arith.muli %arg1, %mul3A : i32
    %mul3A_4 = arith.constant 32 : i32
    %mul3A_5 = arith.muli %mul3A_3, %mul3A_4 : i32
    "tpu.region"() ({
      %run_scoped3A = tpu.sem_alloc : memref<!tpu.dma_semaphore, #tpu.memory_space<semaphore_mem>>
      %dma_start3A = tpu.memref_slice %arg2[%mul3A_5] : memref<1048576xf32, #tpu.memory_space<hbm>> -> memref<65536xf32, #tpu.memory_space<hbm>>
      %dma_start3A_2426 = tpu.memref_slice %arg2[%mul3A_5] : memref<1048576xf32, #tpu.memory_space<hbm>> -> memref<65536xf32, #tpu.memory_space<hbm>>
      tpu.enqueue_dma source(%dma_start3A_2426 : memref<65536xf32, #tpu.memory_space<hbm>>) target(%arg5 : memref<65536xf32, #tpu.memory_space<vmem>>) target_semaphore(%run_scoped3A : memref<!tpu.dma_semaphore, #tpu.memory_space<semaphore_mem>>)
      %dma_wait3A = tpu.memref_slice %arg2[%mul3A_5] : memref<1048576xf32, #tpu.memory_space<hbm>> -> memref<65536xf32, #tpu.memory_space<hbm>>
      %dma_wait3A_2427 = tpu.memref_slice %arg2[%mul3A_5] : memref<1048576xf32, #tpu.memory_space<hbm>> -> memref<65536xf32, #tpu.memory_space<hbm>>
      tpu.wait_dma2 semaphore(%run_scoped3A : memref<!tpu.dma_semaphore, #tpu.memory_space<semaphore_mem>>) src(%dma_wait3A_2427 : memref<65536xf32, #tpu.memory_space<hbm>>) dst(%arg5 : memref<65536xf32, #tpu.memory_space<vmem>>)
      tpu.yield
    }) : () -> ()
    %mul3A_6 = arith.constant 2048 : i32
    %mul3A_7 = arith.muli %arg1, %mul3A_6 : i32
    "tpu.region"() ({
      %run_scoped3A = tpu.sem_alloc : memref<!tpu.dma_semaphore, #tpu.memory_space<semaphore_mem>>
      %dma_start3A = tpu.memref_slice %arg3[%mul3A_7] : memref<32768xi32, #tpu.memory_space<hbm>> -> memref<2048xi32, #tpu.memory_space<hbm>>
      %dma_start3A_2426 = tpu.memref_slice %arg3[%mul3A_7] : memref<32768xi32, #tpu.memory_space<hbm>> -> memref<2048xi32, #tpu.memory_space<hbm>>
      tpu.enqueue_dma source(%dma_start3A_2426 : memref<2048xi32, #tpu.memory_space<hbm>>) target(%arg6 : memref<2048xi32, #tpu.memory_space<vmem>>) target_semaphore(%run_scoped3A : memref<!tpu.dma_semaphore, #tpu.memory_space<semaphore_mem>>)
      %dma_wait3A = tpu.memref_slice %arg3[%mul3A_7] : memref<32768xi32, #tpu.memory_space<hbm>> -> memref<2048xi32, #tpu.memory_space<hbm>>
      %dma_wait3A_2427 = tpu.memref_slice %arg3[%mul3A_7] : memref<32768xi32, #tpu.memory_space<hbm>> -> memref<2048xi32, #tpu.memory_space<hbm>>
      tpu.wait_dma2 semaphore(%run_scoped3A : memref<!tpu.dma_semaphore, #tpu.memory_space<semaphore_mem>>) src(%dma_wait3A_2427 : memref<2048xi32, #tpu.memory_space<hbm>>) dst(%arg6 : memref<2048xi32, #tpu.memory_space<vmem>>)
      tpu.yield
    }) : () -> ()
    %scan3A = arith.constant 0 : i32
    %scan3A_8 = arith.constant 32 : i32
    %scan3A_9 = arith.addi %scan3A, %scan3A_8 : i32
    %scan3A_10 = arith.constant 1 : i32
    scf.for %scan3A_2426 = %scan3A to %scan3A_9 step %scan3A_10  : i32 {
      %mul3A_2427 = arith.constant 1 : i32
      %mul3A_2428 = arith.muli %scan3A_2426, %mul3A_2427 : i32
      %add3A_2429 = arith.constant 0 : i32
      %add3A_2430 = arith.addi %add3A_2429, %mul3A_2428 : i32
      %mul3A_2431 = arith.constant 32 : i32
      %mul3A_2432 = arith.muli %add3A_2430, %mul3A_2431 : i32
      %swap3A_2433 = arith.index_cast %mul3A_2432 : i32 to index
      %swap3A_2434 = tpu.vector_load %arg7[%swap3A_2433] {strides = array<i32>} : memref<1024xf32, #tpu.memory_space<vmem>>, vector<16xf32>,
      tpu.vector_store %arg7[%swap3A_2433], %broadcast_in_dim3A_2 {strides = array<i32>} : memref<1024xf32, #tpu.memory_space<vmem>>, vector<16xf32>,
      %mul3A_2435 = arith.constant 32 : i32
      %mul3A_2436 = arith.muli %add3A_2430, %mul3A_2435 : i32
      %add3A_2437 = arith.constant 16 : i32
      %add3A_2438 = arith.addi %mul3A_2436, %add3A_2437 : i32
      %swap3A_2439 = arith.index_cast %add3A_2438 : i32 to index
      %swap3A_2440 = tpu.vector_load %arg7[%swap3A_2439] {strides = array<i32>} : memref<1024xf32, #tpu.memory_space<vmem>>, vector<16xf32>,
      tpu.vector_store %arg7[%swap3A_2439], %broadcast_in_dim3A_2 {strides = array<i32>} : memref<1024xf32, #tpu.memory_space<vmem>>, vector<16xf32>,
      %mul3A_2441 = arith.constant 16 : i32
      %mul3A_2442 = arith.muli %add3A_2430, %mul3A_2441 : i32
      %swap3A_2443 = arith.index_cast %mul3A_2442 : i32 to index
      %swap3A_2444 = tpu.vector_load %arg8[%swap3A_2443] {strides = array<i32>} : memref<512xf32, #tpu.memory_space<vmem>>, vector<16xf32>,
      tpu.vector_store %arg8[%swap3A_2443], %broadcast_in_dim3A_2 {strides = array<i32>} : memref<512xf32, #tpu.memory_space<vmem>>, vector<16xf32>,
      %mul3A_2445 = arith.constant 16 : i32
      %mul3A_2446 = arith.muli %add3A_2430, %mul3A_2445 : i32
      %swap3A_2447 = arith.index_cast %mul3A_2446 : i32 to index
      %swap3A_2448 = tpu.vector_load %arg9[%swap3A_2447] {strides = array<i32>} : memref<528xf32, #tpu.memory_space<vmem>>, vector<16xf32>,
      tpu.vector_store %arg9[%swap3A_2447], %broadcast_in_dim3A_2 {strides = array<i32>} : memref<528xf32, #tpu.memory_space<vmem>>, vector<16xf32>,
    }
    %scan3A_11 = arith.constant 32 : i32
    %swap3A = arith.constant 512 : index
    %swap3A_12 = tpu.vector_load %arg9[%swap3A] {strides = array<i32>} : memref<528xf32, #tpu.memory_space<vmem>>, vector<16xf32>,
    tpu.vector_store %arg9[%swap3A], %broadcast_in_dim3A_2 {strides = array<i32>} : memref<528xf32, #tpu.memory_space<vmem>>, vector<16xf32>,
    %get3A = arith.constant 0 : index
    %get3A_13 = tpu.vector_load %arg6[%get3A] {strides = array<i32>} : memref<2048xi32, #tpu.memory_space<vmem>>, vector<16xi32>,
    %slice3A = vector.extract_strided_slice %get3A_13 {offsets = [0], sizes = [1], strides = [1]} : vector<16xi32> to vector<1xi32>
    %squeeze3A = vector.extract %slice3A[0] : i32 from vector<1xi32>
    %scan3A_14 = arith.constant 0 : i32
    %scan3A_15 = arith.constant 128 : i32
    %scan3A_16 = arith.addi %scan3A_14, %scan3A_15 : i32
    %scan3A_17 = arith.constant 1 : i32
    %scan3A_18:3 = scf.for %scan3A_2426 = %scan3A_14 to %scan3A_16 step %scan3A_17 iter_args(%scan3A_2427 = %squeeze3A, %scan3A_2428 = %broadcast_in_dim3A_2, %scan3A_2429 = %broadcast_in_dim3A_2) -> (i32, vector<16xf32>, vector<16xf32>)  : i32 {
      %mul3A_2430 = arith.constant 1 : i32
      %mul3A_2431 = arith.muli %scan3A_2426, %mul3A_2430 : i32
      %add3A_2432 = arith.constant 0 : i32
      %add3A_2433 = arith.addi %add3A_2432, %mul3A_2431 : i32
      %mul3A_2434 = arith.constant 16 : i32
      %mul3A_2435 = arith.muli %add3A_2433, %mul3A_2434 : i32
      %get3A_2436 = arith.index_cast %mul3A_2435 : i32 to index
      %get3A_2437 = tpu.vector_load %arg6[%get3A_2436] {strides = array<i32>} : memref<2048xi32, #tpu.memory_space<vmem>>, vector<16xi32>,
      %mul3A_2438 = arith.constant 16 : i32
      %mul3A_2439 = vector.broadcast %mul3A_2438 : i32 to vector<16xi32>
      %mul3A_2440 = arith.muli %get3A_2437, %mul3A_2439 : vector<16xi32>
      %add3A_2441 = arith.addi %mul3A_2440, %iota3A : vector<16xi32>
      tpu.vector_store_idx %arg8[%add3A_2441], %broadcast_in_dim3A_0 {add = true} : memref<512xf32, #tpu.memory_space<vmem>>[vector<16xi32>], vector<16xf32>,
      %slice3A_2442 = vector.extract_strided_slice %get3A_2437 {offsets = [0], sizes = [1], strides = [1]} : vector<16xi32> to vector<1xi32>
      %squeeze3A_2443 = vector.extract %slice3A_2442[0] : i32 from vector<1xi32>
      %slice3A_2444 = vector.extract_strided_slice %get3A_2437 {offsets = [15], sizes = [1], strides = [1]} : vector<16xi32> to vector<1xi32>
      %squeeze3A_2445 = vector.extract %slice3A_2444[0] : i32 from vector<1xi32>
      %eq3A_2446 = arith.cmpi eq, %squeeze3A_2443, %scan3A_2427 : i32
      %eq3A_2447 = arith.cmpi eq, %squeeze3A_2443, %squeeze3A_2445 : i32
      %and3A_2448 = arith.andi %eq3A_2446, %eq3A_2447 : i1
      %convert_element_type3A_2449 = arith.extui %and3A_2448 : i1 to i32
      %cond3A_2450 = arith.constant 0 : i32
      %cond3A_2451 = arith.cmpi ne, %convert_element_type3A_2449, %cond3A_2450 : i32
      %cond3A_2452:3 = scf.if %cond3A_2451 -> (i32, vector<16xf32>, vector<16xf32>) {
        %add3A_2453 = arith.constant 0 : i32
        %add3A_2454 = arith.addi %mul3A_2435, %add3A_2453 : i32
        %mul3A_2455 = arith.constant 32 : i32
        %mul3A_2456 = arith.muli %add3A_2454, %mul3A_2455 : i32
        %get3A_2457 = arith.index_cast %mul3A_2456 : i32 to index
        %get3A_2458 = tpu.vector_load %arg5[%get3A_2457] {strides = array<i32>} : memref<65536xf32, #tpu.memory_space<vmem>>, vector<16xf32>,
        %add3A_2459 = arith.addf %scan3A_2428, %get3A_2458 : vector<16xf32>
        %add3A_2460 = arith.constant 0 : i32
        %add3A_2461 = arith.addi %mul3A_2435, %add3A_2460 : i32
        %mul3A_2462 = arith.constant 32 : i32
        %mul3A_2463 = arith.muli %add3A_2461, %mul3A_2462 : i32
        %add3A_2464 = arith.constant 16 : i32
        %add3A_2465 = arith.addi %mul3A_2463, %add3A_2464 : i32
        %get3A_2466 = arith.index_cast %add3A_2465 : i32 to index
        %get3A_2467 = tpu.vector_load %arg5[%get3A_2466] {strides = array<i32>} : memref<65536xf32, #tpu.memory_space<vmem>>, vector<16xf32>,
        %add3A_2468 = arith.addf %scan3A_2429, %get3A_2467 : vector<16xf32>
        %add3A_2469 = arith.constant 1 : i32
        %add3A_2470 = arith.addi %mul3A_2435, %add3A_2469 : i32
        %mul3A_2471 = arith.constant 32 : i32
        %mul3A_2472 = arith.muli %add3A_2470, %mul3A_2471 : i32
        %get3A_2473 = arith.index_cast %mul3A_2472 : i32 to index
        %get3A_2474 = tpu.vector_load %arg5[%get3A_2473] {strides = array<i32>} : memref<65536xf32, #tpu.memory_space<vmem>>, vector<16xf32>,
        %add3A_2475 = arith.addf %add3A_2459, %get3A_2474 : vector<16xf32>
        %add3A_2476 = arith.constant 1 : i32
        %add3A_2477 = arith.addi %mul3A_2435, %add3A_2476 : i32
        %mul3A_2478 = arith.constant 32 : i32
        %mul3A_2479 = arith.muli %add3A_2477, %mul3A_2478 : i32
        %add3A_2480 = arith.constant 16 : i32
        %add3A_2481 = arith.addi %mul3A_2479, %add3A_2480 : i32
        %get3A_2482 = arith.index_cast %add3A_2481 : i32 to index
        %get3A_2483 = tpu.vector_load %arg5[%get3A_2482] {strides = array<i32>} : memref<65536xf32, #tpu.memory_space<vmem>>, vector<16xf32>,
        %add3A_2484 = arith.addf %add3A_2468, %get3A_2483 : vector<16xf32>
        %add3A_2485 = arith.constant 2 : i32
        %add3A_2486 = arith.addi %mul3A_2435, %add3A_2485 : i32
        %mul3A_2487 = arith.constant 32 : i32
        %mul3A_2488 = arith.muli %add3A_2486, %mul3A_2487 : i32
        %get3A_2489 = arith.index_cast %mul3A_2488 : i32 to index
        %get3A_2490 = tpu.vector_load %arg5[%get3A_2489] {strides = array<i32>} : memref<65536xf32, #tpu.memory_space<vmem>>, vector<16xf32>,
        %add3A_2491 = arith.addf %add3A_2475, %get3A_2490 : vector<16xf32>
        %add3A_2492 = arith.constant 2 : i32
        %add3A_2493 = arith.addi %mul3A_2435, %add3A_2492 : i32
        %mul3A_2494 = arith.constant 32 : i32
        %mul3A_2495 = arith.muli %add3A_2493, %mul3A_2494 : i32
        %add3A_2496 = arith.constant 16 : i32
        %add3A_2497 = arith.addi %mul3A_2495, %add3A_2496 : i32
        %get3A_2498 = arith.index_cast %add3A_2497 : i32 to index
        %get3A_2499 = tpu.vector_load %arg5[%get3A_2498] {strides = array<i32>} : memref<65536xf32, #tpu.memory_space<vmem>>, vector<16xf32>,
        %add3A_2500 = arith.addf %add3A_2484, %get3A_2499 : vector<16xf32>
        %add3A_2501 = arith.constant 3 : i32
        %add3A_2502 = arith.addi %mul3A_2435, %add3A_2501 : i32
        %mul3A_2503 = arith.constant 32 : i32
        %mul3A_2504 = arith.muli %add3A_2502, %mul3A_2503 : i32
        %get3A_2505 = arith.index_cast %mul3A_2504 : i32 to index
        %get3A_2506 = tpu.vector_load %arg5[%get3A_2505] {strides = array<i32>} : memref<65536xf32, #tpu.memory_space<vmem>>, vector<16xf32>,
        %add3A_2507 = arith.addf %add3A_2491, %get3A_2506 : vector<16xf32>
        %add3A_2508 = arith.constant 3 : i32
        %add3A_2509 = arith.addi %mul3A_2435, %add3A_2508 : i32
        %mul3A_2510 = arith.constant 32 : i32
        %mul3A_2511 = arith.muli %add3A_2509, %mul3A_2510 : i32
        %add3A_2512 = arith.constant 16 : i32
        %add3A_2513 = arith.addi %mul3A_2511, %add3A_2512 : i32
        %get3A_2514 = arith.index_cast %add3A_2513 : i32 to index
        %get3A_2515 = tpu.vector_load %arg5[%get3A_2514] {strides = array<i32>} : memref<65536xf32, #tpu.memory_space<vmem>>, vector<16xf32>,
        %add3A_2516 = arith.addf %add3A_2500, %get3A_2515 : vector<16xf32>
        %add3A_2517 = arith.constant 4 : i32
        %add3A_2518 = arith.addi %mul3A_2435, %add3A_2517 : i32
        %mul3A_2519 = arith.constant 32 : i32
        %mul3A_2520 = arith.muli %add3A_2518, %mul3A_2519 : i32
        %get3A_2521 = arith.index_cast %mul3A_2520 : i32 to index
        %get3A_2522 = tpu.vector_load %arg5[%get3A_2521] {strides = array<i32>} : memref<65536xf32, #tpu.memory_space<vmem>>, vector<16xf32>,
        %add3A_2523 = arith.addf %add3A_2507, %get3A_2522 : vector<16xf32>
        %add3A_2524 = arith.constant 4 : i32
        %add3A_2525 = arith.addi %mul3A_2435, %add3A_2524 : i32
        %mul3A_2526 = arith.constant 32 : i32
        %mul3A_2527 = arith.muli %add3A_2525, %mul3A_2526 : i32
        %add3A_2528 = arith.constant 16 : i32
        %add3A_2529 = arith.addi %mul3A_2527, %add3A_2528 : i32
        %get3A_2530 = arith.index_cast %add3A_2529 : i32 to index
        %get3A_2531 = tpu.vector_load %arg5[%get3A_2530] {strides = array<i32>} : memref<65536xf32, #tpu.memory_space<vmem>>, vector<16xf32>,
        %add3A_2532 = arith.addf %add3A_2516, %get3A_2531 : vector<16xf32>
        %add3A_2533 = arith.constant 5 : i32
        %add3A_2534 = arith.addi %mul3A_2435, %add3A_2533 : i32
        %mul3A_2535 = arith.constant 32 : i32
        %mul3A_2536 = arith.muli %add3A_2534, %mul3A_2535 : i32
        %get3A_2537 = arith.index_cast %mul3A_2536 : i32 to index
        %get3A_2538 = tpu.vector_load %arg5[%get3A_2537] {strides = array<i32>} : memref<65536xf32, #tpu.memory_space<vmem>>, vector<16xf32>,
        %add3A_2539 = arith.addf %add3A_2523, %get3A_2538 : vector<16xf32>
        %add3A_2540 = arith.constant 5 : i32
        %add3A_2541 = arith.addi %mul3A_2435, %add3A_2540 : i32
        %mul3A_2542 = arith.constant 32 : i32
        %mul3A_2543 = arith.muli %add3A_2541, %mul3A_2542 : i32
        %add3A_2544 = arith.constant 16 : i32
        %add3A_2545 = arith.addi %mul3A_2543, %add3A_2544 : i32
        %get3A_2546 = arith.index_cast %add3A_2545 : i32 to index
        %get3A_2547 = tpu.vector_load %arg5[%get3A_2546] {strides = array<i32>} : memref<65536xf32, #tpu.memory_space<vmem>>, vector<16xf32>,
        %add3A_2548 = arith.addf %add3A_2532, %get3A_2547 : vector<16xf32>
        %add3A_2549 = arith.constant 6 : i32
        %add3A_2550 = arith.addi %mul3A_2435, %add3A_2549 : i32
        %mul3A_2551 = arith.constant 32 : i32
        %mul3A_2552 = arith.muli %add3A_2550, %mul3A_2551 : i32
        %get3A_2553 = arith.index_cast %mul3A_2552 : i32 to index
        %get3A_2554 = tpu.vector_load %arg5[%get3A_2553] {strides = array<i32>} : memref<65536xf32, #tpu.memory_space<vmem>>, vector<16xf32>,
        %add3A_2555 = arith.addf %add3A_2539, %get3A_2554 : vector<16xf32>
        %add3A_2556 = arith.constant 6 : i32
        %add3A_2557 = arith.addi %mul3A_2435, %add3A_2556 : i32
        %mul3A_2558 = arith.constant 32 : i32
        %mul3A_2559 = arith.muli %add3A_2557, %mul3A_2558 : i32
        %add3A_2560 = arith.constant 16 : i32
        %add3A_2561 = arith.addi %mul3A_2559, %add3A_2560 : i32
        %get3A_2562 = arith.index_cast %add3A_2561 : i32 to index
        %get3A_2563 = tpu.vector_load %arg5[%get3A_2562] {strides = array<i32>} : memref<65536xf32, #tpu.memory_space<vmem>>, vector<16xf32>,
        %add3A_2564 = arith.addf %add3A_2548, %get3A_2563 : vector<16xf32>
        %add3A_2565 = arith.constant 7 : i32
        %add3A_2566 = arith.addi %mul3A_2435, %add3A_2565 : i32
        %mul3A_2567 = arith.constant 32 : i32
        %mul3A_2568 = arith.muli %add3A_2566, %mul3A_2567 : i32
        %get3A_2569 = arith.index_cast %mul3A_2568 : i32 to index
        %get3A_2570 = tpu.vector_load %arg5[%get3A_2569] {strides = array<i32>} : memref<65536xf32, #tpu.memory_space<vmem>>, vector<16xf32>,
        %add3A_2571 = arith.addf %add3A_2555, %get3A_2570 : vector<16xf32>
        %add3A_2572 = arith.constant 7 : i32
        %add3A_2573 = arith.addi %mul3A_2435, %add3A_2572 : i32
        %mul3A_2574 = arith.constant 32 : i32
        %mul3A_2575 = arith.muli %add3A_2573, %mul3A_2574 : i32
        %add3A_2576 = arith.constant 16 : i32
        %add3A_2577 = arith.addi %mul3A_2575, %add3A_2576 : i32
        %get3A_2578 = arith.index_cast %add3A_2577 : i32 to index
        %get3A_2579 = tpu.vector_load %arg5[%get3A_2578] {strides = array<i32>} : memref<65536xf32, #tpu.memory_space<vmem>>, vector<16xf32>,
        %add3A_2580 = arith.addf %add3A_2564, %get3A_2579 : vector<16xf32>
        %add3A_2581 = arith.constant 8 : i32
        %add3A_2582 = arith.addi %mul3A_2435, %add3A_2581 : i32
        %mul3A_2583 = arith.constant 32 : i32
        %mul3A_2584 = arith.muli %add3A_2582, %mul3A_2583 : i32
        %get3A_2585 = arith.index_cast %mul3A_2584 : i32 to index
        %get3A_2586 = tpu.vector_load %arg5[%get3A_2585] {strides = array<i32>} : memref<65536xf32, #tpu.memory_space<vmem>>, vector<16xf32>,
        %add3A_2587 = arith.addf %add3A_2571, %get3A_2586 : vector<16xf32>
        %add3A_2588 = arith.constant 8 : i32
        %add3A_2589 = arith.addi %mul3A_2435, %add3A_2588 : i32
        %mul3A_2590 = arith.constant 32 : i32
        %mul3A_2591 = arith.muli %add3A_2589, %mul3A_2590 : i32
        %add3A_2592 = arith.constant 16 : i32
        %add3A_2593 = arith.addi %mul3A_2591, %add3A_2592 : i32
        %get3A_2594 = arith.index_cast %add3A_2593 : i32 to index
        %get3A_2595 = tpu.vector_load %arg5[%get3A_2594] {strides = array<i32>} : memref<65536xf32, #tpu.memory_space<vmem>>, vector<16xf32>,
        %add3A_2596 = arith.addf %add3A_2580, %get3A_2595 : vector<16xf32>
        %add3A_2597 = arith.constant 9 : i32
        %add3A_2598 = arith.addi %mul3A_2435, %add3A_2597 : i32
        %mul3A_2599 = arith.constant 32 : i32
        %mul3A_2600 = arith.muli %add3A_2598, %mul3A_2599 : i32
        %get3A_2601 = arith.index_cast %mul3A_2600 : i32 to index
        %get3A_2602 = tpu.vector_load %arg5[%get3A_2601] {strides = array<i32>} : memref<65536xf32, #tpu.memory_space<vmem>>, vector<16xf32>,
        %add3A_2603 = arith.addf %add3A_2587, %get3A_2602 : vector<16xf32>
        %add3A_2604 = arith.constant 9 : i32
        %add3A_2605 = arith.addi %mul3A_2435, %add3A_2604 : i32
        %mul3A_2606 = arith.constant 32 : i32
        %mul3A_2607 = arith.muli %add3A_2605, %mul3A_2606 : i32
        %add3A_2608 = arith.constant 16 : i32
        %add3A_2609 = arith.addi %mul3A_2607, %add3A_2608 : i32
        %get3A_2610 = arith.index_cast %add3A_2609 : i32 to index
        %get3A_2611 = tpu.vector_load %arg5[%get3A_2610] {strides = array<i32>} : memref<65536xf32, #tpu.memory_space<vmem>>, vector<16xf32>,
        %add3A_2612 = arith.addf %add3A_2596, %get3A_2611 : vector<16xf32>
        %add3A_2613 = arith.constant 10 : i32
        %add3A_2614 = arith.addi %mul3A_2435, %add3A_2613 : i32
        %mul3A_2615 = arith.constant 32 : i32
        %mul3A_2616 = arith.muli %add3A_2614, %mul3A_2615 : i32
        %get3A_2617 = arith.index_cast %mul3A_2616 : i32 to index
        %get3A_2618 = tpu.vector_load %arg5[%get3A_2617] {strides = array<i32>} : memref<65536xf32, #tpu.memory_space<vmem>>, vector<16xf32>,
        %add3A_2619 = arith.addf %add3A_2603, %get3A_2618 : vector<16xf32>
        %add3A_2620 = arith.constant 10 : i32
        %add3A_2621 = arith.addi %mul3A_2435, %add3A_2620 : i32
        %mul3A_2622 = arith.constant 32 : i32
        %mul3A_2623 = arith.muli %add3A_2621, %mul3A_2622 : i32
        %add3A_2624 = arith.constant 16 : i32
        %add3A_2625 = arith.addi %mul3A_2623, %add3A_2624 : i32
        %get3A_2626 = arith.index_cast %add3A_2625 : i32 to index
        %get3A_2627 = tpu.vector_load %arg5[%get3A_2626] {strides = array<i32>} : memref<65536xf32, #tpu.memory_space<vmem>>, vector<16xf32>,
        %add3A_2628 = arith.addf %add3A_2612, %get3A_2627 : vector<16xf32>
        %add3A_2629 = arith.constant 11 : i32
        %add3A_2630 = arith.addi %mul3A_2435, %add3A_2629 : i32
        %mul3A_2631 = arith.constant 32 : i32
        %mul3A_2632 = arith.muli %add3A_2630, %mul3A_2631 : i32
        %get3A_2633 = arith.index_cast %mul3A_2632 : i32 to index
        %get3A_2634 = tpu.vector_load %arg5[%get3A_2633] {strides = array<i32>} : memref<65536xf32, #tpu.memory_space<vmem>>, vector<16xf32>,
        %add3A_2635 = arith.addf %add3A_2619, %get3A_2634 : vector<16xf32>
        %add3A_2636 = arith.constant 11 : i32
        %add3A_2637 = arith.addi %mul3A_2435, %add3A_2636 : i32
        %mul3A_2638 = arith.constant 32 : i32
        %mul3A_2639 = arith.muli %add3A_2637, %mul3A_2638 : i32
        %add3A_2640 = arith.constant 16 : i32
        %add3A_2641 = arith.addi %mul3A_2639, %add3A_2640 : i32
        %get3A_2642 = arith.index_cast %add3A_2641 : i32 to index
        %get3A_2643 = tpu.vector_load %arg5[%get3A_2642] {strides = array<i32>} : memref<65536xf32, #tpu.memory_space<vmem>>, vector<16xf32>,
        %add3A_2644 = arith.addf %add3A_2628, %get3A_2643 : vector<16xf32>
        %add3A_2645 = arith.constant 12 : i32
        %add3A_2646 = arith.addi %mul3A_2435, %add3A_2645 : i32
        %mul3A_2647 = arith.constant 32 : i32
        %mul3A_2648 = arith.muli %add3A_2646, %mul3A_2647 : i32
        %get3A_2649 = arith.index_cast %mul3A_2648 : i32 to index
        %get3A_2650 = tpu.vector_load %arg5[%get3A_2649] {strides = array<i32>} : memref<65536xf32, #tpu.memory_space<vmem>>, vector<16xf32>,
        %add3A_2651 = arith.addf %add3A_2635, %get3A_2650 : vector<16xf32>
        %add3A_2652 = arith.constant 12 : i32
        %add3A_2653 = arith.addi %mul3A_2435, %add3A_2652 : i32
        %mul3A_2654 = arith.constant 32 : i32
        %mul3A_2655 = arith.muli %add3A_2653, %mul3A_2654 : i32
        %add3A_2656 = arith.constant 16 : i32
        %add3A_2657 = arith.addi %mul3A_2655, %add3A_2656 : i32
        %get3A_2658 = arith.index_cast %add3A_2657 : i32 to index
        %get3A_2659 = tpu.vector_load %arg5[%get3A_2658] {strides = array<i32>} : memref<65536xf32, #tpu.memory_space<vmem>>, vector<16xf32>,
        %add3A_2660 = arith.addf %add3A_2644, %get3A_2659 : vector<16xf32>
        %add3A_2661 = arith.constant 13 : i32
        %add3A_2662 = arith.addi %mul3A_2435, %add3A_2661 : i32
        %mul3A_2663 = arith.constant 32 : i32
        %mul3A_2664 = arith.muli %add3A_2662, %mul3A_2663 : i32
        %get3A_2665 = arith.index_cast %mul3A_2664 : i32 to index
        %get3A_2666 = tpu.vector_load %arg5[%get3A_2665] {strides = array<i32>} : memref<65536xf32, #tpu.memory_space<vmem>>, vector<16xf32>,
        %add3A_2667 = arith.addf %add3A_2651, %get3A_2666 : vector<16xf32>
        %add3A_2668 = arith.constant 13 : i32
        %add3A_2669 = arith.addi %mul3A_2435, %add3A_2668 : i32
        %mul3A_2670 = arith.constant 32 : i32
        %mul3A_2671 = arith.muli %add3A_2669, %mul3A_2670 : i32
        %add3A_2672 = arith.constant 16 : i32
        %add3A_2673 = arith.addi %mul3A_2671, %add3A_2672 : i32
        %get3A_2674 = arith.index_cast %add3A_2673 : i32 to index
        %get3A_2675 = tpu.vector_load %arg5[%get3A_2674] {strides = array<i32>} : memref<65536xf32, #tpu.memory_space<vmem>>, vector<16xf32>,
        %add3A_2676 = arith.addf %add3A_2660, %get3A_2675 : vector<16xf32>
        %add3A_2677 = arith.constant 14 : i32
        %add3A_2678 = arith.addi %mul3A_2435, %add3A_2677 : i32
        %mul3A_2679 = arith.constant 32 : i32
        %mul3A_2680 = arith.muli %add3A_2678, %mul3A_2679 : i32
        %get3A_2681 = arith.index_cast %mul3A_2680 : i32 to index
        %get3A_2682 = tpu.vector_load %arg5[%get3A_2681] {strides = array<i32>} : memref<65536xf32, #tpu.memory_space<vmem>>, vector<16xf32>,
        %add3A_2683 = arith.addf %add3A_2667, %get3A_2682 : vector<16xf32>
        %add3A_2684 = arith.constant 14 : i32
        %add3A_2685 = arith.addi %mul3A_2435, %add3A_2684 : i32
        %mul3A_2686 = arith.constant 32 : i32
        %mul3A_2687 = arith.muli %add3A_2685, %mul3A_2686 : i32
        %add3A_2688 = arith.constant 16 : i32
        %add3A_2689 = arith.addi %mul3A_2687, %add3A_2688 : i32
        %get3A_2690 = arith.index_cast %add3A_2689 : i32 to index
        %get3A_2691 = tpu.vector_load %arg5[%get3A_2690] {strides = array<i32>} : memref<65536xf32, #tpu.memory_space<vmem>>, vector<16xf32>,
        %add3A_2692 = arith.addf %add3A_2676, %get3A_2691 : vector<16xf32>
        %add3A_2693 = arith.constant 15 : i32
        %add3A_2694 = arith.addi %mul3A_2435, %add3A_2693 : i32
        %mul3A_2695 = arith.constant 32 : i32
        %mul3A_2696 = arith.muli %add3A_2694, %mul3A_2695 : i32
        %get3A_2697 = arith.index_cast %mul3A_2696 : i32 to index
        %get3A_2698 = tpu.vector_load %arg5[%get3A_2697] {strides = array<i32>} : memref<65536xf32, #tpu.memory_space<vmem>>, vector<16xf32>,
        %add3A_2699 = arith.addf %add3A_2683, %get3A_2698 : vector<16xf32>
        %add3A_2700 = arith.constant 15 : i32
        %add3A_2701 = arith.addi %mul3A_2435, %add3A_2700 : i32
        %mul3A_2702 = arith.constant 32 : i32
        %mul3A_2703 = arith.muli %add3A_2701, %mul3A_2702 : i32
        %add3A_2704 = arith.constant 16 : i32
        %add3A_2705 = arith.addi %mul3A_2703, %add3A_2704 : i32
        %get3A_2706 = arith.index_cast %add3A_2705 : i32 to index
        %get3A_2707 = tpu.vector_load %arg5[%get3A_2706] {strides = array<i32>} : memref<65536xf32, #tpu.memory_space<vmem>>, vector<16xf32>,
        %add3A_2708 = arith.addf %add3A_2692, %get3A_2707 : vector<16xf32>
        scf.yield %scan3A_2427, %add3A_2699, %add3A_2708 : i32, vector<16xf32>, vector<16xf32>
      } else {
        %mul3A_2453 = arith.constant 32 : i32
        %mul3A_2454 = arith.muli %scan3A_2427, %mul3A_2453 : i32
        %swap3A_2455 = arith.index_cast %mul3A_2454 : i32 to index
        %swap3A_2456 = tpu.vector_load %arg7[%swap3A_2455] {strides = array<i32>} : memref<1024xf32, #tpu.memory_space<vmem>>, vector<16xf32>,
        tpu.vector_store %arg7[%swap3A_2455], %scan3A_2428 {add = true, strides = array<i32>} : memref<1024xf32, #tpu.memory_space<vmem>>, vector<16xf32>,
        %mul3A_2457 = arith.constant 32 : i32
        %mul3A_2458 = arith.muli %scan3A_2427, %mul3A_2457 : i32
        %add3A_2459 = arith.constant 16 : i32
        %add3A_2460 = arith.addi %mul3A_2458, %add3A_2459 : i32
        %swap3A_2461 = arith.index_cast %add3A_2460 : i32 to index
        %swap3A_2462 = tpu.vector_load %arg7[%swap3A_2461] {strides = array<i32>} : memref<1024xf32, #tpu.memory_space<vmem>>, vector<16xf32>,
        tpu.vector_store %arg7[%swap3A_2461], %scan3A_2429 {add = true, strides = array<i32>} : memref<1024xf32, #tpu.memory_space<vmem>>, vector<16xf32>,
        %slice3A_2463 = vector.extract_strided_slice %get3A_2437 {offsets = [0], sizes = [1], strides = [1]} : vector<16xi32> to vector<1xi32>
        %squeeze3A_2464 = vector.extract %slice3A_2463[0] : i32 from vector<1xi32>
        %mul3A_2465 = arith.constant 32 : i32
        %mul3A_2466 = arith.muli %squeeze3A_2464, %mul3A_2465 : i32
        %add3A_2467 = arith.constant 0 : i32
        %add3A_2468 = arith.addi %mul3A_2435, %add3A_2467 : i32
        %mul3A_2469 = arith.constant 32 : i32
        %mul3A_2470 = arith.muli %add3A_2468, %mul3A_2469 : i32
        %get3A_2471 = arith.index_cast %mul3A_2470 : i32 to index
        %get3A_2472 = tpu.vector_load %arg5[%get3A_2471] {strides = array<i32>} : memref<65536xf32, #tpu.memory_space<vmem>>, vector<16xf32>,
        %swap3A_2473 = arith.index_cast %mul3A_2466 : i32 to index
        %swap3A_2474 = tpu.vector_load %arg7[%swap3A_2473] {strides = array<i32>} : memref<1024xf32, #tpu.memory_space<vmem>>, vector<16xf32>,
        tpu.vector_store %arg7[%swap3A_2473], %get3A_2472 {add = true, strides = array<i32>} : memref<1024xf32, #tpu.memory_space<vmem>>, vector<16xf32>,
        %mul3A_2475 = arith.constant 32 : i32
        %mul3A_2476 = arith.muli %squeeze3A_2464, %mul3A_2475 : i32
        %add3A_2477 = arith.constant 16 : i32
        %add3A_2478 = arith.addi %mul3A_2476, %add3A_2477 : i32
        %add3A_2479 = arith.constant 0 : i32
        %add3A_2480 = arith.addi %mul3A_2435, %add3A_2479 : i32
        %mul3A_2481 = arith.constant 32 : i32
        %mul3A_2482 = arith.muli %add3A_2480, %mul3A_2481 : i32
        %add3A_2483 = arith.constant 16 : i32
        %add3A_2484 = arith.addi %mul3A_2482, %add3A_2483 : i32
        %get3A_2485 = arith.index_cast %add3A_2484 : i32 to index
        %get3A_2486 = tpu.vector_load %arg5[%get3A_2485] {strides = array<i32>} : memref<65536xf32, #tpu.memory_space<vmem>>, vector<16xf32>,
        %swap3A_2487 = arith.index_cast %add3A_2478 : i32 to index
        %swap3A_2488 = tpu.vector_load %arg7[%swap3A_2487] {strides = array<i32>} : memref<1024xf32, #tpu.memory_space<vmem>>, vector<16xf32>,
        tpu.vector_store %arg7[%swap3A_2487], %get3A_2486 {add = true, strides = array<i32>} : memref<1024xf32, #tpu.memory_space<vmem>>, vector<16xf32>,
        %slice3A_2489 = vector.extract_strided_slice %get3A_2437 {offsets = [1], sizes = [1], strides = [1]} : vector<16xi32> to vector<1xi32>
        %squeeze3A_2490 = vector.extract %slice3A_2489[0] : i32 from vector<1xi32>
        %mul3A_2491 = arith.constant 32 : i32
        %mul3A_2492 = arith.muli %squeeze3A_2490, %mul3A_2491 : i32
        %add3A_2493 = arith.constant 1 : i32
        %add3A_2494 = arith.addi %mul3A_2435, %add3A_2493 : i32
        %mul3A_2495 = arith.constant 32 : i32
        %mul3A_2496 = arith.muli %add3A_2494, %mul3A_2495 : i32
        %get3A_2497 = arith.index_cast %mul3A_2496 : i32 to index
        %get3A_2498 = tpu.vector_load %arg5[%get3A_2497] {strides = array<i32>} : memref<65536xf32, #tpu.memory_space<vmem>>, vector<16xf32>,
        %swap3A_2499 = arith.index_cast %mul3A_2492 : i32 to index
        %swap3A_2500 = tpu.vector_load %arg7[%swap3A_2499] {strides = array<i32>} : memref<1024xf32, #tpu.memory_space<vmem>>, vector<16xf32>,
        tpu.vector_store %arg7[%swap3A_2499], %get3A_2498 {add = true, strides = array<i32>} : memref<1024xf32, #tpu.memory_space<vmem>>, vector<16xf32>,
        %mul3A_2501 = arith.constant 32 : i32
        %mul3A_2502 = arith.muli %squeeze3A_2490, %mul3A_2501 : i32
        %add3A_2503 = arith.constant 16 : i32
        %add3A_2504 = arith.addi %mul3A_2502, %add3A_2503 : i32
        %add3A_2505 = arith.constant 1 : i32
        %add3A_2506 = arith.addi %mul3A_2435, %add3A_2505 : i32
        %mul3A_2507 = arith.constant 32 : i32
        %mul3A_2508 = arith.muli %add3A_2506, %mul3A_2507 : i32
        %add3A_2509 = arith.constant 16 : i32
        %add3A_2510 = arith.addi %mul3A_2508, %add3A_2509 : i32
        %get3A_2511 = arith.index_cast %add3A_2510 : i32 to index
        %get3A_2512 = tpu.vector_load %arg5[%get3A_2511] {strides = array<i32>} : memref<65536xf32, #tpu.memory_space<vmem>>, vector<16xf32>,
        %swap3A_2513 = arith.index_cast %add3A_2504 : i32 to index
        %swap3A_2514 = tpu.vector_load %arg7[%swap3A_2513] {strides = array<i32>} : memref<1024xf32, #tpu.memory_space<vmem>>, vector<16xf32>,
        tpu.vector_store %arg7[%swap3A_2513], %get3A_2512 {add = true, strides = array<i32>} : memref<1024xf32, #tpu.memory_space<vmem>>, vector<16xf32>,
        %slice3A_2515 = vector.extract_strided_slice %get3A_2437 {offsets = [2], sizes = [1], strides = [1]} : vector<16xi32> to vector<1xi32>
        %squeeze3A_2516 = vector.extract %slice3A_2515[0] : i32 from vector<1xi32>
        %mul3A_2517 = arith.constant 32 : i32
        %mul3A_2518 = arith.muli %squeeze3A_2516, %mul3A_2517 : i32
        %add3A_2519 = arith.constant 2 : i32
        %add3A_2520 = arith.addi %mul3A_2435, %add3A_2519 : i32
        %mul3A_2521 = arith.constant 32 : i32
        %mul3A_2522 = arith.muli %add3A_2520, %mul3A_2521 : i32
        %get3A_2523 = arith.index_cast %mul3A_2522 : i32 to index
        %get3A_2524 = tpu.vector_load %arg5[%get3A_2523] {strides = array<i32>} : memref<65536xf32, #tpu.memory_space<vmem>>, vector<16xf32>,
        %swap3A_2525 = arith.index_cast %mul3A_2518 : i32 to index
        %swap3A_2526 = tpu.vector_load %arg7[%swap3A_2525] {strides = array<i32>} : memref<1024xf32, #tpu.memory_space<vmem>>, vector<16xf32>,
        tpu.vector_store %arg7[%swap3A_2525], %get3A_2524 {add = true, strides = array<i32>} : memref<1024xf32, #tpu.memory_space<vmem>>, vector<16xf32>,
        %mul3A_2527 = arith.constant 32 : i32
        %mul3A_2528 = arith.muli %squeeze3A_2516, %mul3A_2527 : i32
        %add3A_2529 = arith.constant 16 : i32
        %add3A_2530 = arith.addi %mul3A_2528, %add3A_2529 : i32
        %add3A_2531 = arith.constant 2 : i32
        %add3A_2532 = arith.addi %mul3A_2435, %add3A_2531 : i32
        %mul3A_2533 = arith.constant 32 : i32
        %mul3A_2534 = arith.muli %add3A_2532, %mul3A_2533 : i32
        %add3A_2535 = arith.constant 16 : i32
        %add3A_2536 = arith.addi %mul3A_2534, %add3A_2535 : i32
        %get3A_2537 = arith.index_cast %add3A_2536 : i32 to index
        %get3A_2538 = tpu.vector_load %arg5[%get3A_2537] {strides = array<i32>} : memref<65536xf32, #tpu.memory_space<vmem>>, vector<16xf32>,
        %swap3A_2539 = arith.index_cast %add3A_2530 : i32 to index
        %swap3A_2540 = tpu.vector_load %arg7[%swap3A_2539] {strides = array<i32>} : memref<1024xf32, #tpu.memory_space<vmem>>, vector<16xf32>,
        tpu.vector_store %arg7[%swap3A_2539], %get3A_2538 {add = true, strides = array<i32>} : memref<1024xf32, #tpu.memory_space<vmem>>, vector<16xf32>,
        %slice3A_2541 = vector.extract_strided_slice %get3A_2437 {offsets = [3], sizes = [1], strides = [1]} : vector<16xi32> to vector<1xi32>
        %squeeze3A_2542 = vector.extract %slice3A_2541[0] : i32 from vector<1xi32>
        %mul3A_2543 = arith.constant 32 : i32
        %mul3A_2544 = arith.muli %squeeze3A_2542, %mul3A_2543 : i32
        %add3A_2545 = arith.constant 3 : i32
        %add3A_2546 = arith.addi %mul3A_2435, %add3A_2545 : i32
        %mul3A_2547 = arith.constant 32 : i32
        %mul3A_2548 = arith.muli %add3A_2546, %mul3A_2547 : i32
        %get3A_2549 = arith.index_cast %mul3A_2548 : i32 to index
        %get3A_2550 = tpu.vector_load %arg5[%get3A_2549] {strides = array<i32>} : memref<65536xf32, #tpu.memory_space<vmem>>, vector<16xf32>,
        %swap3A_2551 = arith.index_cast %mul3A_2544 : i32 to index
        %swap3A_2552 = tpu.vector_load %arg7[%swap3A_2551] {strides = array<i32>} : memref<1024xf32, #tpu.memory_space<vmem>>, vector<16xf32>,
        tpu.vector_store %arg7[%swap3A_2551], %get3A_2550 {add = true, strides = array<i32>} : memref<1024xf32, #tpu.memory_space<vmem>>, vector<16xf32>,
        %mul3A_2553 = arith.constant 32 : i32
        %mul3A_2554 = arith.muli %squeeze3A_2542, %mul3A_2553 : i32
        %add3A_2555 = arith.constant 16 : i32
        %add3A_2556 = arith.addi %mul3A_2554, %add3A_2555 : i32
        %add3A_2557 = arith.constant 3 : i32
        %add3A_2558 = arith.addi %mul3A_2435, %add3A_2557 : i32
        %mul3A_2559 = arith.constant 32 : i32
        %mul3A_2560 = arith.muli %add3A_2558, %mul3A_2559 : i32
        %add3A_2561 = arith.constant 16 : i32
        %add3A_2562 = arith.addi %mul3A_2560, %add3A_2561 : i32
        %get3A_2563 = arith.index_cast %add3A_2562 : i32 to index
        %get3A_2564 = tpu.vector_load %arg5[%get3A_2563] {strides = array<i32>} : memref<65536xf32, #tpu.memory_space<vmem>>, vector<16xf32>,
        %swap3A_2565 = arith.index_cast %add3A_2556 : i32 to index
        %swap3A_2566 = tpu.vector_load %arg7[%swap3A_2565] {strides = array<i32>} : memref<1024xf32, #tpu.memory_space<vmem>>, vector<16xf32>,
        tpu.vector_store %arg7[%swap3A_2565], %get3A_2564 {add = true, strides = array<i32>} : memref<1024xf32, #tpu.memory_space<vmem>>, vector<16xf32>,
        %slice3A_2567 = vector.extract_strided_slice %get3A_2437 {offsets = [4], sizes = [1], strides = [1]} : vector<16xi32> to vector<1xi32>
        %squeeze3A_2568 = vector.extract %slice3A_2567[0] : i32 from vector<1xi32>
        %mul3A_2569 = arith.constant 32 : i32
        %mul3A_2570 = arith.muli %squeeze3A_2568, %mul3A_2569 : i32
        %add3A_2571 = arith.constant 4 : i32
        %add3A_2572 = arith.addi %mul3A_2435, %add3A_2571 : i32
        %mul3A_2573 = arith.constant 32 : i32
        %mul3A_2574 = arith.muli %add3A_2572, %mul3A_2573 : i32
        %get3A_2575 = arith.index_cast %mul3A_2574 : i32 to index
        %get3A_2576 = tpu.vector_load %arg5[%get3A_2575] {strides = array<i32>} : memref<65536xf32, #tpu.memory_space<vmem>>, vector<16xf32>,
        %swap3A_2577 = arith.index_cast %mul3A_2570 : i32 to index
        %swap3A_2578 = tpu.vector_load %arg7[%swap3A_2577] {strides = array<i32>} : memref<1024xf32, #tpu.memory_space<vmem>>, vector<16xf32>,
        tpu.vector_store %arg7[%swap3A_2577], %get3A_2576 {add = true, strides = array<i32>} : memref<1024xf32, #tpu.memory_space<vmem>>, vector<16xf32>,
        %mul3A_2579 = arith.constant 32 : i32
        %mul3A_2580 = arith.muli %squeeze3A_2568, %mul3A_2579 : i32
        %add3A_2581 = arith.constant 16 : i32
        %add3A_2582 = arith.addi %mul3A_2580, %add3A_2581 : i32
        %add3A_2583 = arith.constant 4 : i32
        %add3A_2584 = arith.addi %mul3A_2435, %add3A_2583 : i32
        %mul3A_2585 = arith.constant 32 : i32
        %mul3A_2586 = arith.muli %add3A_2584, %mul3A_2585 : i32
        %add3A_2587 = arith.constant 16 : i32
        %add3A_2588 = arith.addi %mul3A_2586, %add3A_2587 : i32
        %get3A_2589 = arith.index_cast %add3A_2588 : i32 to index
        %get3A_2590 = tpu.vector_load %arg5[%get3A_2589] {strides = array<i32>} : memref<65536xf32, #tpu.memory_space<vmem>>, vector<16xf32>,
        %swap3A_2591 = arith.index_cast %add3A_2582 : i32 to index
        %swap3A_2592 = tpu.vector_load %arg7[%swap3A_2591] {strides = array<i32>} : memref<1024xf32, #tpu.memory_space<vmem>>, vector<16xf32>,
        tpu.vector_store %arg7[%swap3A_2591], %get3A_2590 {add = true, strides = array<i32>} : memref<1024xf32, #tpu.memory_space<vmem>>, vector<16xf32>,
        %slice3A_2593 = vector.extract_strided_slice %get3A_2437 {offsets = [5], sizes = [1], strides = [1]} : vector<16xi32> to vector<1xi32>
        %squeeze3A_2594 = vector.extract %slice3A_2593[0] : i32 from vector<1xi32>
        %mul3A_2595 = arith.constant 32 : i32
        %mul3A_2596 = arith.muli %squeeze3A_2594, %mul3A_2595 : i32
        %add3A_2597 = arith.constant 5 : i32
        %add3A_2598 = arith.addi %mul3A_2435, %add3A_2597 : i32
        %mul3A_2599 = arith.constant 32 : i32
        %mul3A_2600 = arith.muli %add3A_2598, %mul3A_2599 : i32
        %get3A_2601 = arith.index_cast %mul3A_2600 : i32 to index
        %get3A_2602 = tpu.vector_load %arg5[%get3A_2601] {strides = array<i32>} : memref<65536xf32, #tpu.memory_space<vmem>>, vector<16xf32>,
        %swap3A_2603 = arith.index_cast %mul3A_2596 : i32 to index
        %swap3A_2604 = tpu.vector_load %arg7[%swap3A_2603] {strides = array<i32>} : memref<1024xf32, #tpu.memory_space<vmem>>, vector<16xf32>,
        tpu.vector_store %arg7[%swap3A_2603], %get3A_2602 {add = true, strides = array<i32>} : memref<1024xf32, #tpu.memory_space<vmem>>, vector<16xf32>,
        %mul3A_2605 = arith.constant 32 : i32
        %mul3A_2606 = arith.muli %squeeze3A_2594, %mul3A_2605 : i32
        %add3A_2607 = arith.constant 16 : i32
        %add3A_2608 = arith.addi %mul3A_2606, %add3A_2607 : i32
        %add3A_2609 = arith.constant 5 : i32
        %add3A_2610 = arith.addi %mul3A_2435, %add3A_2609 : i32
        %mul3A_2611 = arith.constant 32 : i32
        %mul3A_2612 = arith.muli %add3A_2610, %mul3A_2611 : i32
        %add3A_2613 = arith.constant 16 : i32
        %add3A_2614 = arith.addi %mul3A_2612, %add3A_2613 : i32
        %get3A_2615 = arith.index_cast %add3A_2614 : i32 to index
        %get3A_2616 = tpu.vector_load %arg5[%get3A_2615] {strides = array<i32>} : memref<65536xf32, #tpu.memory_space<vmem>>, vector<16xf32>,
        %swap3A_2617 = arith.index_cast %add3A_2608 : i32 to index
        %swap3A_2618 = tpu.vector_load %arg7[%swap3A_2617] {strides = array<i32>} : memref<1024xf32, #tpu.memory_space<vmem>>, vector<16xf32>,
        tpu.vector_store %arg7[%swap3A_2617], %get3A_2616 {add = true, strides = array<i32>} : memref<1024xf32, #tpu.memory_space<vmem>>, vector<16xf32>,
        %slice3A_2619 = vector.extract_strided_slice %get3A_2437 {offsets = [6], sizes = [1], strides = [1]} : vector<16xi32> to vector<1xi32>
        %squeeze3A_2620 = vector.extract %slice3A_2619[0] : i32 from vector<1xi32>
        %mul3A_2621 = arith.constant 32 : i32
        %mul3A_2622 = arith.muli %squeeze3A_2620, %mul3A_2621 : i32
        %add3A_2623 = arith.constant 6 : i32
        %add3A_2624 = arith.addi %mul3A_2435, %add3A_2623 : i32
        %mul3A_2625 = arith.constant 32 : i32
        %mul3A_2626 = arith.muli %add3A_2624, %mul3A_2625 : i32
        %get3A_2627 = arith.index_cast %mul3A_2626 : i32 to index
        %get3A_2628 = tpu.vector_load %arg5[%get3A_2627] {strides = array<i32>} : memref<65536xf32, #tpu.memory_space<vmem>>, vector<16xf32>,
        %swap3A_2629 = arith.index_cast %mul3A_2622 : i32 to index
        %swap3A_2630 = tpu.vector_load %arg7[%swap3A_2629] {strides = array<i32>} : memref<1024xf32, #tpu.memory_space<vmem>>, vector<16xf32>,
        tpu.vector_store %arg7[%swap3A_2629], %get3A_2628 {add = true, strides = array<i32>} : memref<1024xf32, #tpu.memory_space<vmem>>, vector<16xf32>,
        %mul3A_2631 = arith.constant 32 : i32
        %mul3A_2632 = arith.muli %squeeze3A_2620, %mul3A_2631 : i32
        %add3A_2633 = arith.constant 16 : i32
        %add3A_2634 = arith.addi %mul3A_2632, %add3A_2633 : i32
        %add3A_2635 = arith.constant 6 : i32
        %add3A_2636 = arith.addi %mul3A_2435, %add3A_2635 : i32
        %mul3A_2637 = arith.constant 32 : i32
        %mul3A_2638 = arith.muli %add3A_2636, %mul3A_2637 : i32
        %add3A_2639 = arith.constant 16 : i32
        %add3A_2640 = arith.addi %mul3A_2638, %add3A_2639 : i32
        %get3A_2641 = arith.index_cast %add3A_2640 : i32 to index
        %get3A_2642 = tpu.vector_load %arg5[%get3A_2641] {strides = array<i32>} : memref<65536xf32, #tpu.memory_space<vmem>>, vector<16xf32>,
        %swap3A_2643 = arith.index_cast %add3A_2634 : i32 to index
        %swap3A_2644 = tpu.vector_load %arg7[%swap3A_2643] {strides = array<i32>} : memref<1024xf32, #tpu.memory_space<vmem>>, vector<16xf32>,
        tpu.vector_store %arg7[%swap3A_2643], %get3A_2642 {add = true, strides = array<i32>} : memref<1024xf32, #tpu.memory_space<vmem>>, vector<16xf32>,
        %slice3A_2645 = vector.extract_strided_slice %get3A_2437 {offsets = [7], sizes = [1], strides = [1]} : vector<16xi32> to vector<1xi32>
        %squeeze3A_2646 = vector.extract %slice3A_2645[0] : i32 from vector<1xi32>
        %mul3A_2647 = arith.constant 32 : i32
        %mul3A_2648 = arith.muli %squeeze3A_2646, %mul3A_2647 : i32
        %add3A_2649 = arith.constant 7 : i32
        %add3A_2650 = arith.addi %mul3A_2435, %add3A_2649 : i32
        %mul3A_2651 = arith.constant 32 : i32
        %mul3A_2652 = arith.muli %add3A_2650, %mul3A_2651 : i32
        %get3A_2653 = arith.index_cast %mul3A_2652 : i32 to index
        %get3A_2654 = tpu.vector_load %arg5[%get3A_2653] {strides = array<i32>} : memref<65536xf32, #tpu.memory_space<vmem>>, vector<16xf32>,
        %swap3A_2655 = arith.index_cast %mul3A_2648 : i32 to index
        %swap3A_2656 = tpu.vector_load %arg7[%swap3A_2655] {strides = array<i32>} : memref<1024xf32, #tpu.memory_space<vmem>>, vector<16xf32>,
        tpu.vector_store %arg7[%swap3A_2655], %get3A_2654 {add = true, strides = array<i32>} : memref<1024xf32, #tpu.memory_space<vmem>>, vector<16xf32>,
        %mul3A_2657 = arith.constant 32 : i32
        %mul3A_2658 = arith.muli %squeeze3A_2646, %mul3A_2657 : i32
        %add3A_2659 = arith.constant 16 : i32
        %add3A_2660 = arith.addi %mul3A_2658, %add3A_2659 : i32
        %add3A_2661 = arith.constant 7 : i32
        %add3A_2662 = arith.addi %mul3A_2435, %add3A_2661 : i32
        %mul3A_2663 = arith.constant 32 : i32
        %mul3A_2664 = arith.muli %add3A_2662, %mul3A_2663 : i32
        %add3A_2665 = arith.constant 16 : i32
        %add3A_2666 = arith.addi %mul3A_2664, %add3A_2665 : i32
        %get3A_2667 = arith.index_cast %add3A_2666 : i32 to index
        %get3A_2668 = tpu.vector_load %arg5[%get3A_2667] {strides = array<i32>} : memref<65536xf32, #tpu.memory_space<vmem>>, vector<16xf32>,
        %swap3A_2669 = arith.index_cast %add3A_2660 : i32 to index
        %swap3A_2670 = tpu.vector_load %arg7[%swap3A_2669] {strides = array<i32>} : memref<1024xf32, #tpu.memory_space<vmem>>, vector<16xf32>,
        tpu.vector_store %arg7[%swap3A_2669], %get3A_2668 {add = true, strides = array<i32>} : memref<1024xf32, #tpu.memory_space<vmem>>, vector<16xf32>,
        %slice3A_2671 = vector.extract_strided_slice %get3A_2437 {offsets = [8], sizes = [1], strides = [1]} : vector<16xi32> to vector<1xi32>
        %squeeze3A_2672 = vector.extract %slice3A_2671[0] : i32 from vector<1xi32>
        %mul3A_2673 = arith.constant 32 : i32
        %mul3A_2674 = arith.muli %squeeze3A_2672, %mul3A_2673 : i32
        %add3A_2675 = arith.constant 8 : i32
        %add3A_2676 = arith.addi %mul3A_2435, %add3A_2675 : i32
        %mul3A_2677 = arith.constant 32 : i32
        %mul3A_2678 = arith.muli %add3A_2676, %mul3A_2677 : i32
        %get3A_2679 = arith.index_cast %mul3A_2678 : i32 to index
        %get3A_2680 = tpu.vector_load %arg5[%get3A_2679] {strides = array<i32>} : memref<65536xf32, #tpu.memory_space<vmem>>, vector<16xf32>,
        %swap3A_2681 = arith.index_cast %mul3A_2674 : i32 to index
        %swap3A_2682 = tpu.vector_load %arg7[%swap3A_2681] {strides = array<i32>} : memref<1024xf32, #tpu.memory_space<vmem>>, vector<16xf32>,
        tpu.vector_store %arg7[%swap3A_2681], %get3A_2680 {add = true, strides = array<i32>} : memref<1024xf32, #tpu.memory_space<vmem>>, vector<16xf32>,
        %mul3A_2683 = arith.constant 32 : i32
        %mul3A_2684 = arith.muli %squeeze3A_2672, %mul3A_2683 : i32
        %add3A_2685 = arith.constant 16 : i32
        %add3A_2686 = arith.addi %mul3A_2684, %add3A_2685 : i32
        %add3A_2687 = arith.constant 8 : i32
        %add3A_2688 = arith.addi %mul3A_2435, %add3A_2687 : i32
        %mul3A_2689 = arith.constant 32 : i32
        %mul3A_2690 = arith.muli %add3A_2688, %mul3A_2689 : i32
        %add3A_2691 = arith.constant 16 : i32
        %add3A_2692 = arith.addi %mul3A_2690, %add3A_2691 : i32
        %get3A_2693 = arith.index_cast %add3A_2692 : i32 to index
        %get3A_2694 = tpu.vector_load %arg5[%get3A_2693] {strides = array<i32>} : memref<65536xf32, #tpu.memory_space<vmem>>, vector<16xf32>,
        %swap3A_2695 = arith.index_cast %add3A_2686 : i32 to index
        %swap3A_2696 = tpu.vector_load %arg7[%swap3A_2695] {strides = array<i32>} : memref<1024xf32, #tpu.memory_space<vmem>>, vector<16xf32>,
        tpu.vector_store %arg7[%swap3A_2695], %get3A_2694 {add = true, strides = array<i32>} : memref<1024xf32, #tpu.memory_space<vmem>>, vector<16xf32>,
        %slice3A_2697 = vector.extract_strided_slice %get3A_2437 {offsets = [9], sizes = [1], strides = [1]} : vector<16xi32> to vector<1xi32>
        %squeeze3A_2698 = vector.extract %slice3A_2697[0] : i32 from vector<1xi32>
        %mul3A_2699 = arith.constant 32 : i32
        %mul3A_2700 = arith.muli %squeeze3A_2698, %mul3A_2699 : i32
        %add3A_2701 = arith.constant 9 : i32
        %add3A_2702 = arith.addi %mul3A_2435, %add3A_2701 : i32
        %mul3A_2703 = arith.constant 32 : i32
        %mul3A_2704 = arith.muli %add3A_2702, %mul3A_2703 : i32
        %get3A_2705 = arith.index_cast %mul3A_2704 : i32 to index
        %get3A_2706 = tpu.vector_load %arg5[%get3A_2705] {strides = array<i32>} : memref<65536xf32, #tpu.memory_space<vmem>>, vector<16xf32>,
        %swap3A_2707 = arith.index_cast %mul3A_2700 : i32 to index
        %swap3A_2708 = tpu.vector_load %arg7[%swap3A_2707] {strides = array<i32>} : memref<1024xf32, #tpu.memory_space<vmem>>, vector<16xf32>,
        tpu.vector_store %arg7[%swap3A_2707], %get3A_2706 {add = true, strides = array<i32>} : memref<1024xf32, #tpu.memory_space<vmem>>, vector<16xf32>,
        %mul3A_2709 = arith.constant 32 : i32
        %mul3A_2710 = arith.muli %squeeze3A_2698, %mul3A_2709 : i32
        %add3A_2711 = arith.constant 16 : i32
        %add3A_2712 = arith.addi %mul3A_2710, %add3A_2711 : i32
        %add3A_2713 = arith.constant 9 : i32
        %add3A_2714 = arith.addi %mul3A_2435, %add3A_2713 : i32
        %mul3A_2715 = arith.constant 32 : i32
        %mul3A_2716 = arith.muli %add3A_2714, %mul3A_2715 : i32
        %add3A_2717 = arith.constant 16 : i32
        %add3A_2718 = arith.addi %mul3A_2716, %add3A_2717 : i32
        %get3A_2719 = arith.index_cast %add3A_2718 : i32 to index
        %get3A_2720 = tpu.vector_load %arg5[%get3A_2719] {strides = array<i32>} : memref<65536xf32, #tpu.memory_space<vmem>>, vector<16xf32>,
        %swap3A_2721 = arith.index_cast %add3A_2712 : i32 to index
        %swap3A_2722 = tpu.vector_load %arg7[%swap3A_2721] {strides = array<i32>} : memref<1024xf32, #tpu.memory_space<vmem>>, vector<16xf32>,
        tpu.vector_store %arg7[%swap3A_2721], %get3A_2720 {add = true, strides = array<i32>} : memref<1024xf32, #tpu.memory_space<vmem>>, vector<16xf32>,
        %slice3A_2723 = vector.extract_strided_slice %get3A_2437 {offsets = [10], sizes = [1], strides = [1]} : vector<16xi32> to vector<1xi32>
        %squeeze3A_2724 = vector.extract %slice3A_2723[0] : i32 from vector<1xi32>
        %mul3A_2725 = arith.constant 32 : i32
        %mul3A_2726 = arith.muli %squeeze3A_2724, %mul3A_2725 : i32
        %add3A_2727 = arith.constant 10 : i32
        %add3A_2728 = arith.addi %mul3A_2435, %add3A_2727 : i32
        %mul3A_2729 = arith.constant 32 : i32
        %mul3A_2730 = arith.muli %add3A_2728, %mul3A_2729 : i32
        %get3A_2731 = arith.index_cast %mul3A_2730 : i32 to index
        %get3A_2732 = tpu.vector_load %arg5[%get3A_2731] {strides = array<i32>} : memref<65536xf32, #tpu.memory_space<vmem>>, vector<16xf32>,
        %swap3A_2733 = arith.index_cast %mul3A_2726 : i32 to index
        %swap3A_2734 = tpu.vector_load %arg7[%swap3A_2733] {strides = array<i32>} : memref<1024xf32, #tpu.memory_space<vmem>>, vector<16xf32>,
        tpu.vector_store %arg7[%swap3A_2733], %get3A_2732 {add = true, strides = array<i32>} : memref<1024xf32, #tpu.memory_space<vmem>>, vector<16xf32>,
        %mul3A_2735 = arith.constant 32 : i32
        %mul3A_2736 = arith.muli %squeeze3A_2724, %mul3A_2735 : i32
        %add3A_2737 = arith.constant 16 : i32
        %add3A_2738 = arith.addi %mul3A_2736, %add3A_2737 : i32
        %add3A_2739 = arith.constant 10 : i32
        %add3A_2740 = arith.addi %mul3A_2435, %add3A_2739 : i32
        %mul3A_2741 = arith.constant 32 : i32
        %mul3A_2742 = arith.muli %add3A_2740, %mul3A_2741 : i32
        %add3A_2743 = arith.constant 16 : i32
        %add3A_2744 = arith.addi %mul3A_2742, %add3A_2743 : i32
        %get3A_2745 = arith.index_cast %add3A_2744 : i32 to index
        %get3A_2746 = tpu.vector_load %arg5[%get3A_2745] {strides = array<i32>} : memref<65536xf32, #tpu.memory_space<vmem>>, vector<16xf32>,
        %swap3A_2747 = arith.index_cast %add3A_2738 : i32 to index
        %swap3A_2748 = tpu.vector_load %arg7[%swap3A_2747] {strides = array<i32>} : memref<1024xf32, #tpu.memory_space<vmem>>, vector<16xf32>,
        tpu.vector_store %arg7[%swap3A_2747], %get3A_2746 {add = true, strides = array<i32>} : memref<1024xf32, #tpu.memory_space<vmem>>, vector<16xf32>,
        %slice3A_2749 = vector.extract_strided_slice %get3A_2437 {offsets = [11], sizes = [1], strides = [1]} : vector<16xi32> to vector<1xi32>
        %squeeze3A_2750 = vector.extract %slice3A_2749[0] : i32 from vector<1xi32>
        %mul3A_2751 = arith.constant 32 : i32
        %mul3A_2752 = arith.muli %squeeze3A_2750, %mul3A_2751 : i32
        %add3A_2753 = arith.constant 11 : i32
        %add3A_2754 = arith.addi %mul3A_2435, %add3A_2753 : i32
        %mul3A_2755 = arith.constant 32 : i32
        %mul3A_2756 = arith.muli %add3A_2754, %mul3A_2755 : i32
        %get3A_2757 = arith.index_cast %mul3A_2756 : i32 to index
        %get3A_2758 = tpu.vector_load %arg5[%get3A_2757] {strides = array<i32>} : memref<65536xf32, #tpu.memory_space<vmem>>, vector<16xf32>,
        %swap3A_2759 = arith.index_cast %mul3A_2752 : i32 to index
        %swap3A_2760 = tpu.vector_load %arg7[%swap3A_2759] {strides = array<i32>} : memref<1024xf32, #tpu.memory_space<vmem>>, vector<16xf32>,
        tpu.vector_store %arg7[%swap3A_2759], %get3A_2758 {add = true, strides = array<i32>} : memref<1024xf32, #tpu.memory_space<vmem>>, vector<16xf32>,
        %mul3A_2761 = arith.constant 32 : i32
        %mul3A_2762 = arith.muli %squeeze3A_2750, %mul3A_2761 : i32
        %add3A_2763 = arith.constant 16 : i32
        %add3A_2764 = arith.addi %mul3A_2762, %add3A_2763 : i32
        %add3A_2765 = arith.constant 11 : i32
        %add3A_2766 = arith.addi %mul3A_2435, %add3A_2765 : i32
        %mul3A_2767 = arith.constant 32 : i32
        %mul3A_2768 = arith.muli %add3A_2766, %mul3A_2767 : i32
        %add3A_2769 = arith.constant 16 : i32
        %add3A_2770 = arith.addi %mul3A_2768, %add3A_2769 : i32
        %get3A_2771 = arith.index_cast %add3A_2770 : i32 to index
        %get3A_2772 = tpu.vector_load %arg5[%get3A_2771] {strides = array<i32>} : memref<65536xf32, #tpu.memory_space<vmem>>, vector<16xf32>,
        %swap3A_2773 = arith.index_cast %add3A_2764 : i32 to index
        %swap3A_2774 = tpu.vector_load %arg7[%swap3A_2773] {strides = array<i32>} : memref<1024xf32, #tpu.memory_space<vmem>>, vector<16xf32>,
        tpu.vector_store %arg7[%swap3A_2773], %get3A_2772 {add = true, strides = array<i32>} : memref<1024xf32, #tpu.memory_space<vmem>>, vector<16xf32>,
        %slice3A_2775 = vector.extract_strided_slice %get3A_2437 {offsets = [12], sizes = [1], strides = [1]} : vector<16xi32> to vector<1xi32>
        %squeeze3A_2776 = vector.extract %slice3A_2775[0] : i32 from vector<1xi32>
        %mul3A_2777 = arith.constant 32 : i32
        %mul3A_2778 = arith.muli %squeeze3A_2776, %mul3A_2777 : i32
        %add3A_2779 = arith.constant 12 : i32
        %add3A_2780 = arith.addi %mul3A_2435, %add3A_2779 : i32
        %mul3A_2781 = arith.constant 32 : i32
        %mul3A_2782 = arith.muli %add3A_2780, %mul3A_2781 : i32
        %get3A_2783 = arith.index_cast %mul3A_2782 : i32 to index
        %get3A_2784 = tpu.vector_load %arg5[%get3A_2783] {strides = array<i32>} : memref<65536xf32, #tpu.memory_space<vmem>>, vector<16xf32>,
        %swap3A_2785 = arith.index_cast %mul3A_2778 : i32 to index
        %swap3A_2786 = tpu.vector_load %arg7[%swap3A_2785] {strides = array<i32>} : memref<1024xf32, #tpu.memory_space<vmem>>, vector<16xf32>,
        tpu.vector_store %arg7[%swap3A_2785], %get3A_2784 {add = true, strides = array<i32>} : memref<1024xf32, #tpu.memory_space<vmem>>, vector<16xf32>,
        %mul3A_2787 = arith.constant 32 : i32
        %mul3A_2788 = arith.muli %squeeze3A_2776, %mul3A_2787 : i32
        %add3A_2789 = arith.constant 16 : i32
        %add3A_2790 = arith.addi %mul3A_2788, %add3A_2789 : i32
        %add3A_2791 = arith.constant 12 : i32
        %add3A_2792 = arith.addi %mul3A_2435, %add3A_2791 : i32
        %mul3A_2793 = arith.constant 32 : i32
        %mul3A_2794 = arith.muli %add3A_2792, %mul3A_2793 : i32
        %add3A_2795 = arith.constant 16 : i32
        %add3A_2796 = arith.addi %mul3A_2794, %add3A_2795 : i32
        %get3A_2797 = arith.index_cast %add3A_2796 : i32 to index
        %get3A_2798 = tpu.vector_load %arg5[%get3A_2797] {strides = array<i32>} : memref<65536xf32, #tpu.memory_space<vmem>>, vector<16xf32>,
        %swap3A_2799 = arith.index_cast %add3A_2790 : i32 to index
        %swap3A_2800 = tpu.vector_load %arg7[%swap3A_2799] {strides = array<i32>} : memref<1024xf32, #tpu.memory_space<vmem>>, vector<16xf32>,
        tpu.vector_store %arg7[%swap3A_2799], %get3A_2798 {add = true, strides = array<i32>} : memref<1024xf32, #tpu.memory_space<vmem>>, vector<16xf32>,
        %slice3A_2801 = vector.extract_strided_slice %get3A_2437 {offsets = [13], sizes = [1], strides = [1]} : vector<16xi32> to vector<1xi32>
        %squeeze3A_2802 = vector.extract %slice3A_2801[0] : i32 from vector<1xi32>
        %mul3A_2803 = arith.constant 32 : i32
        %mul3A_2804 = arith.muli %squeeze3A_2802, %mul3A_2803 : i32
        %add3A_2805 = arith.constant 13 : i32
        %add3A_2806 = arith.addi %mul3A_2435, %add3A_2805 : i32
        %mul3A_2807 = arith.constant 32 : i32
        %mul3A_2808 = arith.muli %add3A_2806, %mul3A_2807 : i32
        %get3A_2809 = arith.index_cast %mul3A_2808 : i32 to index
        %get3A_2810 = tpu.vector_load %arg5[%get3A_2809] {strides = array<i32>} : memref<65536xf32, #tpu.memory_space<vmem>>, vector<16xf32>,
        %swap3A_2811 = arith.index_cast %mul3A_2804 : i32 to index
        %swap3A_2812 = tpu.vector_load %arg7[%swap3A_2811] {strides = array<i32>} : memref<1024xf32, #tpu.memory_space<vmem>>, vector<16xf32>,
        tpu.vector_store %arg7[%swap3A_2811], %get3A_2810 {add = true, strides = array<i32>} : memref<1024xf32, #tpu.memory_space<vmem>>, vector<16xf32>,
        %mul3A_2813 = arith.constant 32 : i32
        %mul3A_2814 = arith.muli %squeeze3A_2802, %mul3A_2813 : i32
        %add3A_2815 = arith.constant 16 : i32
        %add3A_2816 = arith.addi %mul3A_2814, %add3A_2815 : i32
        %add3A_2817 = arith.constant 13 : i32
        %add3A_2818 = arith.addi %mul3A_2435, %add3A_2817 : i32
        %mul3A_2819 = arith.constant 32 : i32
        %mul3A_2820 = arith.muli %add3A_2818, %mul3A_2819 : i32
        %add3A_2821 = arith.constant 16 : i32
        %add3A_2822 = arith.addi %mul3A_2820, %add3A_2821 : i32
        %get3A_2823 = arith.index_cast %add3A_2822 : i32 to index
        %get3A_2824 = tpu.vector_load %arg5[%get3A_2823] {strides = array<i32>} : memref<65536xf32, #tpu.memory_space<vmem>>, vector<16xf32>,
        %swap3A_2825 = arith.index_cast %add3A_2816 : i32 to index
        %swap3A_2826 = tpu.vector_load %arg7[%swap3A_2825] {strides = array<i32>} : memref<1024xf32, #tpu.memory_space<vmem>>, vector<16xf32>,
        tpu.vector_store %arg7[%swap3A_2825], %get3A_2824 {add = true, strides = array<i32>} : memref<1024xf32, #tpu.memory_space<vmem>>, vector<16xf32>,
        %slice3A_2827 = vector.extract_strided_slice %get3A_2437 {offsets = [14], sizes = [1], strides = [1]} : vector<16xi32> to vector<1xi32>
        %squeeze3A_2828 = vector.extract %slice3A_2827[0] : i32 from vector<1xi32>
        %mul3A_2829 = arith.constant 32 : i32
        %mul3A_2830 = arith.muli %squeeze3A_2828, %mul3A_2829 : i32
        %add3A_2831 = arith.constant 14 : i32
        %add3A_2832 = arith.addi %mul3A_2435, %add3A_2831 : i32
        %mul3A_2833 = arith.constant 32 : i32
        %mul3A_2834 = arith.muli %add3A_2832, %mul3A_2833 : i32
        %get3A_2835 = arith.index_cast %mul3A_2834 : i32 to index
        %get3A_2836 = tpu.vector_load %arg5[%get3A_2835] {strides = array<i32>} : memref<65536xf32, #tpu.memory_space<vmem>>, vector<16xf32>,
        %swap3A_2837 = arith.index_cast %mul3A_2830 : i32 to index
        %swap3A_2838 = tpu.vector_load %arg7[%swap3A_2837] {strides = array<i32>} : memref<1024xf32, #tpu.memory_space<vmem>>, vector<16xf32>,
        tpu.vector_store %arg7[%swap3A_2837], %get3A_2836 {add = true, strides = array<i32>} : memref<1024xf32, #tpu.memory_space<vmem>>, vector<16xf32>,
        %mul3A_2839 = arith.constant 32 : i32
        %mul3A_2840 = arith.muli %squeeze3A_2828, %mul3A_2839 : i32
        %add3A_2841 = arith.constant 16 : i32
        %add3A_2842 = arith.addi %mul3A_2840, %add3A_2841 : i32
        %add3A_2843 = arith.constant 14 : i32
        %add3A_2844 = arith.addi %mul3A_2435, %add3A_2843 : i32
        %mul3A_2845 = arith.constant 32 : i32
        %mul3A_2846 = arith.muli %add3A_2844, %mul3A_2845 : i32
        %add3A_2847 = arith.constant 16 : i32
        %add3A_2848 = arith.addi %mul3A_2846, %add3A_2847 : i32
        %get3A_2849 = arith.index_cast %add3A_2848 : i32 to index
        %get3A_2850 = tpu.vector_load %arg5[%get3A_2849] {strides = array<i32>} : memref<65536xf32, #tpu.memory_space<vmem>>, vector<16xf32>,
        %swap3A_2851 = arith.index_cast %add3A_2842 : i32 to index
        %swap3A_2852 = tpu.vector_load %arg7[%swap3A_2851] {strides = array<i32>} : memref<1024xf32, #tpu.memory_space<vmem>>, vector<16xf32>,
        tpu.vector_store %arg7[%swap3A_2851], %get3A_2850 {add = true, strides = array<i32>} : memref<1024xf32, #tpu.memory_space<vmem>>, vector<16xf32>,
        %slice3A_2853 = vector.extract_strided_slice %get3A_2437 {offsets = [15], sizes = [1], strides = [1]} : vector<16xi32> to vector<1xi32>
        %squeeze3A_2854 = vector.extract %slice3A_2853[0] : i32 from vector<1xi32>
        %mul3A_2855 = arith.constant 32 : i32
        %mul3A_2856 = arith.muli %squeeze3A_2854, %mul3A_2855 : i32
        %add3A_2857 = arith.constant 15 : i32
        %add3A_2858 = arith.addi %mul3A_2435, %add3A_2857 : i32
        %mul3A_2859 = arith.constant 32 : i32
        %mul3A_2860 = arith.muli %add3A_2858, %mul3A_2859 : i32
        %get3A_2861 = arith.index_cast %mul3A_2860 : i32 to index
        %get3A_2862 = tpu.vector_load %arg5[%get3A_2861] {strides = array<i32>} : memref<65536xf32, #tpu.memory_space<vmem>>, vector<16xf32>,
        %swap3A_2863 = arith.index_cast %mul3A_2856 : i32 to index
        %swap3A_2864 = tpu.vector_load %arg7[%swap3A_2863] {strides = array<i32>} : memref<1024xf32, #tpu.memory_space<vmem>>, vector<16xf32>,
        tpu.vector_store %arg7[%swap3A_2863], %get3A_2862 {add = true, strides = array<i32>} : memref<1024xf32, #tpu.memory_space<vmem>>, vector<16xf32>,
        %mul3A_2865 = arith.constant 32 : i32
        %mul3A_2866 = arith.muli %squeeze3A_2854, %mul3A_2865 : i32
        %add3A_2867 = arith.constant 16 : i32
        %add3A_2868 = arith.addi %mul3A_2866, %add3A_2867 : i32
        %add3A_2869 = arith.constant 15 : i32
        %add3A_2870 = arith.addi %mul3A_2435, %add3A_2869 : i32
        %mul3A_2871 = arith.constant 32 : i32
        %mul3A_2872 = arith.muli %add3A_2870, %mul3A_2871 : i32
        %add3A_2873 = arith.constant 16 : i32
        %add3A_2874 = arith.addi %mul3A_2872, %add3A_2873 : i32
        %get3A_2875 = arith.index_cast %add3A_2874 : i32 to index
        %get3A_2876 = tpu.vector_load %arg5[%get3A_2875] {strides = array<i32>} : memref<65536xf32, #tpu.memory_space<vmem>>, vector<16xf32>,
        %swap3A_2877 = arith.index_cast %add3A_2868 : i32 to index
        %swap3A_2878 = tpu.vector_load %arg7[%swap3A_2877] {strides = array<i32>} : memref<1024xf32, #tpu.memory_space<vmem>>, vector<16xf32>,
        tpu.vector_store %arg7[%swap3A_2877], %get3A_2876 {add = true, strides = array<i32>} : memref<1024xf32, #tpu.memory_space<vmem>>, vector<16xf32>,
        scf.yield %squeeze3A_2445, %broadcast_in_dim3A_2, %broadcast_in_dim3A_2 : i32, vector<16xf32>, vector<16xf32>
      }
      scf.yield %cond3A_2452#0, %cond3A_2452#1, %cond3A_2452#2 : i32, vector<16xf32>, vector<16xf32>
    }
    %scan3A_19 = arith.constant 128 : i32
    %mul3A_20 = arith.constant 32 : i32
    %mul3A_21 = arith.muli %scan3A_18#0, %mul3A_20 : i32
    %swap3A_22 = arith.index_cast %mul3A_21 : i32 to index
    %swap3A_23 = tpu.vector_load %arg7[%swap3A_22] {strides = array<i32>} : memref<1024xf32, #tpu.memory_space<vmem>>, vector<16xf32>,
    tpu.vector_store %arg7[%swap3A_22], %scan3A_18#1 {add = true, strides = array<i32>} : memref<1024xf32, #tpu.memory_space<vmem>>, vector<16xf32>,
    %mul3A_24 = arith.constant 32 : i32
    %mul3A_25 = arith.muli %scan3A_18#0, %mul3A_24 : i32
    %add3A = arith.constant 16 : i32
    %add3A_26 = arith.addi %mul3A_25, %add3A : i32
    %swap3A_27 = arith.index_cast %add3A_26 : i32 to index
    %swap3A_28 = tpu.vector_load %arg7[%swap3A_27] {strides = array<i32>} : memref<1024xf32, #tpu.memory_space<vmem>>, vector<16xf32>,
    tpu.vector_store %arg7[%swap3A_27], %scan3A_18#2 {add = true, strides = array<i32>} : memref<1024xf32, #tpu.memory_space<vmem>>, vector<16xf32>,
    "tpu.region"() ({
      %run_scoped3A = tpu.sem_alloc : memref<!tpu.dma_semaphore, #tpu.memory_space<semaphore_mem>>
      %dma_start3A = arith.constant 0 : i32
      %dma_start3A_2426 = tpu.memref_slice %arg17[%arg1, %dma_start3A] : memref<16x1024xf32, #tpu.memory_space<vmem_shared>> -> memref<1x1024xf32, #tpu.memory_space<vmem_shared>>
      %dma_start3A_2427 = tpu.memref_squeeze %dma_start3A_2426 : memref<1x1024xf32, #tpu.memory_space<vmem_shared>> -> memref<1024xf32, #tpu.memory_space<vmem_shared>>
      %dma_start3A_2428 = arith.constant 0 : i32
      %dma_start3A_2429 = tpu.memref_slice %arg17[%arg1, %dma_start3A_2428] : memref<16x1024xf32, #tpu.memory_space<vmem_shared>> -> memref<1x1024xf32, #tpu.memory_space<vmem_shared>>
      %dma_start3A_2430 = tpu.memref_squeeze %dma_start3A_2429 : memref<1x1024xf32, #tpu.memory_space<vmem_shared>> -> memref<1024xf32, #tpu.memory_space<vmem_shared>>
      tpu.enqueue_dma source(%arg7 : memref<1024xf32, #tpu.memory_space<vmem>>) target(%dma_start3A_2430 : memref<1024xf32, #tpu.memory_space<vmem_shared>>) target_semaphore(%run_scoped3A : memref<!tpu.dma_semaphore, #tpu.memory_space<semaphore_mem>>)
      %dma_wait3A = arith.constant 0 : i32
      %dma_wait3A_2431 = tpu.memref_slice %arg17[%arg1, %dma_wait3A] : memref<16x1024xf32, #tpu.memory_space<vmem_shared>> -> memref<1x1024xf32, #tpu.memory_space<vmem_shared>>
      %dma_wait3A_2432 = tpu.memref_squeeze %dma_wait3A_2431 : memref<1x1024xf32, #tpu.memory_space<vmem_shared>> -> memref<1024xf32, #tpu.memory_space<vmem_shared>>
      %dma_wait3A_2433 = arith.constant 0 : i32
      %dma_wait3A_2434 = tpu.memref_slice %arg17[%arg1, %dma_wait3A_2433] : memref<16x1024xf32, #tpu.memory_space<vmem_shared>> -> memref<1x1024xf32, #tpu.memory_space<vmem_shared>>
      %dma_wait3A_2435 = tpu.memref_squeeze %dma_wait3A_2434 : memref<1x1024xf32, #tpu.memory_space<vmem_shared>> -> memref<1024xf32, #tpu.memory_space<vmem_shared>>
      tpu.wait_dma2 semaphore(%run_scoped3A : memref<!tpu.dma_semaphore, #tpu.memory_space<semaphore_mem>>) src(%arg7 : memref<1024xf32, #tpu.memory_space<vmem>>) dst(%dma_wait3A_2435 : memref<1024xf32, #tpu.memory_space<vmem_shared>>)
      tpu.yield
    }) : () -> ()
    "tpu.region"() ({
      %run_scoped3A = tpu.sem_alloc : memref<!tpu.dma_semaphore, #tpu.memory_space<semaphore_mem>>
      %dma_start3A = arith.constant 0 : i32
      %dma_start3A_2426 = tpu.memref_slice %arg18[%arg1, %dma_start3A] : memref<16x512xf32, #tpu.memory_space<vmem_shared>> -> memref<1x512xf32, #tpu.memory_space<vmem_shared>>
      %dma_start3A_2427 = tpu.memref_squeeze %dma_start3A_2426 : memref<1x512xf32, #tpu.memory_space<vmem_shared>> -> memref<512xf32, #tpu.memory_space<vmem_shared>>
      %dma_start3A_2428 = arith.constant 0 : i32
      %dma_start3A_2429 = tpu.memref_slice %arg18[%arg1, %dma_start3A_2428] : memref<16x512xf32, #tpu.memory_space<vmem_shared>> -> memref<1x512xf32, #tpu.memory_space<vmem_shared>>
      %dma_start3A_2430 = tpu.memref_squeeze %dma_start3A_2429 : memref<1x512xf32, #tpu.memory_space<vmem_shared>> -> memref<512xf32, #tpu.memory_space<vmem_shared>>
      tpu.enqueue_dma source(%arg8 : memref<512xf32, #tpu.memory_space<vmem>>) target(%dma_start3A_2430 : memref<512xf32, #tpu.memory_space<vmem_shared>>) target_semaphore(%run_scoped3A : memref<!tpu.dma_semaphore, #tpu.memory_space<semaphore_mem>>)
      %dma_wait3A = arith.constant 0 : i32
      %dma_wait3A_2431 = tpu.memref_slice %arg18[%arg1, %dma_wait3A] : memref<16x512xf32, #tpu.memory_space<vmem_shared>> -> memref<1x512xf32, #tpu.memory_space<vmem_shared>>
      %dma_wait3A_2432 = tpu.memref_squeeze %dma_wait3A_2431 : memref<1x512xf32, #tpu.memory_space<vmem_shared>> -> memref<512xf32, #tpu.memory_space<vmem_shared>>
      %dma_wait3A_2433 = arith.constant 0 : i32
      %dma_wait3A_2434 = tpu.memref_slice %arg18[%arg1, %dma_wait3A_2433] : memref<16x512xf32, #tpu.memory_space<vmem_shared>> -> memref<1x512xf32, #tpu.memory_space<vmem_shared>>
      %dma_wait3A_2435 = tpu.memref_squeeze %dma_wait3A_2434 : memref<1x512xf32, #tpu.memory_space<vmem_shared>> -> memref<512xf32, #tpu.memory_space<vmem_shared>>
      tpu.wait_dma2 semaphore(%run_scoped3A : memref<!tpu.dma_semaphore, #tpu.memory_space<semaphore_mem>>) src(%arg8 : memref<512xf32, #tpu.memory_space<vmem>>) dst(%dma_wait3A_2435 : memref<512xf32, #tpu.memory_space<vmem_shared>>)
      tpu.yield
    }) : () -> ()
    %barrier3A = arith.constant 0 : index
    tpu.barrier barrier_id(%barrier3A)
    %scan3A_29 = arith.constant 0 : i32
    %scan3A_30 = arith.constant 16 : i32
    %scan3A_31 = arith.addi %scan3A_29, %scan3A_30 : i32
    %scan3A_32 = arith.constant 1 : i32
    scf.for %scan3A_2426 = %scan3A_29 to %scan3A_31 step %scan3A_32  : i32 {
      %mul3A_2427 = arith.constant 1 : i32
      %mul3A_2428 = arith.muli %scan3A_2426, %mul3A_2427 : i32
      %add3A_2429 = arith.constant 0 : i32
      %add3A_2430 = arith.addi %add3A_2429, %mul3A_2428 : i32
      %mul3A_2431 = arith.constant 2 : i32
      %mul3A_2432 = arith.muli %mul3A_2431, %arg1 : i32
      %mul3A_2433 = arith.constant 32 : i32
      %mul3A_2434 = arith.muli %mul3A_2432, %mul3A_2433 : i32
      "tpu.region"() ({
        %run_scoped3A = tpu.sem_alloc : memref<!tpu.dma_semaphore, #tpu.memory_space<semaphore_mem>>
        %dma_start3A = arith.constant 0 : i32
        %dma_start3A_2439 = tpu.memref_slice %arg13[%add3A_2430, %dma_start3A] : memref<16x64xf32, #tpu.memory_space<vmem>> -> memref<1x64xf32, #tpu.memory_space<vmem>>
        %dma_start3A_2440 = tpu.memref_squeeze %dma_start3A_2439 : memref<1x64xf32, #tpu.memory_space<vmem>> -> memref<64xf32, #tpu.memory_space<vmem>>
        %dma_start3A_2441 = tpu.memref_slice %arg17[%add3A_2430, %mul3A_2434] : memref<16x1024xf32, #tpu.memory_space<vmem_shared>> -> memref<1x64xf32, #tpu.memory_space<vmem_shared>>
        %dma_start3A_2442 = tpu.memref_squeeze %dma_start3A_2441 : memref<1x64xf32, #tpu.memory_space<vmem_shared>> -> memref<64xf32, #tpu.memory_space<vmem_shared>>
        %dma_start3A_2443 = arith.constant 0 : i32
        %dma_start3A_2444 = tpu.memref_slice %arg13[%add3A_2430, %dma_start3A_2443] : memref<16x64xf32, #tpu.memory_space<vmem>> -> memref<1x64xf32, #tpu.memory_space<vmem>>
        %dma_start3A_2445 = tpu.memref_squeeze %dma_start3A_2444 : memref<1x64xf32, #tpu.memory_space<vmem>> -> memref<64xf32, #tpu.memory_space<vmem>>
        %dma_start3A_2446 = tpu.memref_slice %arg17[%add3A_2430, %mul3A_2434] : memref<16x1024xf32, #tpu.memory_space<vmem_shared>> -> memref<1x64xf32, #tpu.memory_space<vmem_shared>>
        %dma_start3A_2447 = tpu.memref_squeeze %dma_start3A_2446 : memref<1x64xf32, #tpu.memory_space<vmem_shared>> -> memref<64xf32, #tpu.memory_space<vmem_shared>>
        tpu.enqueue_dma source(%dma_start3A_2447 : memref<64xf32, #tpu.memory_space<vmem_shared>>) target(%dma_start3A_2445 : memref<64xf32, #tpu.memory_space<vmem>>) target_semaphore(%run_scoped3A : memref<!tpu.dma_semaphore, #tpu.memory_space<semaphore_mem>>)
        %dma_wait3A = arith.constant 0 : i32
        %dma_wait3A_2448 = tpu.memref_slice %arg13[%add3A_2430, %dma_wait3A] : memref<16x64xf32, #tpu.memory_space<vmem>> -> memref<1x64xf32, #tpu.memory_space<vmem>>
        %dma_wait3A_2449 = tpu.memref_squeeze %dma_wait3A_2448 : memref<1x64xf32, #tpu.memory_space<vmem>> -> memref<64xf32, #tpu.memory_space<vmem>>
        %dma_wait3A_2450 = tpu.memref_slice %arg17[%add3A_2430, %mul3A_2434] : memref<16x1024xf32, #tpu.memory_space<vmem_shared>> -> memref<1x64xf32, #tpu.memory_space<vmem_shared>>
        %dma_wait3A_2451 = tpu.memref_squeeze %dma_wait3A_2450 : memref<1x64xf32, #tpu.memory_space<vmem_shared>> -> memref<64xf32, #tpu.memory_space<vmem_shared>>
        %dma_wait3A_2452 = arith.constant 0 : i32
        %dma_wait3A_2453 = tpu.memref_slice %arg13[%add3A_2430, %dma_wait3A_2452] : memref<16x64xf32, #tpu.memory_space<vmem>> -> memref<1x64xf32, #tpu.memory_space<vmem>>
        %dma_wait3A_2454 = tpu.memref_squeeze %dma_wait3A_2453 : memref<1x64xf32, #tpu.memory_space<vmem>> -> memref<64xf32, #tpu.memory_space<vmem>>
        %dma_wait3A_2455 = tpu.memref_slice %arg17[%add3A_2430, %mul3A_2434] : memref<16x1024xf32, #tpu.memory_space<vmem_shared>> -> memref<1x64xf32, #tpu.memory_space<vmem_shared>>
        %dma_wait3A_2456 = tpu.memref_squeeze %dma_wait3A_2455 : memref<1x64xf32, #tpu.memory_space<vmem_shared>> -> memref<64xf32, #tpu.memory_space<vmem_shared>>
        tpu.wait_dma2 semaphore(%run_scoped3A : memref<!tpu.dma_semaphore, #tpu.memory_space<semaphore_mem>>) src(%dma_wait3A_2456 : memref<64xf32, #tpu.memory_space<vmem_shared>>) dst(%dma_wait3A_2454 : memref<64xf32, #tpu.memory_space<vmem>>)
        tpu.yield
      }) : () -> ()
      %mul3A_2435 = arith.constant 2 : i32
      %mul3A_2436 = arith.muli %mul3A_2435, %arg1 : i32
      %mul3A_2437 = arith.constant 16 : i32
      %mul3A_2438 = arith.muli %mul3A_2436, %mul3A_2437 : i32
      "tpu.region"() ({
        %run_scoped3A = tpu.sem_alloc : memref<!tpu.dma_semaphore, #tpu.memory_space<semaphore_mem>>
        %dma_start3A = arith.constant 0 : i32
        %dma_start3A_2439 = tpu.memref_slice %arg14[%add3A_2430, %dma_start3A] : memref<16x32xf32, #tpu.memory_space<vmem>> -> memref<1x32xf32, #tpu.memory_space<vmem>>
        %dma_start3A_2440 = tpu.memref_squeeze %dma_start3A_2439 : memref<1x32xf32, #tpu.memory_space<vmem>> -> memref<32xf32, #tpu.memory_space<vmem>>
        %dma_start3A_2441 = tpu.memref_slice %arg18[%add3A_2430, %mul3A_2438] : memref<16x512xf32, #tpu.memory_space<vmem_shared>> -> memref<1x32xf32, #tpu.memory_space<vmem_shared>>
        %dma_start3A_2442 = tpu.memref_squeeze %dma_start3A_2441 : memref<1x32xf32, #tpu.memory_space<vmem_shared>> -> memref<32xf32, #tpu.memory_space<vmem_shared>>
        %dma_start3A_2443 = arith.constant 0 : i32
        %dma_start3A_2444 = tpu.memref_slice %arg14[%add3A_2430, %dma_start3A_2443] : memref<16x32xf32, #tpu.memory_space<vmem>> -> memref<1x32xf32, #tpu.memory_space<vmem>>
        %dma_start3A_2445 = tpu.memref_squeeze %dma_start3A_2444 : memref<1x32xf32, #tpu.memory_space<vmem>> -> memref<32xf32, #tpu.memory_space<vmem>>
        %dma_start3A_2446 = tpu.memref_slice %arg18[%add3A_2430, %mul3A_2438] : memref<16x512xf32, #tpu.memory_space<vmem_shared>> -> memref<1x32xf32, #tpu.memory_space<vmem_shared>>
        %dma_start3A_2447 = tpu.memref_squeeze %dma_start3A_2446 : memref<1x32xf32, #tpu.memory_space<vmem_shared>> -> memref<32xf32, #tpu.memory_space<vmem_shared>>
        tpu.enqueue_dma source(%dma_start3A_2447 : memref<32xf32, #tpu.memory_space<vmem_shared>>) target(%dma_start3A_2445 : memref<32xf32, #tpu.memory_space<vmem>>) target_semaphore(%run_scoped3A : memref<!tpu.dma_semaphore, #tpu.memory_space<semaphore_mem>>)
        %dma_wait3A = arith.constant 0 : i32
        %dma_wait3A_2448 = tpu.memref_slice %arg14[%add3A_2430, %dma_wait3A] : memref<16x32xf32, #tpu.memory_space<vmem>> -> memref<1x32xf32, #tpu.memory_space<vmem>>
        %dma_wait3A_2449 = tpu.memref_squeeze %dma_wait3A_2448 : memref<1x32xf32, #tpu.memory_space<vmem>> -> memref<32xf32, #tpu.memory_space<vmem>>
        %dma_wait3A_2450 = tpu.memref_slice %arg18[%add3A_2430, %mul3A_2438] : memref<16x512xf32, #tpu.memory_space<vmem_shared>> -> memref<1x32xf32, #tpu.memory_space<vmem_shared>>
        %dma_wait3A_2451 = tpu.memref_squeeze %dma_wait3A_2450 : memref<1x32xf32, #tpu.memory_space<vmem_shared>> -> memref<32xf32, #tpu.memory_space<vmem_shared>>
        %dma_wait3A_2452 = arith.constant 0 : i32
        %dma_wait3A_2453 = tpu.memref_slice %arg14[%add3A_2430, %dma_wait3A_2452] : memref<16x32xf32, #tpu.memory_space<vmem>> -> memref<1x32xf32, #tpu.memory_space<vmem>>
        %dma_wait3A_2454 = tpu.memref_squeeze %dma_wait3A_2453 : memref<1x32xf32, #tpu.memory_space<vmem>> -> memref<32xf32, #tpu.memory_space<vmem>>
        %dma_wait3A_2455 = tpu.memref_slice %arg18[%add3A_2430, %mul3A_2438] : memref<16x512xf32, #tpu.memory_space<vmem_shared>> -> memref<1x32xf32, #tpu.memory_space<vmem_shared>>
        %dma_wait3A_2456 = tpu.memref_squeeze %dma_wait3A_2455 : memref<1x32xf32, #tpu.memory_space<vmem_shared>> -> memref<32xf32, #tpu.memory_space<vmem_shared>>
        tpu.wait_dma2 semaphore(%run_scoped3A : memref<!tpu.dma_semaphore, #tpu.memory_space<semaphore_mem>>) src(%dma_wait3A_2456 : memref<32xf32, #tpu.memory_space<vmem_shared>>) dst(%dma_wait3A_2454 : memref<32xf32, #tpu.memory_space<vmem>>)
        tpu.yield
      }) : () -> ()
    }
    %scan3A_33 = arith.constant 16 : i32
    %mul3A_34 = arith.constant 2 : i32
    %mul3A_35 = arith.muli %mul3A_34, %arg1 : i32
    %add3A_36 = arith.constant 0 : i32
    %add3A_37 = arith.addi %mul3A_35, %add3A_36 : i32
    %scan3A_38 = arith.constant 0 : i32
    %scan3A_39 = arith.constant 16 : i32
    %scan3A_40 = arith.addi %scan3A_38, %scan3A_39 : i32
    %scan3A_41 = arith.constant 1 : i32
    %scan3A_42:3 = scf.for %scan3A_2426 = %scan3A_38 to %scan3A_40 step %scan3A_41 iter_args(%scan3A_2427 = %broadcast_in_dim3A_2, %scan3A_2428 = %broadcast_in_dim3A_2, %scan3A_2429 = %broadcast_in_dim3A_2) -> (vector<16xf32>, vector<16xf32>, vector<16xf32>)  : i32 {
      %mul3A_2430 = arith.constant 1 : i32
      %mul3A_2431 = arith.muli %scan3A_2426, %mul3A_2430 : i32
      %add3A_2432 = arith.constant 0 : i32
      %add3A_2433 = arith.addi %add3A_2432, %mul3A_2431 : i32
      %get3A_2434 = arith.index_cast %add3A_2433 : i32 to index
      %get3A_2435 = arith.constant 0 : index
      %get3A_2436 = tpu.vector_load %arg13[%get3A_2434, %get3A_2435] {strides = array<i32>} : memref<16x64xf32, #tpu.memory_space<vmem>>, vector<16xf32>,
      %add3A_2437 = arith.addf %scan3A_2427, %get3A_2436 : vector<16xf32>
      %get3A_2438 = arith.index_cast %add3A_2433 : i32 to index
      %get3A_2439 = arith.constant 16 : index
      %get3A_2440 = tpu.vector_load %arg13[%get3A_2438, %get3A_2439] {strides = array<i32>} : memref<16x64xf32, #tpu.memory_space<vmem>>, vector<16xf32>,
      %add3A_2441 = arith.addf %scan3A_2428, %get3A_2440 : vector<16xf32>
      %get3A_2442 = arith.index_cast %add3A_2433 : i32 to index
      %get3A_2443 = arith.constant 0 : index
      %get3A_2444 = tpu.vector_load %arg14[%get3A_2442, %get3A_2443] {strides = array<i32>} : memref<16x32xf32, #tpu.memory_space<vmem>>, vector<16xf32>,
      %add3A_2445 = arith.addf %scan3A_2429, %get3A_2444 : vector<16xf32>
      scf.yield %add3A_2437, %add3A_2441, %add3A_2445 : vector<16xf32>, vector<16xf32>, vector<16xf32>
    }
    %scan3A_43 = arith.constant 16 : i32
    %reduce_sum3A = arith.constant true
    %reduce_sum3A_44 = vector.broadcast %reduce_sum3A : i1 to vector<16xi1>
    %reduce_sum3A_45 = tpu.scan <sum>, %scan3A_42#2 masked %reduce_sum3A_44 : vector<16xf32>, vector<16xi1> -> vector<16xf32>
    %reduce_sum3A_46 = vector.extract %reduce_sum3A_45[15] : f32 from vector<16xf32>
    %max3A = arith.constant 1.000000e+00 : f32
    %max3A_47 = arith.maximumf %reduce_sum3A_46, %max3A : f32
    %broadcast_in_dim3A_48 = arith.constant 0.000000e+00 : f32
    %broadcast_in_dim3A_49 = vector.broadcast %broadcast_in_dim3A_48 : f32 to vector<16xf32>
    %add3A_50 = vector.broadcast %max3A_47 : f32 to vector<16xf32>
    %add3A_51 = arith.addf %broadcast_in_dim3A_49, %add3A_50 : vector<16xf32>
    %div3A = arith.divf %scan3A_42#0, %add3A_51 : vector<16xf32>
    %mul3A_52 = arith.constant 32 : i32
    %mul3A_53 = arith.muli %add3A_37, %mul3A_52 : i32
    %swap3A_54 = arith.index_cast %mul3A_53 : i32 to index
    %swap3A_55 = tpu.vector_load %arg10[%swap3A_54] {strides = array<i32>} : memref<1024xf32, #tpu.memory_space<vmem>>, vector<16xf32>,
    tpu.vector_store %arg10[%swap3A_54], %div3A {strides = array<i32>} : memref<1024xf32, #tpu.memory_space<vmem>>, vector<16xf32>,
    %div3A_56 = arith.divf %scan3A_42#1, %add3A_51 : vector<16xf32>
    %mul3A_57 = arith.constant 32 : i32
    %mul3A_58 = arith.muli %add3A_37, %mul3A_57 : i32
    %add3A_59 = arith.constant 16 : i32
    %add3A_60 = arith.addi %mul3A_58, %add3A_59 : i32
    %swap3A_61 = arith.index_cast %add3A_60 : i32 to index
    %swap3A_62 = tpu.vector_load %arg10[%swap3A_61] {strides = array<i32>} : memref<1024xf32, #tpu.memory_space<vmem>>, vector<16xf32>,
    tpu.vector_store %arg10[%swap3A_61], %div3A_56 {strides = array<i32>} : memref<1024xf32, #tpu.memory_space<vmem>>, vector<16xf32>,
    %mul3A_63 = arith.constant 16 : i32
    %mul3A_64 = arith.muli %add3A_37, %mul3A_63 : i32
    %swap3A_65 = arith.index_cast %mul3A_64 : i32 to index
    %swap3A_66 = tpu.vector_load %arg11[%swap3A_65] {strides = array<i32>} : memref<512xf32, #tpu.memory_space<vmem>>, vector<16xf32>,
    tpu.vector_store %arg11[%swap3A_65], %add3A_51 {strides = array<i32>} : memref<512xf32, #tpu.memory_space<vmem>>, vector<16xf32>,
    %mul3A_67 = arith.constant 2 : i32
    %mul3A_68 = arith.muli %mul3A_67, %arg1 : i32
    %add3A_69 = arith.constant 1 : i32
    %add3A_70 = arith.addi %mul3A_68, %add3A_69 : i32
    %scan3A_71 = arith.constant 0 : i32
    %scan3A_72 = arith.constant 16 : i32
    %scan3A_73 = arith.addi %scan3A_71, %scan3A_72 : i32
    %scan3A_74 = arith.constant 1 : i32
    %scan3A_75:3 = scf.for %scan3A_2426 = %scan3A_71 to %scan3A_73 step %scan3A_74 iter_args(%scan3A_2427 = %broadcast_in_dim3A_2, %scan3A_2428 = %broadcast_in_dim3A_2, %scan3A_2429 = %broadcast_in_dim3A_2) -> (vector<16xf32>, vector<16xf32>, vector<16xf32>)  : i32 {
      %mul3A_2430 = arith.constant 1 : i32
      %mul3A_2431 = arith.muli %scan3A_2426, %mul3A_2430 : i32
      %add3A_2432 = arith.constant 0 : i32
      %add3A_2433 = arith.addi %add3A_2432, %mul3A_2431 : i32
      %get3A_2434 = arith.index_cast %add3A_2433 : i32 to index
      %get3A_2435 = arith.constant 32 : index
      %get3A_2436 = tpu.vector_load %arg13[%get3A_2434, %get3A_2435] {strides = array<i32>} : memref<16x64xf32, #tpu.memory_space<vmem>>, vector<16xf32>,
      %add3A_2437 = arith.addf %scan3A_2427, %get3A_2436 : vector<16xf32>
      %get3A_2438 = arith.index_cast %add3A_2433 : i32 to index
      %get3A_2439 = arith.constant 48 : index
      %get3A_2440 = tpu.vector_load %arg13[%get3A_2438, %get3A_2439] {strides = array<i32>} : memref<16x64xf32, #tpu.memory_space<vmem>>, vector<16xf32>,
      %add3A_2441 = arith.addf %scan3A_2428, %get3A_2440 : vector<16xf32>
      %get3A_2442 = arith.index_cast %add3A_2433 : i32 to index
      %get3A_2443 = arith.constant 16 : index
      %get3A_2444 = tpu.vector_load %arg14[%get3A_2442, %get3A_2443] {strides = array<i32>} : memref<16x32xf32, #tpu.memory_space<vmem>>, vector<16xf32>,
      %add3A_2445 = arith.addf %scan3A_2429, %get3A_2444 : vector<16xf32>
      scf.yield %add3A_2437, %add3A_2441, %add3A_2445 : vector<16xf32>, vector<16xf32>, vector<16xf32>
    }
    %scan3A_76 = arith.constant 16 : i32
    %reduce_sum3A_77 = arith.constant true
    %reduce_sum3A_78 = vector.broadcast %reduce_sum3A_77 : i1 to vector<16xi1>
    %reduce_sum3A_79 = tpu.scan <sum>, %scan3A_75#2 masked %reduce_sum3A_78 : vector<16xf32>, vector<16xi1> -> vector<16xf32>
    %reduce_sum3A_80 = vector.extract %reduce_sum3A_79[15] : f32 from vector<16xf32>
    %max3A_81 = arith.constant 1.000000e+00 : f32
    %max3A_82 = arith.maximumf %reduce_sum3A_80, %max3A_81 : f32
    %broadcast_in_dim3A_83 = arith.constant 0.000000e+00 : f32
    %broadcast_in_dim3A_84 = vector.broadcast %broadcast_in_dim3A_83 : f32 to vector<16xf32>
    %add3A_85 = vector.broadcast %max3A_82 : f32 to vector<16xf32>
    %add3A_86 = arith.addf %broadcast_in_dim3A_84, %add3A_85 : vector<16xf32>
    %div3A_87 = arith.divf %scan3A_75#0, %add3A_86 : vector<16xf32>
    %mul3A_88 = arith.constant 32 : i32
    %mul3A_89 = arith.muli %add3A_70, %mul3A_88 : i32
    %swap3A_90 = arith.index_cast %mul3A_89 : i32 to index
    %swap3A_91 = tpu.vector_load %arg10[%swap3A_90] {strides = array<i32>} : memref<1024xf32, #tpu.memory_space<vmem>>, vector<16xf32>,
    tpu.vector_store %arg10[%swap3A_90], %div3A_87 {strides = array<i32>} : memref<1024xf32, #tpu.memory_space<vmem>>, vector<16xf32>,
    %div3A_92 = arith.divf %scan3A_75#1, %add3A_86 : vector<16xf32>
    %mul3A_93 = arith.constant 32 : i32
    %mul3A_94 = arith.muli %add3A_70, %mul3A_93 : i32
    %add3A_95 = arith.constant 16 : i32
    %add3A_96 = arith.addi %mul3A_94, %add3A_95 : i32
    %swap3A_97 = arith.index_cast %add3A_96 : i32 to index
    %swap3A_98 = tpu.vector_load %arg10[%swap3A_97] {strides = array<i32>} : memref<1024xf32, #tpu.memory_space<vmem>>, vector<16xf32>,
    tpu.vector_store %arg10[%swap3A_97], %div3A_92 {strides = array<i32>} : memref<1024xf32, #tpu.memory_space<vmem>>, vector<16xf32>,
    %mul3A_99 = arith.constant 16 : i32
    %mul3A_100 = arith.muli %add3A_70, %mul3A_99 : i32
    %swap3A_101 = arith.index_cast %mul3A_100 : i32 to index
    %swap3A_102 = tpu.vector_load %arg11[%swap3A_101] {strides = array<i32>} : memref<512xf32, #tpu.memory_space<vmem>>, vector<16xf32>,
    tpu.vector_store %arg11[%swap3A_101], %add3A_86 {strides = array<i32>} : memref<512xf32, #tpu.memory_space<vmem>>, vector<16xf32>,
    %mul3A_103 = arith.constant 2 : i32
    %mul3A_104 = arith.muli %mul3A_103, %arg1 : i32
    %mul3A_105 = arith.constant 32 : i32
    %mul3A_106 = arith.muli %mul3A_104, %mul3A_105 : i32
    %mul3A_107 = arith.constant 2 : i32
    %mul3A_108 = arith.muli %mul3A_107, %arg1 : i32
    %mul3A_109 = arith.constant 32 : i32
    %mul3A_110 = arith.muli %mul3A_108, %mul3A_109 : i32
    "tpu.region"() ({
      %run_scoped3A = tpu.sem_alloc : memref<!tpu.dma_semaphore, #tpu.memory_space<semaphore_mem>>
      %dma_start3A = tpu.memref_slice %arg10[%mul3A_106] : memref<1024xf32, #tpu.memory_space<vmem>> -> memref<64xf32, #tpu.memory_space<vmem>>
      %dma_start3A_2426 = tpu.memref_slice %arg19[%mul3A_110] : memref<1024xf32, #tpu.memory_space<vmem_shared>> -> memref<64xf32, #tpu.memory_space<vmem_shared>>
      %dma_start3A_2427 = tpu.memref_slice %arg19[%mul3A_110] : memref<1024xf32, #tpu.memory_space<vmem_shared>> -> memref<64xf32, #tpu.memory_space<vmem_shared>>
      %dma_start3A_2428 = tpu.memref_slice %arg10[%mul3A_106] : memref<1024xf32, #tpu.memory_space<vmem>> -> memref<64xf32, #tpu.memory_space<vmem>>
      tpu.enqueue_dma source(%dma_start3A_2428 : memref<64xf32, #tpu.memory_space<vmem>>) target(%dma_start3A_2427 : memref<64xf32, #tpu.memory_space<vmem_shared>>) target_semaphore(%run_scoped3A : memref<!tpu.dma_semaphore, #tpu.memory_space<semaphore_mem>>)
      %dma_wait3A = tpu.memref_slice %arg10[%mul3A_106] : memref<1024xf32, #tpu.memory_space<vmem>> -> memref<64xf32, #tpu.memory_space<vmem>>
      %dma_wait3A_2429 = tpu.memref_slice %arg19[%mul3A_110] : memref<1024xf32, #tpu.memory_space<vmem_shared>> -> memref<64xf32, #tpu.memory_space<vmem_shared>>
      %dma_wait3A_2430 = tpu.memref_slice %arg19[%mul3A_110] : memref<1024xf32, #tpu.memory_space<vmem_shared>> -> memref<64xf32, #tpu.memory_space<vmem_shared>>
      %dma_wait3A_2431 = tpu.memref_slice %arg10[%mul3A_106] : memref<1024xf32, #tpu.memory_space<vmem>> -> memref<64xf32, #tpu.memory_space<vmem>>
      tpu.wait_dma2 semaphore(%run_scoped3A : memref<!tpu.dma_semaphore, #tpu.memory_space<semaphore_mem>>) src(%dma_wait3A_2431 : memref<64xf32, #tpu.memory_space<vmem>>) dst(%dma_wait3A_2430 : memref<64xf32, #tpu.memory_space<vmem_shared>>)
      tpu.yield
    }) : () -> ()
    %mul3A_111 = arith.constant 2 : i32
    %mul3A_112 = arith.muli %mul3A_111, %arg1 : i32
    %mul3A_113 = arith.constant 16 : i32
    %mul3A_114 = arith.muli %mul3A_112, %mul3A_113 : i32
    %mul3A_115 = arith.constant 2 : i32
    %mul3A_116 = arith.muli %mul3A_115, %arg1 : i32
    %mul3A_117 = arith.constant 16 : i32
    %mul3A_118 = arith.muli %mul3A_116, %mul3A_117 : i32
    "tpu.region"() ({
      %run_scoped3A = tpu.sem_alloc : memref<!tpu.dma_semaphore, #tpu.memory_space<semaphore_mem>>
      %dma_start3A = tpu.memref_slice %arg11[%mul3A_114] : memref<512xf32, #tpu.memory_space<vmem>> -> memref<32xf32, #tpu.memory_space<vmem>>
      %dma_start3A_2426 = tpu.memref_slice %arg20[%mul3A_118] : memref<512xf32, #tpu.memory_space<vmem_shared>> -> memref<32xf32, #tpu.memory_space<vmem_shared>>
      %dma_start3A_2427 = tpu.memref_slice %arg20[%mul3A_118] : memref<512xf32, #tpu.memory_space<vmem_shared>> -> memref<32xf32, #tpu.memory_space<vmem_shared>>
      %dma_start3A_2428 = tpu.memref_slice %arg11[%mul3A_114] : memref<512xf32, #tpu.memory_space<vmem>> -> memref<32xf32, #tpu.memory_space<vmem>>
      tpu.enqueue_dma source(%dma_start3A_2428 : memref<32xf32, #tpu.memory_space<vmem>>) target(%dma_start3A_2427 : memref<32xf32, #tpu.memory_space<vmem_shared>>) target_semaphore(%run_scoped3A : memref<!tpu.dma_semaphore, #tpu.memory_space<semaphore_mem>>)
      %dma_wait3A = tpu.memref_slice %arg11[%mul3A_114] : memref<512xf32, #tpu.memory_space<vmem>> -> memref<32xf32, #tpu.memory_space<vmem>>
      %dma_wait3A_2429 = tpu.memref_slice %arg20[%mul3A_118] : memref<512xf32, #tpu.memory_space<vmem_shared>> -> memref<32xf32, #tpu.memory_space<vmem_shared>>
      %dma_wait3A_2430 = tpu.memref_slice %arg20[%mul3A_118] : memref<512xf32, #tpu.memory_space<vmem_shared>> -> memref<32xf32, #tpu.memory_space<vmem_shared>>
      %dma_wait3A_2431 = tpu.memref_slice %arg11[%mul3A_114] : memref<512xf32, #tpu.memory_space<vmem>> -> memref<32xf32, #tpu.memory_space<vmem>>
      tpu.wait_dma2 semaphore(%run_scoped3A : memref<!tpu.dma_semaphore, #tpu.memory_space<semaphore_mem>>) src(%dma_wait3A_2431 : memref<32xf32, #tpu.memory_space<vmem>>) dst(%dma_wait3A_2430 : memref<32xf32, #tpu.memory_space<vmem_shared>>)
      tpu.yield
    }) : () -> ()
    %barrier3A_119 = arith.constant 0 : index
    tpu.barrier barrier_id(%barrier3A_119)
    "tpu.region"() ({
      %run_scoped3A = tpu.sem_alloc : memref<!tpu.dma_semaphore, #tpu.memory_space<semaphore_mem>>
      tpu.enqueue_dma source(%arg19 : memref<1024xf32, #tpu.memory_space<vmem_shared>>) target(%arg10 : memref<1024xf32, #tpu.memory_space<vmem>>) target_semaphore(%run_scoped3A : memref<!tpu.dma_semaphore, #tpu.memory_space<semaphore_mem>>)
      tpu.wait_dma2 semaphore(%run_scoped3A : memref<!tpu.dma_semaphore, #tpu.memory_space<semaphore_mem>>) src(%arg19 : memref<1024xf32, #tpu.memory_space<vmem_shared>>) dst(%arg10 : memref<1024xf32, #tpu.memory_space<vmem>>)
      tpu.yield
    }) : () -> ()
    "tpu.region"() ({
      %run_scoped3A = tpu.sem_alloc : memref<!tpu.dma_semaphore, #tpu.memory_space<semaphore_mem>>
      tpu.enqueue_dma source(%arg20 : memref<512xf32, #tpu.memory_space<vmem_shared>>) target(%arg11 : memref<512xf32, #tpu.memory_space<vmem>>) target_semaphore(%run_scoped3A : memref<!tpu.dma_semaphore, #tpu.memory_space<semaphore_mem>>)
      tpu.wait_dma2 semaphore(%run_scoped3A : memref<!tpu.dma_semaphore, #tpu.memory_space<semaphore_mem>>) src(%arg20 : memref<512xf32, #tpu.memory_space<vmem_shared>>) dst(%arg11 : memref<512xf32, #tpu.memory_space<vmem>>)
      tpu.yield
    }) : () -> ()
    %scan3A_120 = arith.constant 0 : i32
    %scan3A_121 = arith.constant 128 : i32
    %scan3A_122 = arith.addi %scan3A_120, %scan3A_121 : i32
    %scan3A_123 = arith.constant 1 : i32
    scf.for %scan3A_2426 = %scan3A_120 to %scan3A_122 step %scan3A_123  : i32 {
      %mul3A_2427 = arith.constant 1 : i32
      %mul3A_2428 = arith.muli %scan3A_2426, %mul3A_2427 : i32
      %add3A_2429 = arith.constant 0 : i32
      %add3A_2430 = arith.addi %add3A_2429, %mul3A_2428 : i32
      %mul3A_2431 = arith.constant 16 : i32
      %mul3A_2432 = arith.muli %add3A_2430, %mul3A_2431 : i32
      %get3A_2433 = arith.index_cast %mul3A_2432 : i32 to index
      %get3A_2434 = tpu.vector_load %arg6[%get3A_2433] {strides = array<i32>} : memref<2048xi32, #tpu.memory_space<vmem>>, vector<16xi32>,
      %add3A_2435 = vector.broadcast %mul3A_2432 : i32 to vector<16xi32>
      %add3A_2436 = arith.addi %iota3A, %add3A_2435 : vector<16xi32>
      %mul3A_2437 = arith.constant 32 : i32
      %mul3A_2438 = vector.broadcast %mul3A_2437 : i32 to vector<16xi32>
      %mul3A_2439 = arith.muli %add3A_2436, %mul3A_2438 : vector<16xi32>
      %slice3A_2440 = vector.extract_strided_slice %get3A_2434 {offsets = [0], sizes = [1], strides = [1]} : vector<16xi32> to vector<1xi32>
      %squeeze3A_2441 = vector.extract %slice3A_2440[0] : i32 from vector<1xi32>
      %slice3A_2442 = vector.extract_strided_slice %get3A_2434 {offsets = [15], sizes = [1], strides = [1]} : vector<16xi32> to vector<1xi32>
      %squeeze3A_2443 = vector.extract %slice3A_2442[0] : i32 from vector<1xi32>
      %eq3A_2444 = arith.cmpi eq, %squeeze3A_2441, %squeeze3A_2443 : i32
      %convert_element_type3A_2445 = arith.extui %eq3A_2444 : i1 to i32
      %cond3A_2446 = arith.constant 0 : i32
      %cond3A_2447 = arith.cmpi ne, %convert_element_type3A_2445, %cond3A_2446 : i32
      %cond3A_2448 = scf.if %cond3A_2447 -> (vector<16xf32>) {
        %mul3A_2499 = arith.constant 32 : i32
        %mul3A_2500 = arith.muli %squeeze3A_2441, %mul3A_2499 : i32
        %get3A_2501 = arith.index_cast %mul3A_2500 : i32 to index
        %get3A_2502 = tpu.vector_load %arg10[%get3A_2501] {strides = array<i32>} : memref<1024xf32, #tpu.memory_space<vmem>>, vector<16xf32>,
        %mul3A_2503 = arith.constant 32 : i32
        %mul3A_2504 = arith.muli %squeeze3A_2441, %mul3A_2503 : i32
        %add3A_2505 = arith.constant 16 : i32
        %add3A_2506 = arith.addi %mul3A_2504, %add3A_2505 : i32
        %get3A_2507 = arith.index_cast %add3A_2506 : i32 to index
        %get3A_2508 = tpu.vector_load %arg10[%get3A_2507] {strides = array<i32>} : memref<1024xf32, #tpu.memory_space<vmem>>, vector<16xf32>,
        %add3A_2509 = arith.constant 0 : i32
        %add3A_2510 = vector.broadcast %add3A_2509 : i32 to vector<16xi32>
        %add3A_2511 = arith.addi %mul3A_2439, %add3A_2510 : vector<16xi32>
        %gather3A_2512 = tpu.vector_load_idx %arg5[%add3A_2511] : memref<65536xf32, #tpu.memory_space<vmem>>[vector<16xi32>], vector<16xf32>,
        %slice3A_2513 = vector.extract_strided_slice %get3A_2502 {offsets = [0], sizes = [1], strides = [1]} : vector<16xf32> to vector<1xf32>
        %squeeze3A_2514 = vector.extract %slice3A_2513[0] : f32 from vector<1xf32>
        %sub3A_2515 = vector.broadcast %squeeze3A_2514 : f32 to vector<16xf32>
        %sub3A_2516 = arith.subf %gather3A_2512, %sub3A_2515 : vector<16xf32>
        %mul3A_2517 = arith.mulf %sub3A_2516, %sub3A_2516 : vector<16xf32>
        %add3A_2518 = arith.addf %broadcast_in_dim3A_2, %mul3A_2517 : vector<16xf32>
        %add3A_2519 = arith.constant 1 : i32
        %add3A_2520 = vector.broadcast %add3A_2519 : i32 to vector<16xi32>
        %add3A_2521 = arith.addi %mul3A_2439, %add3A_2520 : vector<16xi32>
        %gather3A_2522 = tpu.vector_load_idx %arg5[%add3A_2521] : memref<65536xf32, #tpu.memory_space<vmem>>[vector<16xi32>], vector<16xf32>,
        %slice3A_2523 = vector.extract_strided_slice %get3A_2502 {offsets = [1], sizes = [1], strides = [1]} : vector<16xf32> to vector<1xf32>
        %squeeze3A_2524 = vector.extract %slice3A_2523[0] : f32 from vector<1xf32>
        %sub3A_2525 = vector.broadcast %squeeze3A_2524 : f32 to vector<16xf32>
        %sub3A_2526 = arith.subf %gather3A_2522, %sub3A_2525 : vector<16xf32>
        %mul3A_2527 = arith.mulf %sub3A_2526, %sub3A_2526 : vector<16xf32>
        %add3A_2528 = arith.addf %add3A_2518, %mul3A_2527 : vector<16xf32>
        %add3A_2529 = arith.constant 2 : i32
        %add3A_2530 = vector.broadcast %add3A_2529 : i32 to vector<16xi32>
        %add3A_2531 = arith.addi %mul3A_2439, %add3A_2530 : vector<16xi32>
        %gather3A_2532 = tpu.vector_load_idx %arg5[%add3A_2531] : memref<65536xf32, #tpu.memory_space<vmem>>[vector<16xi32>], vector<16xf32>,
        %slice3A_2533 = vector.extract_strided_slice %get3A_2502 {offsets = [2], sizes = [1], strides = [1]} : vector<16xf32> to vector<1xf32>
        %squeeze3A_2534 = vector.extract %slice3A_2533[0] : f32 from vector<1xf32>
        %sub3A_2535 = vector.broadcast %squeeze3A_2534 : f32 to vector<16xf32>
        %sub3A_2536 = arith.subf %gather3A_2532, %sub3A_2535 : vector<16xf32>
        %mul3A_2537 = arith.mulf %sub3A_2536, %sub3A_2536 : vector<16xf32>
        %add3A_2538 = arith.addf %add3A_2528, %mul3A_2537 : vector<16xf32>
        %add3A_2539 = arith.constant 3 : i32
        %add3A_2540 = vector.broadcast %add3A_2539 : i32 to vector<16xi32>
        %add3A_2541 = arith.addi %mul3A_2439, %add3A_2540 : vector<16xi32>
        %gather3A_2542 = tpu.vector_load_idx %arg5[%add3A_2541] : memref<65536xf32, #tpu.memory_space<vmem>>[vector<16xi32>], vector<16xf32>,
        %slice3A_2543 = vector.extract_strided_slice %get3A_2502 {offsets = [3], sizes = [1], strides = [1]} : vector<16xf32> to vector<1xf32>
        %squeeze3A_2544 = vector.extract %slice3A_2543[0] : f32 from vector<1xf32>
        %sub3A_2545 = vector.broadcast %squeeze3A_2544 : f32 to vector<16xf32>
        %sub3A_2546 = arith.subf %gather3A_2542, %sub3A_2545 : vector<16xf32>
        %mul3A_2547 = arith.mulf %sub3A_2546, %sub3A_2546 : vector<16xf32>
        %add3A_2548 = arith.addf %add3A_2538, %mul3A_2547 : vector<16xf32>
        %add3A_2549 = arith.constant 4 : i32
        %add3A_2550 = vector.broadcast %add3A_2549 : i32 to vector<16xi32>
        %add3A_2551 = arith.addi %mul3A_2439, %add3A_2550 : vector<16xi32>
        %gather3A_2552 = tpu.vector_load_idx %arg5[%add3A_2551] : memref<65536xf32, #tpu.memory_space<vmem>>[vector<16xi32>], vector<16xf32>,
        %slice3A_2553 = vector.extract_strided_slice %get3A_2502 {offsets = [4], sizes = [1], strides = [1]} : vector<16xf32> to vector<1xf32>
        %squeeze3A_2554 = vector.extract %slice3A_2553[0] : f32 from vector<1xf32>
        %sub3A_2555 = vector.broadcast %squeeze3A_2554 : f32 to vector<16xf32>
        %sub3A_2556 = arith.subf %gather3A_2552, %sub3A_2555 : vector<16xf32>
        %mul3A_2557 = arith.mulf %sub3A_2556, %sub3A_2556 : vector<16xf32>
        %add3A_2558 = arith.addf %add3A_2548, %mul3A_2557 : vector<16xf32>
        %add3A_2559 = arith.constant 5 : i32
        %add3A_2560 = vector.broadcast %add3A_2559 : i32 to vector<16xi32>
        %add3A_2561 = arith.addi %mul3A_2439, %add3A_2560 : vector<16xi32>
        %gather3A_2562 = tpu.vector_load_idx %arg5[%add3A_2561] : memref<65536xf32, #tpu.memory_space<vmem>>[vector<16xi32>], vector<16xf32>,
        %slice3A_2563 = vector.extract_strided_slice %get3A_2502 {offsets = [5], sizes = [1], strides = [1]} : vector<16xf32> to vector<1xf32>
        %squeeze3A_2564 = vector.extract %slice3A_2563[0] : f32 from vector<1xf32>
        %sub3A_2565 = vector.broadcast %squeeze3A_2564 : f32 to vector<16xf32>
        %sub3A_2566 = arith.subf %gather3A_2562, %sub3A_2565 : vector<16xf32>
        %mul3A_2567 = arith.mulf %sub3A_2566, %sub3A_2566 : vector<16xf32>
        %add3A_2568 = arith.addf %add3A_2558, %mul3A_2567 : vector<16xf32>
        %add3A_2569 = arith.constant 6 : i32
        %add3A_2570 = vector.broadcast %add3A_2569 : i32 to vector<16xi32>
        %add3A_2571 = arith.addi %mul3A_2439, %add3A_2570 : vector<16xi32>
        %gather3A_2572 = tpu.vector_load_idx %arg5[%add3A_2571] : memref<65536xf32, #tpu.memory_space<vmem>>[vector<16xi32>], vector<16xf32>,
        %slice3A_2573 = vector.extract_strided_slice %get3A_2502 {offsets = [6], sizes = [1], strides = [1]} : vector<16xf32> to vector<1xf32>
        %squeeze3A_2574 = vector.extract %slice3A_2573[0] : f32 from vector<1xf32>
        %sub3A_2575 = vector.broadcast %squeeze3A_2574 : f32 to vector<16xf32>
        %sub3A_2576 = arith.subf %gather3A_2572, %sub3A_2575 : vector<16xf32>
        %mul3A_2577 = arith.mulf %sub3A_2576, %sub3A_2576 : vector<16xf32>
        %add3A_2578 = arith.addf %add3A_2568, %mul3A_2577 : vector<16xf32>
        %add3A_2579 = arith.constant 7 : i32
        %add3A_2580 = vector.broadcast %add3A_2579 : i32 to vector<16xi32>
        %add3A_2581 = arith.addi %mul3A_2439, %add3A_2580 : vector<16xi32>
        %gather3A_2582 = tpu.vector_load_idx %arg5[%add3A_2581] : memref<65536xf32, #tpu.memory_space<vmem>>[vector<16xi32>], vector<16xf32>,
        %slice3A_2583 = vector.extract_strided_slice %get3A_2502 {offsets = [7], sizes = [1], strides = [1]} : vector<16xf32> to vector<1xf32>
        %squeeze3A_2584 = vector.extract %slice3A_2583[0] : f32 from vector<1xf32>
        %sub3A_2585 = vector.broadcast %squeeze3A_2584 : f32 to vector<16xf32>
        %sub3A_2586 = arith.subf %gather3A_2582, %sub3A_2585 : vector<16xf32>
        %mul3A_2587 = arith.mulf %sub3A_2586, %sub3A_2586 : vector<16xf32>
        %add3A_2588 = arith.addf %add3A_2578, %mul3A_2587 : vector<16xf32>
        %add3A_2589 = arith.constant 8 : i32
        %add3A_2590 = vector.broadcast %add3A_2589 : i32 to vector<16xi32>
        %add3A_2591 = arith.addi %mul3A_2439, %add3A_2590 : vector<16xi32>
        %gather3A_2592 = tpu.vector_load_idx %arg5[%add3A_2591] : memref<65536xf32, #tpu.memory_space<vmem>>[vector<16xi32>], vector<16xf32>,
        %slice3A_2593 = vector.extract_strided_slice %get3A_2502 {offsets = [8], sizes = [1], strides = [1]} : vector<16xf32> to vector<1xf32>
        %squeeze3A_2594 = vector.extract %slice3A_2593[0] : f32 from vector<1xf32>
        %sub3A_2595 = vector.broadcast %squeeze3A_2594 : f32 to vector<16xf32>
        %sub3A_2596 = arith.subf %gather3A_2592, %sub3A_2595 : vector<16xf32>
        %mul3A_2597 = arith.mulf %sub3A_2596, %sub3A_2596 : vector<16xf32>
        %add3A_2598 = arith.addf %add3A_2588, %mul3A_2597 : vector<16xf32>
        %add3A_2599 = arith.constant 9 : i32
        %add3A_2600 = vector.broadcast %add3A_2599 : i32 to vector<16xi32>
        %add3A_2601 = arith.addi %mul3A_2439, %add3A_2600 : vector<16xi32>
        %gather3A_2602 = tpu.vector_load_idx %arg5[%add3A_2601] : memref<65536xf32, #tpu.memory_space<vmem>>[vector<16xi32>], vector<16xf32>,
        %slice3A_2603 = vector.extract_strided_slice %get3A_2502 {offsets = [9], sizes = [1], strides = [1]} : vector<16xf32> to vector<1xf32>
        %squeeze3A_2604 = vector.extract %slice3A_2603[0] : f32 from vector<1xf32>
        %sub3A_2605 = vector.broadcast %squeeze3A_2604 : f32 to vector<16xf32>
        %sub3A_2606 = arith.subf %gather3A_2602, %sub3A_2605 : vector<16xf32>
        %mul3A_2607 = arith.mulf %sub3A_2606, %sub3A_2606 : vector<16xf32>
        %add3A_2608 = arith.addf %add3A_2598, %mul3A_2607 : vector<16xf32>
        %add3A_2609 = arith.constant 10 : i32
        %add3A_2610 = vector.broadcast %add3A_2609 : i32 to vector<16xi32>
        %add3A_2611 = arith.addi %mul3A_2439, %add3A_2610 : vector<16xi32>
        %gather3A_2612 = tpu.vector_load_idx %arg5[%add3A_2611] : memref<65536xf32, #tpu.memory_space<vmem>>[vector<16xi32>], vector<16xf32>,
        %slice3A_2613 = vector.extract_strided_slice %get3A_2502 {offsets = [10], sizes = [1], strides = [1]} : vector<16xf32> to vector<1xf32>
        %squeeze3A_2614 = vector.extract %slice3A_2613[0] : f32 from vector<1xf32>
        %sub3A_2615 = vector.broadcast %squeeze3A_2614 : f32 to vector<16xf32>
        %sub3A_2616 = arith.subf %gather3A_2612, %sub3A_2615 : vector<16xf32>
        %mul3A_2617 = arith.mulf %sub3A_2616, %sub3A_2616 : vector<16xf32>
        %add3A_2618 = arith.addf %add3A_2608, %mul3A_2617 : vector<16xf32>
        %add3A_2619 = arith.constant 11 : i32
        %add3A_2620 = vector.broadcast %add3A_2619 : i32 to vector<16xi32>
        %add3A_2621 = arith.addi %mul3A_2439, %add3A_2620 : vector<16xi32>
        %gather3A_2622 = tpu.vector_load_idx %arg5[%add3A_2621] : memref<65536xf32, #tpu.memory_space<vmem>>[vector<16xi32>], vector<16xf32>,
        %slice3A_2623 = vector.extract_strided_slice %get3A_2502 {offsets = [11], sizes = [1], strides = [1]} : vector<16xf32> to vector<1xf32>
        %squeeze3A_2624 = vector.extract %slice3A_2623[0] : f32 from vector<1xf32>
        %sub3A_2625 = vector.broadcast %squeeze3A_2624 : f32 to vector<16xf32>
        %sub3A_2626 = arith.subf %gather3A_2622, %sub3A_2625 : vector<16xf32>
        %mul3A_2627 = arith.mulf %sub3A_2626, %sub3A_2626 : vector<16xf32>
        %add3A_2628 = arith.addf %add3A_2618, %mul3A_2627 : vector<16xf32>
        %add3A_2629 = arith.constant 12 : i32
        %add3A_2630 = vector.broadcast %add3A_2629 : i32 to vector<16xi32>
        %add3A_2631 = arith.addi %mul3A_2439, %add3A_2630 : vector<16xi32>
        %gather3A_2632 = tpu.vector_load_idx %arg5[%add3A_2631] : memref<65536xf32, #tpu.memory_space<vmem>>[vector<16xi32>], vector<16xf32>,
        %slice3A_2633 = vector.extract_strided_slice %get3A_2502 {offsets = [12], sizes = [1], strides = [1]} : vector<16xf32> to vector<1xf32>
        %squeeze3A_2634 = vector.extract %slice3A_2633[0] : f32 from vector<1xf32>
        %sub3A_2635 = vector.broadcast %squeeze3A_2634 : f32 to vector<16xf32>
        %sub3A_2636 = arith.subf %gather3A_2632, %sub3A_2635 : vector<16xf32>
        %mul3A_2637 = arith.mulf %sub3A_2636, %sub3A_2636 : vector<16xf32>
        %add3A_2638 = arith.addf %add3A_2628, %mul3A_2637 : vector<16xf32>
        %add3A_2639 = arith.constant 13 : i32
        %add3A_2640 = vector.broadcast %add3A_2639 : i32 to vector<16xi32>
        %add3A_2641 = arith.addi %mul3A_2439, %add3A_2640 : vector<16xi32>
        %gather3A_2642 = tpu.vector_load_idx %arg5[%add3A_2641] : memref<65536xf32, #tpu.memory_space<vmem>>[vector<16xi32>], vector<16xf32>,
        %slice3A_2643 = vector.extract_strided_slice %get3A_2502 {offsets = [13], sizes = [1], strides = [1]} : vector<16xf32> to vector<1xf32>
        %squeeze3A_2644 = vector.extract %slice3A_2643[0] : f32 from vector<1xf32>
        %sub3A_2645 = vector.broadcast %squeeze3A_2644 : f32 to vector<16xf32>
        %sub3A_2646 = arith.subf %gather3A_2642, %sub3A_2645 : vector<16xf32>
        %mul3A_2647 = arith.mulf %sub3A_2646, %sub3A_2646 : vector<16xf32>
        %add3A_2648 = arith.addf %add3A_2638, %mul3A_2647 : vector<16xf32>
        %add3A_2649 = arith.constant 14 : i32
        %add3A_2650 = vector.broadcast %add3A_2649 : i32 to vector<16xi32>
        %add3A_2651 = arith.addi %mul3A_2439, %add3A_2650 : vector<16xi32>
        %gather3A_2652 = tpu.vector_load_idx %arg5[%add3A_2651] : memref<65536xf32, #tpu.memory_space<vmem>>[vector<16xi32>], vector<16xf32>,
        %slice3A_2653 = vector.extract_strided_slice %get3A_2502 {offsets = [14], sizes = [1], strides = [1]} : vector<16xf32> to vector<1xf32>
        %squeeze3A_2654 = vector.extract %slice3A_2653[0] : f32 from vector<1xf32>
        %sub3A_2655 = vector.broadcast %squeeze3A_2654 : f32 to vector<16xf32>
        %sub3A_2656 = arith.subf %gather3A_2652, %sub3A_2655 : vector<16xf32>
        %mul3A_2657 = arith.mulf %sub3A_2656, %sub3A_2656 : vector<16xf32>
        %add3A_2658 = arith.addf %add3A_2648, %mul3A_2657 : vector<16xf32>
        %add3A_2659 = arith.constant 15 : i32
        %add3A_2660 = vector.broadcast %add3A_2659 : i32 to vector<16xi32>
        %add3A_2661 = arith.addi %mul3A_2439, %add3A_2660 : vector<16xi32>
        %gather3A_2662 = tpu.vector_load_idx %arg5[%add3A_2661] : memref<65536xf32, #tpu.memory_space<vmem>>[vector<16xi32>], vector<16xf32>,
        %slice3A_2663 = vector.extract_strided_slice %get3A_2502 {offsets = [15], sizes = [1], strides = [1]} : vector<16xf32> to vector<1xf32>
        %squeeze3A_2664 = vector.extract %slice3A_2663[0] : f32 from vector<1xf32>
        %sub3A_2665 = vector.broadcast %squeeze3A_2664 : f32 to vector<16xf32>
        %sub3A_2666 = arith.subf %gather3A_2662, %sub3A_2665 : vector<16xf32>
        %mul3A_2667 = arith.mulf %sub3A_2666, %sub3A_2666 : vector<16xf32>
        %add3A_2668 = arith.addf %add3A_2658, %mul3A_2667 : vector<16xf32>
        %add3A_2669 = arith.constant 16 : i32
        %add3A_2670 = vector.broadcast %add3A_2669 : i32 to vector<16xi32>
        %add3A_2671 = arith.addi %mul3A_2439, %add3A_2670 : vector<16xi32>
        %gather3A_2672 = tpu.vector_load_idx %arg5[%add3A_2671] : memref<65536xf32, #tpu.memory_space<vmem>>[vector<16xi32>], vector<16xf32>,
        %slice3A_2673 = vector.extract_strided_slice %get3A_2508 {offsets = [0], sizes = [1], strides = [1]} : vector<16xf32> to vector<1xf32>
        %squeeze3A_2674 = vector.extract %slice3A_2673[0] : f32 from vector<1xf32>
        %sub3A_2675 = vector.broadcast %squeeze3A_2674 : f32 to vector<16xf32>
        %sub3A_2676 = arith.subf %gather3A_2672, %sub3A_2675 : vector<16xf32>
        %mul3A_2677 = arith.mulf %sub3A_2676, %sub3A_2676 : vector<16xf32>
        %add3A_2678 = arith.addf %add3A_2668, %mul3A_2677 : vector<16xf32>
        %add3A_2679 = arith.constant 17 : i32
        %add3A_2680 = vector.broadcast %add3A_2679 : i32 to vector<16xi32>
        %add3A_2681 = arith.addi %mul3A_2439, %add3A_2680 : vector<16xi32>
        %gather3A_2682 = tpu.vector_load_idx %arg5[%add3A_2681] : memref<65536xf32, #tpu.memory_space<vmem>>[vector<16xi32>], vector<16xf32>,
        %slice3A_2683 = vector.extract_strided_slice %get3A_2508 {offsets = [1], sizes = [1], strides = [1]} : vector<16xf32> to vector<1xf32>
        %squeeze3A_2684 = vector.extract %slice3A_2683[0] : f32 from vector<1xf32>
        %sub3A_2685 = vector.broadcast %squeeze3A_2684 : f32 to vector<16xf32>
        %sub3A_2686 = arith.subf %gather3A_2682, %sub3A_2685 : vector<16xf32>
        %mul3A_2687 = arith.mulf %sub3A_2686, %sub3A_2686 : vector<16xf32>
        %add3A_2688 = arith.addf %add3A_2678, %mul3A_2687 : vector<16xf32>
        %add3A_2689 = arith.constant 18 : i32
        %add3A_2690 = vector.broadcast %add3A_2689 : i32 to vector<16xi32>
        %add3A_2691 = arith.addi %mul3A_2439, %add3A_2690 : vector<16xi32>
        %gather3A_2692 = tpu.vector_load_idx %arg5[%add3A_2691] : memref<65536xf32, #tpu.memory_space<vmem>>[vector<16xi32>], vector<16xf32>,
        %slice3A_2693 = vector.extract_strided_slice %get3A_2508 {offsets = [2], sizes = [1], strides = [1]} : vector<16xf32> to vector<1xf32>
        %squeeze3A_2694 = vector.extract %slice3A_2693[0] : f32 from vector<1xf32>
        %sub3A_2695 = vector.broadcast %squeeze3A_2694 : f32 to vector<16xf32>
        %sub3A_2696 = arith.subf %gather3A_2692, %sub3A_2695 : vector<16xf32>
        %mul3A_2697 = arith.mulf %sub3A_2696, %sub3A_2696 : vector<16xf32>
        %add3A_2698 = arith.addf %add3A_2688, %mul3A_2697 : vector<16xf32>
        %add3A_2699 = arith.constant 19 : i32
        %add3A_2700 = vector.broadcast %add3A_2699 : i32 to vector<16xi32>
        %add3A_2701 = arith.addi %mul3A_2439, %add3A_2700 : vector<16xi32>
        %gather3A_2702 = tpu.vector_load_idx %arg5[%add3A_2701] : memref<65536xf32, #tpu.memory_space<vmem>>[vector<16xi32>], vector<16xf32>,
        %slice3A_2703 = vector.extract_strided_slice %get3A_2508 {offsets = [3], sizes = [1], strides = [1]} : vector<16xf32> to vector<1xf32>
        %squeeze3A_2704 = vector.extract %slice3A_2703[0] : f32 from vector<1xf32>
        %sub3A_2705 = vector.broadcast %squeeze3A_2704 : f32 to vector<16xf32>
        %sub3A_2706 = arith.subf %gather3A_2702, %sub3A_2705 : vector<16xf32>
        %mul3A_2707 = arith.mulf %sub3A_2706, %sub3A_2706 : vector<16xf32>
        %add3A_2708 = arith.addf %add3A_2698, %mul3A_2707 : vector<16xf32>
        %add3A_2709 = arith.constant 20 : i32
        %add3A_2710 = vector.broadcast %add3A_2709 : i32 to vector<16xi32>
        %add3A_2711 = arith.addi %mul3A_2439, %add3A_2710 : vector<16xi32>
        %gather3A_2712 = tpu.vector_load_idx %arg5[%add3A_2711] : memref<65536xf32, #tpu.memory_space<vmem>>[vector<16xi32>], vector<16xf32>,
        %slice3A_2713 = vector.extract_strided_slice %get3A_2508 {offsets = [4], sizes = [1], strides = [1]} : vector<16xf32> to vector<1xf32>
        %squeeze3A_2714 = vector.extract %slice3A_2713[0] : f32 from vector<1xf32>
        %sub3A_2715 = vector.broadcast %squeeze3A_2714 : f32 to vector<16xf32>
        %sub3A_2716 = arith.subf %gather3A_2712, %sub3A_2715 : vector<16xf32>
        %mul3A_2717 = arith.mulf %sub3A_2716, %sub3A_2716 : vector<16xf32>
        %add3A_2718 = arith.addf %add3A_2708, %mul3A_2717 : vector<16xf32>
        %add3A_2719 = arith.constant 21 : i32
        %add3A_2720 = vector.broadcast %add3A_2719 : i32 to vector<16xi32>
        %add3A_2721 = arith.addi %mul3A_2439, %add3A_2720 : vector<16xi32>
        %gather3A_2722 = tpu.vector_load_idx %arg5[%add3A_2721] : memref<65536xf32, #tpu.memory_space<vmem>>[vector<16xi32>], vector<16xf32>,
        %slice3A_2723 = vector.extract_strided_slice %get3A_2508 {offsets = [5], sizes = [1], strides = [1]} : vector<16xf32> to vector<1xf32>
        %squeeze3A_2724 = vector.extract %slice3A_2723[0] : f32 from vector<1xf32>
        %sub3A_2725 = vector.broadcast %squeeze3A_2724 : f32 to vector<16xf32>
        %sub3A_2726 = arith.subf %gather3A_2722, %sub3A_2725 : vector<16xf32>
        %mul3A_2727 = arith.mulf %sub3A_2726, %sub3A_2726 : vector<16xf32>
        %add3A_2728 = arith.addf %add3A_2718, %mul3A_2727 : vector<16xf32>
        %add3A_2729 = arith.constant 22 : i32
        %add3A_2730 = vector.broadcast %add3A_2729 : i32 to vector<16xi32>
        %add3A_2731 = arith.addi %mul3A_2439, %add3A_2730 : vector<16xi32>
        %gather3A_2732 = tpu.vector_load_idx %arg5[%add3A_2731] : memref<65536xf32, #tpu.memory_space<vmem>>[vector<16xi32>], vector<16xf32>,
        %slice3A_2733 = vector.extract_strided_slice %get3A_2508 {offsets = [6], sizes = [1], strides = [1]} : vector<16xf32> to vector<1xf32>
        %squeeze3A_2734 = vector.extract %slice3A_2733[0] : f32 from vector<1xf32>
        %sub3A_2735 = vector.broadcast %squeeze3A_2734 : f32 to vector<16xf32>
        %sub3A_2736 = arith.subf %gather3A_2732, %sub3A_2735 : vector<16xf32>
        %mul3A_2737 = arith.mulf %sub3A_2736, %sub3A_2736 : vector<16xf32>
        %add3A_2738 = arith.addf %add3A_2728, %mul3A_2737 : vector<16xf32>
        %add3A_2739 = arith.constant 23 : i32
        %add3A_2740 = vector.broadcast %add3A_2739 : i32 to vector<16xi32>
        %add3A_2741 = arith.addi %mul3A_2439, %add3A_2740 : vector<16xi32>
        %gather3A_2742 = tpu.vector_load_idx %arg5[%add3A_2741] : memref<65536xf32, #tpu.memory_space<vmem>>[vector<16xi32>], vector<16xf32>,
        %slice3A_2743 = vector.extract_strided_slice %get3A_2508 {offsets = [7], sizes = [1], strides = [1]} : vector<16xf32> to vector<1xf32>
        %squeeze3A_2744 = vector.extract %slice3A_2743[0] : f32 from vector<1xf32>
        %sub3A_2745 = vector.broadcast %squeeze3A_2744 : f32 to vector<16xf32>
        %sub3A_2746 = arith.subf %gather3A_2742, %sub3A_2745 : vector<16xf32>
        %mul3A_2747 = arith.mulf %sub3A_2746, %sub3A_2746 : vector<16xf32>
        %add3A_2748 = arith.addf %add3A_2738, %mul3A_2747 : vector<16xf32>
        %add3A_2749 = arith.constant 24 : i32
        %add3A_2750 = vector.broadcast %add3A_2749 : i32 to vector<16xi32>
        %add3A_2751 = arith.addi %mul3A_2439, %add3A_2750 : vector<16xi32>
        %gather3A_2752 = tpu.vector_load_idx %arg5[%add3A_2751] : memref<65536xf32, #tpu.memory_space<vmem>>[vector<16xi32>], vector<16xf32>,
        %slice3A_2753 = vector.extract_strided_slice %get3A_2508 {offsets = [8], sizes = [1], strides = [1]} : vector<16xf32> to vector<1xf32>
        %squeeze3A_2754 = vector.extract %slice3A_2753[0] : f32 from vector<1xf32>
        %sub3A_2755 = vector.broadcast %squeeze3A_2754 : f32 to vector<16xf32>
        %sub3A_2756 = arith.subf %gather3A_2752, %sub3A_2755 : vector<16xf32>
        %mul3A_2757 = arith.mulf %sub3A_2756, %sub3A_2756 : vector<16xf32>
        %add3A_2758 = arith.addf %add3A_2748, %mul3A_2757 : vector<16xf32>
        %add3A_2759 = arith.constant 25 : i32
        %add3A_2760 = vector.broadcast %add3A_2759 : i32 to vector<16xi32>
        %add3A_2761 = arith.addi %mul3A_2439, %add3A_2760 : vector<16xi32>
        %gather3A_2762 = tpu.vector_load_idx %arg5[%add3A_2761] : memref<65536xf32, #tpu.memory_space<vmem>>[vector<16xi32>], vector<16xf32>,
        %slice3A_2763 = vector.extract_strided_slice %get3A_2508 {offsets = [9], sizes = [1], strides = [1]} : vector<16xf32> to vector<1xf32>
        %squeeze3A_2764 = vector.extract %slice3A_2763[0] : f32 from vector<1xf32>
        %sub3A_2765 = vector.broadcast %squeeze3A_2764 : f32 to vector<16xf32>
        %sub3A_2766 = arith.subf %gather3A_2762, %sub3A_2765 : vector<16xf32>
        %mul3A_2767 = arith.mulf %sub3A_2766, %sub3A_2766 : vector<16xf32>
        %add3A_2768 = arith.addf %add3A_2758, %mul3A_2767 : vector<16xf32>
        %add3A_2769 = arith.constant 26 : i32
        %add3A_2770 = vector.broadcast %add3A_2769 : i32 to vector<16xi32>
        %add3A_2771 = arith.addi %mul3A_2439, %add3A_2770 : vector<16xi32>
        %gather3A_2772 = tpu.vector_load_idx %arg5[%add3A_2771] : memref<65536xf32, #tpu.memory_space<vmem>>[vector<16xi32>], vector<16xf32>,
        %slice3A_2773 = vector.extract_strided_slice %get3A_2508 {offsets = [10], sizes = [1], strides = [1]} : vector<16xf32> to vector<1xf32>
        %squeeze3A_2774 = vector.extract %slice3A_2773[0] : f32 from vector<1xf32>
        %sub3A_2775 = vector.broadcast %squeeze3A_2774 : f32 to vector<16xf32>
        %sub3A_2776 = arith.subf %gather3A_2772, %sub3A_2775 : vector<16xf32>
        %mul3A_2777 = arith.mulf %sub3A_2776, %sub3A_2776 : vector<16xf32>
        %add3A_2778 = arith.addf %add3A_2768, %mul3A_2777 : vector<16xf32>
        %add3A_2779 = arith.constant 27 : i32
        %add3A_2780 = vector.broadcast %add3A_2779 : i32 to vector<16xi32>
        %add3A_2781 = arith.addi %mul3A_2439, %add3A_2780 : vector<16xi32>
        %gather3A_2782 = tpu.vector_load_idx %arg5[%add3A_2781] : memref<65536xf32, #tpu.memory_space<vmem>>[vector<16xi32>], vector<16xf32>,
        %slice3A_2783 = vector.extract_strided_slice %get3A_2508 {offsets = [11], sizes = [1], strides = [1]} : vector<16xf32> to vector<1xf32>
        %squeeze3A_2784 = vector.extract %slice3A_2783[0] : f32 from vector<1xf32>
        %sub3A_2785 = vector.broadcast %squeeze3A_2784 : f32 to vector<16xf32>
        %sub3A_2786 = arith.subf %gather3A_2782, %sub3A_2785 : vector<16xf32>
        %mul3A_2787 = arith.mulf %sub3A_2786, %sub3A_2786 : vector<16xf32>
        %add3A_2788 = arith.addf %add3A_2778, %mul3A_2787 : vector<16xf32>
        %add3A_2789 = arith.constant 28 : i32
        %add3A_2790 = vector.broadcast %add3A_2789 : i32 to vector<16xi32>
        %add3A_2791 = arith.addi %mul3A_2439, %add3A_2790 : vector<16xi32>
        %gather3A_2792 = tpu.vector_load_idx %arg5[%add3A_2791] : memref<65536xf32, #tpu.memory_space<vmem>>[vector<16xi32>], vector<16xf32>,
        %slice3A_2793 = vector.extract_strided_slice %get3A_2508 {offsets = [12], sizes = [1], strides = [1]} : vector<16xf32> to vector<1xf32>
        %squeeze3A_2794 = vector.extract %slice3A_2793[0] : f32 from vector<1xf32>
        %sub3A_2795 = vector.broadcast %squeeze3A_2794 : f32 to vector<16xf32>
        %sub3A_2796 = arith.subf %gather3A_2792, %sub3A_2795 : vector<16xf32>
        %mul3A_2797 = arith.mulf %sub3A_2796, %sub3A_2796 : vector<16xf32>
        %add3A_2798 = arith.addf %add3A_2788, %mul3A_2797 : vector<16xf32>
        %add3A_2799 = arith.constant 29 : i32
        %add3A_2800 = vector.broadcast %add3A_2799 : i32 to vector<16xi32>
        %add3A_2801 = arith.addi %mul3A_2439, %add3A_2800 : vector<16xi32>
        %gather3A_2802 = tpu.vector_load_idx %arg5[%add3A_2801] : memref<65536xf32, #tpu.memory_space<vmem>>[vector<16xi32>], vector<16xf32>,
        %slice3A_2803 = vector.extract_strided_slice %get3A_2508 {offsets = [13], sizes = [1], strides = [1]} : vector<16xf32> to vector<1xf32>
        %squeeze3A_2804 = vector.extract %slice3A_2803[0] : f32 from vector<1xf32>
        %sub3A_2805 = vector.broadcast %squeeze3A_2804 : f32 to vector<16xf32>
        %sub3A_2806 = arith.subf %gather3A_2802, %sub3A_2805 : vector<16xf32>
        %mul3A_2807 = arith.mulf %sub3A_2806, %sub3A_2806 : vector<16xf32>
        %add3A_2808 = arith.addf %add3A_2798, %mul3A_2807 : vector<16xf32>
        %add3A_2809 = arith.constant 30 : i32
        %add3A_2810 = vector.broadcast %add3A_2809 : i32 to vector<16xi32>
        %add3A_2811 = arith.addi %mul3A_2439, %add3A_2810 : vector<16xi32>
        %gather3A_2812 = tpu.vector_load_idx %arg5[%add3A_2811] : memref<65536xf32, #tpu.memory_space<vmem>>[vector<16xi32>], vector<16xf32>,
        %slice3A_2813 = vector.extract_strided_slice %get3A_2508 {offsets = [14], sizes = [1], strides = [1]} : vector<16xf32> to vector<1xf32>
        %squeeze3A_2814 = vector.extract %slice3A_2813[0] : f32 from vector<1xf32>
        %sub3A_2815 = vector.broadcast %squeeze3A_2814 : f32 to vector<16xf32>
        %sub3A_2816 = arith.subf %gather3A_2812, %sub3A_2815 : vector<16xf32>
        %mul3A_2817 = arith.mulf %sub3A_2816, %sub3A_2816 : vector<16xf32>
        %add3A_2818 = arith.addf %add3A_2808, %mul3A_2817 : vector<16xf32>
        %add3A_2819 = arith.constant 31 : i32
        %add3A_2820 = vector.broadcast %add3A_2819 : i32 to vector<16xi32>
        %add3A_2821 = arith.addi %mul3A_2439, %add3A_2820 : vector<16xi32>
        %gather3A_2822 = tpu.vector_load_idx %arg5[%add3A_2821] : memref<65536xf32, #tpu.memory_space<vmem>>[vector<16xi32>], vector<16xf32>,
        %slice3A_2823 = vector.extract_strided_slice %get3A_2508 {offsets = [15], sizes = [1], strides = [1]} : vector<16xf32> to vector<1xf32>
        %squeeze3A_2824 = vector.extract %slice3A_2823[0] : f32 from vector<1xf32>
        %sub3A_2825 = vector.broadcast %squeeze3A_2824 : f32 to vector<16xf32>
        %sub3A_2826 = arith.subf %gather3A_2822, %sub3A_2825 : vector<16xf32>
        %mul3A_2827 = arith.mulf %sub3A_2826, %sub3A_2826 : vector<16xf32>
        %add3A_2828 = arith.addf %add3A_2818, %mul3A_2827 : vector<16xf32>
        scf.yield %add3A_2828 : vector<16xf32>
      } else {
        %mul3A_2499 = arith.constant 32 : i32
        %mul3A_2500 = vector.broadcast %mul3A_2499 : i32 to vector<16xi32>
        %mul3A_2501 = arith.muli %get3A_2434, %mul3A_2500 : vector<16xi32>
        %add3A_2502 = arith.constant 0 : i32
        %add3A_2503 = vector.broadcast %add3A_2502 : i32 to vector<16xi32>
        %add3A_2504 = arith.addi %mul3A_2439, %add3A_2503 : vector<16xi32>
        %gather3A_2505 = tpu.vector_load_idx %arg5[%add3A_2504] : memref<65536xf32, #tpu.memory_space<vmem>>[vector<16xi32>], vector<16xf32>,
        %add3A_2506 = arith.constant 0 : i32
        %add3A_2507 = vector.broadcast %add3A_2506 : i32 to vector<16xi32>
        %add3A_2508 = arith.addi %mul3A_2501, %add3A_2507 : vector<16xi32>
        %gather3A_2509 = tpu.vector_load_idx %arg10[%add3A_2508] : memref<1024xf32, #tpu.memory_space<vmem>>[vector<16xi32>], vector<16xf32>,
        %sub3A_2510 = arith.subf %gather3A_2505, %gather3A_2509 : vector<16xf32>
        %mul3A_2511 = arith.mulf %sub3A_2510, %sub3A_2510 : vector<16xf32>
        %add3A_2512 = arith.addf %broadcast_in_dim3A_2, %mul3A_2511 : vector<16xf32>
        %add3A_2513 = arith.constant 1 : i32
        %add3A_2514 = vector.broadcast %add3A_2513 : i32 to vector<16xi32>
        %add3A_2515 = arith.addi %mul3A_2439, %add3A_2514 : vector<16xi32>
        %gather3A_2516 = tpu.vector_load_idx %arg5[%add3A_2515] : memref<65536xf32, #tpu.memory_space<vmem>>[vector<16xi32>], vector<16xf32>,
        %add3A_2517 = arith.constant 1 : i32
        %add3A_2518 = vector.broadcast %add3A_2517 : i32 to vector<16xi32>
        %add3A_2519 = arith.addi %mul3A_2501, %add3A_2518 : vector<16xi32>
        %gather3A_2520 = tpu.vector_load_idx %arg10[%add3A_2519] : memref<1024xf32, #tpu.memory_space<vmem>>[vector<16xi32>], vector<16xf32>,
        %sub3A_2521 = arith.subf %gather3A_2516, %gather3A_2520 : vector<16xf32>
        %mul3A_2522 = arith.mulf %sub3A_2521, %sub3A_2521 : vector<16xf32>
        %add3A_2523 = arith.addf %add3A_2512, %mul3A_2522 : vector<16xf32>
        %add3A_2524 = arith.constant 2 : i32
        %add3A_2525 = vector.broadcast %add3A_2524 : i32 to vector<16xi32>
        %add3A_2526 = arith.addi %mul3A_2439, %add3A_2525 : vector<16xi32>
        %gather3A_2527 = tpu.vector_load_idx %arg5[%add3A_2526] : memref<65536xf32, #tpu.memory_space<vmem>>[vector<16xi32>], vector<16xf32>,
        %add3A_2528 = arith.constant 2 : i32
        %add3A_2529 = vector.broadcast %add3A_2528 : i32 to vector<16xi32>
        %add3A_2530 = arith.addi %mul3A_2501, %add3A_2529 : vector<16xi32>
        %gather3A_2531 = tpu.vector_load_idx %arg10[%add3A_2530] : memref<1024xf32, #tpu.memory_space<vmem>>[vector<16xi32>], vector<16xf32>,
        %sub3A_2532 = arith.subf %gather3A_2527, %gather3A_2531 : vector<16xf32>
        %mul3A_2533 = arith.mulf %sub3A_2532, %sub3A_2532 : vector<16xf32>
        %add3A_2534 = arith.addf %add3A_2523, %mul3A_2533 : vector<16xf32>
        %add3A_2535 = arith.constant 3 : i32
        %add3A_2536 = vector.broadcast %add3A_2535 : i32 to vector<16xi32>
        %add3A_2537 = arith.addi %mul3A_2439, %add3A_2536 : vector<16xi32>
        %gather3A_2538 = tpu.vector_load_idx %arg5[%add3A_2537] : memref<65536xf32, #tpu.memory_space<vmem>>[vector<16xi32>], vector<16xf32>,
        %add3A_2539 = arith.constant 3 : i32
        %add3A_2540 = vector.broadcast %add3A_2539 : i32 to vector<16xi32>
        %add3A_2541 = arith.addi %mul3A_2501, %add3A_2540 : vector<16xi32>
        %gather3A_2542 = tpu.vector_load_idx %arg10[%add3A_2541] : memref<1024xf32, #tpu.memory_space<vmem>>[vector<16xi32>], vector<16xf32>,
        %sub3A_2543 = arith.subf %gather3A_2538, %gather3A_2542 : vector<16xf32>
        %mul3A_2544 = arith.mulf %sub3A_2543, %sub3A_2543 : vector<16xf32>
        %add3A_2545 = arith.addf %add3A_2534, %mul3A_2544 : vector<16xf32>
        %add3A_2546 = arith.constant 4 : i32
        %add3A_2547 = vector.broadcast %add3A_2546 : i32 to vector<16xi32>
        %add3A_2548 = arith.addi %mul3A_2439, %add3A_2547 : vector<16xi32>
        %gather3A_2549 = tpu.vector_load_idx %arg5[%add3A_2548] : memref<65536xf32, #tpu.memory_space<vmem>>[vector<16xi32>], vector<16xf32>,
        %add3A_2550 = arith.constant 4 : i32
        %add3A_2551 = vector.broadcast %add3A_2550 : i32 to vector<16xi32>
        %add3A_2552 = arith.addi %mul3A_2501, %add3A_2551 : vector<16xi32>
        %gather3A_2553 = tpu.vector_load_idx %arg10[%add3A_2552] : memref<1024xf32, #tpu.memory_space<vmem>>[vector<16xi32>], vector<16xf32>,
        %sub3A_2554 = arith.subf %gather3A_2549, %gather3A_2553 : vector<16xf32>
        %mul3A_2555 = arith.mulf %sub3A_2554, %sub3A_2554 : vector<16xf32>
        %add3A_2556 = arith.addf %add3A_2545, %mul3A_2555 : vector<16xf32>
        %add3A_2557 = arith.constant 5 : i32
        %add3A_2558 = vector.broadcast %add3A_2557 : i32 to vector<16xi32>
        %add3A_2559 = arith.addi %mul3A_2439, %add3A_2558 : vector<16xi32>
        %gather3A_2560 = tpu.vector_load_idx %arg5[%add3A_2559] : memref<65536xf32, #tpu.memory_space<vmem>>[vector<16xi32>], vector<16xf32>,
        %add3A_2561 = arith.constant 5 : i32
        %add3A_2562 = vector.broadcast %add3A_2561 : i32 to vector<16xi32>
        %add3A_2563 = arith.addi %mul3A_2501, %add3A_2562 : vector<16xi32>
        %gather3A_2564 = tpu.vector_load_idx %arg10[%add3A_2563] : memref<1024xf32, #tpu.memory_space<vmem>>[vector<16xi32>], vector<16xf32>,
        %sub3A_2565 = arith.subf %gather3A_2560, %gather3A_2564 : vector<16xf32>
        %mul3A_2566 = arith.mulf %sub3A_2565, %sub3A_2565 : vector<16xf32>
        %add3A_2567 = arith.addf %add3A_2556, %mul3A_2566 : vector<16xf32>
        %add3A_2568 = arith.constant 6 : i32
        %add3A_2569 = vector.broadcast %add3A_2568 : i32 to vector<16xi32>
        %add3A_2570 = arith.addi %mul3A_2439, %add3A_2569 : vector<16xi32>
        %gather3A_2571 = tpu.vector_load_idx %arg5[%add3A_2570] : memref<65536xf32, #tpu.memory_space<vmem>>[vector<16xi32>], vector<16xf32>,
        %add3A_2572 = arith.constant 6 : i32
        %add3A_2573 = vector.broadcast %add3A_2572 : i32 to vector<16xi32>
        %add3A_2574 = arith.addi %mul3A_2501, %add3A_2573 : vector<16xi32>
        %gather3A_2575 = tpu.vector_load_idx %arg10[%add3A_2574] : memref<1024xf32, #tpu.memory_space<vmem>>[vector<16xi32>], vector<16xf32>,
        %sub3A_2576 = arith.subf %gather3A_2571, %gather3A_2575 : vector<16xf32>
        %mul3A_2577 = arith.mulf %sub3A_2576, %sub3A_2576 : vector<16xf32>
        %add3A_2578 = arith.addf %add3A_2567, %mul3A_2577 : vector<16xf32>
        %add3A_2579 = arith.constant 7 : i32
        %add3A_2580 = vector.broadcast %add3A_2579 : i32 to vector<16xi32>
        %add3A_2581 = arith.addi %mul3A_2439, %add3A_2580 : vector<16xi32>
        %gather3A_2582 = tpu.vector_load_idx %arg5[%add3A_2581] : memref<65536xf32, #tpu.memory_space<vmem>>[vector<16xi32>], vector<16xf32>,
        %add3A_2583 = arith.constant 7 : i32
        %add3A_2584 = vector.broadcast %add3A_2583 : i32 to vector<16xi32>
        %add3A_2585 = arith.addi %mul3A_2501, %add3A_2584 : vector<16xi32>
        %gather3A_2586 = tpu.vector_load_idx %arg10[%add3A_2585] : memref<1024xf32, #tpu.memory_space<vmem>>[vector<16xi32>], vector<16xf32>,
        %sub3A_2587 = arith.subf %gather3A_2582, %gather3A_2586 : vector<16xf32>
        %mul3A_2588 = arith.mulf %sub3A_2587, %sub3A_2587 : vector<16xf32>
        %add3A_2589 = arith.addf %add3A_2578, %mul3A_2588 : vector<16xf32>
        %add3A_2590 = arith.constant 8 : i32
        %add3A_2591 = vector.broadcast %add3A_2590 : i32 to vector<16xi32>
        %add3A_2592 = arith.addi %mul3A_2439, %add3A_2591 : vector<16xi32>
        %gather3A_2593 = tpu.vector_load_idx %arg5[%add3A_2592] : memref<65536xf32, #tpu.memory_space<vmem>>[vector<16xi32>], vector<16xf32>,
        %add3A_2594 = arith.constant 8 : i32
        %add3A_2595 = vector.broadcast %add3A_2594 : i32 to vector<16xi32>
        %add3A_2596 = arith.addi %mul3A_2501, %add3A_2595 : vector<16xi32>
        %gather3A_2597 = tpu.vector_load_idx %arg10[%add3A_2596] : memref<1024xf32, #tpu.memory_space<vmem>>[vector<16xi32>], vector<16xf32>,
        %sub3A_2598 = arith.subf %gather3A_2593, %gather3A_2597 : vector<16xf32>
        %mul3A_2599 = arith.mulf %sub3A_2598, %sub3A_2598 : vector<16xf32>
        %add3A_2600 = arith.addf %add3A_2589, %mul3A_2599 : vector<16xf32>
        %add3A_2601 = arith.constant 9 : i32
        %add3A_2602 = vector.broadcast %add3A_2601 : i32 to vector<16xi32>
        %add3A_2603 = arith.addi %mul3A_2439, %add3A_2602 : vector<16xi32>
        %gather3A_2604 = tpu.vector_load_idx %arg5[%add3A_2603] : memref<65536xf32, #tpu.memory_space<vmem>>[vector<16xi32>], vector<16xf32>,
        %add3A_2605 = arith.constant 9 : i32
        %add3A_2606 = vector.broadcast %add3A_2605 : i32 to vector<16xi32>
        %add3A_2607 = arith.addi %mul3A_2501, %add3A_2606 : vector<16xi32>
        %gather3A_2608 = tpu.vector_load_idx %arg10[%add3A_2607] : memref<1024xf32, #tpu.memory_space<vmem>>[vector<16xi32>], vector<16xf32>,
        %sub3A_2609 = arith.subf %gather3A_2604, %gather3A_2608 : vector<16xf32>
        %mul3A_2610 = arith.mulf %sub3A_2609, %sub3A_2609 : vector<16xf32>
        %add3A_2611 = arith.addf %add3A_2600, %mul3A_2610 : vector<16xf32>
        %add3A_2612 = arith.constant 10 : i32
        %add3A_2613 = vector.broadcast %add3A_2612 : i32 to vector<16xi32>
        %add3A_2614 = arith.addi %mul3A_2439, %add3A_2613 : vector<16xi32>
        %gather3A_2615 = tpu.vector_load_idx %arg5[%add3A_2614] : memref<65536xf32, #tpu.memory_space<vmem>>[vector<16xi32>], vector<16xf32>,
        %add3A_2616 = arith.constant 10 : i32
        %add3A_2617 = vector.broadcast %add3A_2616 : i32 to vector<16xi32>
        %add3A_2618 = arith.addi %mul3A_2501, %add3A_2617 : vector<16xi32>
        %gather3A_2619 = tpu.vector_load_idx %arg10[%add3A_2618] : memref<1024xf32, #tpu.memory_space<vmem>>[vector<16xi32>], vector<16xf32>,
        %sub3A_2620 = arith.subf %gather3A_2615, %gather3A_2619 : vector<16xf32>
        %mul3A_2621 = arith.mulf %sub3A_2620, %sub3A_2620 : vector<16xf32>
        %add3A_2622 = arith.addf %add3A_2611, %mul3A_2621 : vector<16xf32>
        %add3A_2623 = arith.constant 11 : i32
        %add3A_2624 = vector.broadcast %add3A_2623 : i32 to vector<16xi32>
        %add3A_2625 = arith.addi %mul3A_2439, %add3A_2624 : vector<16xi32>
        %gather3A_2626 = tpu.vector_load_idx %arg5[%add3A_2625] : memref<65536xf32, #tpu.memory_space<vmem>>[vector<16xi32>], vector<16xf32>,
        %add3A_2627 = arith.constant 11 : i32
        %add3A_2628 = vector.broadcast %add3A_2627 : i32 to vector<16xi32>
        %add3A_2629 = arith.addi %mul3A_2501, %add3A_2628 : vector<16xi32>
        %gather3A_2630 = tpu.vector_load_idx %arg10[%add3A_2629] : memref<1024xf32, #tpu.memory_space<vmem>>[vector<16xi32>], vector<16xf32>,
        %sub3A_2631 = arith.subf %gather3A_2626, %gather3A_2630 : vector<16xf32>
        %mul3A_2632 = arith.mulf %sub3A_2631, %sub3A_2631 : vector<16xf32>
        %add3A_2633 = arith.addf %add3A_2622, %mul3A_2632 : vector<16xf32>
        %add3A_2634 = arith.constant 12 : i32
        %add3A_2635 = vector.broadcast %add3A_2634 : i32 to vector<16xi32>
        %add3A_2636 = arith.addi %mul3A_2439, %add3A_2635 : vector<16xi32>
        %gather3A_2637 = tpu.vector_load_idx %arg5[%add3A_2636] : memref<65536xf32, #tpu.memory_space<vmem>>[vector<16xi32>], vector<16xf32>,
        %add3A_2638 = arith.constant 12 : i32
        %add3A_2639 = vector.broadcast %add3A_2638 : i32 to vector<16xi32>
        %add3A_2640 = arith.addi %mul3A_2501, %add3A_2639 : vector<16xi32>
        %gather3A_2641 = tpu.vector_load_idx %arg10[%add3A_2640] : memref<1024xf32, #tpu.memory_space<vmem>>[vector<16xi32>], vector<16xf32>,
        %sub3A_2642 = arith.subf %gather3A_2637, %gather3A_2641 : vector<16xf32>
        %mul3A_2643 = arith.mulf %sub3A_2642, %sub3A_2642 : vector<16xf32>
        %add3A_2644 = arith.addf %add3A_2633, %mul3A_2643 : vector<16xf32>
        %add3A_2645 = arith.constant 13 : i32
        %add3A_2646 = vector.broadcast %add3A_2645 : i32 to vector<16xi32>
        %add3A_2647 = arith.addi %mul3A_2439, %add3A_2646 : vector<16xi32>
        %gather3A_2648 = tpu.vector_load_idx %arg5[%add3A_2647] : memref<65536xf32, #tpu.memory_space<vmem>>[vector<16xi32>], vector<16xf32>,
        %add3A_2649 = arith.constant 13 : i32
        %add3A_2650 = vector.broadcast %add3A_2649 : i32 to vector<16xi32>
        %add3A_2651 = arith.addi %mul3A_2501, %add3A_2650 : vector<16xi32>
        %gather3A_2652 = tpu.vector_load_idx %arg10[%add3A_2651] : memref<1024xf32, #tpu.memory_space<vmem>>[vector<16xi32>], vector<16xf32>,
        %sub3A_2653 = arith.subf %gather3A_2648, %gather3A_2652 : vector<16xf32>
        %mul3A_2654 = arith.mulf %sub3A_2653, %sub3A_2653 : vector<16xf32>
        %add3A_2655 = arith.addf %add3A_2644, %mul3A_2654 : vector<16xf32>
        %add3A_2656 = arith.constant 14 : i32
        %add3A_2657 = vector.broadcast %add3A_2656 : i32 to vector<16xi32>
        %add3A_2658 = arith.addi %mul3A_2439, %add3A_2657 : vector<16xi32>
        %gather3A_2659 = tpu.vector_load_idx %arg5[%add3A_2658] : memref<65536xf32, #tpu.memory_space<vmem>>[vector<16xi32>], vector<16xf32>,
        %add3A_2660 = arith.constant 14 : i32
        %add3A_2661 = vector.broadcast %add3A_2660 : i32 to vector<16xi32>
        %add3A_2662 = arith.addi %mul3A_2501, %add3A_2661 : vector<16xi32>
        %gather3A_2663 = tpu.vector_load_idx %arg10[%add3A_2662] : memref<1024xf32, #tpu.memory_space<vmem>>[vector<16xi32>], vector<16xf32>,
        %sub3A_2664 = arith.subf %gather3A_2659, %gather3A_2663 : vector<16xf32>
        %mul3A_2665 = arith.mulf %sub3A_2664, %sub3A_2664 : vector<16xf32>
        %add3A_2666 = arith.addf %add3A_2655, %mul3A_2665 : vector<16xf32>
        %add3A_2667 = arith.constant 15 : i32
        %add3A_2668 = vector.broadcast %add3A_2667 : i32 to vector<16xi32>
        %add3A_2669 = arith.addi %mul3A_2439, %add3A_2668 : vector<16xi32>
        %gather3A_2670 = tpu.vector_load_idx %arg5[%add3A_2669] : memref<65536xf32, #tpu.memory_space<vmem>>[vector<16xi32>], vector<16xf32>,
        %add3A_2671 = arith.constant 15 : i32
        %add3A_2672 = vector.broadcast %add3A_2671 : i32 to vector<16xi32>
        %add3A_2673 = arith.addi %mul3A_2501, %add3A_2672 : vector<16xi32>
        %gather3A_2674 = tpu.vector_load_idx %arg10[%add3A_2673] : memref<1024xf32, #tpu.memory_space<vmem>>[vector<16xi32>], vector<16xf32>,
        %sub3A_2675 = arith.subf %gather3A_2670, %gather3A_2674 : vector<16xf32>
        %mul3A_2676 = arith.mulf %sub3A_2675, %sub3A_2675 : vector<16xf32>
        %add3A_2677 = arith.addf %add3A_2666, %mul3A_2676 : vector<16xf32>
        %add3A_2678 = arith.constant 16 : i32
        %add3A_2679 = vector.broadcast %add3A_2678 : i32 to vector<16xi32>
        %add3A_2680 = arith.addi %mul3A_2439, %add3A_2679 : vector<16xi32>
        %gather3A_2681 = tpu.vector_load_idx %arg5[%add3A_2680] : memref<65536xf32, #tpu.memory_space<vmem>>[vector<16xi32>], vector<16xf32>,
        %add3A_2682 = arith.constant 16 : i32
        %add3A_2683 = vector.broadcast %add3A_2682 : i32 to vector<16xi32>
        %add3A_2684 = arith.addi %mul3A_2501, %add3A_2683 : vector<16xi32>
        %gather3A_2685 = tpu.vector_load_idx %arg10[%add3A_2684] : memref<1024xf32, #tpu.memory_space<vmem>>[vector<16xi32>], vector<16xf32>,
        %sub3A_2686 = arith.subf %gather3A_2681, %gather3A_2685 : vector<16xf32>
        %mul3A_2687 = arith.mulf %sub3A_2686, %sub3A_2686 : vector<16xf32>
        %add3A_2688 = arith.addf %add3A_2677, %mul3A_2687 : vector<16xf32>
        %add3A_2689 = arith.constant 17 : i32
        %add3A_2690 = vector.broadcast %add3A_2689 : i32 to vector<16xi32>
        %add3A_2691 = arith.addi %mul3A_2439, %add3A_2690 : vector<16xi32>
        %gather3A_2692 = tpu.vector_load_idx %arg5[%add3A_2691] : memref<65536xf32, #tpu.memory_space<vmem>>[vector<16xi32>], vector<16xf32>,
        %add3A_2693 = arith.constant 17 : i32
        %add3A_2694 = vector.broadcast %add3A_2693 : i32 to vector<16xi32>
        %add3A_2695 = arith.addi %mul3A_2501, %add3A_2694 : vector<16xi32>
        %gather3A_2696 = tpu.vector_load_idx %arg10[%add3A_2695] : memref<1024xf32, #tpu.memory_space<vmem>>[vector<16xi32>], vector<16xf32>,
        %sub3A_2697 = arith.subf %gather3A_2692, %gather3A_2696 : vector<16xf32>
        %mul3A_2698 = arith.mulf %sub3A_2697, %sub3A_2697 : vector<16xf32>
        %add3A_2699 = arith.addf %add3A_2688, %mul3A_2698 : vector<16xf32>
        %add3A_2700 = arith.constant 18 : i32
        %add3A_2701 = vector.broadcast %add3A_2700 : i32 to vector<16xi32>
        %add3A_2702 = arith.addi %mul3A_2439, %add3A_2701 : vector<16xi32>
        %gather3A_2703 = tpu.vector_load_idx %arg5[%add3A_2702] : memref<65536xf32, #tpu.memory_space<vmem>>[vector<16xi32>], vector<16xf32>,
        %add3A_2704 = arith.constant 18 : i32
        %add3A_2705 = vector.broadcast %add3A_2704 : i32 to vector<16xi32>
        %add3A_2706 = arith.addi %mul3A_2501, %add3A_2705 : vector<16xi32>
        %gather3A_2707 = tpu.vector_load_idx %arg10[%add3A_2706] : memref<1024xf32, #tpu.memory_space<vmem>>[vector<16xi32>], vector<16xf32>,
        %sub3A_2708 = arith.subf %gather3A_2703, %gather3A_2707 : vector<16xf32>
        %mul3A_2709 = arith.mulf %sub3A_2708, %sub3A_2708 : vector<16xf32>
        %add3A_2710 = arith.addf %add3A_2699, %mul3A_2709 : vector<16xf32>
        %add3A_2711 = arith.constant 19 : i32
        %add3A_2712 = vector.broadcast %add3A_2711 : i32 to vector<16xi32>
        %add3A_2713 = arith.addi %mul3A_2439, %add3A_2712 : vector<16xi32>
        %gather3A_2714 = tpu.vector_load_idx %arg5[%add3A_2713] : memref<65536xf32, #tpu.memory_space<vmem>>[vector<16xi32>], vector<16xf32>,
        %add3A_2715 = arith.constant 19 : i32
        %add3A_2716 = vector.broadcast %add3A_2715 : i32 to vector<16xi32>
        %add3A_2717 = arith.addi %mul3A_2501, %add3A_2716 : vector<16xi32>
        %gather3A_2718 = tpu.vector_load_idx %arg10[%add3A_2717] : memref<1024xf32, #tpu.memory_space<vmem>>[vector<16xi32>], vector<16xf32>,
        %sub3A_2719 = arith.subf %gather3A_2714, %gather3A_2718 : vector<16xf32>
        %mul3A_2720 = arith.mulf %sub3A_2719, %sub3A_2719 : vector<16xf32>
        %add3A_2721 = arith.addf %add3A_2710, %mul3A_2720 : vector<16xf32>
        %add3A_2722 = arith.constant 20 : i32
        %add3A_2723 = vector.broadcast %add3A_2722 : i32 to vector<16xi32>
        %add3A_2724 = arith.addi %mul3A_2439, %add3A_2723 : vector<16xi32>
        %gather3A_2725 = tpu.vector_load_idx %arg5[%add3A_2724] : memref<65536xf32, #tpu.memory_space<vmem>>[vector<16xi32>], vector<16xf32>,
        %add3A_2726 = arith.constant 20 : i32
        %add3A_2727 = vector.broadcast %add3A_2726 : i32 to vector<16xi32>
        %add3A_2728 = arith.addi %mul3A_2501, %add3A_2727 : vector<16xi32>
        %gather3A_2729 = tpu.vector_load_idx %arg10[%add3A_2728] : memref<1024xf32, #tpu.memory_space<vmem>>[vector<16xi32>], vector<16xf32>,
        %sub3A_2730 = arith.subf %gather3A_2725, %gather3A_2729 : vector<16xf32>
        %mul3A_2731 = arith.mulf %sub3A_2730, %sub3A_2730 : vector<16xf32>
        %add3A_2732 = arith.addf %add3A_2721, %mul3A_2731 : vector<16xf32>
        %add3A_2733 = arith.constant 21 : i32
        %add3A_2734 = vector.broadcast %add3A_2733 : i32 to vector<16xi32>
        %add3A_2735 = arith.addi %mul3A_2439, %add3A_2734 : vector<16xi32>
        %gather3A_2736 = tpu.vector_load_idx %arg5[%add3A_2735] : memref<65536xf32, #tpu.memory_space<vmem>>[vector<16xi32>], vector<16xf32>,
        %add3A_2737 = arith.constant 21 : i32
        %add3A_2738 = vector.broadcast %add3A_2737 : i32 to vector<16xi32>
        %add3A_2739 = arith.addi %mul3A_2501, %add3A_2738 : vector<16xi32>
        %gather3A_2740 = tpu.vector_load_idx %arg10[%add3A_2739] : memref<1024xf32, #tpu.memory_space<vmem>>[vector<16xi32>], vector<16xf32>,
        %sub3A_2741 = arith.subf %gather3A_2736, %gather3A_2740 : vector<16xf32>
        %mul3A_2742 = arith.mulf %sub3A_2741, %sub3A_2741 : vector<16xf32>
        %add3A_2743 = arith.addf %add3A_2732, %mul3A_2742 : vector<16xf32>
        %add3A_2744 = arith.constant 22 : i32
        %add3A_2745 = vector.broadcast %add3A_2744 : i32 to vector<16xi32>
        %add3A_2746 = arith.addi %mul3A_2439, %add3A_2745 : vector<16xi32>
        %gather3A_2747 = tpu.vector_load_idx %arg5[%add3A_2746] : memref<65536xf32, #tpu.memory_space<vmem>>[vector<16xi32>], vector<16xf32>,
        %add3A_2748 = arith.constant 22 : i32
        %add3A_2749 = vector.broadcast %add3A_2748 : i32 to vector<16xi32>
        %add3A_2750 = arith.addi %mul3A_2501, %add3A_2749 : vector<16xi32>
        %gather3A_2751 = tpu.vector_load_idx %arg10[%add3A_2750] : memref<1024xf32, #tpu.memory_space<vmem>>[vector<16xi32>], vector<16xf32>,
        %sub3A_2752 = arith.subf %gather3A_2747, %gather3A_2751 : vector<16xf32>
        %mul3A_2753 = arith.mulf %sub3A_2752, %sub3A_2752 : vector<16xf32>
        %add3A_2754 = arith.addf %add3A_2743, %mul3A_2753 : vector<16xf32>
        %add3A_2755 = arith.constant 23 : i32
        %add3A_2756 = vector.broadcast %add3A_2755 : i32 to vector<16xi32>
        %add3A_2757 = arith.addi %mul3A_2439, %add3A_2756 : vector<16xi32>
        %gather3A_2758 = tpu.vector_load_idx %arg5[%add3A_2757] : memref<65536xf32, #tpu.memory_space<vmem>>[vector<16xi32>], vector<16xf32>,
        %add3A_2759 = arith.constant 23 : i32
        %add3A_2760 = vector.broadcast %add3A_2759 : i32 to vector<16xi32>
        %add3A_2761 = arith.addi %mul3A_2501, %add3A_2760 : vector<16xi32>
        %gather3A_2762 = tpu.vector_load_idx %arg10[%add3A_2761] : memref<1024xf32, #tpu.memory_space<vmem>>[vector<16xi32>], vector<16xf32>,
        %sub3A_2763 = arith.subf %gather3A_2758, %gather3A_2762 : vector<16xf32>
        %mul3A_2764 = arith.mulf %sub3A_2763, %sub3A_2763 : vector<16xf32>
        %add3A_2765 = arith.addf %add3A_2754, %mul3A_2764 : vector<16xf32>
        %add3A_2766 = arith.constant 24 : i32
        %add3A_2767 = vector.broadcast %add3A_2766 : i32 to vector<16xi32>
        %add3A_2768 = arith.addi %mul3A_2439, %add3A_2767 : vector<16xi32>
        %gather3A_2769 = tpu.vector_load_idx %arg5[%add3A_2768] : memref<65536xf32, #tpu.memory_space<vmem>>[vector<16xi32>], vector<16xf32>,
        %add3A_2770 = arith.constant 24 : i32
        %add3A_2771 = vector.broadcast %add3A_2770 : i32 to vector<16xi32>
        %add3A_2772 = arith.addi %mul3A_2501, %add3A_2771 : vector<16xi32>
        %gather3A_2773 = tpu.vector_load_idx %arg10[%add3A_2772] : memref<1024xf32, #tpu.memory_space<vmem>>[vector<16xi32>], vector<16xf32>,
        %sub3A_2774 = arith.subf %gather3A_2769, %gather3A_2773 : vector<16xf32>
        %mul3A_2775 = arith.mulf %sub3A_2774, %sub3A_2774 : vector<16xf32>
        %add3A_2776 = arith.addf %add3A_2765, %mul3A_2775 : vector<16xf32>
        %add3A_2777 = arith.constant 25 : i32
        %add3A_2778 = vector.broadcast %add3A_2777 : i32 to vector<16xi32>
        %add3A_2779 = arith.addi %mul3A_2439, %add3A_2778 : vector<16xi32>
        %gather3A_2780 = tpu.vector_load_idx %arg5[%add3A_2779] : memref<65536xf32, #tpu.memory_space<vmem>>[vector<16xi32>], vector<16xf32>,
        %add3A_2781 = arith.constant 25 : i32
        %add3A_2782 = vector.broadcast %add3A_2781 : i32 to vector<16xi32>
        %add3A_2783 = arith.addi %mul3A_2501, %add3A_2782 : vector<16xi32>
        %gather3A_2784 = tpu.vector_load_idx %arg10[%add3A_2783] : memref<1024xf32, #tpu.memory_space<vmem>>[vector<16xi32>], vector<16xf32>,
        %sub3A_2785 = arith.subf %gather3A_2780, %gather3A_2784 : vector<16xf32>
        %mul3A_2786 = arith.mulf %sub3A_2785, %sub3A_2785 : vector<16xf32>
        %add3A_2787 = arith.addf %add3A_2776, %mul3A_2786 : vector<16xf32>
        %add3A_2788 = arith.constant 26 : i32
        %add3A_2789 = vector.broadcast %add3A_2788 : i32 to vector<16xi32>
        %add3A_2790 = arith.addi %mul3A_2439, %add3A_2789 : vector<16xi32>
        %gather3A_2791 = tpu.vector_load_idx %arg5[%add3A_2790] : memref<65536xf32, #tpu.memory_space<vmem>>[vector<16xi32>], vector<16xf32>,
        %add3A_2792 = arith.constant 26 : i32
        %add3A_2793 = vector.broadcast %add3A_2792 : i32 to vector<16xi32>
        %add3A_2794 = arith.addi %mul3A_2501, %add3A_2793 : vector<16xi32>
        %gather3A_2795 = tpu.vector_load_idx %arg10[%add3A_2794] : memref<1024xf32, #tpu.memory_space<vmem>>[vector<16xi32>], vector<16xf32>,
        %sub3A_2796 = arith.subf %gather3A_2791, %gather3A_2795 : vector<16xf32>
        %mul3A_2797 = arith.mulf %sub3A_2796, %sub3A_2796 : vector<16xf32>
        %add3A_2798 = arith.addf %add3A_2787, %mul3A_2797 : vector<16xf32>
        %add3A_2799 = arith.constant 27 : i32
        %add3A_2800 = vector.broadcast %add3A_2799 : i32 to vector<16xi32>
        %add3A_2801 = arith.addi %mul3A_2439, %add3A_2800 : vector<16xi32>
        %gather3A_2802 = tpu.vector_load_idx %arg5[%add3A_2801] : memref<65536xf32, #tpu.memory_space<vmem>>[vector<16xi32>], vector<16xf32>,
        %add3A_2803 = arith.constant 27 : i32
        %add3A_2804 = vector.broadcast %add3A_2803 : i32 to vector<16xi32>
        %add3A_2805 = arith.addi %mul3A_2501, %add3A_2804 : vector<16xi32>
        %gather3A_2806 = tpu.vector_load_idx %arg10[%add3A_2805] : memref<1024xf32, #tpu.memory_space<vmem>>[vector<16xi32>], vector<16xf32>,
        %sub3A_2807 = arith.subf %gather3A_2802, %gather3A_2806 : vector<16xf32>
        %mul3A_2808 = arith.mulf %sub3A_2807, %sub3A_2807 : vector<16xf32>
        %add3A_2809 = arith.addf %add3A_2798, %mul3A_2808 : vector<16xf32>
        %add3A_2810 = arith.constant 28 : i32
        %add3A_2811 = vector.broadcast %add3A_2810 : i32 to vector<16xi32>
        %add3A_2812 = arith.addi %mul3A_2439, %add3A_2811 : vector<16xi32>
        %gather3A_2813 = tpu.vector_load_idx %arg5[%add3A_2812] : memref<65536xf32, #tpu.memory_space<vmem>>[vector<16xi32>], vector<16xf32>,
        %add3A_2814 = arith.constant 28 : i32
        %add3A_2815 = vector.broadcast %add3A_2814 : i32 to vector<16xi32>
        %add3A_2816 = arith.addi %mul3A_2501, %add3A_2815 : vector<16xi32>
        %gather3A_2817 = tpu.vector_load_idx %arg10[%add3A_2816] : memref<1024xf32, #tpu.memory_space<vmem>>[vector<16xi32>], vector<16xf32>,
        %sub3A_2818 = arith.subf %gather3A_2813, %gather3A_2817 : vector<16xf32>
        %mul3A_2819 = arith.mulf %sub3A_2818, %sub3A_2818 : vector<16xf32>
        %add3A_2820 = arith.addf %add3A_2809, %mul3A_2819 : vector<16xf32>
        %add3A_2821 = arith.constant 29 : i32
        %add3A_2822 = vector.broadcast %add3A_2821 : i32 to vector<16xi32>
        %add3A_2823 = arith.addi %mul3A_2439, %add3A_2822 : vector<16xi32>
        %gather3A_2824 = tpu.vector_load_idx %arg5[%add3A_2823] : memref<65536xf32, #tpu.memory_space<vmem>>[vector<16xi32>], vector<16xf32>,
        %add3A_2825 = arith.constant 29 : i32
        %add3A_2826 = vector.broadcast %add3A_2825 : i32 to vector<16xi32>
        %add3A_2827 = arith.addi %mul3A_2501, %add3A_2826 : vector<16xi32>
        %gather3A_2828 = tpu.vector_load_idx %arg10[%add3A_2827] : memref<1024xf32, #tpu.memory_space<vmem>>[vector<16xi32>], vector<16xf32>,
        %sub3A_2829 = arith.subf %gather3A_2824, %gather3A_2828 : vector<16xf32>
        %mul3A_2830 = arith.mulf %sub3A_2829, %sub3A_2829 : vector<16xf32>
        %add3A_2831 = arith.addf %add3A_2820, %mul3A_2830 : vector<16xf32>
        %add3A_2832 = arith.constant 30 : i32
        %add3A_2833 = vector.broadcast %add3A_2832 : i32 to vector<16xi32>
        %add3A_2834 = arith.addi %mul3A_2439, %add3A_2833 : vector<16xi32>
        %gather3A_2835 = tpu.vector_load_idx %arg5[%add3A_2834] : memref<65536xf32, #tpu.memory_space<vmem>>[vector<16xi32>], vector<16xf32>,
        %add3A_2836 = arith.constant 30 : i32
        %add3A_2837 = vector.broadcast %add3A_2836 : i32 to vector<16xi32>
        %add3A_2838 = arith.addi %mul3A_2501, %add3A_2837 : vector<16xi32>
        %gather3A_2839 = tpu.vector_load_idx %arg10[%add3A_2838] : memref<1024xf32, #tpu.memory_space<vmem>>[vector<16xi32>], vector<16xf32>,
        %sub3A_2840 = arith.subf %gather3A_2835, %gather3A_2839 : vector<16xf32>
        %mul3A_2841 = arith.mulf %sub3A_2840, %sub3A_2840 : vector<16xf32>
        %add3A_2842 = arith.addf %add3A_2831, %mul3A_2841 : vector<16xf32>
        %add3A_2843 = arith.constant 31 : i32
        %add3A_2844 = vector.broadcast %add3A_2843 : i32 to vector<16xi32>
        %add3A_2845 = arith.addi %mul3A_2439, %add3A_2844 : vector<16xi32>
        %gather3A_2846 = tpu.vector_load_idx %arg5[%add3A_2845] : memref<65536xf32, #tpu.memory_space<vmem>>[vector<16xi32>], vector<16xf32>,
        %add3A_2847 = arith.constant 31 : i32
        %add3A_2848 = vector.broadcast %add3A_2847 : i32 to vector<16xi32>
        %add3A_2849 = arith.addi %mul3A_2501, %add3A_2848 : vector<16xi32>
        %gather3A_2850 = tpu.vector_load_idx %arg10[%add3A_2849] : memref<1024xf32, #tpu.memory_space<vmem>>[vector<16xi32>], vector<16xf32>,
        %sub3A_2851 = arith.subf %gather3A_2846, %gather3A_2850 : vector<16xf32>
        %mul3A_2852 = arith.mulf %sub3A_2851, %sub3A_2851 : vector<16xf32>
        %add3A_2853 = arith.addf %add3A_2842, %mul3A_2852 : vector<16xf32>
        scf.yield %add3A_2853 : vector<16xf32>
      }
      %max3A_2449 = arith.constant 9.99999996E-13 : f32
      %max3A_2450 = vector.broadcast %max3A_2449 : f32 to vector<16xf32>
      %max3A_2451 = arith.maximumf %cond3A_2448, %max3A_2450 : vector<16xf32>
      %bitcast3A_2452 = vector.bitcast %max3A_2451 : vector<16xf32> to vector<16xi32>
      %shift_right_arithmetic3A_2453 = arith.constant 1 : i32
      %shift_right_arithmetic3A_2454 = vector.broadcast %shift_right_arithmetic3A_2453 : i32 to vector<16xi32>
      %shift_right_arithmetic3A_2455 = arith.shrsi %bitcast3A_2452, %shift_right_arithmetic3A_2454 : vector<16xi32>
      %sub3A_2456 = arith.constant 1597463007 : i32
      %sub3A_2457 = vector.broadcast %sub3A_2456 : i32 to vector<16xi32>
      %sub3A_2458 = arith.subi %sub3A_2457, %shift_right_arithmetic3A_2455 : vector<16xi32>
      %bitcast3A_2459 = vector.bitcast %sub3A_2458 : vector<16xi32> to vector<16xf32>
      %mul3A_2460 = arith.constant 5.000000e-01 : f32
      %mul3A_2461 = vector.broadcast %mul3A_2460 : f32 to vector<16xf32>
      %mul3A_2462 = arith.mulf %mul3A_2461, %max3A_2451 : vector<16xf32>
      %mul3A_2463 = arith.mulf %mul3A_2462, %bitcast3A_2459 : vector<16xf32>
      %mul3A_2464 = arith.mulf %mul3A_2463, %bitcast3A_2459 : vector<16xf32>
      %sub3A_2465 = arith.constant 1.500000e+00 : f32
      %sub3A_2466 = vector.broadcast %sub3A_2465 : f32 to vector<16xf32>
      %sub3A_2467 = arith.subf %sub3A_2466, %mul3A_2464 : vector<16xf32>
      %mul3A_2468 = arith.mulf %bitcast3A_2459, %sub3A_2467 : vector<16xf32>
      %mul3A_2469 = arith.constant 5.000000e-01 : f32
      %mul3A_2470 = vector.broadcast %mul3A_2469 : f32 to vector<16xf32>
      %mul3A_2471 = arith.mulf %mul3A_2470, %max3A_2451 : vector<16xf32>
      %mul3A_2472 = arith.mulf %mul3A_2471, %mul3A_2468 : vector<16xf32>
      %mul3A_2473 = arith.mulf %mul3A_2472, %mul3A_2468 : vector<16xf32>
      %sub3A_2474 = arith.constant 1.500000e+00 : f32
      %sub3A_2475 = vector.broadcast %sub3A_2474 : f32 to vector<16xf32>
      %sub3A_2476 = arith.subf %sub3A_2475, %mul3A_2473 : vector<16xf32>
      %mul3A_2477 = arith.mulf %mul3A_2468, %sub3A_2476 : vector<16xf32>
      %mul3A_2478 = arith.constant 5.000000e-01 : f32
      %mul3A_2479 = vector.broadcast %mul3A_2478 : f32 to vector<16xf32>
      %mul3A_2480 = arith.mulf %mul3A_2479, %max3A_2451 : vector<16xf32>
      %mul3A_2481 = arith.mulf %mul3A_2480, %mul3A_2477 : vector<16xf32>
      %mul3A_2482 = arith.mulf %mul3A_2481, %mul3A_2477 : vector<16xf32>
      %sub3A_2483 = arith.constant 1.500000e+00 : f32
      %sub3A_2484 = vector.broadcast %sub3A_2483 : f32 to vector<16xf32>
      %sub3A_2485 = arith.subf %sub3A_2484, %mul3A_2482 : vector<16xf32>
      %mul3A_2486 = arith.mulf %mul3A_2477, %sub3A_2485 : vector<16xf32>
      %mul3A_2487 = arith.mulf %max3A_2451, %mul3A_2486 : vector<16xf32>
      %sub3A_2488 = arith.constant 5.000000e-01 : f32
      %sub3A_2489 = vector.broadcast %sub3A_2488 : f32 to vector<16xf32>
      %sub3A_2490 = arith.subf %mul3A_2487, %sub3A_2489 : vector<16xf32>
      %max3A_2491 = arith.constant 0.000000e+00 : f32
      %max3A_2492 = vector.broadcast %max3A_2491 : f32 to vector<16xf32>
      %max3A_2493 = arith.maximumf %sub3A_2490, %max3A_2492 : vector<16xf32>
      %mul3A_2494 = arith.constant 16 : i32
      %mul3A_2495 = vector.broadcast %mul3A_2494 : i32 to vector<16xi32>
      %mul3A_2496 = arith.muli %get3A_2434, %mul3A_2495 : vector<16xi32>
      %add3A_2497 = arith.addi %mul3A_2496, %iota3A : vector<16xi32>
      %mul3A_2498 = arith.mulf %max3A_2493, %max3A_2493 : vector<16xf32>
      tpu.vector_store_idx %arg9[%add3A_2497], %mul3A_2498 {add = true} : memref<528xf32, #tpu.memory_space<vmem>>[vector<16xi32>], vector<16xf32>,
    }
    %scan3A_124 = arith.constant 128 : i32
    %mul3A_125 = arith.constant 32 : i32
    %mul3A_126 = vector.broadcast %mul3A_125 : i32 to vector<16xi32>
    %mul3A_127 = arith.muli %iota3A, %mul3A_126 : vector<16xi32>
    %add3A_128 = arith.constant 16 : i32
    %add3A_129 = vector.broadcast %add3A_128 : i32 to vector<16xi32>
    %add3A_130 = arith.addi %iota3A, %add3A_129 : vector<16xi32>
    %mul3A_131 = arith.constant 32 : i32
    %mul3A_132 = vector.broadcast %mul3A_131 : i32 to vector<16xi32>
    %mul3A_133 = arith.muli %add3A_130, %mul3A_132 : vector<16xi32>
    %add3A_134 = arith.constant 0 : i32
    %add3A_135 = vector.broadcast %add3A_134 : i32 to vector<16xi32>
    %add3A_136 = arith.addi %mul3A_127, %add3A_135 : vector<16xi32>
    %gather3A = tpu.vector_load_idx %arg10[%add3A_136] : memref<1024xf32, #tpu.memory_space<vmem>>[vector<16xi32>], vector<16xf32>,
    %add3A_137 = arith.constant 0 : i32
    %add3A_138 = vector.broadcast %add3A_137 : i32 to vector<16xi32>
    %add3A_139 = arith.addi %mul3A_133, %add3A_138 : vector<16xi32>
    %gather3A_140 = tpu.vector_load_idx %arg10[%add3A_139] : memref<1024xf32, #tpu.memory_space<vmem>>[vector<16xi32>], vector<16xf32>,
    %swap3A_141 = arith.constant 0 : i32
    %swap3A_142 = arith.index_cast %swap3A_141 : i32 to index
    %swap3A_143 = arith.constant 0 : index
    %swap3A_144 = tpu.vector_load %arg12[%swap3A_142, %swap3A_143] {strides = array<i32>} : memref<32x32xf32, #tpu.memory_space<vmem>>, vector<16xf32>,
    tpu.vector_store %arg12[%swap3A_142, %swap3A_143], %gather3A {strides = array<i32>} : memref<32x32xf32, #tpu.memory_space<vmem>>, vector<16xf32>,
    %swap3A_145 = arith.constant 0 : i32
    %swap3A_146 = arith.index_cast %swap3A_145 : i32 to index
    %swap3A_147 = arith.constant 16 : index
    %swap3A_148 = tpu.vector_load %arg12[%swap3A_146, %swap3A_147] {strides = array<i32>} : memref<32x32xf32, #tpu.memory_space<vmem>>, vector<16xf32>,
    tpu.vector_store %arg12[%swap3A_146, %swap3A_147], %gather3A_140 {strides = array<i32>} : memref<32x32xf32, #tpu.memory_space<vmem>>, vector<16xf32>,
    %mul3A_149 = arith.mulf %gather3A, %gather3A : vector<16xf32>
    %add3A_150 = arith.addf %broadcast_in_dim3A_2, %mul3A_149 : vector<16xf32>
    %mul3A_151 = arith.mulf %gather3A_140, %gather3A_140 : vector<16xf32>
    %add3A_152 = arith.addf %broadcast_in_dim3A_2, %mul3A_151 : vector<16xf32>
    %add3A_153 = arith.constant 1 : i32
    %add3A_154 = vector.broadcast %add3A_153 : i32 to vector<16xi32>
    %add3A_155 = arith.addi %mul3A_127, %add3A_154 : vector<16xi32>
    %gather3A_156 = tpu.vector_load_idx %arg10[%add3A_155] : memref<1024xf32, #tpu.memory_space<vmem>>[vector<16xi32>], vector<16xf32>,
    %add3A_157 = arith.constant 1 : i32
    %add3A_158 = vector.broadcast %add3A_157 : i32 to vector<16xi32>
    %add3A_159 = arith.addi %mul3A_133, %add3A_158 : vector<16xi32>
    %gather3A_160 = tpu.vector_load_idx %arg10[%add3A_159] : memref<1024xf32, #tpu.memory_space<vmem>>[vector<16xi32>], vector<16xf32>,
    %swap3A_161 = arith.constant 1 : i32
    %swap3A_162 = arith.index_cast %swap3A_161 : i32 to index
    %swap3A_163 = arith.constant 0 : index
    %swap3A_164 = tpu.vector_load %arg12[%swap3A_162, %swap3A_163] {strides = array<i32>} : memref<32x32xf32, #tpu.memory_space<vmem>>, vector<16xf32>,
    tpu.vector_store %arg12[%swap3A_162, %swap3A_163], %gather3A_156 {strides = array<i32>} : memref<32x32xf32, #tpu.memory_space<vmem>>, vector<16xf32>,
    %swap3A_165 = arith.constant 1 : i32
    %swap3A_166 = arith.index_cast %swap3A_165 : i32 to index
    %swap3A_167 = arith.constant 16 : index
    %swap3A_168 = tpu.vector_load %arg12[%swap3A_166, %swap3A_167] {strides = array<i32>} : memref<32x32xf32, #tpu.memory_space<vmem>>, vector<16xf32>,
    tpu.vector_store %arg12[%swap3A_166, %swap3A_167], %gather3A_160 {strides = array<i32>} : memref<32x32xf32, #tpu.memory_space<vmem>>, vector<16xf32>,
    %mul3A_169 = arith.mulf %gather3A_156, %gather3A_156 : vector<16xf32>
    %add3A_170 = arith.addf %add3A_150, %mul3A_169 : vector<16xf32>
    %mul3A_171 = arith.mulf %gather3A_160, %gather3A_160 : vector<16xf32>
    %add3A_172 = arith.addf %add3A_152, %mul3A_171 : vector<16xf32>
    %add3A_173 = arith.constant 2 : i32
    %add3A_174 = vector.broadcast %add3A_173 : i32 to vector<16xi32>
    %add3A_175 = arith.addi %mul3A_127, %add3A_174 : vector<16xi32>
    %gather3A_176 = tpu.vector_load_idx %arg10[%add3A_175] : memref<1024xf32, #tpu.memory_space<vmem>>[vector<16xi32>], vector<16xf32>,
    %add3A_177 = arith.constant 2 : i32
    %add3A_178 = vector.broadcast %add3A_177 : i32 to vector<16xi32>
    %add3A_179 = arith.addi %mul3A_133, %add3A_178 : vector<16xi32>
    %gather3A_180 = tpu.vector_load_idx %arg10[%add3A_179] : memref<1024xf32, #tpu.memory_space<vmem>>[vector<16xi32>], vector<16xf32>,
    %swap3A_181 = arith.constant 2 : i32
    %swap3A_182 = arith.index_cast %swap3A_181 : i32 to index
    %swap3A_183 = arith.constant 0 : index
    %swap3A_184 = tpu.vector_load %arg12[%swap3A_182, %swap3A_183] {strides = array<i32>} : memref<32x32xf32, #tpu.memory_space<vmem>>, vector<16xf32>,
    tpu.vector_store %arg12[%swap3A_182, %swap3A_183], %gather3A_176 {strides = array<i32>} : memref<32x32xf32, #tpu.memory_space<vmem>>, vector<16xf32>,
    %swap3A_185 = arith.constant 2 : i32
    %swap3A_186 = arith.index_cast %swap3A_185 : i32 to index
    %swap3A_187 = arith.constant 16 : index
    %swap3A_188 = tpu.vector_load %arg12[%swap3A_186, %swap3A_187] {strides = array<i32>} : memref<32x32xf32, #tpu.memory_space<vmem>>, vector<16xf32>,
    tpu.vector_store %arg12[%swap3A_186, %swap3A_187], %gather3A_180 {strides = array<i32>} : memref<32x32xf32, #tpu.memory_space<vmem>>, vector<16xf32>,
    %mul3A_189 = arith.mulf %gather3A_176, %gather3A_176 : vector<16xf32>
    %add3A_190 = arith.addf %add3A_170, %mul3A_189 : vector<16xf32>
    %mul3A_191 = arith.mulf %gather3A_180, %gather3A_180 : vector<16xf32>
    %add3A_192 = arith.addf %add3A_172, %mul3A_191 : vector<16xf32>
    %add3A_193 = arith.constant 3 : i32
    %add3A_194 = vector.broadcast %add3A_193 : i32 to vector<16xi32>
    %add3A_195 = arith.addi %mul3A_127, %add3A_194 : vector<16xi32>
    %gather3A_196 = tpu.vector_load_idx %arg10[%add3A_195] : memref<1024xf32, #tpu.memory_space<vmem>>[vector<16xi32>], vector<16xf32>,
    %add3A_197 = arith.constant 3 : i32
    %add3A_198 = vector.broadcast %add3A_197 : i32 to vector<16xi32>
    %add3A_199 = arith.addi %mul3A_133, %add3A_198 : vector<16xi32>
    %gather3A_200 = tpu.vector_load_idx %arg10[%add3A_199] : memref<1024xf32, #tpu.memory_space<vmem>>[vector<16xi32>], vector<16xf32>,
    %swap3A_201 = arith.constant 3 : i32
    %swap3A_202 = arith.index_cast %swap3A_201 : i32 to index
    %swap3A_203 = arith.constant 0 : index
    %swap3A_204 = tpu.vector_load %arg12[%swap3A_202, %swap3A_203] {strides = array<i32>} : memref<32x32xf32, #tpu.memory_space<vmem>>, vector<16xf32>,
    tpu.vector_store %arg12[%swap3A_202, %swap3A_203], %gather3A_196 {strides = array<i32>} : memref<32x32xf32, #tpu.memory_space<vmem>>, vector<16xf32>,
    %swap3A_205 = arith.constant 3 : i32
    %swap3A_206 = arith.index_cast %swap3A_205 : i32 to index
    %swap3A_207 = arith.constant 16 : index
    %swap3A_208 = tpu.vector_load %arg12[%swap3A_206, %swap3A_207] {strides = array<i32>} : memref<32x32xf32, #tpu.memory_space<vmem>>, vector<16xf32>,
    tpu.vector_store %arg12[%swap3A_206, %swap3A_207], %gather3A_200 {strides = array<i32>} : memref<32x32xf32, #tpu.memory_space<vmem>>, vector<16xf32>,
    %mul3A_209 = arith.mulf %gather3A_196, %gather3A_196 : vector<16xf32>
    %add3A_210 = arith.addf %add3A_190, %mul3A_209 : vector<16xf32>
    %mul3A_211 = arith.mulf %gather3A_200, %gather3A_200 : vector<16xf32>
    %add3A_212 = arith.addf %add3A_192, %mul3A_211 : vector<16xf32>
    %add3A_213 = arith.constant 4 : i32
    %add3A_214 = vector.broadcast %add3A_213 : i32 to vector<16xi32>
    %add3A_215 = arith.addi %mul3A_127, %add3A_214 : vector<16xi32>
    %gather3A_216 = tpu.vector_load_idx %arg10[%add3A_215] : memref<1024xf32, #tpu.memory_space<vmem>>[vector<16xi32>], vector<16xf32>,
    %add3A_217 = arith.constant 4 : i32
    %add3A_218 = vector.broadcast %add3A_217 : i32 to vector<16xi32>
    %add3A_219 = arith.addi %mul3A_133, %add3A_218 : vector<16xi32>
    %gather3A_220 = tpu.vector_load_idx %arg10[%add3A_219] : memref<1024xf32, #tpu.memory_space<vmem>>[vector<16xi32>], vector<16xf32>,
    %swap3A_221 = arith.constant 4 : i32
    %swap3A_222 = arith.index_cast %swap3A_221 : i32 to index
    %swap3A_223 = arith.constant 0 : index
    %swap3A_224 = tpu.vector_load %arg12[%swap3A_222, %swap3A_223] {strides = array<i32>} : memref<32x32xf32, #tpu.memory_space<vmem>>, vector<16xf32>,
    tpu.vector_store %arg12[%swap3A_222, %swap3A_223], %gather3A_216 {strides = array<i32>} : memref<32x32xf32, #tpu.memory_space<vmem>>, vector<16xf32>,
    %swap3A_225 = arith.constant 4 : i32
    %swap3A_226 = arith.index_cast %swap3A_225 : i32 to index
    %swap3A_227 = arith.constant 16 : index
    %swap3A_228 = tpu.vector_load %arg12[%swap3A_226, %swap3A_227] {strides = array<i32>} : memref<32x32xf32, #tpu.memory_space<vmem>>, vector<16xf32>,
    tpu.vector_store %arg12[%swap3A_226, %swap3A_227], %gather3A_220 {strides = array<i32>} : memref<32x32xf32, #tpu.memory_space<vmem>>, vector<16xf32>,
    %mul3A_229 = arith.mulf %gather3A_216, %gather3A_216 : vector<16xf32>
    %add3A_230 = arith.addf %add3A_210, %mul3A_229 : vector<16xf32>
    %mul3A_231 = arith.mulf %gather3A_220, %gather3A_220 : vector<16xf32>
    %add3A_232 = arith.addf %add3A_212, %mul3A_231 : vector<16xf32>
    %add3A_233 = arith.constant 5 : i32
    %add3A_234 = vector.broadcast %add3A_233 : i32 to vector<16xi32>
    %add3A_235 = arith.addi %mul3A_127, %add3A_234 : vector<16xi32>
    %gather3A_236 = tpu.vector_load_idx %arg10[%add3A_235] : memref<1024xf32, #tpu.memory_space<vmem>>[vector<16xi32>], vector<16xf32>,
    %add3A_237 = arith.constant 5 : i32
    %add3A_238 = vector.broadcast %add3A_237 : i32 to vector<16xi32>
    %add3A_239 = arith.addi %mul3A_133, %add3A_238 : vector<16xi32>
    %gather3A_240 = tpu.vector_load_idx %arg10[%add3A_239] : memref<1024xf32, #tpu.memory_space<vmem>>[vector<16xi32>], vector<16xf32>,
    %swap3A_241 = arith.constant 5 : i32
    %swap3A_242 = arith.index_cast %swap3A_241 : i32 to index
    %swap3A_243 = arith.constant 0 : index
    %swap3A_244 = tpu.vector_load %arg12[%swap3A_242, %swap3A_243] {strides = array<i32>} : memref<32x32xf32, #tpu.memory_space<vmem>>, vector<16xf32>,
    tpu.vector_store %arg12[%swap3A_242, %swap3A_243], %gather3A_236 {strides = array<i32>} : memref<32x32xf32, #tpu.memory_space<vmem>>, vector<16xf32>,
    %swap3A_245 = arith.constant 5 : i32
    %swap3A_246 = arith.index_cast %swap3A_245 : i32 to index
    %swap3A_247 = arith.constant 16 : index
    %swap3A_248 = tpu.vector_load %arg12[%swap3A_246, %swap3A_247] {strides = array<i32>} : memref<32x32xf32, #tpu.memory_space<vmem>>, vector<16xf32>,
    tpu.vector_store %arg12[%swap3A_246, %swap3A_247], %gather3A_240 {strides = array<i32>} : memref<32x32xf32, #tpu.memory_space<vmem>>, vector<16xf32>,
    %mul3A_249 = arith.mulf %gather3A_236, %gather3A_236 : vector<16xf32>
    %add3A_250 = arith.addf %add3A_230, %mul3A_249 : vector<16xf32>
    %mul3A_251 = arith.mulf %gather3A_240, %gather3A_240 : vector<16xf32>
    %add3A_252 = arith.addf %add3A_232, %mul3A_251 : vector<16xf32>
    %add3A_253 = arith.constant 6 : i32
    %add3A_254 = vector.broadcast %add3A_253 : i32 to vector<16xi32>
    %add3A_255 = arith.addi %mul3A_127, %add3A_254 : vector<16xi32>
    %gather3A_256 = tpu.vector_load_idx %arg10[%add3A_255] : memref<1024xf32, #tpu.memory_space<vmem>>[vector<16xi32>], vector<16xf32>,
    %add3A_257 = arith.constant 6 : i32
    %add3A_258 = vector.broadcast %add3A_257 : i32 to vector<16xi32>
    %add3A_259 = arith.addi %mul3A_133, %add3A_258 : vector<16xi32>
    %gather3A_260 = tpu.vector_load_idx %arg10[%add3A_259] : memref<1024xf32, #tpu.memory_space<vmem>>[vector<16xi32>], vector<16xf32>,
    %swap3A_261 = arith.constant 6 : i32
    %swap3A_262 = arith.index_cast %swap3A_261 : i32 to index
    %swap3A_263 = arith.constant 0 : index
    %swap3A_264 = tpu.vector_load %arg12[%swap3A_262, %swap3A_263] {strides = array<i32>} : memref<32x32xf32, #tpu.memory_space<vmem>>, vector<16xf32>,
    tpu.vector_store %arg12[%swap3A_262, %swap3A_263], %gather3A_256 {strides = array<i32>} : memref<32x32xf32, #tpu.memory_space<vmem>>, vector<16xf32>,
    %swap3A_265 = arith.constant 6 : i32
    %swap3A_266 = arith.index_cast %swap3A_265 : i32 to index
    %swap3A_267 = arith.constant 16 : index
    %swap3A_268 = tpu.vector_load %arg12[%swap3A_266, %swap3A_267] {strides = array<i32>} : memref<32x32xf32, #tpu.memory_space<vmem>>, vector<16xf32>,
    tpu.vector_store %arg12[%swap3A_266, %swap3A_267], %gather3A_260 {strides = array<i32>} : memref<32x32xf32, #tpu.memory_space<vmem>>, vector<16xf32>,
    %mul3A_269 = arith.mulf %gather3A_256, %gather3A_256 : vector<16xf32>
    %add3A_270 = arith.addf %add3A_250, %mul3A_269 : vector<16xf32>
    %mul3A_271 = arith.mulf %gather3A_260, %gather3A_260 : vector<16xf32>
    %add3A_272 = arith.addf %add3A_252, %mul3A_271 : vector<16xf32>
    %add3A_273 = arith.constant 7 : i32
    %add3A_274 = vector.broadcast %add3A_273 : i32 to vector<16xi32>
    %add3A_275 = arith.addi %mul3A_127, %add3A_274 : vector<16xi32>
    %gather3A_276 = tpu.vector_load_idx %arg10[%add3A_275] : memref<1024xf32, #tpu.memory_space<vmem>>[vector<16xi32>], vector<16xf32>,
    %add3A_277 = arith.constant 7 : i32
    %add3A_278 = vector.broadcast %add3A_277 : i32 to vector<16xi32>
    %add3A_279 = arith.addi %mul3A_133, %add3A_278 : vector<16xi32>
    %gather3A_280 = tpu.vector_load_idx %arg10[%add3A_279] : memref<1024xf32, #tpu.memory_space<vmem>>[vector<16xi32>], vector<16xf32>,
    %swap3A_281 = arith.constant 7 : i32
    %swap3A_282 = arith.index_cast %swap3A_281 : i32 to index
    %swap3A_283 = arith.constant 0 : index
    %swap3A_284 = tpu.vector_load %arg12[%swap3A_282, %swap3A_283] {strides = array<i32>} : memref<32x32xf32, #tpu.memory_space<vmem>>, vector<16xf32>,
    tpu.vector_store %arg12[%swap3A_282, %swap3A_283], %gather3A_276 {strides = array<i32>} : memref<32x32xf32, #tpu.memory_space<vmem>>, vector<16xf32>,
    %swap3A_285 = arith.constant 7 : i32
    %swap3A_286 = arith.index_cast %swap3A_285 : i32 to index
    %swap3A_287 = arith.constant 16 : index
    %swap3A_288 = tpu.vector_load %arg12[%swap3A_286, %swap3A_287] {strides = array<i32>} : memref<32x32xf32, #tpu.memory_space<vmem>>, vector<16xf32>,
    tpu.vector_store %arg12[%swap3A_286, %swap3A_287], %gather3A_280 {strides = array<i32>} : memref<32x32xf32, #tpu.memory_space<vmem>>, vector<16xf32>,
    %mul3A_289 = arith.mulf %gather3A_276, %gather3A_276 : vector<16xf32>
    %add3A_290 = arith.addf %add3A_270, %mul3A_289 : vector<16xf32>
    %mul3A_291 = arith.mulf %gather3A_280, %gather3A_280 : vector<16xf32>
    %add3A_292 = arith.addf %add3A_272, %mul3A_291 : vector<16xf32>
    %add3A_293 = arith.constant 8 : i32
    %add3A_294 = vector.broadcast %add3A_293 : i32 to vector<16xi32>
    %add3A_295 = arith.addi %mul3A_127, %add3A_294 : vector<16xi32>
    %gather3A_296 = tpu.vector_load_idx %arg10[%add3A_295] : memref<1024xf32, #tpu.memory_space<vmem>>[vector<16xi32>], vector<16xf32>,
    %add3A_297 = arith.constant 8 : i32
    %add3A_298 = vector.broadcast %add3A_297 : i32 to vector<16xi32>
    %add3A_299 = arith.addi %mul3A_133, %add3A_298 : vector<16xi32>
    %gather3A_300 = tpu.vector_load_idx %arg10[%add3A_299] : memref<1024xf32, #tpu.memory_space<vmem>>[vector<16xi32>], vector<16xf32>,
    %swap3A_301 = arith.constant 8 : i32
    %swap3A_302 = arith.index_cast %swap3A_301 : i32 to index
    %swap3A_303 = arith.constant 0 : index
    %swap3A_304 = tpu.vector_load %arg12[%swap3A_302, %swap3A_303] {strides = array<i32>} : memref<32x32xf32, #tpu.memory_space<vmem>>, vector<16xf32>,
    tpu.vector_store %arg12[%swap3A_302, %swap3A_303], %gather3A_296 {strides = array<i32>} : memref<32x32xf32, #tpu.memory_space<vmem>>, vector<16xf32>,
    %swap3A_305 = arith.constant 8 : i32
    %swap3A_306 = arith.index_cast %swap3A_305 : i32 to index
    %swap3A_307 = arith.constant 16 : index
    %swap3A_308 = tpu.vector_load %arg12[%swap3A_306, %swap3A_307] {strides = array<i32>} : memref<32x32xf32, #tpu.memory_space<vmem>>, vector<16xf32>,
    tpu.vector_store %arg12[%swap3A_306, %swap3A_307], %gather3A_300 {strides = array<i32>} : memref<32x32xf32, #tpu.memory_space<vmem>>, vector<16xf32>,
    %mul3A_309 = arith.mulf %gather3A_296, %gather3A_296 : vector<16xf32>
    %add3A_310 = arith.addf %add3A_290, %mul3A_309 : vector<16xf32>
    %mul3A_311 = arith.mulf %gather3A_300, %gather3A_300 : vector<16xf32>
    %add3A_312 = arith.addf %add3A_292, %mul3A_311 : vector<16xf32>
    %add3A_313 = arith.constant 9 : i32
    %add3A_314 = vector.broadcast %add3A_313 : i32 to vector<16xi32>
    %add3A_315 = arith.addi %mul3A_127, %add3A_314 : vector<16xi32>
    %gather3A_316 = tpu.vector_load_idx %arg10[%add3A_315] : memref<1024xf32, #tpu.memory_space<vmem>>[vector<16xi32>], vector<16xf32>,
    %add3A_317 = arith.constant 9 : i32
    %add3A_318 = vector.broadcast %add3A_317 : i32 to vector<16xi32>
    %add3A_319 = arith.addi %mul3A_133, %add3A_318 : vector<16xi32>
    %gather3A_320 = tpu.vector_load_idx %arg10[%add3A_319] : memref<1024xf32, #tpu.memory_space<vmem>>[vector<16xi32>], vector<16xf32>,
    %swap3A_321 = arith.constant 9 : i32
    %swap3A_322 = arith.index_cast %swap3A_321 : i32 to index
    %swap3A_323 = arith.constant 0 : index
    %swap3A_324 = tpu.vector_load %arg12[%swap3A_322, %swap3A_323] {strides = array<i32>} : memref<32x32xf32, #tpu.memory_space<vmem>>, vector<16xf32>,
    tpu.vector_store %arg12[%swap3A_322, %swap3A_323], %gather3A_316 {strides = array<i32>} : memref<32x32xf32, #tpu.memory_space<vmem>>, vector<16xf32>,
    %swap3A_325 = arith.constant 9 : i32
    %swap3A_326 = arith.index_cast %swap3A_325 : i32 to index
    %swap3A_327 = arith.constant 16 : index
    %swap3A_328 = tpu.vector_load %arg12[%swap3A_326, %swap3A_327] {strides = array<i32>} : memref<32x32xf32, #tpu.memory_space<vmem>>, vector<16xf32>,
    tpu.vector_store %arg12[%swap3A_326, %swap3A_327], %gather3A_320 {strides = array<i32>} : memref<32x32xf32, #tpu.memory_space<vmem>>, vector<16xf32>,
    %mul3A_329 = arith.mulf %gather3A_316, %gather3A_316 : vector<16xf32>
    %add3A_330 = arith.addf %add3A_310, %mul3A_329 : vector<16xf32>
    %mul3A_331 = arith.mulf %gather3A_320, %gather3A_320 : vector<16xf32>
    %add3A_332 = arith.addf %add3A_312, %mul3A_331 : vector<16xf32>
    %add3A_333 = arith.constant 10 : i32
    %add3A_334 = vector.broadcast %add3A_333 : i32 to vector<16xi32>
    %add3A_335 = arith.addi %mul3A_127, %add3A_334 : vector<16xi32>
    %gather3A_336 = tpu.vector_load_idx %arg10[%add3A_335] : memref<1024xf32, #tpu.memory_space<vmem>>[vector<16xi32>], vector<16xf32>,
    %add3A_337 = arith.constant 10 : i32
    %add3A_338 = vector.broadcast %add3A_337 : i32 to vector<16xi32>
    %add3A_339 = arith.addi %mul3A_133, %add3A_338 : vector<16xi32>
    %gather3A_340 = tpu.vector_load_idx %arg10[%add3A_339] : memref<1024xf32, #tpu.memory_space<vmem>>[vector<16xi32>], vector<16xf32>,
    %swap3A_341 = arith.constant 10 : i32
    %swap3A_342 = arith.index_cast %swap3A_341 : i32 to index
    %swap3A_343 = arith.constant 0 : index
    %swap3A_344 = tpu.vector_load %arg12[%swap3A_342, %swap3A_343] {strides = array<i32>} : memref<32x32xf32, #tpu.memory_space<vmem>>, vector<16xf32>,
    tpu.vector_store %arg12[%swap3A_342, %swap3A_343], %gather3A_336 {strides = array<i32>} : memref<32x32xf32, #tpu.memory_space<vmem>>, vector<16xf32>,
    %swap3A_345 = arith.constant 10 : i32
    %swap3A_346 = arith.index_cast %swap3A_345 : i32 to index
    %swap3A_347 = arith.constant 16 : index
    %swap3A_348 = tpu.vector_load %arg12[%swap3A_346, %swap3A_347] {strides = array<i32>} : memref<32x32xf32, #tpu.memory_space<vmem>>, vector<16xf32>,
    tpu.vector_store %arg12[%swap3A_346, %swap3A_347], %gather3A_340 {strides = array<i32>} : memref<32x32xf32, #tpu.memory_space<vmem>>, vector<16xf32>,
    %mul3A_349 = arith.mulf %gather3A_336, %gather3A_336 : vector<16xf32>
    %add3A_350 = arith.addf %add3A_330, %mul3A_349 : vector<16xf32>
    %mul3A_351 = arith.mulf %gather3A_340, %gather3A_340 : vector<16xf32>
    %add3A_352 = arith.addf %add3A_332, %mul3A_351 : vector<16xf32>
    %add3A_353 = arith.constant 11 : i32
    %add3A_354 = vector.broadcast %add3A_353 : i32 to vector<16xi32>
    %add3A_355 = arith.addi %mul3A_127, %add3A_354 : vector<16xi32>
    %gather3A_356 = tpu.vector_load_idx %arg10[%add3A_355] : memref<1024xf32, #tpu.memory_space<vmem>>[vector<16xi32>], vector<16xf32>,
    %add3A_357 = arith.constant 11 : i32
    %add3A_358 = vector.broadcast %add3A_357 : i32 to vector<16xi32>
    %add3A_359 = arith.addi %mul3A_133, %add3A_358 : vector<16xi32>
    %gather3A_360 = tpu.vector_load_idx %arg10[%add3A_359] : memref<1024xf32, #tpu.memory_space<vmem>>[vector<16xi32>], vector<16xf32>,
    %swap3A_361 = arith.constant 11 : i32
    %swap3A_362 = arith.index_cast %swap3A_361 : i32 to index
    %swap3A_363 = arith.constant 0 : index
    %swap3A_364 = tpu.vector_load %arg12[%swap3A_362, %swap3A_363] {strides = array<i32>} : memref<32x32xf32, #tpu.memory_space<vmem>>, vector<16xf32>,
    tpu.vector_store %arg12[%swap3A_362, %swap3A_363], %gather3A_356 {strides = array<i32>} : memref<32x32xf32, #tpu.memory_space<vmem>>, vector<16xf32>,
    %swap3A_365 = arith.constant 11 : i32
    %swap3A_366 = arith.index_cast %swap3A_365 : i32 to index
    %swap3A_367 = arith.constant 16 : index
    %swap3A_368 = tpu.vector_load %arg12[%swap3A_366, %swap3A_367] {strides = array<i32>} : memref<32x32xf32, #tpu.memory_space<vmem>>, vector<16xf32>,
    tpu.vector_store %arg12[%swap3A_366, %swap3A_367], %gather3A_360 {strides = array<i32>} : memref<32x32xf32, #tpu.memory_space<vmem>>, vector<16xf32>,
    %mul3A_369 = arith.mulf %gather3A_356, %gather3A_356 : vector<16xf32>
    %add3A_370 = arith.addf %add3A_350, %mul3A_369 : vector<16xf32>
    %mul3A_371 = arith.mulf %gather3A_360, %gather3A_360 : vector<16xf32>
    %add3A_372 = arith.addf %add3A_352, %mul3A_371 : vector<16xf32>
    %add3A_373 = arith.constant 12 : i32
    %add3A_374 = vector.broadcast %add3A_373 : i32 to vector<16xi32>
    %add3A_375 = arith.addi %mul3A_127, %add3A_374 : vector<16xi32>
    %gather3A_376 = tpu.vector_load_idx %arg10[%add3A_375] : memref<1024xf32, #tpu.memory_space<vmem>>[vector<16xi32>], vector<16xf32>,
    %add3A_377 = arith.constant 12 : i32
    %add3A_378 = vector.broadcast %add3A_377 : i32 to vector<16xi32>
    %add3A_379 = arith.addi %mul3A_133, %add3A_378 : vector<16xi32>
    %gather3A_380 = tpu.vector_load_idx %arg10[%add3A_379] : memref<1024xf32, #tpu.memory_space<vmem>>[vector<16xi32>], vector<16xf32>,
    %swap3A_381 = arith.constant 12 : i32
    %swap3A_382 = arith.index_cast %swap3A_381 : i32 to index
    %swap3A_383 = arith.constant 0 : index
    %swap3A_384 = tpu.vector_load %arg12[%swap3A_382, %swap3A_383] {strides = array<i32>} : memref<32x32xf32, #tpu.memory_space<vmem>>, vector<16xf32>,
    tpu.vector_store %arg12[%swap3A_382, %swap3A_383], %gather3A_376 {strides = array<i32>} : memref<32x32xf32, #tpu.memory_space<vmem>>, vector<16xf32>,
    %swap3A_385 = arith.constant 12 : i32
    %swap3A_386 = arith.index_cast %swap3A_385 : i32 to index
    %swap3A_387 = arith.constant 16 : index
    %swap3A_388 = tpu.vector_load %arg12[%swap3A_386, %swap3A_387] {strides = array<i32>} : memref<32x32xf32, #tpu.memory_space<vmem>>, vector<16xf32>,
    tpu.vector_store %arg12[%swap3A_386, %swap3A_387], %gather3A_380 {strides = array<i32>} : memref<32x32xf32, #tpu.memory_space<vmem>>, vector<16xf32>,
    %mul3A_389 = arith.mulf %gather3A_376, %gather3A_376 : vector<16xf32>
    %add3A_390 = arith.addf %add3A_370, %mul3A_389 : vector<16xf32>
    %mul3A_391 = arith.mulf %gather3A_380, %gather3A_380 : vector<16xf32>
    %add3A_392 = arith.addf %add3A_372, %mul3A_391 : vector<16xf32>
    %add3A_393 = arith.constant 13 : i32
    %add3A_394 = vector.broadcast %add3A_393 : i32 to vector<16xi32>
    %add3A_395 = arith.addi %mul3A_127, %add3A_394 : vector<16xi32>
    %gather3A_396 = tpu.vector_load_idx %arg10[%add3A_395] : memref<1024xf32, #tpu.memory_space<vmem>>[vector<16xi32>], vector<16xf32>,
    %add3A_397 = arith.constant 13 : i32
    %add3A_398 = vector.broadcast %add3A_397 : i32 to vector<16xi32>
    %add3A_399 = arith.addi %mul3A_133, %add3A_398 : vector<16xi32>
    %gather3A_400 = tpu.vector_load_idx %arg10[%add3A_399] : memref<1024xf32, #tpu.memory_space<vmem>>[vector<16xi32>], vector<16xf32>,
    %swap3A_401 = arith.constant 13 : i32
    %swap3A_402 = arith.index_cast %swap3A_401 : i32 to index
    %swap3A_403 = arith.constant 0 : index
    %swap3A_404 = tpu.vector_load %arg12[%swap3A_402, %swap3A_403] {strides = array<i32>} : memref<32x32xf32, #tpu.memory_space<vmem>>, vector<16xf32>,
    tpu.vector_store %arg12[%swap3A_402, %swap3A_403], %gather3A_396 {strides = array<i32>} : memref<32x32xf32, #tpu.memory_space<vmem>>, vector<16xf32>,
    %swap3A_405 = arith.constant 13 : i32
    %swap3A_406 = arith.index_cast %swap3A_405 : i32 to index
    %swap3A_407 = arith.constant 16 : index
    %swap3A_408 = tpu.vector_load %arg12[%swap3A_406, %swap3A_407] {strides = array<i32>} : memref<32x32xf32, #tpu.memory_space<vmem>>, vector<16xf32>,
    tpu.vector_store %arg12[%swap3A_406, %swap3A_407], %gather3A_400 {strides = array<i32>} : memref<32x32xf32, #tpu.memory_space<vmem>>, vector<16xf32>,
    %mul3A_409 = arith.mulf %gather3A_396, %gather3A_396 : vector<16xf32>
    %add3A_410 = arith.addf %add3A_390, %mul3A_409 : vector<16xf32>
    %mul3A_411 = arith.mulf %gather3A_400, %gather3A_400 : vector<16xf32>
    %add3A_412 = arith.addf %add3A_392, %mul3A_411 : vector<16xf32>
    %add3A_413 = arith.constant 14 : i32
    %add3A_414 = vector.broadcast %add3A_413 : i32 to vector<16xi32>
    %add3A_415 = arith.addi %mul3A_127, %add3A_414 : vector<16xi32>
    %gather3A_416 = tpu.vector_load_idx %arg10[%add3A_415] : memref<1024xf32, #tpu.memory_space<vmem>>[vector<16xi32>], vector<16xf32>,
    %add3A_417 = arith.constant 14 : i32
    %add3A_418 = vector.broadcast %add3A_417 : i32 to vector<16xi32>
    %add3A_419 = arith.addi %mul3A_133, %add3A_418 : vector<16xi32>
    %gather3A_420 = tpu.vector_load_idx %arg10[%add3A_419] : memref<1024xf32, #tpu.memory_space<vmem>>[vector<16xi32>], vector<16xf32>,
    %swap3A_421 = arith.constant 14 : i32
    %swap3A_422 = arith.index_cast %swap3A_421 : i32 to index
    %swap3A_423 = arith.constant 0 : index
    %swap3A_424 = tpu.vector_load %arg12[%swap3A_422, %swap3A_423] {strides = array<i32>} : memref<32x32xf32, #tpu.memory_space<vmem>>, vector<16xf32>,
    tpu.vector_store %arg12[%swap3A_422, %swap3A_423], %gather3A_416 {strides = array<i32>} : memref<32x32xf32, #tpu.memory_space<vmem>>, vector<16xf32>,
    %swap3A_425 = arith.constant 14 : i32
    %swap3A_426 = arith.index_cast %swap3A_425 : i32 to index
    %swap3A_427 = arith.constant 16 : index
    %swap3A_428 = tpu.vector_load %arg12[%swap3A_426, %swap3A_427] {strides = array<i32>} : memref<32x32xf32, #tpu.memory_space<vmem>>, vector<16xf32>,
    tpu.vector_store %arg12[%swap3A_426, %swap3A_427], %gather3A_420 {strides = array<i32>} : memref<32x32xf32, #tpu.memory_space<vmem>>, vector<16xf32>,
    %mul3A_429 = arith.mulf %gather3A_416, %gather3A_416 : vector<16xf32>
    %add3A_430 = arith.addf %add3A_410, %mul3A_429 : vector<16xf32>
    %mul3A_431 = arith.mulf %gather3A_420, %gather3A_420 : vector<16xf32>
    %add3A_432 = arith.addf %add3A_412, %mul3A_431 : vector<16xf32>
    %add3A_433 = arith.constant 15 : i32
    %add3A_434 = vector.broadcast %add3A_433 : i32 to vector<16xi32>
    %add3A_435 = arith.addi %mul3A_127, %add3A_434 : vector<16xi32>
    %gather3A_436 = tpu.vector_load_idx %arg10[%add3A_435] : memref<1024xf32, #tpu.memory_space<vmem>>[vector<16xi32>], vector<16xf32>,
    %add3A_437 = arith.constant 15 : i32
    %add3A_438 = vector.broadcast %add3A_437 : i32 to vector<16xi32>
    %add3A_439 = arith.addi %mul3A_133, %add3A_438 : vector<16xi32>
    %gather3A_440 = tpu.vector_load_idx %arg10[%add3A_439] : memref<1024xf32, #tpu.memory_space<vmem>>[vector<16xi32>], vector<16xf32>,
    %swap3A_441 = arith.constant 15 : i32
    %swap3A_442 = arith.index_cast %swap3A_441 : i32 to index
    %swap3A_443 = arith.constant 0 : index
    %swap3A_444 = tpu.vector_load %arg12[%swap3A_442, %swap3A_443] {strides = array<i32>} : memref<32x32xf32, #tpu.memory_space<vmem>>, vector<16xf32>,
    tpu.vector_store %arg12[%swap3A_442, %swap3A_443], %gather3A_436 {strides = array<i32>} : memref<32x32xf32, #tpu.memory_space<vmem>>, vector<16xf32>,
    %swap3A_445 = arith.constant 15 : i32
    %swap3A_446 = arith.index_cast %swap3A_445 : i32 to index
    %swap3A_447 = arith.constant 16 : index
    %swap3A_448 = tpu.vector_load %arg12[%swap3A_446, %swap3A_447] {strides = array<i32>} : memref<32x32xf32, #tpu.memory_space<vmem>>, vector<16xf32>,
    tpu.vector_store %arg12[%swap3A_446, %swap3A_447], %gather3A_440 {strides = array<i32>} : memref<32x32xf32, #tpu.memory_space<vmem>>, vector<16xf32>,
    %mul3A_449 = arith.mulf %gather3A_436, %gather3A_436 : vector<16xf32>
    %add3A_450 = arith.addf %add3A_430, %mul3A_449 : vector<16xf32>
    %mul3A_451 = arith.mulf %gather3A_440, %gather3A_440 : vector<16xf32>
    %add3A_452 = arith.addf %add3A_432, %mul3A_451 : vector<16xf32>
    %add3A_453 = arith.constant 16 : i32
    %add3A_454 = vector.broadcast %add3A_453 : i32 to vector<16xi32>
    %add3A_455 = arith.addi %mul3A_127, %add3A_454 : vector<16xi32>
    %gather3A_456 = tpu.vector_load_idx %arg10[%add3A_455] : memref<1024xf32, #tpu.memory_space<vmem>>[vector<16xi32>], vector<16xf32>,
    %add3A_457 = arith.constant 16 : i32
    %add3A_458 = vector.broadcast %add3A_457 : i32 to vector<16xi32>
    %add3A_459 = arith.addi %mul3A_133, %add3A_458 : vector<16xi32>
    %gather3A_460 = tpu.vector_load_idx %arg10[%add3A_459] : memref<1024xf32, #tpu.memory_space<vmem>>[vector<16xi32>], vector<16xf32>,
    %swap3A_461 = arith.constant 16 : i32
    %swap3A_462 = arith.index_cast %swap3A_461 : i32 to index
    %swap3A_463 = arith.constant 0 : index
    %swap3A_464 = tpu.vector_load %arg12[%swap3A_462, %swap3A_463] {strides = array<i32>} : memref<32x32xf32, #tpu.memory_space<vmem>>, vector<16xf32>,
    tpu.vector_store %arg12[%swap3A_462, %swap3A_463], %gather3A_456 {strides = array<i32>} : memref<32x32xf32, #tpu.memory_space<vmem>>, vector<16xf32>,
    %swap3A_465 = arith.constant 16 : i32
    %swap3A_466 = arith.index_cast %swap3A_465 : i32 to index
    %swap3A_467 = arith.constant 16 : index
    %swap3A_468 = tpu.vector_load %arg12[%swap3A_466, %swap3A_467] {strides = array<i32>} : memref<32x32xf32, #tpu.memory_space<vmem>>, vector<16xf32>,
    tpu.vector_store %arg12[%swap3A_466, %swap3A_467], %gather3A_460 {strides = array<i32>} : memref<32x32xf32, #tpu.memory_space<vmem>>, vector<16xf32>,
    %mul3A_469 = arith.mulf %gather3A_456, %gather3A_456 : vector<16xf32>
    %add3A_470 = arith.addf %add3A_450, %mul3A_469 : vector<16xf32>
    %mul3A_471 = arith.mulf %gather3A_460, %gather3A_460 : vector<16xf32>
    %add3A_472 = arith.addf %add3A_452, %mul3A_471 : vector<16xf32>
    %add3A_473 = arith.constant 17 : i32
    %add3A_474 = vector.broadcast %add3A_473 : i32 to vector<16xi32>
    %add3A_475 = arith.addi %mul3A_127, %add3A_474 : vector<16xi32>
    %gather3A_476 = tpu.vector_load_idx %arg10[%add3A_475] : memref<1024xf32, #tpu.memory_space<vmem>>[vector<16xi32>], vector<16xf32>,
    %add3A_477 = arith.constant 17 : i32
    %add3A_478 = vector.broadcast %add3A_477 : i32 to vector<16xi32>
    %add3A_479 = arith.addi %mul3A_133, %add3A_478 : vector<16xi32>
    %gather3A_480 = tpu.vector_load_idx %arg10[%add3A_479] : memref<1024xf32, #tpu.memory_space<vmem>>[vector<16xi32>], vector<16xf32>,
    %swap3A_481 = arith.constant 17 : i32
    %swap3A_482 = arith.index_cast %swap3A_481 : i32 to index
    %swap3A_483 = arith.constant 0 : index
    %swap3A_484 = tpu.vector_load %arg12[%swap3A_482, %swap3A_483] {strides = array<i32>} : memref<32x32xf32, #tpu.memory_space<vmem>>, vector<16xf32>,
    tpu.vector_store %arg12[%swap3A_482, %swap3A_483], %gather3A_476 {strides = array<i32>} : memref<32x32xf32, #tpu.memory_space<vmem>>, vector<16xf32>,
    %swap3A_485 = arith.constant 17 : i32
    %swap3A_486 = arith.index_cast %swap3A_485 : i32 to index
    %swap3A_487 = arith.constant 16 : index
    %swap3A_488 = tpu.vector_load %arg12[%swap3A_486, %swap3A_487] {strides = array<i32>} : memref<32x32xf32, #tpu.memory_space<vmem>>, vector<16xf32>,
    tpu.vector_store %arg12[%swap3A_486, %swap3A_487], %gather3A_480 {strides = array<i32>} : memref<32x32xf32, #tpu.memory_space<vmem>>, vector<16xf32>,
    %mul3A_489 = arith.mulf %gather3A_476, %gather3A_476 : vector<16xf32>
    %add3A_490 = arith.addf %add3A_470, %mul3A_489 : vector<16xf32>
    %mul3A_491 = arith.mulf %gather3A_480, %gather3A_480 : vector<16xf32>
    %add3A_492 = arith.addf %add3A_472, %mul3A_491 : vector<16xf32>
    %add3A_493 = arith.constant 18 : i32
    %add3A_494 = vector.broadcast %add3A_493 : i32 to vector<16xi32>
    %add3A_495 = arith.addi %mul3A_127, %add3A_494 : vector<16xi32>
    %gather3A_496 = tpu.vector_load_idx %arg10[%add3A_495] : memref<1024xf32, #tpu.memory_space<vmem>>[vector<16xi32>], vector<16xf32>,
    %add3A_497 = arith.constant 18 : i32
    %add3A_498 = vector.broadcast %add3A_497 : i32 to vector<16xi32>
    %add3A_499 = arith.addi %mul3A_133, %add3A_498 : vector<16xi32>
    %gather3A_500 = tpu.vector_load_idx %arg10[%add3A_499] : memref<1024xf32, #tpu.memory_space<vmem>>[vector<16xi32>], vector<16xf32>,
    %swap3A_501 = arith.constant 18 : i32
    %swap3A_502 = arith.index_cast %swap3A_501 : i32 to index
    %swap3A_503 = arith.constant 0 : index
    %swap3A_504 = tpu.vector_load %arg12[%swap3A_502, %swap3A_503] {strides = array<i32>} : memref<32x32xf32, #tpu.memory_space<vmem>>, vector<16xf32>,
    tpu.vector_store %arg12[%swap3A_502, %swap3A_503], %gather3A_496 {strides = array<i32>} : memref<32x32xf32, #tpu.memory_space<vmem>>, vector<16xf32>,
    %swap3A_505 = arith.constant 18 : i32
    %swap3A_506 = arith.index_cast %swap3A_505 : i32 to index
    %swap3A_507 = arith.constant 16 : index
    %swap3A_508 = tpu.vector_load %arg12[%swap3A_506, %swap3A_507] {strides = array<i32>} : memref<32x32xf32, #tpu.memory_space<vmem>>, vector<16xf32>,
    tpu.vector_store %arg12[%swap3A_506, %swap3A_507], %gather3A_500 {strides = array<i32>} : memref<32x32xf32, #tpu.memory_space<vmem>>, vector<16xf32>,
    %mul3A_509 = arith.mulf %gather3A_496, %gather3A_496 : vector<16xf32>
    %add3A_510 = arith.addf %add3A_490, %mul3A_509 : vector<16xf32>
    %mul3A_511 = arith.mulf %gather3A_500, %gather3A_500 : vector<16xf32>
    %add3A_512 = arith.addf %add3A_492, %mul3A_511 : vector<16xf32>
    %add3A_513 = arith.constant 19 : i32
    %add3A_514 = vector.broadcast %add3A_513 : i32 to vector<16xi32>
    %add3A_515 = arith.addi %mul3A_127, %add3A_514 : vector<16xi32>
    %gather3A_516 = tpu.vector_load_idx %arg10[%add3A_515] : memref<1024xf32, #tpu.memory_space<vmem>>[vector<16xi32>], vector<16xf32>,
    %add3A_517 = arith.constant 19 : i32
    %add3A_518 = vector.broadcast %add3A_517 : i32 to vector<16xi32>
    %add3A_519 = arith.addi %mul3A_133, %add3A_518 : vector<16xi32>
    %gather3A_520 = tpu.vector_load_idx %arg10[%add3A_519] : memref<1024xf32, #tpu.memory_space<vmem>>[vector<16xi32>], vector<16xf32>,
    %swap3A_521 = arith.constant 19 : i32
    %swap3A_522 = arith.index_cast %swap3A_521 : i32 to index
    %swap3A_523 = arith.constant 0 : index
    %swap3A_524 = tpu.vector_load %arg12[%swap3A_522, %swap3A_523] {strides = array<i32>} : memref<32x32xf32, #tpu.memory_space<vmem>>, vector<16xf32>,
    tpu.vector_store %arg12[%swap3A_522, %swap3A_523], %gather3A_516 {strides = array<i32>} : memref<32x32xf32, #tpu.memory_space<vmem>>, vector<16xf32>,
    %swap3A_525 = arith.constant 19 : i32
    %swap3A_526 = arith.index_cast %swap3A_525 : i32 to index
    %swap3A_527 = arith.constant 16 : index
    %swap3A_528 = tpu.vector_load %arg12[%swap3A_526, %swap3A_527] {strides = array<i32>} : memref<32x32xf32, #tpu.memory_space<vmem>>, vector<16xf32>,
    tpu.vector_store %arg12[%swap3A_526, %swap3A_527], %gather3A_520 {strides = array<i32>} : memref<32x32xf32, #tpu.memory_space<vmem>>, vector<16xf32>,
    %mul3A_529 = arith.mulf %gather3A_516, %gather3A_516 : vector<16xf32>
    %add3A_530 = arith.addf %add3A_510, %mul3A_529 : vector<16xf32>
    %mul3A_531 = arith.mulf %gather3A_520, %gather3A_520 : vector<16xf32>
    %add3A_532 = arith.addf %add3A_512, %mul3A_531 : vector<16xf32>
    %add3A_533 = arith.constant 20 : i32
    %add3A_534 = vector.broadcast %add3A_533 : i32 to vector<16xi32>
    %add3A_535 = arith.addi %mul3A_127, %add3A_534 : vector<16xi32>
    %gather3A_536 = tpu.vector_load_idx %arg10[%add3A_535] : memref<1024xf32, #tpu.memory_space<vmem>>[vector<16xi32>], vector<16xf32>,
    %add3A_537 = arith.constant 20 : i32
    %add3A_538 = vector.broadcast %add3A_537 : i32 to vector<16xi32>
    %add3A_539 = arith.addi %mul3A_133, %add3A_538 : vector<16xi32>
    %gather3A_540 = tpu.vector_load_idx %arg10[%add3A_539] : memref<1024xf32, #tpu.memory_space<vmem>>[vector<16xi32>], vector<16xf32>,
    %swap3A_541 = arith.constant 20 : i32
    %swap3A_542 = arith.index_cast %swap3A_541 : i32 to index
    %swap3A_543 = arith.constant 0 : index
    %swap3A_544 = tpu.vector_load %arg12[%swap3A_542, %swap3A_543] {strides = array<i32>} : memref<32x32xf32, #tpu.memory_space<vmem>>, vector<16xf32>,
    tpu.vector_store %arg12[%swap3A_542, %swap3A_543], %gather3A_536 {strides = array<i32>} : memref<32x32xf32, #tpu.memory_space<vmem>>, vector<16xf32>,
    %swap3A_545 = arith.constant 20 : i32
    %swap3A_546 = arith.index_cast %swap3A_545 : i32 to index
    %swap3A_547 = arith.constant 16 : index
    %swap3A_548 = tpu.vector_load %arg12[%swap3A_546, %swap3A_547] {strides = array<i32>} : memref<32x32xf32, #tpu.memory_space<vmem>>, vector<16xf32>,
    tpu.vector_store %arg12[%swap3A_546, %swap3A_547], %gather3A_540 {strides = array<i32>} : memref<32x32xf32, #tpu.memory_space<vmem>>, vector<16xf32>,
    %mul3A_549 = arith.mulf %gather3A_536, %gather3A_536 : vector<16xf32>
    %add3A_550 = arith.addf %add3A_530, %mul3A_549 : vector<16xf32>
    %mul3A_551 = arith.mulf %gather3A_540, %gather3A_540 : vector<16xf32>
    %add3A_552 = arith.addf %add3A_532, %mul3A_551 : vector<16xf32>
    %add3A_553 = arith.constant 21 : i32
    %add3A_554 = vector.broadcast %add3A_553 : i32 to vector<16xi32>
    %add3A_555 = arith.addi %mul3A_127, %add3A_554 : vector<16xi32>
    %gather3A_556 = tpu.vector_load_idx %arg10[%add3A_555] : memref<1024xf32, #tpu.memory_space<vmem>>[vector<16xi32>], vector<16xf32>,
    %add3A_557 = arith.constant 21 : i32
    %add3A_558 = vector.broadcast %add3A_557 : i32 to vector<16xi32>
    %add3A_559 = arith.addi %mul3A_133, %add3A_558 : vector<16xi32>
    %gather3A_560 = tpu.vector_load_idx %arg10[%add3A_559] : memref<1024xf32, #tpu.memory_space<vmem>>[vector<16xi32>], vector<16xf32>,
    %swap3A_561 = arith.constant 21 : i32
    %swap3A_562 = arith.index_cast %swap3A_561 : i32 to index
    %swap3A_563 = arith.constant 0 : index
    %swap3A_564 = tpu.vector_load %arg12[%swap3A_562, %swap3A_563] {strides = array<i32>} : memref<32x32xf32, #tpu.memory_space<vmem>>, vector<16xf32>,
    tpu.vector_store %arg12[%swap3A_562, %swap3A_563], %gather3A_556 {strides = array<i32>} : memref<32x32xf32, #tpu.memory_space<vmem>>, vector<16xf32>,
    %swap3A_565 = arith.constant 21 : i32
    %swap3A_566 = arith.index_cast %swap3A_565 : i32 to index
    %swap3A_567 = arith.constant 16 : index
    %swap3A_568 = tpu.vector_load %arg12[%swap3A_566, %swap3A_567] {strides = array<i32>} : memref<32x32xf32, #tpu.memory_space<vmem>>, vector<16xf32>,
    tpu.vector_store %arg12[%swap3A_566, %swap3A_567], %gather3A_560 {strides = array<i32>} : memref<32x32xf32, #tpu.memory_space<vmem>>, vector<16xf32>,
    %mul3A_569 = arith.mulf %gather3A_556, %gather3A_556 : vector<16xf32>
    %add3A_570 = arith.addf %add3A_550, %mul3A_569 : vector<16xf32>
    %mul3A_571 = arith.mulf %gather3A_560, %gather3A_560 : vector<16xf32>
    %add3A_572 = arith.addf %add3A_552, %mul3A_571 : vector<16xf32>
    %add3A_573 = arith.constant 22 : i32
    %add3A_574 = vector.broadcast %add3A_573 : i32 to vector<16xi32>
    %add3A_575 = arith.addi %mul3A_127, %add3A_574 : vector<16xi32>
    %gather3A_576 = tpu.vector_load_idx %arg10[%add3A_575] : memref<1024xf32, #tpu.memory_space<vmem>>[vector<16xi32>], vector<16xf32>,
    %add3A_577 = arith.constant 22 : i32
    %add3A_578 = vector.broadcast %add3A_577 : i32 to vector<16xi32>
    %add3A_579 = arith.addi %mul3A_133, %add3A_578 : vector<16xi32>
    %gather3A_580 = tpu.vector_load_idx %arg10[%add3A_579] : memref<1024xf32, #tpu.memory_space<vmem>>[vector<16xi32>], vector<16xf32>,
    %swap3A_581 = arith.constant 22 : i32
    %swap3A_582 = arith.index_cast %swap3A_581 : i32 to index
    %swap3A_583 = arith.constant 0 : index
    %swap3A_584 = tpu.vector_load %arg12[%swap3A_582, %swap3A_583] {strides = array<i32>} : memref<32x32xf32, #tpu.memory_space<vmem>>, vector<16xf32>,
    tpu.vector_store %arg12[%swap3A_582, %swap3A_583], %gather3A_576 {strides = array<i32>} : memref<32x32xf32, #tpu.memory_space<vmem>>, vector<16xf32>,
    %swap3A_585 = arith.constant 22 : i32
    %swap3A_586 = arith.index_cast %swap3A_585 : i32 to index
    %swap3A_587 = arith.constant 16 : index
    %swap3A_588 = tpu.vector_load %arg12[%swap3A_586, %swap3A_587] {strides = array<i32>} : memref<32x32xf32, #tpu.memory_space<vmem>>, vector<16xf32>,
    tpu.vector_store %arg12[%swap3A_586, %swap3A_587], %gather3A_580 {strides = array<i32>} : memref<32x32xf32, #tpu.memory_space<vmem>>, vector<16xf32>,
    %mul3A_589 = arith.mulf %gather3A_576, %gather3A_576 : vector<16xf32>
    %add3A_590 = arith.addf %add3A_570, %mul3A_589 : vector<16xf32>
    %mul3A_591 = arith.mulf %gather3A_580, %gather3A_580 : vector<16xf32>
    %add3A_592 = arith.addf %add3A_572, %mul3A_591 : vector<16xf32>
    %add3A_593 = arith.constant 23 : i32
    %add3A_594 = vector.broadcast %add3A_593 : i32 to vector<16xi32>
    %add3A_595 = arith.addi %mul3A_127, %add3A_594 : vector<16xi32>
    %gather3A_596 = tpu.vector_load_idx %arg10[%add3A_595] : memref<1024xf32, #tpu.memory_space<vmem>>[vector<16xi32>], vector<16xf32>,
    %add3A_597 = arith.constant 23 : i32
    %add3A_598 = vector.broadcast %add3A_597 : i32 to vector<16xi32>
    %add3A_599 = arith.addi %mul3A_133, %add3A_598 : vector<16xi32>
    %gather3A_600 = tpu.vector_load_idx %arg10[%add3A_599] : memref<1024xf32, #tpu.memory_space<vmem>>[vector<16xi32>], vector<16xf32>,
    %swap3A_601 = arith.constant 23 : i32
    %swap3A_602 = arith.index_cast %swap3A_601 : i32 to index
    %swap3A_603 = arith.constant 0 : index
    %swap3A_604 = tpu.vector_load %arg12[%swap3A_602, %swap3A_603] {strides = array<i32>} : memref<32x32xf32, #tpu.memory_space<vmem>>, vector<16xf32>,
    tpu.vector_store %arg12[%swap3A_602, %swap3A_603], %gather3A_596 {strides = array<i32>} : memref<32x32xf32, #tpu.memory_space<vmem>>, vector<16xf32>,
    %swap3A_605 = arith.constant 23 : i32
    %swap3A_606 = arith.index_cast %swap3A_605 : i32 to index
    %swap3A_607 = arith.constant 16 : index
    %swap3A_608 = tpu.vector_load %arg12[%swap3A_606, %swap3A_607] {strides = array<i32>} : memref<32x32xf32, #tpu.memory_space<vmem>>, vector<16xf32>,
    tpu.vector_store %arg12[%swap3A_606, %swap3A_607], %gather3A_600 {strides = array<i32>} : memref<32x32xf32, #tpu.memory_space<vmem>>, vector<16xf32>,
    %mul3A_609 = arith.mulf %gather3A_596, %gather3A_596 : vector<16xf32>
    %add3A_610 = arith.addf %add3A_590, %mul3A_609 : vector<16xf32>
    %mul3A_611 = arith.mulf %gather3A_600, %gather3A_600 : vector<16xf32>
    %add3A_612 = arith.addf %add3A_592, %mul3A_611 : vector<16xf32>
    %add3A_613 = arith.constant 24 : i32
    %add3A_614 = vector.broadcast %add3A_613 : i32 to vector<16xi32>
    %add3A_615 = arith.addi %mul3A_127, %add3A_614 : vector<16xi32>
    %gather3A_616 = tpu.vector_load_idx %arg10[%add3A_615] : memref<1024xf32, #tpu.memory_space<vmem>>[vector<16xi32>], vector<16xf32>,
    %add3A_617 = arith.constant 24 : i32
    %add3A_618 = vector.broadcast %add3A_617 : i32 to vector<16xi32>
    %add3A_619 = arith.addi %mul3A_133, %add3A_618 : vector<16xi32>
    %gather3A_620 = tpu.vector_load_idx %arg10[%add3A_619] : memref<1024xf32, #tpu.memory_space<vmem>>[vector<16xi32>], vector<16xf32>,
    %swap3A_621 = arith.constant 24 : i32
    %swap3A_622 = arith.index_cast %swap3A_621 : i32 to index
    %swap3A_623 = arith.constant 0 : index
    %swap3A_624 = tpu.vector_load %arg12[%swap3A_622, %swap3A_623] {strides = array<i32>} : memref<32x32xf32, #tpu.memory_space<vmem>>, vector<16xf32>,
    tpu.vector_store %arg12[%swap3A_622, %swap3A_623], %gather3A_616 {strides = array<i32>} : memref<32x32xf32, #tpu.memory_space<vmem>>, vector<16xf32>,
    %swap3A_625 = arith.constant 24 : i32
    %swap3A_626 = arith.index_cast %swap3A_625 : i32 to index
    %swap3A_627 = arith.constant 16 : index
    %swap3A_628 = tpu.vector_load %arg12[%swap3A_626, %swap3A_627] {strides = array<i32>} : memref<32x32xf32, #tpu.memory_space<vmem>>, vector<16xf32>,
    tpu.vector_store %arg12[%swap3A_626, %swap3A_627], %gather3A_620 {strides = array<i32>} : memref<32x32xf32, #tpu.memory_space<vmem>>, vector<16xf32>,
    %mul3A_629 = arith.mulf %gather3A_616, %gather3A_616 : vector<16xf32>
    %add3A_630 = arith.addf %add3A_610, %mul3A_629 : vector<16xf32>
    %mul3A_631 = arith.mulf %gather3A_620, %gather3A_620 : vector<16xf32>
    %add3A_632 = arith.addf %add3A_612, %mul3A_631 : vector<16xf32>
    %add3A_633 = arith.constant 25 : i32
    %add3A_634 = vector.broadcast %add3A_633 : i32 to vector<16xi32>
    %add3A_635 = arith.addi %mul3A_127, %add3A_634 : vector<16xi32>
    %gather3A_636 = tpu.vector_load_idx %arg10[%add3A_635] : memref<1024xf32, #tpu.memory_space<vmem>>[vector<16xi32>], vector<16xf32>,
    %add3A_637 = arith.constant 25 : i32
    %add3A_638 = vector.broadcast %add3A_637 : i32 to vector<16xi32>
    %add3A_639 = arith.addi %mul3A_133, %add3A_638 : vector<16xi32>
    %gather3A_640 = tpu.vector_load_idx %arg10[%add3A_639] : memref<1024xf32, #tpu.memory_space<vmem>>[vector<16xi32>], vector<16xf32>,
    %swap3A_641 = arith.constant 25 : i32
    %swap3A_642 = arith.index_cast %swap3A_641 : i32 to index
    %swap3A_643 = arith.constant 0 : index
    %swap3A_644 = tpu.vector_load %arg12[%swap3A_642, %swap3A_643] {strides = array<i32>} : memref<32x32xf32, #tpu.memory_space<vmem>>, vector<16xf32>,
    tpu.vector_store %arg12[%swap3A_642, %swap3A_643], %gather3A_636 {strides = array<i32>} : memref<32x32xf32, #tpu.memory_space<vmem>>, vector<16xf32>,
    %swap3A_645 = arith.constant 25 : i32
    %swap3A_646 = arith.index_cast %swap3A_645 : i32 to index
    %swap3A_647 = arith.constant 16 : index
    %swap3A_648 = tpu.vector_load %arg12[%swap3A_646, %swap3A_647] {strides = array<i32>} : memref<32x32xf32, #tpu.memory_space<vmem>>, vector<16xf32>,
    tpu.vector_store %arg12[%swap3A_646, %swap3A_647], %gather3A_640 {strides = array<i32>} : memref<32x32xf32, #tpu.memory_space<vmem>>, vector<16xf32>,
    %mul3A_649 = arith.mulf %gather3A_636, %gather3A_636 : vector<16xf32>
    %add3A_650 = arith.addf %add3A_630, %mul3A_649 : vector<16xf32>
    %mul3A_651 = arith.mulf %gather3A_640, %gather3A_640 : vector<16xf32>
    %add3A_652 = arith.addf %add3A_632, %mul3A_651 : vector<16xf32>
    %add3A_653 = arith.constant 26 : i32
    %add3A_654 = vector.broadcast %add3A_653 : i32 to vector<16xi32>
    %add3A_655 = arith.addi %mul3A_127, %add3A_654 : vector<16xi32>
    %gather3A_656 = tpu.vector_load_idx %arg10[%add3A_655] : memref<1024xf32, #tpu.memory_space<vmem>>[vector<16xi32>], vector<16xf32>,
    %add3A_657 = arith.constant 26 : i32
    %add3A_658 = vector.broadcast %add3A_657 : i32 to vector<16xi32>
    %add3A_659 = arith.addi %mul3A_133, %add3A_658 : vector<16xi32>
    %gather3A_660 = tpu.vector_load_idx %arg10[%add3A_659] : memref<1024xf32, #tpu.memory_space<vmem>>[vector<16xi32>], vector<16xf32>,
    %swap3A_661 = arith.constant 26 : i32
    %swap3A_662 = arith.index_cast %swap3A_661 : i32 to index
    %swap3A_663 = arith.constant 0 : index
    %swap3A_664 = tpu.vector_load %arg12[%swap3A_662, %swap3A_663] {strides = array<i32>} : memref<32x32xf32, #tpu.memory_space<vmem>>, vector<16xf32>,
    tpu.vector_store %arg12[%swap3A_662, %swap3A_663], %gather3A_656 {strides = array<i32>} : memref<32x32xf32, #tpu.memory_space<vmem>>, vector<16xf32>,
    %swap3A_665 = arith.constant 26 : i32
    %swap3A_666 = arith.index_cast %swap3A_665 : i32 to index
    %swap3A_667 = arith.constant 16 : index
    %swap3A_668 = tpu.vector_load %arg12[%swap3A_666, %swap3A_667] {strides = array<i32>} : memref<32x32xf32, #tpu.memory_space<vmem>>, vector<16xf32>,
    tpu.vector_store %arg12[%swap3A_666, %swap3A_667], %gather3A_660 {strides = array<i32>} : memref<32x32xf32, #tpu.memory_space<vmem>>, vector<16xf32>,
    %mul3A_669 = arith.mulf %gather3A_656, %gather3A_656 : vector<16xf32>
    %add3A_670 = arith.addf %add3A_650, %mul3A_669 : vector<16xf32>
    %mul3A_671 = arith.mulf %gather3A_660, %gather3A_660 : vector<16xf32>
    %add3A_672 = arith.addf %add3A_652, %mul3A_671 : vector<16xf32>
    %add3A_673 = arith.constant 27 : i32
    %add3A_674 = vector.broadcast %add3A_673 : i32 to vector<16xi32>
    %add3A_675 = arith.addi %mul3A_127, %add3A_674 : vector<16xi32>
    %gather3A_676 = tpu.vector_load_idx %arg10[%add3A_675] : memref<1024xf32, #tpu.memory_space<vmem>>[vector<16xi32>], vector<16xf32>,
    %add3A_677 = arith.constant 27 : i32
    %add3A_678 = vector.broadcast %add3A_677 : i32 to vector<16xi32>
    %add3A_679 = arith.addi %mul3A_133, %add3A_678 : vector<16xi32>
    %gather3A_680 = tpu.vector_load_idx %arg10[%add3A_679] : memref<1024xf32, #tpu.memory_space<vmem>>[vector<16xi32>], vector<16xf32>,
    %swap3A_681 = arith.constant 27 : i32
    %swap3A_682 = arith.index_cast %swap3A_681 : i32 to index
    %swap3A_683 = arith.constant 0 : index
    %swap3A_684 = tpu.vector_load %arg12[%swap3A_682, %swap3A_683] {strides = array<i32>} : memref<32x32xf32, #tpu.memory_space<vmem>>, vector<16xf32>,
    tpu.vector_store %arg12[%swap3A_682, %swap3A_683], %gather3A_676 {strides = array<i32>} : memref<32x32xf32, #tpu.memory_space<vmem>>, vector<16xf32>,
    %swap3A_685 = arith.constant 27 : i32
    %swap3A_686 = arith.index_cast %swap3A_685 : i32 to index
    %swap3A_687 = arith.constant 16 : index
    %swap3A_688 = tpu.vector_load %arg12[%swap3A_686, %swap3A_687] {strides = array<i32>} : memref<32x32xf32, #tpu.memory_space<vmem>>, vector<16xf32>,
    tpu.vector_store %arg12[%swap3A_686, %swap3A_687], %gather3A_680 {strides = array<i32>} : memref<32x32xf32, #tpu.memory_space<vmem>>, vector<16xf32>,
    %mul3A_689 = arith.mulf %gather3A_676, %gather3A_676 : vector<16xf32>
    %add3A_690 = arith.addf %add3A_670, %mul3A_689 : vector<16xf32>
    %mul3A_691 = arith.mulf %gather3A_680, %gather3A_680 : vector<16xf32>
    %add3A_692 = arith.addf %add3A_672, %mul3A_691 : vector<16xf32>
    %add3A_693 = arith.constant 28 : i32
    %add3A_694 = vector.broadcast %add3A_693 : i32 to vector<16xi32>
    %add3A_695 = arith.addi %mul3A_127, %add3A_694 : vector<16xi32>
    %gather3A_696 = tpu.vector_load_idx %arg10[%add3A_695] : memref<1024xf32, #tpu.memory_space<vmem>>[vector<16xi32>], vector<16xf32>,
    %add3A_697 = arith.constant 28 : i32
    %add3A_698 = vector.broadcast %add3A_697 : i32 to vector<16xi32>
    %add3A_699 = arith.addi %mul3A_133, %add3A_698 : vector<16xi32>
    %gather3A_700 = tpu.vector_load_idx %arg10[%add3A_699] : memref<1024xf32, #tpu.memory_space<vmem>>[vector<16xi32>], vector<16xf32>,
    %swap3A_701 = arith.constant 28 : i32
    %swap3A_702 = arith.index_cast %swap3A_701 : i32 to index
    %swap3A_703 = arith.constant 0 : index
    %swap3A_704 = tpu.vector_load %arg12[%swap3A_702, %swap3A_703] {strides = array<i32>} : memref<32x32xf32, #tpu.memory_space<vmem>>, vector<16xf32>,
    tpu.vector_store %arg12[%swap3A_702, %swap3A_703], %gather3A_696 {strides = array<i32>} : memref<32x32xf32, #tpu.memory_space<vmem>>, vector<16xf32>,
    %swap3A_705 = arith.constant 28 : i32
    %swap3A_706 = arith.index_cast %swap3A_705 : i32 to index
    %swap3A_707 = arith.constant 16 : index
    %swap3A_708 = tpu.vector_load %arg12[%swap3A_706, %swap3A_707] {strides = array<i32>} : memref<32x32xf32, #tpu.memory_space<vmem>>, vector<16xf32>,
    tpu.vector_store %arg12[%swap3A_706, %swap3A_707], %gather3A_700 {strides = array<i32>} : memref<32x32xf32, #tpu.memory_space<vmem>>, vector<16xf32>,
    %mul3A_709 = arith.mulf %gather3A_696, %gather3A_696 : vector<16xf32>
    %add3A_710 = arith.addf %add3A_690, %mul3A_709 : vector<16xf32>
    %mul3A_711 = arith.mulf %gather3A_700, %gather3A_700 : vector<16xf32>
    %add3A_712 = arith.addf %add3A_692, %mul3A_711 : vector<16xf32>
    %add3A_713 = arith.constant 29 : i32
    %add3A_714 = vector.broadcast %add3A_713 : i32 to vector<16xi32>
    %add3A_715 = arith.addi %mul3A_127, %add3A_714 : vector<16xi32>
    %gather3A_716 = tpu.vector_load_idx %arg10[%add3A_715] : memref<1024xf32, #tpu.memory_space<vmem>>[vector<16xi32>], vector<16xf32>,
    %add3A_717 = arith.constant 29 : i32
    %add3A_718 = vector.broadcast %add3A_717 : i32 to vector<16xi32>
    %add3A_719 = arith.addi %mul3A_133, %add3A_718 : vector<16xi32>
    %gather3A_720 = tpu.vector_load_idx %arg10[%add3A_719] : memref<1024xf32, #tpu.memory_space<vmem>>[vector<16xi32>], vector<16xf32>,
    %swap3A_721 = arith.constant 29 : i32
    %swap3A_722 = arith.index_cast %swap3A_721 : i32 to index
    %swap3A_723 = arith.constant 0 : index
    %swap3A_724 = tpu.vector_load %arg12[%swap3A_722, %swap3A_723] {strides = array<i32>} : memref<32x32xf32, #tpu.memory_space<vmem>>, vector<16xf32>,
    tpu.vector_store %arg12[%swap3A_722, %swap3A_723], %gather3A_716 {strides = array<i32>} : memref<32x32xf32, #tpu.memory_space<vmem>>, vector<16xf32>,
    %swap3A_725 = arith.constant 29 : i32
    %swap3A_726 = arith.index_cast %swap3A_725 : i32 to index
    %swap3A_727 = arith.constant 16 : index
    %swap3A_728 = tpu.vector_load %arg12[%swap3A_726, %swap3A_727] {strides = array<i32>} : memref<32x32xf32, #tpu.memory_space<vmem>>, vector<16xf32>,
    tpu.vector_store %arg12[%swap3A_726, %swap3A_727], %gather3A_720 {strides = array<i32>} : memref<32x32xf32, #tpu.memory_space<vmem>>, vector<16xf32>,
    %mul3A_729 = arith.mulf %gather3A_716, %gather3A_716 : vector<16xf32>
    %add3A_730 = arith.addf %add3A_710, %mul3A_729 : vector<16xf32>
    %mul3A_731 = arith.mulf %gather3A_720, %gather3A_720 : vector<16xf32>
    %add3A_732 = arith.addf %add3A_712, %mul3A_731 : vector<16xf32>
    %add3A_733 = arith.constant 30 : i32
    %add3A_734 = vector.broadcast %add3A_733 : i32 to vector<16xi32>
    %add3A_735 = arith.addi %mul3A_127, %add3A_734 : vector<16xi32>
    %gather3A_736 = tpu.vector_load_idx %arg10[%add3A_735] : memref<1024xf32, #tpu.memory_space<vmem>>[vector<16xi32>], vector<16xf32>,
    %add3A_737 = arith.constant 30 : i32
    %add3A_738 = vector.broadcast %add3A_737 : i32 to vector<16xi32>
    %add3A_739 = arith.addi %mul3A_133, %add3A_738 : vector<16xi32>
    %gather3A_740 = tpu.vector_load_idx %arg10[%add3A_739] : memref<1024xf32, #tpu.memory_space<vmem>>[vector<16xi32>], vector<16xf32>,
    %swap3A_741 = arith.constant 30 : i32
    %swap3A_742 = arith.index_cast %swap3A_741 : i32 to index
    %swap3A_743 = arith.constant 0 : index
    %swap3A_744 = tpu.vector_load %arg12[%swap3A_742, %swap3A_743] {strides = array<i32>} : memref<32x32xf32, #tpu.memory_space<vmem>>, vector<16xf32>,
    tpu.vector_store %arg12[%swap3A_742, %swap3A_743], %gather3A_736 {strides = array<i32>} : memref<32x32xf32, #tpu.memory_space<vmem>>, vector<16xf32>,
    %swap3A_745 = arith.constant 30 : i32
    %swap3A_746 = arith.index_cast %swap3A_745 : i32 to index
    %swap3A_747 = arith.constant 16 : index
    %swap3A_748 = tpu.vector_load %arg12[%swap3A_746, %swap3A_747] {strides = array<i32>} : memref<32x32xf32, #tpu.memory_space<vmem>>, vector<16xf32>,
    tpu.vector_store %arg12[%swap3A_746, %swap3A_747], %gather3A_740 {strides = array<i32>} : memref<32x32xf32, #tpu.memory_space<vmem>>, vector<16xf32>,
    %mul3A_749 = arith.mulf %gather3A_736, %gather3A_736 : vector<16xf32>
    %add3A_750 = arith.addf %add3A_730, %mul3A_749 : vector<16xf32>
    %mul3A_751 = arith.mulf %gather3A_740, %gather3A_740 : vector<16xf32>
    %add3A_752 = arith.addf %add3A_732, %mul3A_751 : vector<16xf32>
    %add3A_753 = arith.constant 31 : i32
    %add3A_754 = vector.broadcast %add3A_753 : i32 to vector<16xi32>
    %add3A_755 = arith.addi %mul3A_127, %add3A_754 : vector<16xi32>
    %gather3A_756 = tpu.vector_load_idx %arg10[%add3A_755] : memref<1024xf32, #tpu.memory_space<vmem>>[vector<16xi32>], vector<16xf32>,
    %add3A_757 = arith.constant 31 : i32
    %add3A_758 = vector.broadcast %add3A_757 : i32 to vector<16xi32>
    %add3A_759 = arith.addi %mul3A_133, %add3A_758 : vector<16xi32>
    %gather3A_760 = tpu.vector_load_idx %arg10[%add3A_759] : memref<1024xf32, #tpu.memory_space<vmem>>[vector<16xi32>], vector<16xf32>,
    %swap3A_761 = arith.constant 31 : i32
    %swap3A_762 = arith.index_cast %swap3A_761 : i32 to index
    %swap3A_763 = arith.constant 0 : index
    %swap3A_764 = tpu.vector_load %arg12[%swap3A_762, %swap3A_763] {strides = array<i32>} : memref<32x32xf32, #tpu.memory_space<vmem>>, vector<16xf32>,
    tpu.vector_store %arg12[%swap3A_762, %swap3A_763], %gather3A_756 {strides = array<i32>} : memref<32x32xf32, #tpu.memory_space<vmem>>, vector<16xf32>,
    %swap3A_765 = arith.constant 31 : i32
    %swap3A_766 = arith.index_cast %swap3A_765 : i32 to index
    %swap3A_767 = arith.constant 16 : index
    %swap3A_768 = tpu.vector_load %arg12[%swap3A_766, %swap3A_767] {strides = array<i32>} : memref<32x32xf32, #tpu.memory_space<vmem>>, vector<16xf32>,
    tpu.vector_store %arg12[%swap3A_766, %swap3A_767], %gather3A_760 {strides = array<i32>} : memref<32x32xf32, #tpu.memory_space<vmem>>, vector<16xf32>,
    %mul3A_769 = arith.mulf %gather3A_756, %gather3A_756 : vector<16xf32>
    %add3A_770 = arith.addf %add3A_750, %mul3A_769 : vector<16xf32>
    %mul3A_771 = arith.mulf %gather3A_760, %gather3A_760 : vector<16xf32>
    %add3A_772 = arith.addf %add3A_752, %mul3A_771 : vector<16xf32>
    %max3A_773 = arith.constant 9.99999996E-13 : f32
    %max3A_774 = vector.broadcast %max3A_773 : f32 to vector<16xf32>
    %max3A_775 = arith.maximumf %add3A_770, %max3A_774 : vector<16xf32>
    %bitcast3A = vector.bitcast %max3A_775 : vector<16xf32> to vector<16xi32>
    %shift_right_arithmetic3A = arith.constant 1 : i32
    %shift_right_arithmetic3A_776 = vector.broadcast %shift_right_arithmetic3A : i32 to vector<16xi32>
    %shift_right_arithmetic3A_777 = arith.shrsi %bitcast3A, %shift_right_arithmetic3A_776 : vector<16xi32>
    %sub3A = arith.constant 1597463007 : i32
    %sub3A_778 = vector.broadcast %sub3A : i32 to vector<16xi32>
    %sub3A_779 = arith.subi %sub3A_778, %shift_right_arithmetic3A_777 : vector<16xi32>
    %bitcast3A_780 = vector.bitcast %sub3A_779 : vector<16xi32> to vector<16xf32>
    %mul3A_781 = arith.constant 5.000000e-01 : f32
    %mul3A_782 = vector.broadcast %mul3A_781 : f32 to vector<16xf32>
    %mul3A_783 = arith.mulf %mul3A_782, %max3A_775 : vector<16xf32>
    %mul3A_784 = arith.mulf %mul3A_783, %bitcast3A_780 : vector<16xf32>
    %mul3A_785 = arith.mulf %mul3A_784, %bitcast3A_780 : vector<16xf32>
    %sub3A_786 = arith.constant 1.500000e+00 : f32
    %sub3A_787 = vector.broadcast %sub3A_786 : f32 to vector<16xf32>
    %sub3A_788 = arith.subf %sub3A_787, %mul3A_785 : vector<16xf32>
    %mul3A_789 = arith.mulf %bitcast3A_780, %sub3A_788 : vector<16xf32>
    %mul3A_790 = arith.constant 5.000000e-01 : f32
    %mul3A_791 = vector.broadcast %mul3A_790 : f32 to vector<16xf32>
    %mul3A_792 = arith.mulf %mul3A_791, %max3A_775 : vector<16xf32>
    %mul3A_793 = arith.mulf %mul3A_792, %mul3A_789 : vector<16xf32>
    %mul3A_794 = arith.mulf %mul3A_793, %mul3A_789 : vector<16xf32>
    %sub3A_795 = arith.constant 1.500000e+00 : f32
    %sub3A_796 = vector.broadcast %sub3A_795 : f32 to vector<16xf32>
    %sub3A_797 = arith.subf %sub3A_796, %mul3A_794 : vector<16xf32>
    %mul3A_798 = arith.mulf %mul3A_789, %sub3A_797 : vector<16xf32>
    %mul3A_799 = arith.constant 5.000000e-01 : f32
    %mul3A_800 = vector.broadcast %mul3A_799 : f32 to vector<16xf32>
    %mul3A_801 = arith.mulf %mul3A_800, %max3A_775 : vector<16xf32>
    %mul3A_802 = arith.mulf %mul3A_801, %mul3A_798 : vector<16xf32>
    %mul3A_803 = arith.mulf %mul3A_802, %mul3A_798 : vector<16xf32>
    %sub3A_804 = arith.constant 1.500000e+00 : f32
    %sub3A_805 = vector.broadcast %sub3A_804 : f32 to vector<16xf32>
    %sub3A_806 = arith.subf %sub3A_805, %mul3A_803 : vector<16xf32>
    %mul3A_807 = arith.mulf %mul3A_798, %sub3A_806 : vector<16xf32>
    %mul3A_808 = arith.mulf %max3A_775, %mul3A_807 : vector<16xf32>
    %max3A_809 = arith.constant 9.99999996E-13 : f32
    %max3A_810 = vector.broadcast %max3A_809 : f32 to vector<16xf32>
    %max3A_811 = arith.maximumf %add3A_772, %max3A_810 : vector<16xf32>
    %bitcast3A_812 = vector.bitcast %max3A_811 : vector<16xf32> to vector<16xi32>
    %shift_right_arithmetic3A_813 = arith.constant 1 : i32
    %shift_right_arithmetic3A_814 = vector.broadcast %shift_right_arithmetic3A_813 : i32 to vector<16xi32>
    %shift_right_arithmetic3A_815 = arith.shrsi %bitcast3A_812, %shift_right_arithmetic3A_814 : vector<16xi32>
    %sub3A_816 = arith.constant 1597463007 : i32
    %sub3A_817 = vector.broadcast %sub3A_816 : i32 to vector<16xi32>
    %sub3A_818 = arith.subi %sub3A_817, %shift_right_arithmetic3A_815 : vector<16xi32>
    %bitcast3A_819 = vector.bitcast %sub3A_818 : vector<16xi32> to vector<16xf32>
    %mul3A_820 = arith.constant 5.000000e-01 : f32
    %mul3A_821 = vector.broadcast %mul3A_820 : f32 to vector<16xf32>
    %mul3A_822 = arith.mulf %mul3A_821, %max3A_811 : vector<16xf32>
    %mul3A_823 = arith.mulf %mul3A_822, %bitcast3A_819 : vector<16xf32>
    %mul3A_824 = arith.mulf %mul3A_823, %bitcast3A_819 : vector<16xf32>
    %sub3A_825 = arith.constant 1.500000e+00 : f32
    %sub3A_826 = vector.broadcast %sub3A_825 : f32 to vector<16xf32>
    %sub3A_827 = arith.subf %sub3A_826, %mul3A_824 : vector<16xf32>
    %mul3A_828 = arith.mulf %bitcast3A_819, %sub3A_827 : vector<16xf32>
    %mul3A_829 = arith.constant 5.000000e-01 : f32
    %mul3A_830 = vector.broadcast %mul3A_829 : f32 to vector<16xf32>
    %mul3A_831 = arith.mulf %mul3A_830, %max3A_811 : vector<16xf32>
    %mul3A_832 = arith.mulf %mul3A_831, %mul3A_828 : vector<16xf32>
    %mul3A_833 = arith.mulf %mul3A_832, %mul3A_828 : vector<16xf32>
    %sub3A_834 = arith.constant 1.500000e+00 : f32
    %sub3A_835 = vector.broadcast %sub3A_834 : f32 to vector<16xf32>
    %sub3A_836 = arith.subf %sub3A_835, %mul3A_833 : vector<16xf32>
    %mul3A_837 = arith.mulf %mul3A_828, %sub3A_836 : vector<16xf32>
    %mul3A_838 = arith.constant 5.000000e-01 : f32
    %mul3A_839 = vector.broadcast %mul3A_838 : f32 to vector<16xf32>
    %mul3A_840 = arith.mulf %mul3A_839, %max3A_811 : vector<16xf32>
    %mul3A_841 = arith.mulf %mul3A_840, %mul3A_837 : vector<16xf32>
    %mul3A_842 = arith.mulf %mul3A_841, %mul3A_837 : vector<16xf32>
    %sub3A_843 = arith.constant 1.500000e+00 : f32
    %sub3A_844 = vector.broadcast %sub3A_843 : f32 to vector<16xf32>
    %sub3A_845 = arith.subf %sub3A_844, %mul3A_842 : vector<16xf32>
    %mul3A_846 = arith.mulf %mul3A_837, %sub3A_845 : vector<16xf32>
    %mul3A_847 = arith.mulf %max3A_811, %mul3A_846 : vector<16xf32>
    %reduce_sum3A_848 = arith.constant true
    %reduce_sum3A_849 = vector.broadcast %reduce_sum3A_848 : i1 to vector<16xi1>
    %reduce_sum3A_850 = tpu.scan <sum>, %mul3A_808 masked %reduce_sum3A_849 : vector<16xf32>, vector<16xi1> -> vector<16xf32>
    %reduce_sum3A_851 = vector.extract %reduce_sum3A_850[15] : f32 from vector<16xf32>
    %reduce_sum3A_852 = arith.constant true
    %reduce_sum3A_853 = vector.broadcast %reduce_sum3A_852 : i1 to vector<16xi1>
    %reduce_sum3A_854 = tpu.scan <sum>, %mul3A_847 masked %reduce_sum3A_853 : vector<16xf32>, vector<16xi1> -> vector<16xf32>
    %reduce_sum3A_855 = vector.extract %reduce_sum3A_854[15] : f32 from vector<16xf32>
    %add3A_856 = arith.addf %reduce_sum3A_851, %reduce_sum3A_855 : f32
    %mul3A_857 = arith.constant 2 : i32
    %mul3A_858 = arith.muli %mul3A_857, %arg1 : i32
    %add3A_859 = arith.constant 0 : i32
    %add3A_860 = arith.addi %mul3A_858, %add3A_859 : i32
    %mul3A_861 = arith.constant 32 : i32
    %mul3A_862 = arith.muli %add3A_860, %mul3A_861 : i32
    %get3A_863 = arith.index_cast %mul3A_862 : i32 to index
    %get3A_864 = tpu.vector_load %arg10[%get3A_863] {strides = array<i32>} : memref<1024xf32, #tpu.memory_space<vmem>>, vector<16xf32>,
    %mul3A_865 = arith.constant 32 : i32
    %mul3A_866 = arith.muli %add3A_860, %mul3A_865 : i32
    %add3A_867 = arith.constant 16 : i32
    %add3A_868 = arith.addi %mul3A_866, %add3A_867 : i32
    %get3A_869 = arith.index_cast %add3A_868 : i32 to index
    %get3A_870 = tpu.vector_load %arg10[%get3A_869] {strides = array<i32>} : memref<1024xf32, #tpu.memory_space<vmem>>, vector<16xf32>,
    %slice3A_871 = vector.extract_strided_slice %get3A_864 {offsets = [0], sizes = [1], strides = [1]} : vector<16xf32> to vector<1xf32>
    %squeeze3A_872 = vector.extract %slice3A_871[0] : f32 from vector<1xf32>
    %get3A_873 = arith.constant 0 : i32
    %get3A_874 = arith.index_cast %get3A_873 : i32 to index
    %get3A_875 = arith.constant 0 : index
    %get3A_876 = tpu.vector_load %arg12[%get3A_874, %get3A_875] {strides = array<i32>} : memref<32x32xf32, #tpu.memory_space<vmem>>, vector<16xf32>,
    %sub3A_877 = vector.broadcast %squeeze3A_872 : f32 to vector<16xf32>
    %sub3A_878 = arith.subf %get3A_876, %sub3A_877 : vector<16xf32>
    %mul3A_879 = arith.mulf %sub3A_878, %sub3A_878 : vector<16xf32>
    %add3A_880 = arith.addf %broadcast_in_dim3A_2, %mul3A_879 : vector<16xf32>
    %slice3A_881 = vector.extract_strided_slice %get3A_864 {offsets = [1], sizes = [1], strides = [1]} : vector<16xf32> to vector<1xf32>
    %squeeze3A_882 = vector.extract %slice3A_881[0] : f32 from vector<1xf32>
    %get3A_883 = arith.constant 1 : i32
    %get3A_884 = arith.index_cast %get3A_883 : i32 to index
    %get3A_885 = arith.constant 0 : index
    %get3A_886 = tpu.vector_load %arg12[%get3A_884, %get3A_885] {strides = array<i32>} : memref<32x32xf32, #tpu.memory_space<vmem>>, vector<16xf32>,
    %sub3A_887 = vector.broadcast %squeeze3A_882 : f32 to vector<16xf32>
    %sub3A_888 = arith.subf %get3A_886, %sub3A_887 : vector<16xf32>
    %mul3A_889 = arith.mulf %sub3A_888, %sub3A_888 : vector<16xf32>
    %add3A_890 = arith.addf %add3A_880, %mul3A_889 : vector<16xf32>
    %slice3A_891 = vector.extract_strided_slice %get3A_864 {offsets = [2], sizes = [1], strides = [1]} : vector<16xf32> to vector<1xf32>
    %squeeze3A_892 = vector.extract %slice3A_891[0] : f32 from vector<1xf32>
    %get3A_893 = arith.constant 2 : i32
    %get3A_894 = arith.index_cast %get3A_893 : i32 to index
    %get3A_895 = arith.constant 0 : index
    %get3A_896 = tpu.vector_load %arg12[%get3A_894, %get3A_895] {strides = array<i32>} : memref<32x32xf32, #tpu.memory_space<vmem>>, vector<16xf32>,
    %sub3A_897 = vector.broadcast %squeeze3A_892 : f32 to vector<16xf32>
    %sub3A_898 = arith.subf %get3A_896, %sub3A_897 : vector<16xf32>
    %mul3A_899 = arith.mulf %sub3A_898, %sub3A_898 : vector<16xf32>
    %add3A_900 = arith.addf %add3A_890, %mul3A_899 : vector<16xf32>
    %slice3A_901 = vector.extract_strided_slice %get3A_864 {offsets = [3], sizes = [1], strides = [1]} : vector<16xf32> to vector<1xf32>
    %squeeze3A_902 = vector.extract %slice3A_901[0] : f32 from vector<1xf32>
    %get3A_903 = arith.constant 3 : i32
    %get3A_904 = arith.index_cast %get3A_903 : i32 to index
    %get3A_905 = arith.constant 0 : index
    %get3A_906 = tpu.vector_load %arg12[%get3A_904, %get3A_905] {strides = array<i32>} : memref<32x32xf32, #tpu.memory_space<vmem>>, vector<16xf32>,
    %sub3A_907 = vector.broadcast %squeeze3A_902 : f32 to vector<16xf32>
    %sub3A_908 = arith.subf %get3A_906, %sub3A_907 : vector<16xf32>
    %mul3A_909 = arith.mulf %sub3A_908, %sub3A_908 : vector<16xf32>
    %add3A_910 = arith.addf %add3A_900, %mul3A_909 : vector<16xf32>
    %slice3A_911 = vector.extract_strided_slice %get3A_864 {offsets = [4], sizes = [1], strides = [1]} : vector<16xf32> to vector<1xf32>
    %squeeze3A_912 = vector.extract %slice3A_911[0] : f32 from vector<1xf32>
    %get3A_913 = arith.constant 4 : i32
    %get3A_914 = arith.index_cast %get3A_913 : i32 to index
    %get3A_915 = arith.constant 0 : index
    %get3A_916 = tpu.vector_load %arg12[%get3A_914, %get3A_915] {strides = array<i32>} : memref<32x32xf32, #tpu.memory_space<vmem>>, vector<16xf32>,
    %sub3A_917 = vector.broadcast %squeeze3A_912 : f32 to vector<16xf32>
    %sub3A_918 = arith.subf %get3A_916, %sub3A_917 : vector<16xf32>
    %mul3A_919 = arith.mulf %sub3A_918, %sub3A_918 : vector<16xf32>
    %add3A_920 = arith.addf %add3A_910, %mul3A_919 : vector<16xf32>
    %slice3A_921 = vector.extract_strided_slice %get3A_864 {offsets = [5], sizes = [1], strides = [1]} : vector<16xf32> to vector<1xf32>
    %squeeze3A_922 = vector.extract %slice3A_921[0] : f32 from vector<1xf32>
    %get3A_923 = arith.constant 5 : i32
    %get3A_924 = arith.index_cast %get3A_923 : i32 to index
    %get3A_925 = arith.constant 0 : index
    %get3A_926 = tpu.vector_load %arg12[%get3A_924, %get3A_925] {strides = array<i32>} : memref<32x32xf32, #tpu.memory_space<vmem>>, vector<16xf32>,
    %sub3A_927 = vector.broadcast %squeeze3A_922 : f32 to vector<16xf32>
    %sub3A_928 = arith.subf %get3A_926, %sub3A_927 : vector<16xf32>
    %mul3A_929 = arith.mulf %sub3A_928, %sub3A_928 : vector<16xf32>
    %add3A_930 = arith.addf %add3A_920, %mul3A_929 : vector<16xf32>
    %slice3A_931 = vector.extract_strided_slice %get3A_864 {offsets = [6], sizes = [1], strides = [1]} : vector<16xf32> to vector<1xf32>
    %squeeze3A_932 = vector.extract %slice3A_931[0] : f32 from vector<1xf32>
    %get3A_933 = arith.constant 6 : i32
    %get3A_934 = arith.index_cast %get3A_933 : i32 to index
    %get3A_935 = arith.constant 0 : index
    %get3A_936 = tpu.vector_load %arg12[%get3A_934, %get3A_935] {strides = array<i32>} : memref<32x32xf32, #tpu.memory_space<vmem>>, vector<16xf32>,
    %sub3A_937 = vector.broadcast %squeeze3A_932 : f32 to vector<16xf32>
    %sub3A_938 = arith.subf %get3A_936, %sub3A_937 : vector<16xf32>
    %mul3A_939 = arith.mulf %sub3A_938, %sub3A_938 : vector<16xf32>
    %add3A_940 = arith.addf %add3A_930, %mul3A_939 : vector<16xf32>
    %slice3A_941 = vector.extract_strided_slice %get3A_864 {offsets = [7], sizes = [1], strides = [1]} : vector<16xf32> to vector<1xf32>
    %squeeze3A_942 = vector.extract %slice3A_941[0] : f32 from vector<1xf32>
    %get3A_943 = arith.constant 7 : i32
    %get3A_944 = arith.index_cast %get3A_943 : i32 to index
    %get3A_945 = arith.constant 0 : index
    %get3A_946 = tpu.vector_load %arg12[%get3A_944, %get3A_945] {strides = array<i32>} : memref<32x32xf32, #tpu.memory_space<vmem>>, vector<16xf32>,
    %sub3A_947 = vector.broadcast %squeeze3A_942 : f32 to vector<16xf32>
    %sub3A_948 = arith.subf %get3A_946, %sub3A_947 : vector<16xf32>
    %mul3A_949 = arith.mulf %sub3A_948, %sub3A_948 : vector<16xf32>
    %add3A_950 = arith.addf %add3A_940, %mul3A_949 : vector<16xf32>
    %slice3A_951 = vector.extract_strided_slice %get3A_864 {offsets = [8], sizes = [1], strides = [1]} : vector<16xf32> to vector<1xf32>
    %squeeze3A_952 = vector.extract %slice3A_951[0] : f32 from vector<1xf32>
    %get3A_953 = arith.constant 8 : i32
    %get3A_954 = arith.index_cast %get3A_953 : i32 to index
    %get3A_955 = arith.constant 0 : index
    %get3A_956 = tpu.vector_load %arg12[%get3A_954, %get3A_955] {strides = array<i32>} : memref<32x32xf32, #tpu.memory_space<vmem>>, vector<16xf32>,
    %sub3A_957 = vector.broadcast %squeeze3A_952 : f32 to vector<16xf32>
    %sub3A_958 = arith.subf %get3A_956, %sub3A_957 : vector<16xf32>
    %mul3A_959 = arith.mulf %sub3A_958, %sub3A_958 : vector<16xf32>
    %add3A_960 = arith.addf %add3A_950, %mul3A_959 : vector<16xf32>
    %slice3A_961 = vector.extract_strided_slice %get3A_864 {offsets = [9], sizes = [1], strides = [1]} : vector<16xf32> to vector<1xf32>
    %squeeze3A_962 = vector.extract %slice3A_961[0] : f32 from vector<1xf32>
    %get3A_963 = arith.constant 9 : i32
    %get3A_964 = arith.index_cast %get3A_963 : i32 to index
    %get3A_965 = arith.constant 0 : index
    %get3A_966 = tpu.vector_load %arg12[%get3A_964, %get3A_965] {strides = array<i32>} : memref<32x32xf32, #tpu.memory_space<vmem>>, vector<16xf32>,
    %sub3A_967 = vector.broadcast %squeeze3A_962 : f32 to vector<16xf32>
    %sub3A_968 = arith.subf %get3A_966, %sub3A_967 : vector<16xf32>
    %mul3A_969 = arith.mulf %sub3A_968, %sub3A_968 : vector<16xf32>
    %add3A_970 = arith.addf %add3A_960, %mul3A_969 : vector<16xf32>
    %slice3A_971 = vector.extract_strided_slice %get3A_864 {offsets = [10], sizes = [1], strides = [1]} : vector<16xf32> to vector<1xf32>
    %squeeze3A_972 = vector.extract %slice3A_971[0] : f32 from vector<1xf32>
    %get3A_973 = arith.constant 10 : i32
    %get3A_974 = arith.index_cast %get3A_973 : i32 to index
    %get3A_975 = arith.constant 0 : index
    %get3A_976 = tpu.vector_load %arg12[%get3A_974, %get3A_975] {strides = array<i32>} : memref<32x32xf32, #tpu.memory_space<vmem>>, vector<16xf32>,
    %sub3A_977 = vector.broadcast %squeeze3A_972 : f32 to vector<16xf32>
    %sub3A_978 = arith.subf %get3A_976, %sub3A_977 : vector<16xf32>
    %mul3A_979 = arith.mulf %sub3A_978, %sub3A_978 : vector<16xf32>
    %add3A_980 = arith.addf %add3A_970, %mul3A_979 : vector<16xf32>
    %slice3A_981 = vector.extract_strided_slice %get3A_864 {offsets = [11], sizes = [1], strides = [1]} : vector<16xf32> to vector<1xf32>
    %squeeze3A_982 = vector.extract %slice3A_981[0] : f32 from vector<1xf32>
    %get3A_983 = arith.constant 11 : i32
    %get3A_984 = arith.index_cast %get3A_983 : i32 to index
    %get3A_985 = arith.constant 0 : index
    %get3A_986 = tpu.vector_load %arg12[%get3A_984, %get3A_985] {strides = array<i32>} : memref<32x32xf32, #tpu.memory_space<vmem>>, vector<16xf32>,
    %sub3A_987 = vector.broadcast %squeeze3A_982 : f32 to vector<16xf32>
    %sub3A_988 = arith.subf %get3A_986, %sub3A_987 : vector<16xf32>
    %mul3A_989 = arith.mulf %sub3A_988, %sub3A_988 : vector<16xf32>
    %add3A_990 = arith.addf %add3A_980, %mul3A_989 : vector<16xf32>
    %slice3A_991 = vector.extract_strided_slice %get3A_864 {offsets = [12], sizes = [1], strides = [1]} : vector<16xf32> to vector<1xf32>
    %squeeze3A_992 = vector.extract %slice3A_991[0] : f32 from vector<1xf32>
    %get3A_993 = arith.constant 12 : i32
    %get3A_994 = arith.index_cast %get3A_993 : i32 to index
    %get3A_995 = arith.constant 0 : index
    %get3A_996 = tpu.vector_load %arg12[%get3A_994, %get3A_995] {strides = array<i32>} : memref<32x32xf32, #tpu.memory_space<vmem>>, vector<16xf32>,
    %sub3A_997 = vector.broadcast %squeeze3A_992 : f32 to vector<16xf32>
    %sub3A_998 = arith.subf %get3A_996, %sub3A_997 : vector<16xf32>
    %mul3A_999 = arith.mulf %sub3A_998, %sub3A_998 : vector<16xf32>
    %add3A_1000 = arith.addf %add3A_990, %mul3A_999 : vector<16xf32>
    %slice3A_1001 = vector.extract_strided_slice %get3A_864 {offsets = [13], sizes = [1], strides = [1]} : vector<16xf32> to vector<1xf32>
    %squeeze3A_1002 = vector.extract %slice3A_1001[0] : f32 from vector<1xf32>
    %get3A_1003 = arith.constant 13 : i32
    %get3A_1004 = arith.index_cast %get3A_1003 : i32 to index
    %get3A_1005 = arith.constant 0 : index
    %get3A_1006 = tpu.vector_load %arg12[%get3A_1004, %get3A_1005] {strides = array<i32>} : memref<32x32xf32, #tpu.memory_space<vmem>>, vector<16xf32>,
    %sub3A_1007 = vector.broadcast %squeeze3A_1002 : f32 to vector<16xf32>
    %sub3A_1008 = arith.subf %get3A_1006, %sub3A_1007 : vector<16xf32>
    %mul3A_1009 = arith.mulf %sub3A_1008, %sub3A_1008 : vector<16xf32>
    %add3A_1010 = arith.addf %add3A_1000, %mul3A_1009 : vector<16xf32>
    %slice3A_1011 = vector.extract_strided_slice %get3A_864 {offsets = [14], sizes = [1], strides = [1]} : vector<16xf32> to vector<1xf32>
    %squeeze3A_1012 = vector.extract %slice3A_1011[0] : f32 from vector<1xf32>
    %get3A_1013 = arith.constant 14 : i32
    %get3A_1014 = arith.index_cast %get3A_1013 : i32 to index
    %get3A_1015 = arith.constant 0 : index
    %get3A_1016 = tpu.vector_load %arg12[%get3A_1014, %get3A_1015] {strides = array<i32>} : memref<32x32xf32, #tpu.memory_space<vmem>>, vector<16xf32>,
    %sub3A_1017 = vector.broadcast %squeeze3A_1012 : f32 to vector<16xf32>
    %sub3A_1018 = arith.subf %get3A_1016, %sub3A_1017 : vector<16xf32>
    %mul3A_1019 = arith.mulf %sub3A_1018, %sub3A_1018 : vector<16xf32>
    %add3A_1020 = arith.addf %add3A_1010, %mul3A_1019 : vector<16xf32>
    %slice3A_1021 = vector.extract_strided_slice %get3A_864 {offsets = [15], sizes = [1], strides = [1]} : vector<16xf32> to vector<1xf32>
    %squeeze3A_1022 = vector.extract %slice3A_1021[0] : f32 from vector<1xf32>
    %get3A_1023 = arith.constant 15 : i32
    %get3A_1024 = arith.index_cast %get3A_1023 : i32 to index
    %get3A_1025 = arith.constant 0 : index
    %get3A_1026 = tpu.vector_load %arg12[%get3A_1024, %get3A_1025] {strides = array<i32>} : memref<32x32xf32, #tpu.memory_space<vmem>>, vector<16xf32>,
    %sub3A_1027 = vector.broadcast %squeeze3A_1022 : f32 to vector<16xf32>
    %sub3A_1028 = arith.subf %get3A_1026, %sub3A_1027 : vector<16xf32>
    %mul3A_1029 = arith.mulf %sub3A_1028, %sub3A_1028 : vector<16xf32>
    %add3A_1030 = arith.addf %add3A_1020, %mul3A_1029 : vector<16xf32>
    %slice3A_1031 = vector.extract_strided_slice %get3A_870 {offsets = [0], sizes = [1], strides = [1]} : vector<16xf32> to vector<1xf32>
    %squeeze3A_1032 = vector.extract %slice3A_1031[0] : f32 from vector<1xf32>
    %get3A_1033 = arith.constant 16 : i32
    %get3A_1034 = arith.index_cast %get3A_1033 : i32 to index
    %get3A_1035 = arith.constant 0 : index
    %get3A_1036 = tpu.vector_load %arg12[%get3A_1034, %get3A_1035] {strides = array<i32>} : memref<32x32xf32, #tpu.memory_space<vmem>>, vector<16xf32>,
    %sub3A_1037 = vector.broadcast %squeeze3A_1032 : f32 to vector<16xf32>
    %sub3A_1038 = arith.subf %get3A_1036, %sub3A_1037 : vector<16xf32>
    %mul3A_1039 = arith.mulf %sub3A_1038, %sub3A_1038 : vector<16xf32>
    %add3A_1040 = arith.addf %add3A_1030, %mul3A_1039 : vector<16xf32>
    %slice3A_1041 = vector.extract_strided_slice %get3A_870 {offsets = [1], sizes = [1], strides = [1]} : vector<16xf32> to vector<1xf32>
    %squeeze3A_1042 = vector.extract %slice3A_1041[0] : f32 from vector<1xf32>
    %get3A_1043 = arith.constant 17 : i32
    %get3A_1044 = arith.index_cast %get3A_1043 : i32 to index
    %get3A_1045 = arith.constant 0 : index
    %get3A_1046 = tpu.vector_load %arg12[%get3A_1044, %get3A_1045] {strides = array<i32>} : memref<32x32xf32, #tpu.memory_space<vmem>>, vector<16xf32>,
    %sub3A_1047 = vector.broadcast %squeeze3A_1042 : f32 to vector<16xf32>
    %sub3A_1048 = arith.subf %get3A_1046, %sub3A_1047 : vector<16xf32>
    %mul3A_1049 = arith.mulf %sub3A_1048, %sub3A_1048 : vector<16xf32>
    %add3A_1050 = arith.addf %add3A_1040, %mul3A_1049 : vector<16xf32>
    %slice3A_1051 = vector.extract_strided_slice %get3A_870 {offsets = [2], sizes = [1], strides = [1]} : vector<16xf32> to vector<1xf32>
    %squeeze3A_1052 = vector.extract %slice3A_1051[0] : f32 from vector<1xf32>
    %get3A_1053 = arith.constant 18 : i32
    %get3A_1054 = arith.index_cast %get3A_1053 : i32 to index
    %get3A_1055 = arith.constant 0 : index
    %get3A_1056 = tpu.vector_load %arg12[%get3A_1054, %get3A_1055] {strides = array<i32>} : memref<32x32xf32, #tpu.memory_space<vmem>>, vector<16xf32>,
    %sub3A_1057 = vector.broadcast %squeeze3A_1052 : f32 to vector<16xf32>
    %sub3A_1058 = arith.subf %get3A_1056, %sub3A_1057 : vector<16xf32>
    %mul3A_1059 = arith.mulf %sub3A_1058, %sub3A_1058 : vector<16xf32>
    %add3A_1060 = arith.addf %add3A_1050, %mul3A_1059 : vector<16xf32>
    %slice3A_1061 = vector.extract_strided_slice %get3A_870 {offsets = [3], sizes = [1], strides = [1]} : vector<16xf32> to vector<1xf32>
    %squeeze3A_1062 = vector.extract %slice3A_1061[0] : f32 from vector<1xf32>
    %get3A_1063 = arith.constant 19 : i32
    %get3A_1064 = arith.index_cast %get3A_1063 : i32 to index
    %get3A_1065 = arith.constant 0 : index
    %get3A_1066 = tpu.vector_load %arg12[%get3A_1064, %get3A_1065] {strides = array<i32>} : memref<32x32xf32, #tpu.memory_space<vmem>>, vector<16xf32>,
    %sub3A_1067 = vector.broadcast %squeeze3A_1062 : f32 to vector<16xf32>
    %sub3A_1068 = arith.subf %get3A_1066, %sub3A_1067 : vector<16xf32>
    %mul3A_1069 = arith.mulf %sub3A_1068, %sub3A_1068 : vector<16xf32>
    %add3A_1070 = arith.addf %add3A_1060, %mul3A_1069 : vector<16xf32>
    %slice3A_1071 = vector.extract_strided_slice %get3A_870 {offsets = [4], sizes = [1], strides = [1]} : vector<16xf32> to vector<1xf32>
    %squeeze3A_1072 = vector.extract %slice3A_1071[0] : f32 from vector<1xf32>
    %get3A_1073 = arith.constant 20 : i32
    %get3A_1074 = arith.index_cast %get3A_1073 : i32 to index
    %get3A_1075 = arith.constant 0 : index
    %get3A_1076 = tpu.vector_load %arg12[%get3A_1074, %get3A_1075] {strides = array<i32>} : memref<32x32xf32, #tpu.memory_space<vmem>>, vector<16xf32>,
    %sub3A_1077 = vector.broadcast %squeeze3A_1072 : f32 to vector<16xf32>
    %sub3A_1078 = arith.subf %get3A_1076, %sub3A_1077 : vector<16xf32>
    %mul3A_1079 = arith.mulf %sub3A_1078, %sub3A_1078 : vector<16xf32>
    %add3A_1080 = arith.addf %add3A_1070, %mul3A_1079 : vector<16xf32>
    %slice3A_1081 = vector.extract_strided_slice %get3A_870 {offsets = [5], sizes = [1], strides = [1]} : vector<16xf32> to vector<1xf32>
    %squeeze3A_1082 = vector.extract %slice3A_1081[0] : f32 from vector<1xf32>
    %get3A_1083 = arith.constant 21 : i32
    %get3A_1084 = arith.index_cast %get3A_1083 : i32 to index
    %get3A_1085 = arith.constant 0 : index
    %get3A_1086 = tpu.vector_load %arg12[%get3A_1084, %get3A_1085] {strides = array<i32>} : memref<32x32xf32, #tpu.memory_space<vmem>>, vector<16xf32>,
    %sub3A_1087 = vector.broadcast %squeeze3A_1082 : f32 to vector<16xf32>
    %sub3A_1088 = arith.subf %get3A_1086, %sub3A_1087 : vector<16xf32>
    %mul3A_1089 = arith.mulf %sub3A_1088, %sub3A_1088 : vector<16xf32>
    %add3A_1090 = arith.addf %add3A_1080, %mul3A_1089 : vector<16xf32>
    %slice3A_1091 = vector.extract_strided_slice %get3A_870 {offsets = [6], sizes = [1], strides = [1]} : vector<16xf32> to vector<1xf32>
    %squeeze3A_1092 = vector.extract %slice3A_1091[0] : f32 from vector<1xf32>
    %get3A_1093 = arith.constant 22 : i32
    %get3A_1094 = arith.index_cast %get3A_1093 : i32 to index
    %get3A_1095 = arith.constant 0 : index
    %get3A_1096 = tpu.vector_load %arg12[%get3A_1094, %get3A_1095] {strides = array<i32>} : memref<32x32xf32, #tpu.memory_space<vmem>>, vector<16xf32>,
    %sub3A_1097 = vector.broadcast %squeeze3A_1092 : f32 to vector<16xf32>
    %sub3A_1098 = arith.subf %get3A_1096, %sub3A_1097 : vector<16xf32>
    %mul3A_1099 = arith.mulf %sub3A_1098, %sub3A_1098 : vector<16xf32>
    %add3A_1100 = arith.addf %add3A_1090, %mul3A_1099 : vector<16xf32>
    %slice3A_1101 = vector.extract_strided_slice %get3A_870 {offsets = [7], sizes = [1], strides = [1]} : vector<16xf32> to vector<1xf32>
    %squeeze3A_1102 = vector.extract %slice3A_1101[0] : f32 from vector<1xf32>
    %get3A_1103 = arith.constant 23 : i32
    %get3A_1104 = arith.index_cast %get3A_1103 : i32 to index
    %get3A_1105 = arith.constant 0 : index
    %get3A_1106 = tpu.vector_load %arg12[%get3A_1104, %get3A_1105] {strides = array<i32>} : memref<32x32xf32, #tpu.memory_space<vmem>>, vector<16xf32>,
    %sub3A_1107 = vector.broadcast %squeeze3A_1102 : f32 to vector<16xf32>
    %sub3A_1108 = arith.subf %get3A_1106, %sub3A_1107 : vector<16xf32>
    %mul3A_1109 = arith.mulf %sub3A_1108, %sub3A_1108 : vector<16xf32>
    %add3A_1110 = arith.addf %add3A_1100, %mul3A_1109 : vector<16xf32>
    %slice3A_1111 = vector.extract_strided_slice %get3A_870 {offsets = [8], sizes = [1], strides = [1]} : vector<16xf32> to vector<1xf32>
    %squeeze3A_1112 = vector.extract %slice3A_1111[0] : f32 from vector<1xf32>
    %get3A_1113 = arith.constant 24 : i32
    %get3A_1114 = arith.index_cast %get3A_1113 : i32 to index
    %get3A_1115 = arith.constant 0 : index
    %get3A_1116 = tpu.vector_load %arg12[%get3A_1114, %get3A_1115] {strides = array<i32>} : memref<32x32xf32, #tpu.memory_space<vmem>>, vector<16xf32>,
    %sub3A_1117 = vector.broadcast %squeeze3A_1112 : f32 to vector<16xf32>
    %sub3A_1118 = arith.subf %get3A_1116, %sub3A_1117 : vector<16xf32>
    %mul3A_1119 = arith.mulf %sub3A_1118, %sub3A_1118 : vector<16xf32>
    %add3A_1120 = arith.addf %add3A_1110, %mul3A_1119 : vector<16xf32>
    %slice3A_1121 = vector.extract_strided_slice %get3A_870 {offsets = [9], sizes = [1], strides = [1]} : vector<16xf32> to vector<1xf32>
    %squeeze3A_1122 = vector.extract %slice3A_1121[0] : f32 from vector<1xf32>
    %get3A_1123 = arith.constant 25 : i32
    %get3A_1124 = arith.index_cast %get3A_1123 : i32 to index
    %get3A_1125 = arith.constant 0 : index
    %get3A_1126 = tpu.vector_load %arg12[%get3A_1124, %get3A_1125] {strides = array<i32>} : memref<32x32xf32, #tpu.memory_space<vmem>>, vector<16xf32>,
    %sub3A_1127 = vector.broadcast %squeeze3A_1122 : f32 to vector<16xf32>
    %sub3A_1128 = arith.subf %get3A_1126, %sub3A_1127 : vector<16xf32>
    %mul3A_1129 = arith.mulf %sub3A_1128, %sub3A_1128 : vector<16xf32>
    %add3A_1130 = arith.addf %add3A_1120, %mul3A_1129 : vector<16xf32>
    %slice3A_1131 = vector.extract_strided_slice %get3A_870 {offsets = [10], sizes = [1], strides = [1]} : vector<16xf32> to vector<1xf32>
    %squeeze3A_1132 = vector.extract %slice3A_1131[0] : f32 from vector<1xf32>
    %get3A_1133 = arith.constant 26 : i32
    %get3A_1134 = arith.index_cast %get3A_1133 : i32 to index
    %get3A_1135 = arith.constant 0 : index
    %get3A_1136 = tpu.vector_load %arg12[%get3A_1134, %get3A_1135] {strides = array<i32>} : memref<32x32xf32, #tpu.memory_space<vmem>>, vector<16xf32>,
    %sub3A_1137 = vector.broadcast %squeeze3A_1132 : f32 to vector<16xf32>
    %sub3A_1138 = arith.subf %get3A_1136, %sub3A_1137 : vector<16xf32>
    %mul3A_1139 = arith.mulf %sub3A_1138, %sub3A_1138 : vector<16xf32>
    %add3A_1140 = arith.addf %add3A_1130, %mul3A_1139 : vector<16xf32>
    %slice3A_1141 = vector.extract_strided_slice %get3A_870 {offsets = [11], sizes = [1], strides = [1]} : vector<16xf32> to vector<1xf32>
    %squeeze3A_1142 = vector.extract %slice3A_1141[0] : f32 from vector<1xf32>
    %get3A_1143 = arith.constant 27 : i32
    %get3A_1144 = arith.index_cast %get3A_1143 : i32 to index
    %get3A_1145 = arith.constant 0 : index
    %get3A_1146 = tpu.vector_load %arg12[%get3A_1144, %get3A_1145] {strides = array<i32>} : memref<32x32xf32, #tpu.memory_space<vmem>>, vector<16xf32>,
    %sub3A_1147 = vector.broadcast %squeeze3A_1142 : f32 to vector<16xf32>
    %sub3A_1148 = arith.subf %get3A_1146, %sub3A_1147 : vector<16xf32>
    %mul3A_1149 = arith.mulf %sub3A_1148, %sub3A_1148 : vector<16xf32>
    %add3A_1150 = arith.addf %add3A_1140, %mul3A_1149 : vector<16xf32>
    %slice3A_1151 = vector.extract_strided_slice %get3A_870 {offsets = [12], sizes = [1], strides = [1]} : vector<16xf32> to vector<1xf32>
    %squeeze3A_1152 = vector.extract %slice3A_1151[0] : f32 from vector<1xf32>
    %get3A_1153 = arith.constant 28 : i32
    %get3A_1154 = arith.index_cast %get3A_1153 : i32 to index
    %get3A_1155 = arith.constant 0 : index
    %get3A_1156 = tpu.vector_load %arg12[%get3A_1154, %get3A_1155] {strides = array<i32>} : memref<32x32xf32, #tpu.memory_space<vmem>>, vector<16xf32>,
    %sub3A_1157 = vector.broadcast %squeeze3A_1152 : f32 to vector<16xf32>
    %sub3A_1158 = arith.subf %get3A_1156, %sub3A_1157 : vector<16xf32>
    %mul3A_1159 = arith.mulf %sub3A_1158, %sub3A_1158 : vector<16xf32>
    %add3A_1160 = arith.addf %add3A_1150, %mul3A_1159 : vector<16xf32>
    %slice3A_1161 = vector.extract_strided_slice %get3A_870 {offsets = [13], sizes = [1], strides = [1]} : vector<16xf32> to vector<1xf32>
    %squeeze3A_1162 = vector.extract %slice3A_1161[0] : f32 from vector<1xf32>
    %get3A_1163 = arith.constant 29 : i32
    %get3A_1164 = arith.index_cast %get3A_1163 : i32 to index
    %get3A_1165 = arith.constant 0 : index
    %get3A_1166 = tpu.vector_load %arg12[%get3A_1164, %get3A_1165] {strides = array<i32>} : memref<32x32xf32, #tpu.memory_space<vmem>>, vector<16xf32>,
    %sub3A_1167 = vector.broadcast %squeeze3A_1162 : f32 to vector<16xf32>
    %sub3A_1168 = arith.subf %get3A_1166, %sub3A_1167 : vector<16xf32>
    %mul3A_1169 = arith.mulf %sub3A_1168, %sub3A_1168 : vector<16xf32>
    %add3A_1170 = arith.addf %add3A_1160, %mul3A_1169 : vector<16xf32>
    %slice3A_1171 = vector.extract_strided_slice %get3A_870 {offsets = [14], sizes = [1], strides = [1]} : vector<16xf32> to vector<1xf32>
    %squeeze3A_1172 = vector.extract %slice3A_1171[0] : f32 from vector<1xf32>
    %get3A_1173 = arith.constant 30 : i32
    %get3A_1174 = arith.index_cast %get3A_1173 : i32 to index
    %get3A_1175 = arith.constant 0 : index
    %get3A_1176 = tpu.vector_load %arg12[%get3A_1174, %get3A_1175] {strides = array<i32>} : memref<32x32xf32, #tpu.memory_space<vmem>>, vector<16xf32>,
    %sub3A_1177 = vector.broadcast %squeeze3A_1172 : f32 to vector<16xf32>
    %sub3A_1178 = arith.subf %get3A_1176, %sub3A_1177 : vector<16xf32>
    %mul3A_1179 = arith.mulf %sub3A_1178, %sub3A_1178 : vector<16xf32>
    %add3A_1180 = arith.addf %add3A_1170, %mul3A_1179 : vector<16xf32>
    %slice3A_1181 = vector.extract_strided_slice %get3A_870 {offsets = [15], sizes = [1], strides = [1]} : vector<16xf32> to vector<1xf32>
    %squeeze3A_1182 = vector.extract %slice3A_1181[0] : f32 from vector<1xf32>
    %get3A_1183 = arith.constant 31 : i32
    %get3A_1184 = arith.index_cast %get3A_1183 : i32 to index
    %get3A_1185 = arith.constant 0 : index
    %get3A_1186 = tpu.vector_load %arg12[%get3A_1184, %get3A_1185] {strides = array<i32>} : memref<32x32xf32, #tpu.memory_space<vmem>>, vector<16xf32>,
    %sub3A_1187 = vector.broadcast %squeeze3A_1182 : f32 to vector<16xf32>
    %sub3A_1188 = arith.subf %get3A_1186, %sub3A_1187 : vector<16xf32>
    %mul3A_1189 = arith.mulf %sub3A_1188, %sub3A_1188 : vector<16xf32>
    %add3A_1190 = arith.addf %add3A_1180, %mul3A_1189 : vector<16xf32>
    %add3A_1191 = arith.constant 0 : i32
    %add3A_1192 = vector.broadcast %add3A_1191 : i32 to vector<16xi32>
    %add3A_1193 = arith.addi %iota3A, %add3A_1192 : vector<16xi32>
    %eq3A = vector.broadcast %add3A_860 : i32 to vector<16xi32>
    %eq3A_1194 = arith.cmpi eq, %add3A_1193, %eq3A : vector<16xi32>
    %max3A_1195 = arith.constant 9.99999996E-13 : f32
    %max3A_1196 = vector.broadcast %max3A_1195 : f32 to vector<16xf32>
    %max3A_1197 = arith.maximumf %add3A_1190, %max3A_1196 : vector<16xf32>
    %jit3A = arith.constant 1.000000e+00 : f32
    %broadcast_in_dim3A_1198 = vector.broadcast %jit3A : f32 to vector<16xf32>
    %select_n3A = arith.select %eq3A_1194, %broadcast_in_dim3A_1198, %max3A_1197 : vector<16xi1>, vector<16xf32>
    %bitcast3A_1199 = vector.bitcast %select_n3A : vector<16xf32> to vector<16xi32>
    %shift_right_arithmetic3A_1200 = arith.constant 1 : i32
    %shift_right_arithmetic3A_1201 = vector.broadcast %shift_right_arithmetic3A_1200 : i32 to vector<16xi32>
    %shift_right_arithmetic3A_1202 = arith.shrsi %bitcast3A_1199, %shift_right_arithmetic3A_1201 : vector<16xi32>
    %sub3A_1203 = arith.constant 1597463007 : i32
    %sub3A_1204 = vector.broadcast %sub3A_1203 : i32 to vector<16xi32>
    %sub3A_1205 = arith.subi %sub3A_1204, %shift_right_arithmetic3A_1202 : vector<16xi32>
    %bitcast3A_1206 = vector.bitcast %sub3A_1205 : vector<16xi32> to vector<16xf32>
    %mul3A_1207 = arith.constant 5.000000e-01 : f32
    %mul3A_1208 = vector.broadcast %mul3A_1207 : f32 to vector<16xf32>
    %mul3A_1209 = arith.mulf %mul3A_1208, %select_n3A : vector<16xf32>
    %mul3A_1210 = arith.mulf %mul3A_1209, %bitcast3A_1206 : vector<16xf32>
    %mul3A_1211 = arith.mulf %mul3A_1210, %bitcast3A_1206 : vector<16xf32>
    %sub3A_1212 = arith.constant 1.500000e+00 : f32
    %sub3A_1213 = vector.broadcast %sub3A_1212 : f32 to vector<16xf32>
    %sub3A_1214 = arith.subf %sub3A_1213, %mul3A_1211 : vector<16xf32>
    %mul3A_1215 = arith.mulf %bitcast3A_1206, %sub3A_1214 : vector<16xf32>
    %mul3A_1216 = arith.constant 5.000000e-01 : f32
    %mul3A_1217 = vector.broadcast %mul3A_1216 : f32 to vector<16xf32>
    %mul3A_1218 = arith.mulf %mul3A_1217, %select_n3A : vector<16xf32>
    %mul3A_1219 = arith.mulf %mul3A_1218, %mul3A_1215 : vector<16xf32>
    %mul3A_1220 = arith.mulf %mul3A_1219, %mul3A_1215 : vector<16xf32>
    %sub3A_1221 = arith.constant 1.500000e+00 : f32
    %sub3A_1222 = vector.broadcast %sub3A_1221 : f32 to vector<16xf32>
    %sub3A_1223 = arith.subf %sub3A_1222, %mul3A_1220 : vector<16xf32>
    %mul3A_1224 = arith.mulf %mul3A_1215, %sub3A_1223 : vector<16xf32>
    %mul3A_1225 = arith.constant 5.000000e-01 : f32
    %mul3A_1226 = vector.broadcast %mul3A_1225 : f32 to vector<16xf32>
    %mul3A_1227 = arith.mulf %mul3A_1226, %select_n3A : vector<16xf32>
    %mul3A_1228 = arith.mulf %mul3A_1227, %mul3A_1224 : vector<16xf32>
    %mul3A_1229 = arith.mulf %mul3A_1228, %mul3A_1224 : vector<16xf32>
    %sub3A_1230 = arith.constant 1.500000e+00 : f32
    %sub3A_1231 = vector.broadcast %sub3A_1230 : f32 to vector<16xf32>
    %sub3A_1232 = arith.subf %sub3A_1231, %mul3A_1229 : vector<16xf32>
    %mul3A_1233 = arith.mulf %mul3A_1224, %sub3A_1232 : vector<16xf32>
    %mul3A_1234 = arith.mulf %select_n3A, %mul3A_1233 : vector<16xf32>
    %sub3A_1235 = arith.constant 3.000000e+00 : f32
    %sub3A_1236 = vector.broadcast %sub3A_1235 : f32 to vector<16xf32>
    %sub3A_1237 = arith.subf %sub3A_1236, %mul3A_1234 : vector<16xf32>
    %max3A_1238 = arith.constant 0.000000e+00 : f32
    %max3A_1239 = vector.broadcast %max3A_1238 : f32 to vector<16xf32>
    %max3A_1240 = arith.maximumf %sub3A_1237, %max3A_1239 : vector<16xf32>
    %mul3A_1241 = arith.mulf %max3A_1240, %max3A_1240 : vector<16xf32>
    %jit3A_1242 = arith.constant 0.000000e+00 : f32
    %broadcast_in_dim3A_1243 = vector.broadcast %jit3A_1242 : f32 to vector<16xf32>
    %select_n3A_1244 = arith.select %eq3A_1194, %broadcast_in_dim3A_1243, %mul3A_1241 : vector<16xi1>, vector<16xf32>
    %reduce_sum3A_1245 = arith.constant true
    %reduce_sum3A_1246 = vector.broadcast %reduce_sum3A_1245 : i1 to vector<16xi1>
    %reduce_sum3A_1247 = tpu.scan <sum>, %select_n3A_1244 masked %reduce_sum3A_1246 : vector<16xf32>, vector<16xi1> -> vector<16xf32>
    %reduce_sum3A_1248 = vector.extract %reduce_sum3A_1247[15] : f32 from vector<16xf32>
    %add3A_1249 = arith.constant 0.000000e+00 : f32
    %add3A_1250 = arith.addf %add3A_1249, %reduce_sum3A_1248 : f32
    %slice3A_1251 = vector.extract_strided_slice %get3A_864 {offsets = [0], sizes = [1], strides = [1]} : vector<16xf32> to vector<1xf32>
    %squeeze3A_1252 = vector.extract %slice3A_1251[0] : f32 from vector<1xf32>
    %get3A_1253 = arith.constant 0 : i32
    %get3A_1254 = arith.index_cast %get3A_1253 : i32 to index
    %get3A_1255 = arith.constant 16 : index
    %get3A_1256 = tpu.vector_load %arg12[%get3A_1254, %get3A_1255] {strides = array<i32>} : memref<32x32xf32, #tpu.memory_space<vmem>>, vector<16xf32>,
    %sub3A_1257 = vector.broadcast %squeeze3A_1252 : f32 to vector<16xf32>
    %sub3A_1258 = arith.subf %get3A_1256, %sub3A_1257 : vector<16xf32>
    %mul3A_1259 = arith.mulf %sub3A_1258, %sub3A_1258 : vector<16xf32>
    %add3A_1260 = arith.addf %broadcast_in_dim3A_2, %mul3A_1259 : vector<16xf32>
    %slice3A_1261 = vector.extract_strided_slice %get3A_864 {offsets = [1], sizes = [1], strides = [1]} : vector<16xf32> to vector<1xf32>
    %squeeze3A_1262 = vector.extract %slice3A_1261[0] : f32 from vector<1xf32>
    %get3A_1263 = arith.constant 1 : i32
    %get3A_1264 = arith.index_cast %get3A_1263 : i32 to index
    %get3A_1265 = arith.constant 16 : index
    %get3A_1266 = tpu.vector_load %arg12[%get3A_1264, %get3A_1265] {strides = array<i32>} : memref<32x32xf32, #tpu.memory_space<vmem>>, vector<16xf32>,
    %sub3A_1267 = vector.broadcast %squeeze3A_1262 : f32 to vector<16xf32>
    %sub3A_1268 = arith.subf %get3A_1266, %sub3A_1267 : vector<16xf32>
    %mul3A_1269 = arith.mulf %sub3A_1268, %sub3A_1268 : vector<16xf32>
    %add3A_1270 = arith.addf %add3A_1260, %mul3A_1269 : vector<16xf32>
    %slice3A_1271 = vector.extract_strided_slice %get3A_864 {offsets = [2], sizes = [1], strides = [1]} : vector<16xf32> to vector<1xf32>
    %squeeze3A_1272 = vector.extract %slice3A_1271[0] : f32 from vector<1xf32>
    %get3A_1273 = arith.constant 2 : i32
    %get3A_1274 = arith.index_cast %get3A_1273 : i32 to index
    %get3A_1275 = arith.constant 16 : index
    %get3A_1276 = tpu.vector_load %arg12[%get3A_1274, %get3A_1275] {strides = array<i32>} : memref<32x32xf32, #tpu.memory_space<vmem>>, vector<16xf32>,
    %sub3A_1277 = vector.broadcast %squeeze3A_1272 : f32 to vector<16xf32>
    %sub3A_1278 = arith.subf %get3A_1276, %sub3A_1277 : vector<16xf32>
    %mul3A_1279 = arith.mulf %sub3A_1278, %sub3A_1278 : vector<16xf32>
    %add3A_1280 = arith.addf %add3A_1270, %mul3A_1279 : vector<16xf32>
    %slice3A_1281 = vector.extract_strided_slice %get3A_864 {offsets = [3], sizes = [1], strides = [1]} : vector<16xf32> to vector<1xf32>
    %squeeze3A_1282 = vector.extract %slice3A_1281[0] : f32 from vector<1xf32>
    %get3A_1283 = arith.constant 3 : i32
    %get3A_1284 = arith.index_cast %get3A_1283 : i32 to index
    %get3A_1285 = arith.constant 16 : index
    %get3A_1286 = tpu.vector_load %arg12[%get3A_1284, %get3A_1285] {strides = array<i32>} : memref<32x32xf32, #tpu.memory_space<vmem>>, vector<16xf32>,
    %sub3A_1287 = vector.broadcast %squeeze3A_1282 : f32 to vector<16xf32>
    %sub3A_1288 = arith.subf %get3A_1286, %sub3A_1287 : vector<16xf32>
    %mul3A_1289 = arith.mulf %sub3A_1288, %sub3A_1288 : vector<16xf32>
    %add3A_1290 = arith.addf %add3A_1280, %mul3A_1289 : vector<16xf32>
    %slice3A_1291 = vector.extract_strided_slice %get3A_864 {offsets = [4], sizes = [1], strides = [1]} : vector<16xf32> to vector<1xf32>
    %squeeze3A_1292 = vector.extract %slice3A_1291[0] : f32 from vector<1xf32>
    %get3A_1293 = arith.constant 4 : i32
    %get3A_1294 = arith.index_cast %get3A_1293 : i32 to index
    %get3A_1295 = arith.constant 16 : index
    %get3A_1296 = tpu.vector_load %arg12[%get3A_1294, %get3A_1295] {strides = array<i32>} : memref<32x32xf32, #tpu.memory_space<vmem>>, vector<16xf32>,
    %sub3A_1297 = vector.broadcast %squeeze3A_1292 : f32 to vector<16xf32>
    %sub3A_1298 = arith.subf %get3A_1296, %sub3A_1297 : vector<16xf32>
    %mul3A_1299 = arith.mulf %sub3A_1298, %sub3A_1298 : vector<16xf32>
    %add3A_1300 = arith.addf %add3A_1290, %mul3A_1299 : vector<16xf32>
    %slice3A_1301 = vector.extract_strided_slice %get3A_864 {offsets = [5], sizes = [1], strides = [1]} : vector<16xf32> to vector<1xf32>
    %squeeze3A_1302 = vector.extract %slice3A_1301[0] : f32 from vector<1xf32>
    %get3A_1303 = arith.constant 5 : i32
    %get3A_1304 = arith.index_cast %get3A_1303 : i32 to index
    %get3A_1305 = arith.constant 16 : index
    %get3A_1306 = tpu.vector_load %arg12[%get3A_1304, %get3A_1305] {strides = array<i32>} : memref<32x32xf32, #tpu.memory_space<vmem>>, vector<16xf32>,
    %sub3A_1307 = vector.broadcast %squeeze3A_1302 : f32 to vector<16xf32>
    %sub3A_1308 = arith.subf %get3A_1306, %sub3A_1307 : vector<16xf32>
    %mul3A_1309 = arith.mulf %sub3A_1308, %sub3A_1308 : vector<16xf32>
    %add3A_1310 = arith.addf %add3A_1300, %mul3A_1309 : vector<16xf32>
    %slice3A_1311 = vector.extract_strided_slice %get3A_864 {offsets = [6], sizes = [1], strides = [1]} : vector<16xf32> to vector<1xf32>
    %squeeze3A_1312 = vector.extract %slice3A_1311[0] : f32 from vector<1xf32>
    %get3A_1313 = arith.constant 6 : i32
    %get3A_1314 = arith.index_cast %get3A_1313 : i32 to index
    %get3A_1315 = arith.constant 16 : index
    %get3A_1316 = tpu.vector_load %arg12[%get3A_1314, %get3A_1315] {strides = array<i32>} : memref<32x32xf32, #tpu.memory_space<vmem>>, vector<16xf32>,
    %sub3A_1317 = vector.broadcast %squeeze3A_1312 : f32 to vector<16xf32>
    %sub3A_1318 = arith.subf %get3A_1316, %sub3A_1317 : vector<16xf32>
    %mul3A_1319 = arith.mulf %sub3A_1318, %sub3A_1318 : vector<16xf32>
    %add3A_1320 = arith.addf %add3A_1310, %mul3A_1319 : vector<16xf32>
    %slice3A_1321 = vector.extract_strided_slice %get3A_864 {offsets = [7], sizes = [1], strides = [1]} : vector<16xf32> to vector<1xf32>
    %squeeze3A_1322 = vector.extract %slice3A_1321[0] : f32 from vector<1xf32>
    %get3A_1323 = arith.constant 7 : i32
    %get3A_1324 = arith.index_cast %get3A_1323 : i32 to index
    %get3A_1325 = arith.constant 16 : index
    %get3A_1326 = tpu.vector_load %arg12[%get3A_1324, %get3A_1325] {strides = array<i32>} : memref<32x32xf32, #tpu.memory_space<vmem>>, vector<16xf32>,
    %sub3A_1327 = vector.broadcast %squeeze3A_1322 : f32 to vector<16xf32>
    %sub3A_1328 = arith.subf %get3A_1326, %sub3A_1327 : vector<16xf32>
    %mul3A_1329 = arith.mulf %sub3A_1328, %sub3A_1328 : vector<16xf32>
    %add3A_1330 = arith.addf %add3A_1320, %mul3A_1329 : vector<16xf32>
    %slice3A_1331 = vector.extract_strided_slice %get3A_864 {offsets = [8], sizes = [1], strides = [1]} : vector<16xf32> to vector<1xf32>
    %squeeze3A_1332 = vector.extract %slice3A_1331[0] : f32 from vector<1xf32>
    %get3A_1333 = arith.constant 8 : i32
    %get3A_1334 = arith.index_cast %get3A_1333 : i32 to index
    %get3A_1335 = arith.constant 16 : index
    %get3A_1336 = tpu.vector_load %arg12[%get3A_1334, %get3A_1335] {strides = array<i32>} : memref<32x32xf32, #tpu.memory_space<vmem>>, vector<16xf32>,
    %sub3A_1337 = vector.broadcast %squeeze3A_1332 : f32 to vector<16xf32>
    %sub3A_1338 = arith.subf %get3A_1336, %sub3A_1337 : vector<16xf32>
    %mul3A_1339 = arith.mulf %sub3A_1338, %sub3A_1338 : vector<16xf32>
    %add3A_1340 = arith.addf %add3A_1330, %mul3A_1339 : vector<16xf32>
    %slice3A_1341 = vector.extract_strided_slice %get3A_864 {offsets = [9], sizes = [1], strides = [1]} : vector<16xf32> to vector<1xf32>
    %squeeze3A_1342 = vector.extract %slice3A_1341[0] : f32 from vector<1xf32>
    %get3A_1343 = arith.constant 9 : i32
    %get3A_1344 = arith.index_cast %get3A_1343 : i32 to index
    %get3A_1345 = arith.constant 16 : index
    %get3A_1346 = tpu.vector_load %arg12[%get3A_1344, %get3A_1345] {strides = array<i32>} : memref<32x32xf32, #tpu.memory_space<vmem>>, vector<16xf32>,
    %sub3A_1347 = vector.broadcast %squeeze3A_1342 : f32 to vector<16xf32>
    %sub3A_1348 = arith.subf %get3A_1346, %sub3A_1347 : vector<16xf32>
    %mul3A_1349 = arith.mulf %sub3A_1348, %sub3A_1348 : vector<16xf32>
    %add3A_1350 = arith.addf %add3A_1340, %mul3A_1349 : vector<16xf32>
    %slice3A_1351 = vector.extract_strided_slice %get3A_864 {offsets = [10], sizes = [1], strides = [1]} : vector<16xf32> to vector<1xf32>
    %squeeze3A_1352 = vector.extract %slice3A_1351[0] : f32 from vector<1xf32>
    %get3A_1353 = arith.constant 10 : i32
    %get3A_1354 = arith.index_cast %get3A_1353 : i32 to index
    %get3A_1355 = arith.constant 16 : index
    %get3A_1356 = tpu.vector_load %arg12[%get3A_1354, %get3A_1355] {strides = array<i32>} : memref<32x32xf32, #tpu.memory_space<vmem>>, vector<16xf32>,
    %sub3A_1357 = vector.broadcast %squeeze3A_1352 : f32 to vector<16xf32>
    %sub3A_1358 = arith.subf %get3A_1356, %sub3A_1357 : vector<16xf32>
    %mul3A_1359 = arith.mulf %sub3A_1358, %sub3A_1358 : vector<16xf32>
    %add3A_1360 = arith.addf %add3A_1350, %mul3A_1359 : vector<16xf32>
    %slice3A_1361 = vector.extract_strided_slice %get3A_864 {offsets = [11], sizes = [1], strides = [1]} : vector<16xf32> to vector<1xf32>
    %squeeze3A_1362 = vector.extract %slice3A_1361[0] : f32 from vector<1xf32>
    %get3A_1363 = arith.constant 11 : i32
    %get3A_1364 = arith.index_cast %get3A_1363 : i32 to index
    %get3A_1365 = arith.constant 16 : index
    %get3A_1366 = tpu.vector_load %arg12[%get3A_1364, %get3A_1365] {strides = array<i32>} : memref<32x32xf32, #tpu.memory_space<vmem>>, vector<16xf32>,
    %sub3A_1367 = vector.broadcast %squeeze3A_1362 : f32 to vector<16xf32>
    %sub3A_1368 = arith.subf %get3A_1366, %sub3A_1367 : vector<16xf32>
    %mul3A_1369 = arith.mulf %sub3A_1368, %sub3A_1368 : vector<16xf32>
    %add3A_1370 = arith.addf %add3A_1360, %mul3A_1369 : vector<16xf32>
    %slice3A_1371 = vector.extract_strided_slice %get3A_864 {offsets = [12], sizes = [1], strides = [1]} : vector<16xf32> to vector<1xf32>
    %squeeze3A_1372 = vector.extract %slice3A_1371[0] : f32 from vector<1xf32>
    %get3A_1373 = arith.constant 12 : i32
    %get3A_1374 = arith.index_cast %get3A_1373 : i32 to index
    %get3A_1375 = arith.constant 16 : index
    %get3A_1376 = tpu.vector_load %arg12[%get3A_1374, %get3A_1375] {strides = array<i32>} : memref<32x32xf32, #tpu.memory_space<vmem>>, vector<16xf32>,
    %sub3A_1377 = vector.broadcast %squeeze3A_1372 : f32 to vector<16xf32>
    %sub3A_1378 = arith.subf %get3A_1376, %sub3A_1377 : vector<16xf32>
    %mul3A_1379 = arith.mulf %sub3A_1378, %sub3A_1378 : vector<16xf32>
    %add3A_1380 = arith.addf %add3A_1370, %mul3A_1379 : vector<16xf32>
    %slice3A_1381 = vector.extract_strided_slice %get3A_864 {offsets = [13], sizes = [1], strides = [1]} : vector<16xf32> to vector<1xf32>
    %squeeze3A_1382 = vector.extract %slice3A_1381[0] : f32 from vector<1xf32>
    %get3A_1383 = arith.constant 13 : i32
    %get3A_1384 = arith.index_cast %get3A_1383 : i32 to index
    %get3A_1385 = arith.constant 16 : index
    %get3A_1386 = tpu.vector_load %arg12[%get3A_1384, %get3A_1385] {strides = array<i32>} : memref<32x32xf32, #tpu.memory_space<vmem>>, vector<16xf32>,
    %sub3A_1387 = vector.broadcast %squeeze3A_1382 : f32 to vector<16xf32>
    %sub3A_1388 = arith.subf %get3A_1386, %sub3A_1387 : vector<16xf32>
    %mul3A_1389 = arith.mulf %sub3A_1388, %sub3A_1388 : vector<16xf32>
    %add3A_1390 = arith.addf %add3A_1380, %mul3A_1389 : vector<16xf32>
    %slice3A_1391 = vector.extract_strided_slice %get3A_864 {offsets = [14], sizes = [1], strides = [1]} : vector<16xf32> to vector<1xf32>
    %squeeze3A_1392 = vector.extract %slice3A_1391[0] : f32 from vector<1xf32>
    %get3A_1393 = arith.constant 14 : i32
    %get3A_1394 = arith.index_cast %get3A_1393 : i32 to index
    %get3A_1395 = arith.constant 16 : index
    %get3A_1396 = tpu.vector_load %arg12[%get3A_1394, %get3A_1395] {strides = array<i32>} : memref<32x32xf32, #tpu.memory_space<vmem>>, vector<16xf32>,
    %sub3A_1397 = vector.broadcast %squeeze3A_1392 : f32 to vector<16xf32>
    %sub3A_1398 = arith.subf %get3A_1396, %sub3A_1397 : vector<16xf32>
    %mul3A_1399 = arith.mulf %sub3A_1398, %sub3A_1398 : vector<16xf32>
    %add3A_1400 = arith.addf %add3A_1390, %mul3A_1399 : vector<16xf32>
    %slice3A_1401 = vector.extract_strided_slice %get3A_864 {offsets = [15], sizes = [1], strides = [1]} : vector<16xf32> to vector<1xf32>
    %squeeze3A_1402 = vector.extract %slice3A_1401[0] : f32 from vector<1xf32>
    %get3A_1403 = arith.constant 15 : i32
    %get3A_1404 = arith.index_cast %get3A_1403 : i32 to index
    %get3A_1405 = arith.constant 16 : index
    %get3A_1406 = tpu.vector_load %arg12[%get3A_1404, %get3A_1405] {strides = array<i32>} : memref<32x32xf32, #tpu.memory_space<vmem>>, vector<16xf32>,
    %sub3A_1407 = vector.broadcast %squeeze3A_1402 : f32 to vector<16xf32>
    %sub3A_1408 = arith.subf %get3A_1406, %sub3A_1407 : vector<16xf32>
    %mul3A_1409 = arith.mulf %sub3A_1408, %sub3A_1408 : vector<16xf32>
    %add3A_1410 = arith.addf %add3A_1400, %mul3A_1409 : vector<16xf32>
    %slice3A_1411 = vector.extract_strided_slice %get3A_870 {offsets = [0], sizes = [1], strides = [1]} : vector<16xf32> to vector<1xf32>
    %squeeze3A_1412 = vector.extract %slice3A_1411[0] : f32 from vector<1xf32>
    %get3A_1413 = arith.constant 16 : i32
    %get3A_1414 = arith.index_cast %get3A_1413 : i32 to index
    %get3A_1415 = arith.constant 16 : index
    %get3A_1416 = tpu.vector_load %arg12[%get3A_1414, %get3A_1415] {strides = array<i32>} : memref<32x32xf32, #tpu.memory_space<vmem>>, vector<16xf32>,
    %sub3A_1417 = vector.broadcast %squeeze3A_1412 : f32 to vector<16xf32>
    %sub3A_1418 = arith.subf %get3A_1416, %sub3A_1417 : vector<16xf32>
    %mul3A_1419 = arith.mulf %sub3A_1418, %sub3A_1418 : vector<16xf32>
    %add3A_1420 = arith.addf %add3A_1410, %mul3A_1419 : vector<16xf32>
    %slice3A_1421 = vector.extract_strided_slice %get3A_870 {offsets = [1], sizes = [1], strides = [1]} : vector<16xf32> to vector<1xf32>
    %squeeze3A_1422 = vector.extract %slice3A_1421[0] : f32 from vector<1xf32>
    %get3A_1423 = arith.constant 17 : i32
    %get3A_1424 = arith.index_cast %get3A_1423 : i32 to index
    %get3A_1425 = arith.constant 16 : index
    %get3A_1426 = tpu.vector_load %arg12[%get3A_1424, %get3A_1425] {strides = array<i32>} : memref<32x32xf32, #tpu.memory_space<vmem>>, vector<16xf32>,
    %sub3A_1427 = vector.broadcast %squeeze3A_1422 : f32 to vector<16xf32>
    %sub3A_1428 = arith.subf %get3A_1426, %sub3A_1427 : vector<16xf32>
    %mul3A_1429 = arith.mulf %sub3A_1428, %sub3A_1428 : vector<16xf32>
    %add3A_1430 = arith.addf %add3A_1420, %mul3A_1429 : vector<16xf32>
    %slice3A_1431 = vector.extract_strided_slice %get3A_870 {offsets = [2], sizes = [1], strides = [1]} : vector<16xf32> to vector<1xf32>
    %squeeze3A_1432 = vector.extract %slice3A_1431[0] : f32 from vector<1xf32>
    %get3A_1433 = arith.constant 18 : i32
    %get3A_1434 = arith.index_cast %get3A_1433 : i32 to index
    %get3A_1435 = arith.constant 16 : index
    %get3A_1436 = tpu.vector_load %arg12[%get3A_1434, %get3A_1435] {strides = array<i32>} : memref<32x32xf32, #tpu.memory_space<vmem>>, vector<16xf32>,
    %sub3A_1437 = vector.broadcast %squeeze3A_1432 : f32 to vector<16xf32>
    %sub3A_1438 = arith.subf %get3A_1436, %sub3A_1437 : vector<16xf32>
    %mul3A_1439 = arith.mulf %sub3A_1438, %sub3A_1438 : vector<16xf32>
    %add3A_1440 = arith.addf %add3A_1430, %mul3A_1439 : vector<16xf32>
    %slice3A_1441 = vector.extract_strided_slice %get3A_870 {offsets = [3], sizes = [1], strides = [1]} : vector<16xf32> to vector<1xf32>
    %squeeze3A_1442 = vector.extract %slice3A_1441[0] : f32 from vector<1xf32>
    %get3A_1443 = arith.constant 19 : i32
    %get3A_1444 = arith.index_cast %get3A_1443 : i32 to index
    %get3A_1445 = arith.constant 16 : index
    %get3A_1446 = tpu.vector_load %arg12[%get3A_1444, %get3A_1445] {strides = array<i32>} : memref<32x32xf32, #tpu.memory_space<vmem>>, vector<16xf32>,
    %sub3A_1447 = vector.broadcast %squeeze3A_1442 : f32 to vector<16xf32>
    %sub3A_1448 = arith.subf %get3A_1446, %sub3A_1447 : vector<16xf32>
    %mul3A_1449 = arith.mulf %sub3A_1448, %sub3A_1448 : vector<16xf32>
    %add3A_1450 = arith.addf %add3A_1440, %mul3A_1449 : vector<16xf32>
    %slice3A_1451 = vector.extract_strided_slice %get3A_870 {offsets = [4], sizes = [1], strides = [1]} : vector<16xf32> to vector<1xf32>
    %squeeze3A_1452 = vector.extract %slice3A_1451[0] : f32 from vector<1xf32>
    %get3A_1453 = arith.constant 20 : i32
    %get3A_1454 = arith.index_cast %get3A_1453 : i32 to index
    %get3A_1455 = arith.constant 16 : index
    %get3A_1456 = tpu.vector_load %arg12[%get3A_1454, %get3A_1455] {strides = array<i32>} : memref<32x32xf32, #tpu.memory_space<vmem>>, vector<16xf32>,
    %sub3A_1457 = vector.broadcast %squeeze3A_1452 : f32 to vector<16xf32>
    %sub3A_1458 = arith.subf %get3A_1456, %sub3A_1457 : vector<16xf32>
    %mul3A_1459 = arith.mulf %sub3A_1458, %sub3A_1458 : vector<16xf32>
    %add3A_1460 = arith.addf %add3A_1450, %mul3A_1459 : vector<16xf32>
    %slice3A_1461 = vector.extract_strided_slice %get3A_870 {offsets = [5], sizes = [1], strides = [1]} : vector<16xf32> to vector<1xf32>
    %squeeze3A_1462 = vector.extract %slice3A_1461[0] : f32 from vector<1xf32>
    %get3A_1463 = arith.constant 21 : i32
    %get3A_1464 = arith.index_cast %get3A_1463 : i32 to index
    %get3A_1465 = arith.constant 16 : index
    %get3A_1466 = tpu.vector_load %arg12[%get3A_1464, %get3A_1465] {strides = array<i32>} : memref<32x32xf32, #tpu.memory_space<vmem>>, vector<16xf32>,
    %sub3A_1467 = vector.broadcast %squeeze3A_1462 : f32 to vector<16xf32>
    %sub3A_1468 = arith.subf %get3A_1466, %sub3A_1467 : vector<16xf32>
    %mul3A_1469 = arith.mulf %sub3A_1468, %sub3A_1468 : vector<16xf32>
    %add3A_1470 = arith.addf %add3A_1460, %mul3A_1469 : vector<16xf32>
    %slice3A_1471 = vector.extract_strided_slice %get3A_870 {offsets = [6], sizes = [1], strides = [1]} : vector<16xf32> to vector<1xf32>
    %squeeze3A_1472 = vector.extract %slice3A_1471[0] : f32 from vector<1xf32>
    %get3A_1473 = arith.constant 22 : i32
    %get3A_1474 = arith.index_cast %get3A_1473 : i32 to index
    %get3A_1475 = arith.constant 16 : index
    %get3A_1476 = tpu.vector_load %arg12[%get3A_1474, %get3A_1475] {strides = array<i32>} : memref<32x32xf32, #tpu.memory_space<vmem>>, vector<16xf32>,
    %sub3A_1477 = vector.broadcast %squeeze3A_1472 : f32 to vector<16xf32>
    %sub3A_1478 = arith.subf %get3A_1476, %sub3A_1477 : vector<16xf32>
    %mul3A_1479 = arith.mulf %sub3A_1478, %sub3A_1478 : vector<16xf32>
    %add3A_1480 = arith.addf %add3A_1470, %mul3A_1479 : vector<16xf32>
    %slice3A_1481 = vector.extract_strided_slice %get3A_870 {offsets = [7], sizes = [1], strides = [1]} : vector<16xf32> to vector<1xf32>
    %squeeze3A_1482 = vector.extract %slice3A_1481[0] : f32 from vector<1xf32>
    %get3A_1483 = arith.constant 23 : i32
    %get3A_1484 = arith.index_cast %get3A_1483 : i32 to index
    %get3A_1485 = arith.constant 16 : index
    %get3A_1486 = tpu.vector_load %arg12[%get3A_1484, %get3A_1485] {strides = array<i32>} : memref<32x32xf32, #tpu.memory_space<vmem>>, vector<16xf32>,
    %sub3A_1487 = vector.broadcast %squeeze3A_1482 : f32 to vector<16xf32>
    %sub3A_1488 = arith.subf %get3A_1486, %sub3A_1487 : vector<16xf32>
    %mul3A_1489 = arith.mulf %sub3A_1488, %sub3A_1488 : vector<16xf32>
    %add3A_1490 = arith.addf %add3A_1480, %mul3A_1489 : vector<16xf32>
    %slice3A_1491 = vector.extract_strided_slice %get3A_870 {offsets = [8], sizes = [1], strides = [1]} : vector<16xf32> to vector<1xf32>
    %squeeze3A_1492 = vector.extract %slice3A_1491[0] : f32 from vector<1xf32>
    %get3A_1493 = arith.constant 24 : i32
    %get3A_1494 = arith.index_cast %get3A_1493 : i32 to index
    %get3A_1495 = arith.constant 16 : index
    %get3A_1496 = tpu.vector_load %arg12[%get3A_1494, %get3A_1495] {strides = array<i32>} : memref<32x32xf32, #tpu.memory_space<vmem>>, vector<16xf32>,
    %sub3A_1497 = vector.broadcast %squeeze3A_1492 : f32 to vector<16xf32>
    %sub3A_1498 = arith.subf %get3A_1496, %sub3A_1497 : vector<16xf32>
    %mul3A_1499 = arith.mulf %sub3A_1498, %sub3A_1498 : vector<16xf32>
    %add3A_1500 = arith.addf %add3A_1490, %mul3A_1499 : vector<16xf32>
    %slice3A_1501 = vector.extract_strided_slice %get3A_870 {offsets = [9], sizes = [1], strides = [1]} : vector<16xf32> to vector<1xf32>
    %squeeze3A_1502 = vector.extract %slice3A_1501[0] : f32 from vector<1xf32>
    %get3A_1503 = arith.constant 25 : i32
    %get3A_1504 = arith.index_cast %get3A_1503 : i32 to index
    %get3A_1505 = arith.constant 16 : index
    %get3A_1506 = tpu.vector_load %arg12[%get3A_1504, %get3A_1505] {strides = array<i32>} : memref<32x32xf32, #tpu.memory_space<vmem>>, vector<16xf32>,
    %sub3A_1507 = vector.broadcast %squeeze3A_1502 : f32 to vector<16xf32>
    %sub3A_1508 = arith.subf %get3A_1506, %sub3A_1507 : vector<16xf32>
    %mul3A_1509 = arith.mulf %sub3A_1508, %sub3A_1508 : vector<16xf32>
    %add3A_1510 = arith.addf %add3A_1500, %mul3A_1509 : vector<16xf32>
    %slice3A_1511 = vector.extract_strided_slice %get3A_870 {offsets = [10], sizes = [1], strides = [1]} : vector<16xf32> to vector<1xf32>
    %squeeze3A_1512 = vector.extract %slice3A_1511[0] : f32 from vector<1xf32>
    %get3A_1513 = arith.constant 26 : i32
    %get3A_1514 = arith.index_cast %get3A_1513 : i32 to index
    %get3A_1515 = arith.constant 16 : index
    %get3A_1516 = tpu.vector_load %arg12[%get3A_1514, %get3A_1515] {strides = array<i32>} : memref<32x32xf32, #tpu.memory_space<vmem>>, vector<16xf32>,
    %sub3A_1517 = vector.broadcast %squeeze3A_1512 : f32 to vector<16xf32>
    %sub3A_1518 = arith.subf %get3A_1516, %sub3A_1517 : vector<16xf32>
    %mul3A_1519 = arith.mulf %sub3A_1518, %sub3A_1518 : vector<16xf32>
    %add3A_1520 = arith.addf %add3A_1510, %mul3A_1519 : vector<16xf32>
    %slice3A_1521 = vector.extract_strided_slice %get3A_870 {offsets = [11], sizes = [1], strides = [1]} : vector<16xf32> to vector<1xf32>
    %squeeze3A_1522 = vector.extract %slice3A_1521[0] : f32 from vector<1xf32>
    %get3A_1523 = arith.constant 27 : i32
    %get3A_1524 = arith.index_cast %get3A_1523 : i32 to index
    %get3A_1525 = arith.constant 16 : index
    %get3A_1526 = tpu.vector_load %arg12[%get3A_1524, %get3A_1525] {strides = array<i32>} : memref<32x32xf32, #tpu.memory_space<vmem>>, vector<16xf32>,
    %sub3A_1527 = vector.broadcast %squeeze3A_1522 : f32 to vector<16xf32>
    %sub3A_1528 = arith.subf %get3A_1526, %sub3A_1527 : vector<16xf32>
    %mul3A_1529 = arith.mulf %sub3A_1528, %sub3A_1528 : vector<16xf32>
    %add3A_1530 = arith.addf %add3A_1520, %mul3A_1529 : vector<16xf32>
    %slice3A_1531 = vector.extract_strided_slice %get3A_870 {offsets = [12], sizes = [1], strides = [1]} : vector<16xf32> to vector<1xf32>
    %squeeze3A_1532 = vector.extract %slice3A_1531[0] : f32 from vector<1xf32>
    %get3A_1533 = arith.constant 28 : i32
    %get3A_1534 = arith.index_cast %get3A_1533 : i32 to index
    %get3A_1535 = arith.constant 16 : index
    %get3A_1536 = tpu.vector_load %arg12[%get3A_1534, %get3A_1535] {strides = array<i32>} : memref<32x32xf32, #tpu.memory_space<vmem>>, vector<16xf32>,
    %sub3A_1537 = vector.broadcast %squeeze3A_1532 : f32 to vector<16xf32>
    %sub3A_1538 = arith.subf %get3A_1536, %sub3A_1537 : vector<16xf32>
    %mul3A_1539 = arith.mulf %sub3A_1538, %sub3A_1538 : vector<16xf32>
    %add3A_1540 = arith.addf %add3A_1530, %mul3A_1539 : vector<16xf32>
    %slice3A_1541 = vector.extract_strided_slice %get3A_870 {offsets = [13], sizes = [1], strides = [1]} : vector<16xf32> to vector<1xf32>
    %squeeze3A_1542 = vector.extract %slice3A_1541[0] : f32 from vector<1xf32>
    %get3A_1543 = arith.constant 29 : i32
    %get3A_1544 = arith.index_cast %get3A_1543 : i32 to index
    %get3A_1545 = arith.constant 16 : index
    %get3A_1546 = tpu.vector_load %arg12[%get3A_1544, %get3A_1545] {strides = array<i32>} : memref<32x32xf32, #tpu.memory_space<vmem>>, vector<16xf32>,
    %sub3A_1547 = vector.broadcast %squeeze3A_1542 : f32 to vector<16xf32>
    %sub3A_1548 = arith.subf %get3A_1546, %sub3A_1547 : vector<16xf32>
    %mul3A_1549 = arith.mulf %sub3A_1548, %sub3A_1548 : vector<16xf32>
    %add3A_1550 = arith.addf %add3A_1540, %mul3A_1549 : vector<16xf32>
    %slice3A_1551 = vector.extract_strided_slice %get3A_870 {offsets = [14], sizes = [1], strides = [1]} : vector<16xf32> to vector<1xf32>
    %squeeze3A_1552 = vector.extract %slice3A_1551[0] : f32 from vector<1xf32>
    %get3A_1553 = arith.constant 30 : i32
    %get3A_1554 = arith.index_cast %get3A_1553 : i32 to index
    %get3A_1555 = arith.constant 16 : index
    %get3A_1556 = tpu.vector_load %arg12[%get3A_1554, %get3A_1555] {strides = array<i32>} : memref<32x32xf32, #tpu.memory_space<vmem>>, vector<16xf32>,
    %sub3A_1557 = vector.broadcast %squeeze3A_1552 : f32 to vector<16xf32>
    %sub3A_1558 = arith.subf %get3A_1556, %sub3A_1557 : vector<16xf32>
    %mul3A_1559 = arith.mulf %sub3A_1558, %sub3A_1558 : vector<16xf32>
    %add3A_1560 = arith.addf %add3A_1550, %mul3A_1559 : vector<16xf32>
    %slice3A_1561 = vector.extract_strided_slice %get3A_870 {offsets = [15], sizes = [1], strides = [1]} : vector<16xf32> to vector<1xf32>
    %squeeze3A_1562 = vector.extract %slice3A_1561[0] : f32 from vector<1xf32>
    %get3A_1563 = arith.constant 31 : i32
    %get3A_1564 = arith.index_cast %get3A_1563 : i32 to index
    %get3A_1565 = arith.constant 16 : index
    %get3A_1566 = tpu.vector_load %arg12[%get3A_1564, %get3A_1565] {strides = array<i32>} : memref<32x32xf32, #tpu.memory_space<vmem>>, vector<16xf32>,
    %sub3A_1567 = vector.broadcast %squeeze3A_1562 : f32 to vector<16xf32>
    %sub3A_1568 = arith.subf %get3A_1566, %sub3A_1567 : vector<16xf32>
    %mul3A_1569 = arith.mulf %sub3A_1568, %sub3A_1568 : vector<16xf32>
    %add3A_1570 = arith.addf %add3A_1560, %mul3A_1569 : vector<16xf32>
    %add3A_1571 = arith.constant 16 : i32
    %add3A_1572 = vector.broadcast %add3A_1571 : i32 to vector<16xi32>
    %add3A_1573 = arith.addi %iota3A, %add3A_1572 : vector<16xi32>
    %eq3A_1574 = vector.broadcast %add3A_860 : i32 to vector<16xi32>
    %eq3A_1575 = arith.cmpi eq, %add3A_1573, %eq3A_1574 : vector<16xi32>
    %max3A_1576 = arith.constant 9.99999996E-13 : f32
    %max3A_1577 = vector.broadcast %max3A_1576 : f32 to vector<16xf32>
    %max3A_1578 = arith.maximumf %add3A_1570, %max3A_1577 : vector<16xf32>
    %jit3A_1579 = arith.constant 1.000000e+00 : f32
    %broadcast_in_dim3A_1580 = vector.broadcast %jit3A_1579 : f32 to vector<16xf32>
    %select_n3A_1581 = arith.select %eq3A_1575, %broadcast_in_dim3A_1580, %max3A_1578 : vector<16xi1>, vector<16xf32>
    %bitcast3A_1582 = vector.bitcast %select_n3A_1581 : vector<16xf32> to vector<16xi32>
    %shift_right_arithmetic3A_1583 = arith.constant 1 : i32
    %shift_right_arithmetic3A_1584 = vector.broadcast %shift_right_arithmetic3A_1583 : i32 to vector<16xi32>
    %shift_right_arithmetic3A_1585 = arith.shrsi %bitcast3A_1582, %shift_right_arithmetic3A_1584 : vector<16xi32>
    %sub3A_1586 = arith.constant 1597463007 : i32
    %sub3A_1587 = vector.broadcast %sub3A_1586 : i32 to vector<16xi32>
    %sub3A_1588 = arith.subi %sub3A_1587, %shift_right_arithmetic3A_1585 : vector<16xi32>
    %bitcast3A_1589 = vector.bitcast %sub3A_1588 : vector<16xi32> to vector<16xf32>
    %mul3A_1590 = arith.constant 5.000000e-01 : f32
    %mul3A_1591 = vector.broadcast %mul3A_1590 : f32 to vector<16xf32>
    %mul3A_1592 = arith.mulf %mul3A_1591, %select_n3A_1581 : vector<16xf32>
    %mul3A_1593 = arith.mulf %mul3A_1592, %bitcast3A_1589 : vector<16xf32>
    %mul3A_1594 = arith.mulf %mul3A_1593, %bitcast3A_1589 : vector<16xf32>
    %sub3A_1595 = arith.constant 1.500000e+00 : f32
    %sub3A_1596 = vector.broadcast %sub3A_1595 : f32 to vector<16xf32>
    %sub3A_1597 = arith.subf %sub3A_1596, %mul3A_1594 : vector<16xf32>
    %mul3A_1598 = arith.mulf %bitcast3A_1589, %sub3A_1597 : vector<16xf32>
    %mul3A_1599 = arith.constant 5.000000e-01 : f32
    %mul3A_1600 = vector.broadcast %mul3A_1599 : f32 to vector<16xf32>
    %mul3A_1601 = arith.mulf %mul3A_1600, %select_n3A_1581 : vector<16xf32>
    %mul3A_1602 = arith.mulf %mul3A_1601, %mul3A_1598 : vector<16xf32>
    %mul3A_1603 = arith.mulf %mul3A_1602, %mul3A_1598 : vector<16xf32>
    %sub3A_1604 = arith.constant 1.500000e+00 : f32
    %sub3A_1605 = vector.broadcast %sub3A_1604 : f32 to vector<16xf32>
    %sub3A_1606 = arith.subf %sub3A_1605, %mul3A_1603 : vector<16xf32>
    %mul3A_1607 = arith.mulf %mul3A_1598, %sub3A_1606 : vector<16xf32>
    %mul3A_1608 = arith.constant 5.000000e-01 : f32
    %mul3A_1609 = vector.broadcast %mul3A_1608 : f32 to vector<16xf32>
    %mul3A_1610 = arith.mulf %mul3A_1609, %select_n3A_1581 : vector<16xf32>
    %mul3A_1611 = arith.mulf %mul3A_1610, %mul3A_1607 : vector<16xf32>
    %mul3A_1612 = arith.mulf %mul3A_1611, %mul3A_1607 : vector<16xf32>
    %sub3A_1613 = arith.constant 1.500000e+00 : f32
    %sub3A_1614 = vector.broadcast %sub3A_1613 : f32 to vector<16xf32>
    %sub3A_1615 = arith.subf %sub3A_1614, %mul3A_1612 : vector<16xf32>
    %mul3A_1616 = arith.mulf %mul3A_1607, %sub3A_1615 : vector<16xf32>
    %mul3A_1617 = arith.mulf %select_n3A_1581, %mul3A_1616 : vector<16xf32>
    %sub3A_1618 = arith.constant 3.000000e+00 : f32
    %sub3A_1619 = vector.broadcast %sub3A_1618 : f32 to vector<16xf32>
    %sub3A_1620 = arith.subf %sub3A_1619, %mul3A_1617 : vector<16xf32>
    %max3A_1621 = arith.constant 0.000000e+00 : f32
    %max3A_1622 = vector.broadcast %max3A_1621 : f32 to vector<16xf32>
    %max3A_1623 = arith.maximumf %sub3A_1620, %max3A_1622 : vector<16xf32>
    %mul3A_1624 = arith.mulf %max3A_1623, %max3A_1623 : vector<16xf32>
    %jit3A_1625 = arith.constant 0.000000e+00 : f32
    %broadcast_in_dim3A_1626 = vector.broadcast %jit3A_1625 : f32 to vector<16xf32>
    %select_n3A_1627 = arith.select %eq3A_1575, %broadcast_in_dim3A_1626, %mul3A_1624 : vector<16xi1>, vector<16xf32>
    %reduce_sum3A_1628 = arith.constant true
    %reduce_sum3A_1629 = vector.broadcast %reduce_sum3A_1628 : i1 to vector<16xi1>
    %reduce_sum3A_1630 = tpu.scan <sum>, %select_n3A_1627 masked %reduce_sum3A_1629 : vector<16xf32>, vector<16xi1> -> vector<16xf32>
    %reduce_sum3A_1631 = vector.extract %reduce_sum3A_1630[15] : f32 from vector<16xf32>
    %add3A_1632 = arith.addf %add3A_1250, %reduce_sum3A_1631 : f32
    %mul3A_1633 = arith.constant 2 : i32
    %mul3A_1634 = arith.muli %mul3A_1633, %arg1 : i32
    %add3A_1635 = arith.constant 1 : i32
    %add3A_1636 = arith.addi %mul3A_1634, %add3A_1635 : i32
    %mul3A_1637 = arith.constant 32 : i32
    %mul3A_1638 = arith.muli %add3A_1636, %mul3A_1637 : i32
    %get3A_1639 = arith.index_cast %mul3A_1638 : i32 to index
    %get3A_1640 = tpu.vector_load %arg10[%get3A_1639] {strides = array<i32>} : memref<1024xf32, #tpu.memory_space<vmem>>, vector<16xf32>,
    %mul3A_1641 = arith.constant 32 : i32
    %mul3A_1642 = arith.muli %add3A_1636, %mul3A_1641 : i32
    %add3A_1643 = arith.constant 16 : i32
    %add3A_1644 = arith.addi %mul3A_1642, %add3A_1643 : i32
    %get3A_1645 = arith.index_cast %add3A_1644 : i32 to index
    %get3A_1646 = tpu.vector_load %arg10[%get3A_1645] {strides = array<i32>} : memref<1024xf32, #tpu.memory_space<vmem>>, vector<16xf32>,
    %slice3A_1647 = vector.extract_strided_slice %get3A_1640 {offsets = [0], sizes = [1], strides = [1]} : vector<16xf32> to vector<1xf32>
    %squeeze3A_1648 = vector.extract %slice3A_1647[0] : f32 from vector<1xf32>
    %get3A_1649 = arith.constant 0 : i32
    %get3A_1650 = arith.index_cast %get3A_1649 : i32 to index
    %get3A_1651 = arith.constant 0 : index
    %get3A_1652 = tpu.vector_load %arg12[%get3A_1650, %get3A_1651] {strides = array<i32>} : memref<32x32xf32, #tpu.memory_space<vmem>>, vector<16xf32>,
    %sub3A_1653 = vector.broadcast %squeeze3A_1648 : f32 to vector<16xf32>
    %sub3A_1654 = arith.subf %get3A_1652, %sub3A_1653 : vector<16xf32>
    %mul3A_1655 = arith.mulf %sub3A_1654, %sub3A_1654 : vector<16xf32>
    %add3A_1656 = arith.addf %broadcast_in_dim3A_2, %mul3A_1655 : vector<16xf32>
    %slice3A_1657 = vector.extract_strided_slice %get3A_1640 {offsets = [1], sizes = [1], strides = [1]} : vector<16xf32> to vector<1xf32>
    %squeeze3A_1658 = vector.extract %slice3A_1657[0] : f32 from vector<1xf32>
    %get3A_1659 = arith.constant 1 : i32
    %get3A_1660 = arith.index_cast %get3A_1659 : i32 to index
    %get3A_1661 = arith.constant 0 : index
    %get3A_1662 = tpu.vector_load %arg12[%get3A_1660, %get3A_1661] {strides = array<i32>} : memref<32x32xf32, #tpu.memory_space<vmem>>, vector<16xf32>,
    %sub3A_1663 = vector.broadcast %squeeze3A_1658 : f32 to vector<16xf32>
    %sub3A_1664 = arith.subf %get3A_1662, %sub3A_1663 : vector<16xf32>
    %mul3A_1665 = arith.mulf %sub3A_1664, %sub3A_1664 : vector<16xf32>
    %add3A_1666 = arith.addf %add3A_1656, %mul3A_1665 : vector<16xf32>
    %slice3A_1667 = vector.extract_strided_slice %get3A_1640 {offsets = [2], sizes = [1], strides = [1]} : vector<16xf32> to vector<1xf32>
    %squeeze3A_1668 = vector.extract %slice3A_1667[0] : f32 from vector<1xf32>
    %get3A_1669 = arith.constant 2 : i32
    %get3A_1670 = arith.index_cast %get3A_1669 : i32 to index
    %get3A_1671 = arith.constant 0 : index
    %get3A_1672 = tpu.vector_load %arg12[%get3A_1670, %get3A_1671] {strides = array<i32>} : memref<32x32xf32, #tpu.memory_space<vmem>>, vector<16xf32>,
    %sub3A_1673 = vector.broadcast %squeeze3A_1668 : f32 to vector<16xf32>
    %sub3A_1674 = arith.subf %get3A_1672, %sub3A_1673 : vector<16xf32>
    %mul3A_1675 = arith.mulf %sub3A_1674, %sub3A_1674 : vector<16xf32>
    %add3A_1676 = arith.addf %add3A_1666, %mul3A_1675 : vector<16xf32>
    %slice3A_1677 = vector.extract_strided_slice %get3A_1640 {offsets = [3], sizes = [1], strides = [1]} : vector<16xf32> to vector<1xf32>
    %squeeze3A_1678 = vector.extract %slice3A_1677[0] : f32 from vector<1xf32>
    %get3A_1679 = arith.constant 3 : i32
    %get3A_1680 = arith.index_cast %get3A_1679 : i32 to index
    %get3A_1681 = arith.constant 0 : index
    %get3A_1682 = tpu.vector_load %arg12[%get3A_1680, %get3A_1681] {strides = array<i32>} : memref<32x32xf32, #tpu.memory_space<vmem>>, vector<16xf32>,
    %sub3A_1683 = vector.broadcast %squeeze3A_1678 : f32 to vector<16xf32>
    %sub3A_1684 = arith.subf %get3A_1682, %sub3A_1683 : vector<16xf32>
    %mul3A_1685 = arith.mulf %sub3A_1684, %sub3A_1684 : vector<16xf32>
    %add3A_1686 = arith.addf %add3A_1676, %mul3A_1685 : vector<16xf32>
    %slice3A_1687 = vector.extract_strided_slice %get3A_1640 {offsets = [4], sizes = [1], strides = [1]} : vector<16xf32> to vector<1xf32>
    %squeeze3A_1688 = vector.extract %slice3A_1687[0] : f32 from vector<1xf32>
    %get3A_1689 = arith.constant 4 : i32
    %get3A_1690 = arith.index_cast %get3A_1689 : i32 to index
    %get3A_1691 = arith.constant 0 : index
    %get3A_1692 = tpu.vector_load %arg12[%get3A_1690, %get3A_1691] {strides = array<i32>} : memref<32x32xf32, #tpu.memory_space<vmem>>, vector<16xf32>,
    %sub3A_1693 = vector.broadcast %squeeze3A_1688 : f32 to vector<16xf32>
    %sub3A_1694 = arith.subf %get3A_1692, %sub3A_1693 : vector<16xf32>
    %mul3A_1695 = arith.mulf %sub3A_1694, %sub3A_1694 : vector<16xf32>
    %add3A_1696 = arith.addf %add3A_1686, %mul3A_1695 : vector<16xf32>
    %slice3A_1697 = vector.extract_strided_slice %get3A_1640 {offsets = [5], sizes = [1], strides = [1]} : vector<16xf32> to vector<1xf32>
    %squeeze3A_1698 = vector.extract %slice3A_1697[0] : f32 from vector<1xf32>
    %get3A_1699 = arith.constant 5 : i32
    %get3A_1700 = arith.index_cast %get3A_1699 : i32 to index
    %get3A_1701 = arith.constant 0 : index
    %get3A_1702 = tpu.vector_load %arg12[%get3A_1700, %get3A_1701] {strides = array<i32>} : memref<32x32xf32, #tpu.memory_space<vmem>>, vector<16xf32>,
    %sub3A_1703 = vector.broadcast %squeeze3A_1698 : f32 to vector<16xf32>
    %sub3A_1704 = arith.subf %get3A_1702, %sub3A_1703 : vector<16xf32>
    %mul3A_1705 = arith.mulf %sub3A_1704, %sub3A_1704 : vector<16xf32>
    %add3A_1706 = arith.addf %add3A_1696, %mul3A_1705 : vector<16xf32>
    %slice3A_1707 = vector.extract_strided_slice %get3A_1640 {offsets = [6], sizes = [1], strides = [1]} : vector<16xf32> to vector<1xf32>
    %squeeze3A_1708 = vector.extract %slice3A_1707[0] : f32 from vector<1xf32>
    %get3A_1709 = arith.constant 6 : i32
    %get3A_1710 = arith.index_cast %get3A_1709 : i32 to index
    %get3A_1711 = arith.constant 0 : index
    %get3A_1712 = tpu.vector_load %arg12[%get3A_1710, %get3A_1711] {strides = array<i32>} : memref<32x32xf32, #tpu.memory_space<vmem>>, vector<16xf32>,
    %sub3A_1713 = vector.broadcast %squeeze3A_1708 : f32 to vector<16xf32>
    %sub3A_1714 = arith.subf %get3A_1712, %sub3A_1713 : vector<16xf32>
    %mul3A_1715 = arith.mulf %sub3A_1714, %sub3A_1714 : vector<16xf32>
    %add3A_1716 = arith.addf %add3A_1706, %mul3A_1715 : vector<16xf32>
    %slice3A_1717 = vector.extract_strided_slice %get3A_1640 {offsets = [7], sizes = [1], strides = [1]} : vector<16xf32> to vector<1xf32>
    %squeeze3A_1718 = vector.extract %slice3A_1717[0] : f32 from vector<1xf32>
    %get3A_1719 = arith.constant 7 : i32
    %get3A_1720 = arith.index_cast %get3A_1719 : i32 to index
    %get3A_1721 = arith.constant 0 : index
    %get3A_1722 = tpu.vector_load %arg12[%get3A_1720, %get3A_1721] {strides = array<i32>} : memref<32x32xf32, #tpu.memory_space<vmem>>, vector<16xf32>,
    %sub3A_1723 = vector.broadcast %squeeze3A_1718 : f32 to vector<16xf32>
    %sub3A_1724 = arith.subf %get3A_1722, %sub3A_1723 : vector<16xf32>
    %mul3A_1725 = arith.mulf %sub3A_1724, %sub3A_1724 : vector<16xf32>
    %add3A_1726 = arith.addf %add3A_1716, %mul3A_1725 : vector<16xf32>
    %slice3A_1727 = vector.extract_strided_slice %get3A_1640 {offsets = [8], sizes = [1], strides = [1]} : vector<16xf32> to vector<1xf32>
    %squeeze3A_1728 = vector.extract %slice3A_1727[0] : f32 from vector<1xf32>
    %get3A_1729 = arith.constant 8 : i32
    %get3A_1730 = arith.index_cast %get3A_1729 : i32 to index
    %get3A_1731 = arith.constant 0 : index
    %get3A_1732 = tpu.vector_load %arg12[%get3A_1730, %get3A_1731] {strides = array<i32>} : memref<32x32xf32, #tpu.memory_space<vmem>>, vector<16xf32>,
    %sub3A_1733 = vector.broadcast %squeeze3A_1728 : f32 to vector<16xf32>
    %sub3A_1734 = arith.subf %get3A_1732, %sub3A_1733 : vector<16xf32>
    %mul3A_1735 = arith.mulf %sub3A_1734, %sub3A_1734 : vector<16xf32>
    %add3A_1736 = arith.addf %add3A_1726, %mul3A_1735 : vector<16xf32>
    %slice3A_1737 = vector.extract_strided_slice %get3A_1640 {offsets = [9], sizes = [1], strides = [1]} : vector<16xf32> to vector<1xf32>
    %squeeze3A_1738 = vector.extract %slice3A_1737[0] : f32 from vector<1xf32>
    %get3A_1739 = arith.constant 9 : i32
    %get3A_1740 = arith.index_cast %get3A_1739 : i32 to index
    %get3A_1741 = arith.constant 0 : index
    %get3A_1742 = tpu.vector_load %arg12[%get3A_1740, %get3A_1741] {strides = array<i32>} : memref<32x32xf32, #tpu.memory_space<vmem>>, vector<16xf32>,
    %sub3A_1743 = vector.broadcast %squeeze3A_1738 : f32 to vector<16xf32>
    %sub3A_1744 = arith.subf %get3A_1742, %sub3A_1743 : vector<16xf32>
    %mul3A_1745 = arith.mulf %sub3A_1744, %sub3A_1744 : vector<16xf32>
    %add3A_1746 = arith.addf %add3A_1736, %mul3A_1745 : vector<16xf32>
    %slice3A_1747 = vector.extract_strided_slice %get3A_1640 {offsets = [10], sizes = [1], strides = [1]} : vector<16xf32> to vector<1xf32>
    %squeeze3A_1748 = vector.extract %slice3A_1747[0] : f32 from vector<1xf32>
    %get3A_1749 = arith.constant 10 : i32
    %get3A_1750 = arith.index_cast %get3A_1749 : i32 to index
    %get3A_1751 = arith.constant 0 : index
    %get3A_1752 = tpu.vector_load %arg12[%get3A_1750, %get3A_1751] {strides = array<i32>} : memref<32x32xf32, #tpu.memory_space<vmem>>, vector<16xf32>,
    %sub3A_1753 = vector.broadcast %squeeze3A_1748 : f32 to vector<16xf32>
    %sub3A_1754 = arith.subf %get3A_1752, %sub3A_1753 : vector<16xf32>
    %mul3A_1755 = arith.mulf %sub3A_1754, %sub3A_1754 : vector<16xf32>
    %add3A_1756 = arith.addf %add3A_1746, %mul3A_1755 : vector<16xf32>
    %slice3A_1757 = vector.extract_strided_slice %get3A_1640 {offsets = [11], sizes = [1], strides = [1]} : vector<16xf32> to vector<1xf32>
    %squeeze3A_1758 = vector.extract %slice3A_1757[0] : f32 from vector<1xf32>
    %get3A_1759 = arith.constant 11 : i32
    %get3A_1760 = arith.index_cast %get3A_1759 : i32 to index
    %get3A_1761 = arith.constant 0 : index
    %get3A_1762 = tpu.vector_load %arg12[%get3A_1760, %get3A_1761] {strides = array<i32>} : memref<32x32xf32, #tpu.memory_space<vmem>>, vector<16xf32>,
    %sub3A_1763 = vector.broadcast %squeeze3A_1758 : f32 to vector<16xf32>
    %sub3A_1764 = arith.subf %get3A_1762, %sub3A_1763 : vector<16xf32>
    %mul3A_1765 = arith.mulf %sub3A_1764, %sub3A_1764 : vector<16xf32>
    %add3A_1766 = arith.addf %add3A_1756, %mul3A_1765 : vector<16xf32>
    %slice3A_1767 = vector.extract_strided_slice %get3A_1640 {offsets = [12], sizes = [1], strides = [1]} : vector<16xf32> to vector<1xf32>
    %squeeze3A_1768 = vector.extract %slice3A_1767[0] : f32 from vector<1xf32>
    %get3A_1769 = arith.constant 12 : i32
    %get3A_1770 = arith.index_cast %get3A_1769 : i32 to index
    %get3A_1771 = arith.constant 0 : index
    %get3A_1772 = tpu.vector_load %arg12[%get3A_1770, %get3A_1771] {strides = array<i32>} : memref<32x32xf32, #tpu.memory_space<vmem>>, vector<16xf32>,
    %sub3A_1773 = vector.broadcast %squeeze3A_1768 : f32 to vector<16xf32>
    %sub3A_1774 = arith.subf %get3A_1772, %sub3A_1773 : vector<16xf32>
    %mul3A_1775 = arith.mulf %sub3A_1774, %sub3A_1774 : vector<16xf32>
    %add3A_1776 = arith.addf %add3A_1766, %mul3A_1775 : vector<16xf32>
    %slice3A_1777 = vector.extract_strided_slice %get3A_1640 {offsets = [13], sizes = [1], strides = [1]} : vector<16xf32> to vector<1xf32>
    %squeeze3A_1778 = vector.extract %slice3A_1777[0] : f32 from vector<1xf32>
    %get3A_1779 = arith.constant 13 : i32
    %get3A_1780 = arith.index_cast %get3A_1779 : i32 to index
    %get3A_1781 = arith.constant 0 : index
    %get3A_1782 = tpu.vector_load %arg12[%get3A_1780, %get3A_1781] {strides = array<i32>} : memref<32x32xf32, #tpu.memory_space<vmem>>, vector<16xf32>,
    %sub3A_1783 = vector.broadcast %squeeze3A_1778 : f32 to vector<16xf32>
    %sub3A_1784 = arith.subf %get3A_1782, %sub3A_1783 : vector<16xf32>
    %mul3A_1785 = arith.mulf %sub3A_1784, %sub3A_1784 : vector<16xf32>
    %add3A_1786 = arith.addf %add3A_1776, %mul3A_1785 : vector<16xf32>
    %slice3A_1787 = vector.extract_strided_slice %get3A_1640 {offsets = [14], sizes = [1], strides = [1]} : vector<16xf32> to vector<1xf32>
    %squeeze3A_1788 = vector.extract %slice3A_1787[0] : f32 from vector<1xf32>
    %get3A_1789 = arith.constant 14 : i32
    %get3A_1790 = arith.index_cast %get3A_1789 : i32 to index
    %get3A_1791 = arith.constant 0 : index
    %get3A_1792 = tpu.vector_load %arg12[%get3A_1790, %get3A_1791] {strides = array<i32>} : memref<32x32xf32, #tpu.memory_space<vmem>>, vector<16xf32>,
    %sub3A_1793 = vector.broadcast %squeeze3A_1788 : f32 to vector<16xf32>
    %sub3A_1794 = arith.subf %get3A_1792, %sub3A_1793 : vector<16xf32>
    %mul3A_1795 = arith.mulf %sub3A_1794, %sub3A_1794 : vector<16xf32>
    %add3A_1796 = arith.addf %add3A_1786, %mul3A_1795 : vector<16xf32>
    %slice3A_1797 = vector.extract_strided_slice %get3A_1640 {offsets = [15], sizes = [1], strides = [1]} : vector<16xf32> to vector<1xf32>
    %squeeze3A_1798 = vector.extract %slice3A_1797[0] : f32 from vector<1xf32>
    %get3A_1799 = arith.constant 15 : i32
    %get3A_1800 = arith.index_cast %get3A_1799 : i32 to index
    %get3A_1801 = arith.constant 0 : index
    %get3A_1802 = tpu.vector_load %arg12[%get3A_1800, %get3A_1801] {strides = array<i32>} : memref<32x32xf32, #tpu.memory_space<vmem>>, vector<16xf32>,
    %sub3A_1803 = vector.broadcast %squeeze3A_1798 : f32 to vector<16xf32>
    %sub3A_1804 = arith.subf %get3A_1802, %sub3A_1803 : vector<16xf32>
    %mul3A_1805 = arith.mulf %sub3A_1804, %sub3A_1804 : vector<16xf32>
    %add3A_1806 = arith.addf %add3A_1796, %mul3A_1805 : vector<16xf32>
    %slice3A_1807 = vector.extract_strided_slice %get3A_1646 {offsets = [0], sizes = [1], strides = [1]} : vector<16xf32> to vector<1xf32>
    %squeeze3A_1808 = vector.extract %slice3A_1807[0] : f32 from vector<1xf32>
    %get3A_1809 = arith.constant 16 : i32
    %get3A_1810 = arith.index_cast %get3A_1809 : i32 to index
    %get3A_1811 = arith.constant 0 : index
    %get3A_1812 = tpu.vector_load %arg12[%get3A_1810, %get3A_1811] {strides = array<i32>} : memref<32x32xf32, #tpu.memory_space<vmem>>, vector<16xf32>,
    %sub3A_1813 = vector.broadcast %squeeze3A_1808 : f32 to vector<16xf32>
    %sub3A_1814 = arith.subf %get3A_1812, %sub3A_1813 : vector<16xf32>
    %mul3A_1815 = arith.mulf %sub3A_1814, %sub3A_1814 : vector<16xf32>
    %add3A_1816 = arith.addf %add3A_1806, %mul3A_1815 : vector<16xf32>
    %slice3A_1817 = vector.extract_strided_slice %get3A_1646 {offsets = [1], sizes = [1], strides = [1]} : vector<16xf32> to vector<1xf32>
    %squeeze3A_1818 = vector.extract %slice3A_1817[0] : f32 from vector<1xf32>
    %get3A_1819 = arith.constant 17 : i32
    %get3A_1820 = arith.index_cast %get3A_1819 : i32 to index
    %get3A_1821 = arith.constant 0 : index
    %get3A_1822 = tpu.vector_load %arg12[%get3A_1820, %get3A_1821] {strides = array<i32>} : memref<32x32xf32, #tpu.memory_space<vmem>>, vector<16xf32>,
    %sub3A_1823 = vector.broadcast %squeeze3A_1818 : f32 to vector<16xf32>
    %sub3A_1824 = arith.subf %get3A_1822, %sub3A_1823 : vector<16xf32>
    %mul3A_1825 = arith.mulf %sub3A_1824, %sub3A_1824 : vector<16xf32>
    %add3A_1826 = arith.addf %add3A_1816, %mul3A_1825 : vector<16xf32>
    %slice3A_1827 = vector.extract_strided_slice %get3A_1646 {offsets = [2], sizes = [1], strides = [1]} : vector<16xf32> to vector<1xf32>
    %squeeze3A_1828 = vector.extract %slice3A_1827[0] : f32 from vector<1xf32>
    %get3A_1829 = arith.constant 18 : i32
    %get3A_1830 = arith.index_cast %get3A_1829 : i32 to index
    %get3A_1831 = arith.constant 0 : index
    %get3A_1832 = tpu.vector_load %arg12[%get3A_1830, %get3A_1831] {strides = array<i32>} : memref<32x32xf32, #tpu.memory_space<vmem>>, vector<16xf32>,
    %sub3A_1833 = vector.broadcast %squeeze3A_1828 : f32 to vector<16xf32>
    %sub3A_1834 = arith.subf %get3A_1832, %sub3A_1833 : vector<16xf32>
    %mul3A_1835 = arith.mulf %sub3A_1834, %sub3A_1834 : vector<16xf32>
    %add3A_1836 = arith.addf %add3A_1826, %mul3A_1835 : vector<16xf32>
    %slice3A_1837 = vector.extract_strided_slice %get3A_1646 {offsets = [3], sizes = [1], strides = [1]} : vector<16xf32> to vector<1xf32>
    %squeeze3A_1838 = vector.extract %slice3A_1837[0] : f32 from vector<1xf32>
    %get3A_1839 = arith.constant 19 : i32
    %get3A_1840 = arith.index_cast %get3A_1839 : i32 to index
    %get3A_1841 = arith.constant 0 : index
    %get3A_1842 = tpu.vector_load %arg12[%get3A_1840, %get3A_1841] {strides = array<i32>} : memref<32x32xf32, #tpu.memory_space<vmem>>, vector<16xf32>,
    %sub3A_1843 = vector.broadcast %squeeze3A_1838 : f32 to vector<16xf32>
    %sub3A_1844 = arith.subf %get3A_1842, %sub3A_1843 : vector<16xf32>
    %mul3A_1845 = arith.mulf %sub3A_1844, %sub3A_1844 : vector<16xf32>
    %add3A_1846 = arith.addf %add3A_1836, %mul3A_1845 : vector<16xf32>
    %slice3A_1847 = vector.extract_strided_slice %get3A_1646 {offsets = [4], sizes = [1], strides = [1]} : vector<16xf32> to vector<1xf32>
    %squeeze3A_1848 = vector.extract %slice3A_1847[0] : f32 from vector<1xf32>
    %get3A_1849 = arith.constant 20 : i32
    %get3A_1850 = arith.index_cast %get3A_1849 : i32 to index
    %get3A_1851 = arith.constant 0 : index
    %get3A_1852 = tpu.vector_load %arg12[%get3A_1850, %get3A_1851] {strides = array<i32>} : memref<32x32xf32, #tpu.memory_space<vmem>>, vector<16xf32>,
    %sub3A_1853 = vector.broadcast %squeeze3A_1848 : f32 to vector<16xf32>
    %sub3A_1854 = arith.subf %get3A_1852, %sub3A_1853 : vector<16xf32>
    %mul3A_1855 = arith.mulf %sub3A_1854, %sub3A_1854 : vector<16xf32>
    %add3A_1856 = arith.addf %add3A_1846, %mul3A_1855 : vector<16xf32>
    %slice3A_1857 = vector.extract_strided_slice %get3A_1646 {offsets = [5], sizes = [1], strides = [1]} : vector<16xf32> to vector<1xf32>
    %squeeze3A_1858 = vector.extract %slice3A_1857[0] : f32 from vector<1xf32>
    %get3A_1859 = arith.constant 21 : i32
    %get3A_1860 = arith.index_cast %get3A_1859 : i32 to index
    %get3A_1861 = arith.constant 0 : index
    %get3A_1862 = tpu.vector_load %arg12[%get3A_1860, %get3A_1861] {strides = array<i32>} : memref<32x32xf32, #tpu.memory_space<vmem>>, vector<16xf32>,
    %sub3A_1863 = vector.broadcast %squeeze3A_1858 : f32 to vector<16xf32>
    %sub3A_1864 = arith.subf %get3A_1862, %sub3A_1863 : vector<16xf32>
    %mul3A_1865 = arith.mulf %sub3A_1864, %sub3A_1864 : vector<16xf32>
    %add3A_1866 = arith.addf %add3A_1856, %mul3A_1865 : vector<16xf32>
    %slice3A_1867 = vector.extract_strided_slice %get3A_1646 {offsets = [6], sizes = [1], strides = [1]} : vector<16xf32> to vector<1xf32>
    %squeeze3A_1868 = vector.extract %slice3A_1867[0] : f32 from vector<1xf32>
    %get3A_1869 = arith.constant 22 : i32
    %get3A_1870 = arith.index_cast %get3A_1869 : i32 to index
    %get3A_1871 = arith.constant 0 : index
    %get3A_1872 = tpu.vector_load %arg12[%get3A_1870, %get3A_1871] {strides = array<i32>} : memref<32x32xf32, #tpu.memory_space<vmem>>, vector<16xf32>,
    %sub3A_1873 = vector.broadcast %squeeze3A_1868 : f32 to vector<16xf32>
    %sub3A_1874 = arith.subf %get3A_1872, %sub3A_1873 : vector<16xf32>
    %mul3A_1875 = arith.mulf %sub3A_1874, %sub3A_1874 : vector<16xf32>
    %add3A_1876 = arith.addf %add3A_1866, %mul3A_1875 : vector<16xf32>
    %slice3A_1877 = vector.extract_strided_slice %get3A_1646 {offsets = [7], sizes = [1], strides = [1]} : vector<16xf32> to vector<1xf32>
    %squeeze3A_1878 = vector.extract %slice3A_1877[0] : f32 from vector<1xf32>
    %get3A_1879 = arith.constant 23 : i32
    %get3A_1880 = arith.index_cast %get3A_1879 : i32 to index
    %get3A_1881 = arith.constant 0 : index
    %get3A_1882 = tpu.vector_load %arg12[%get3A_1880, %get3A_1881] {strides = array<i32>} : memref<32x32xf32, #tpu.memory_space<vmem>>, vector<16xf32>,
    %sub3A_1883 = vector.broadcast %squeeze3A_1878 : f32 to vector<16xf32>
    %sub3A_1884 = arith.subf %get3A_1882, %sub3A_1883 : vector<16xf32>
    %mul3A_1885 = arith.mulf %sub3A_1884, %sub3A_1884 : vector<16xf32>
    %add3A_1886 = arith.addf %add3A_1876, %mul3A_1885 : vector<16xf32>
    %slice3A_1887 = vector.extract_strided_slice %get3A_1646 {offsets = [8], sizes = [1], strides = [1]} : vector<16xf32> to vector<1xf32>
    %squeeze3A_1888 = vector.extract %slice3A_1887[0] : f32 from vector<1xf32>
    %get3A_1889 = arith.constant 24 : i32
    %get3A_1890 = arith.index_cast %get3A_1889 : i32 to index
    %get3A_1891 = arith.constant 0 : index
    %get3A_1892 = tpu.vector_load %arg12[%get3A_1890, %get3A_1891] {strides = array<i32>} : memref<32x32xf32, #tpu.memory_space<vmem>>, vector<16xf32>,
    %sub3A_1893 = vector.broadcast %squeeze3A_1888 : f32 to vector<16xf32>
    %sub3A_1894 = arith.subf %get3A_1892, %sub3A_1893 : vector<16xf32>
    %mul3A_1895 = arith.mulf %sub3A_1894, %sub3A_1894 : vector<16xf32>
    %add3A_1896 = arith.addf %add3A_1886, %mul3A_1895 : vector<16xf32>
    %slice3A_1897 = vector.extract_strided_slice %get3A_1646 {offsets = [9], sizes = [1], strides = [1]} : vector<16xf32> to vector<1xf32>
    %squeeze3A_1898 = vector.extract %slice3A_1897[0] : f32 from vector<1xf32>
    %get3A_1899 = arith.constant 25 : i32
    %get3A_1900 = arith.index_cast %get3A_1899 : i32 to index
    %get3A_1901 = arith.constant 0 : index
    %get3A_1902 = tpu.vector_load %arg12[%get3A_1900, %get3A_1901] {strides = array<i32>} : memref<32x32xf32, #tpu.memory_space<vmem>>, vector<16xf32>,
    %sub3A_1903 = vector.broadcast %squeeze3A_1898 : f32 to vector<16xf32>
    %sub3A_1904 = arith.subf %get3A_1902, %sub3A_1903 : vector<16xf32>
    %mul3A_1905 = arith.mulf %sub3A_1904, %sub3A_1904 : vector<16xf32>
    %add3A_1906 = arith.addf %add3A_1896, %mul3A_1905 : vector<16xf32>
    %slice3A_1907 = vector.extract_strided_slice %get3A_1646 {offsets = [10], sizes = [1], strides = [1]} : vector<16xf32> to vector<1xf32>
    %squeeze3A_1908 = vector.extract %slice3A_1907[0] : f32 from vector<1xf32>
    %get3A_1909 = arith.constant 26 : i32
    %get3A_1910 = arith.index_cast %get3A_1909 : i32 to index
    %get3A_1911 = arith.constant 0 : index
    %get3A_1912 = tpu.vector_load %arg12[%get3A_1910, %get3A_1911] {strides = array<i32>} : memref<32x32xf32, #tpu.memory_space<vmem>>, vector<16xf32>,
    %sub3A_1913 = vector.broadcast %squeeze3A_1908 : f32 to vector<16xf32>
    %sub3A_1914 = arith.subf %get3A_1912, %sub3A_1913 : vector<16xf32>
    %mul3A_1915 = arith.mulf %sub3A_1914, %sub3A_1914 : vector<16xf32>
    %add3A_1916 = arith.addf %add3A_1906, %mul3A_1915 : vector<16xf32>
    %slice3A_1917 = vector.extract_strided_slice %get3A_1646 {offsets = [11], sizes = [1], strides = [1]} : vector<16xf32> to vector<1xf32>
    %squeeze3A_1918 = vector.extract %slice3A_1917[0] : f32 from vector<1xf32>
    %get3A_1919 = arith.constant 27 : i32
    %get3A_1920 = arith.index_cast %get3A_1919 : i32 to index
    %get3A_1921 = arith.constant 0 : index
    %get3A_1922 = tpu.vector_load %arg12[%get3A_1920, %get3A_1921] {strides = array<i32>} : memref<32x32xf32, #tpu.memory_space<vmem>>, vector<16xf32>,
    %sub3A_1923 = vector.broadcast %squeeze3A_1918 : f32 to vector<16xf32>
    %sub3A_1924 = arith.subf %get3A_1922, %sub3A_1923 : vector<16xf32>
    %mul3A_1925 = arith.mulf %sub3A_1924, %sub3A_1924 : vector<16xf32>
    %add3A_1926 = arith.addf %add3A_1916, %mul3A_1925 : vector<16xf32>
    %slice3A_1927 = vector.extract_strided_slice %get3A_1646 {offsets = [12], sizes = [1], strides = [1]} : vector<16xf32> to vector<1xf32>
    %squeeze3A_1928 = vector.extract %slice3A_1927[0] : f32 from vector<1xf32>
    %get3A_1929 = arith.constant 28 : i32
    %get3A_1930 = arith.index_cast %get3A_1929 : i32 to index
    %get3A_1931 = arith.constant 0 : index
    %get3A_1932 = tpu.vector_load %arg12[%get3A_1930, %get3A_1931] {strides = array<i32>} : memref<32x32xf32, #tpu.memory_space<vmem>>, vector<16xf32>,
    %sub3A_1933 = vector.broadcast %squeeze3A_1928 : f32 to vector<16xf32>
    %sub3A_1934 = arith.subf %get3A_1932, %sub3A_1933 : vector<16xf32>
    %mul3A_1935 = arith.mulf %sub3A_1934, %sub3A_1934 : vector<16xf32>
    %add3A_1936 = arith.addf %add3A_1926, %mul3A_1935 : vector<16xf32>
    %slice3A_1937 = vector.extract_strided_slice %get3A_1646 {offsets = [13], sizes = [1], strides = [1]} : vector<16xf32> to vector<1xf32>
    %squeeze3A_1938 = vector.extract %slice3A_1937[0] : f32 from vector<1xf32>
    %get3A_1939 = arith.constant 29 : i32
    %get3A_1940 = arith.index_cast %get3A_1939 : i32 to index
    %get3A_1941 = arith.constant 0 : index
    %get3A_1942 = tpu.vector_load %arg12[%get3A_1940, %get3A_1941] {strides = array<i32>} : memref<32x32xf32, #tpu.memory_space<vmem>>, vector<16xf32>,
    %sub3A_1943 = vector.broadcast %squeeze3A_1938 : f32 to vector<16xf32>
    %sub3A_1944 = arith.subf %get3A_1942, %sub3A_1943 : vector<16xf32>
    %mul3A_1945 = arith.mulf %sub3A_1944, %sub3A_1944 : vector<16xf32>
    %add3A_1946 = arith.addf %add3A_1936, %mul3A_1945 : vector<16xf32>
    %slice3A_1947 = vector.extract_strided_slice %get3A_1646 {offsets = [14], sizes = [1], strides = [1]} : vector<16xf32> to vector<1xf32>
    %squeeze3A_1948 = vector.extract %slice3A_1947[0] : f32 from vector<1xf32>
    %get3A_1949 = arith.constant 30 : i32
    %get3A_1950 = arith.index_cast %get3A_1949 : i32 to index
    %get3A_1951 = arith.constant 0 : index
    %get3A_1952 = tpu.vector_load %arg12[%get3A_1950, %get3A_1951] {strides = array<i32>} : memref<32x32xf32, #tpu.memory_space<vmem>>, vector<16xf32>,
    %sub3A_1953 = vector.broadcast %squeeze3A_1948 : f32 to vector<16xf32>
    %sub3A_1954 = arith.subf %get3A_1952, %sub3A_1953 : vector<16xf32>
    %mul3A_1955 = arith.mulf %sub3A_1954, %sub3A_1954 : vector<16xf32>
    %add3A_1956 = arith.addf %add3A_1946, %mul3A_1955 : vector<16xf32>
    %slice3A_1957 = vector.extract_strided_slice %get3A_1646 {offsets = [15], sizes = [1], strides = [1]} : vector<16xf32> to vector<1xf32>
    %squeeze3A_1958 = vector.extract %slice3A_1957[0] : f32 from vector<1xf32>
    %get3A_1959 = arith.constant 31 : i32
    %get3A_1960 = arith.index_cast %get3A_1959 : i32 to index
    %get3A_1961 = arith.constant 0 : index
    %get3A_1962 = tpu.vector_load %arg12[%get3A_1960, %get3A_1961] {strides = array<i32>} : memref<32x32xf32, #tpu.memory_space<vmem>>, vector<16xf32>,
    %sub3A_1963 = vector.broadcast %squeeze3A_1958 : f32 to vector<16xf32>
    %sub3A_1964 = arith.subf %get3A_1962, %sub3A_1963 : vector<16xf32>
    %mul3A_1965 = arith.mulf %sub3A_1964, %sub3A_1964 : vector<16xf32>
    %add3A_1966 = arith.addf %add3A_1956, %mul3A_1965 : vector<16xf32>
    %add3A_1967 = arith.constant 0 : i32
    %add3A_1968 = vector.broadcast %add3A_1967 : i32 to vector<16xi32>
    %add3A_1969 = arith.addi %iota3A, %add3A_1968 : vector<16xi32>
    %eq3A_1970 = vector.broadcast %add3A_1636 : i32 to vector<16xi32>
    %eq3A_1971 = arith.cmpi eq, %add3A_1969, %eq3A_1970 : vector<16xi32>
    %max3A_1972 = arith.constant 9.99999996E-13 : f32
    %max3A_1973 = vector.broadcast %max3A_1972 : f32 to vector<16xf32>
    %max3A_1974 = arith.maximumf %add3A_1966, %max3A_1973 : vector<16xf32>
    %jit3A_1975 = arith.constant 1.000000e+00 : f32
    %broadcast_in_dim3A_1976 = vector.broadcast %jit3A_1975 : f32 to vector<16xf32>
    %select_n3A_1977 = arith.select %eq3A_1971, %broadcast_in_dim3A_1976, %max3A_1974 : vector<16xi1>, vector<16xf32>
    %bitcast3A_1978 = vector.bitcast %select_n3A_1977 : vector<16xf32> to vector<16xi32>
    %shift_right_arithmetic3A_1979 = arith.constant 1 : i32
    %shift_right_arithmetic3A_1980 = vector.broadcast %shift_right_arithmetic3A_1979 : i32 to vector<16xi32>
    %shift_right_arithmetic3A_1981 = arith.shrsi %bitcast3A_1978, %shift_right_arithmetic3A_1980 : vector<16xi32>
    %sub3A_1982 = arith.constant 1597463007 : i32
    %sub3A_1983 = vector.broadcast %sub3A_1982 : i32 to vector<16xi32>
    %sub3A_1984 = arith.subi %sub3A_1983, %shift_right_arithmetic3A_1981 : vector<16xi32>
    %bitcast3A_1985 = vector.bitcast %sub3A_1984 : vector<16xi32> to vector<16xf32>
    %mul3A_1986 = arith.constant 5.000000e-01 : f32
    %mul3A_1987 = vector.broadcast %mul3A_1986 : f32 to vector<16xf32>
    %mul3A_1988 = arith.mulf %mul3A_1987, %select_n3A_1977 : vector<16xf32>
    %mul3A_1989 = arith.mulf %mul3A_1988, %bitcast3A_1985 : vector<16xf32>
    %mul3A_1990 = arith.mulf %mul3A_1989, %bitcast3A_1985 : vector<16xf32>
    %sub3A_1991 = arith.constant 1.500000e+00 : f32
    %sub3A_1992 = vector.broadcast %sub3A_1991 : f32 to vector<16xf32>
    %sub3A_1993 = arith.subf %sub3A_1992, %mul3A_1990 : vector<16xf32>
    %mul3A_1994 = arith.mulf %bitcast3A_1985, %sub3A_1993 : vector<16xf32>
    %mul3A_1995 = arith.constant 5.000000e-01 : f32
    %mul3A_1996 = vector.broadcast %mul3A_1995 : f32 to vector<16xf32>
    %mul3A_1997 = arith.mulf %mul3A_1996, %select_n3A_1977 : vector<16xf32>
    %mul3A_1998 = arith.mulf %mul3A_1997, %mul3A_1994 : vector<16xf32>
    %mul3A_1999 = arith.mulf %mul3A_1998, %mul3A_1994 : vector<16xf32>
    %sub3A_2000 = arith.constant 1.500000e+00 : f32
    %sub3A_2001 = vector.broadcast %sub3A_2000 : f32 to vector<16xf32>
    %sub3A_2002 = arith.subf %sub3A_2001, %mul3A_1999 : vector<16xf32>
    %mul3A_2003 = arith.mulf %mul3A_1994, %sub3A_2002 : vector<16xf32>
    %mul3A_2004 = arith.constant 5.000000e-01 : f32
    %mul3A_2005 = vector.broadcast %mul3A_2004 : f32 to vector<16xf32>
    %mul3A_2006 = arith.mulf %mul3A_2005, %select_n3A_1977 : vector<16xf32>
    %mul3A_2007 = arith.mulf %mul3A_2006, %mul3A_2003 : vector<16xf32>
    %mul3A_2008 = arith.mulf %mul3A_2007, %mul3A_2003 : vector<16xf32>
    %sub3A_2009 = arith.constant 1.500000e+00 : f32
    %sub3A_2010 = vector.broadcast %sub3A_2009 : f32 to vector<16xf32>
    %sub3A_2011 = arith.subf %sub3A_2010, %mul3A_2008 : vector<16xf32>
    %mul3A_2012 = arith.mulf %mul3A_2003, %sub3A_2011 : vector<16xf32>
    %mul3A_2013 = arith.mulf %select_n3A_1977, %mul3A_2012 : vector<16xf32>
    %sub3A_2014 = arith.constant 3.000000e+00 : f32
    %sub3A_2015 = vector.broadcast %sub3A_2014 : f32 to vector<16xf32>
    %sub3A_2016 = arith.subf %sub3A_2015, %mul3A_2013 : vector<16xf32>
    %max3A_2017 = arith.constant 0.000000e+00 : f32
    %max3A_2018 = vector.broadcast %max3A_2017 : f32 to vector<16xf32>
    %max3A_2019 = arith.maximumf %sub3A_2016, %max3A_2018 : vector<16xf32>
    %mul3A_2020 = arith.mulf %max3A_2019, %max3A_2019 : vector<16xf32>
    %jit3A_2021 = arith.constant 0.000000e+00 : f32
    %broadcast_in_dim3A_2022 = vector.broadcast %jit3A_2021 : f32 to vector<16xf32>
    %select_n3A_2023 = arith.select %eq3A_1971, %broadcast_in_dim3A_2022, %mul3A_2020 : vector<16xi1>, vector<16xf32>
    %reduce_sum3A_2024 = arith.constant true
    %reduce_sum3A_2025 = vector.broadcast %reduce_sum3A_2024 : i1 to vector<16xi1>
    %reduce_sum3A_2026 = tpu.scan <sum>, %select_n3A_2023 masked %reduce_sum3A_2025 : vector<16xf32>, vector<16xi1> -> vector<16xf32>
    %reduce_sum3A_2027 = vector.extract %reduce_sum3A_2026[15] : f32 from vector<16xf32>
    %add3A_2028 = arith.addf %add3A_1632, %reduce_sum3A_2027 : f32
    %slice3A_2029 = vector.extract_strided_slice %get3A_1640 {offsets = [0], sizes = [1], strides = [1]} : vector<16xf32> to vector<1xf32>
    %squeeze3A_2030 = vector.extract %slice3A_2029[0] : f32 from vector<1xf32>
    %get3A_2031 = arith.constant 0 : i32
    %get3A_2032 = arith.index_cast %get3A_2031 : i32 to index
    %get3A_2033 = arith.constant 16 : index
    %get3A_2034 = tpu.vector_load %arg12[%get3A_2032, %get3A_2033] {strides = array<i32>} : memref<32x32xf32, #tpu.memory_space<vmem>>, vector<16xf32>,
    %sub3A_2035 = vector.broadcast %squeeze3A_2030 : f32 to vector<16xf32>
    %sub3A_2036 = arith.subf %get3A_2034, %sub3A_2035 : vector<16xf32>
    %mul3A_2037 = arith.mulf %sub3A_2036, %sub3A_2036 : vector<16xf32>
    %add3A_2038 = arith.addf %broadcast_in_dim3A_2, %mul3A_2037 : vector<16xf32>
    %slice3A_2039 = vector.extract_strided_slice %get3A_1640 {offsets = [1], sizes = [1], strides = [1]} : vector<16xf32> to vector<1xf32>
    %squeeze3A_2040 = vector.extract %slice3A_2039[0] : f32 from vector<1xf32>
    %get3A_2041 = arith.constant 1 : i32
    %get3A_2042 = arith.index_cast %get3A_2041 : i32 to index
    %get3A_2043 = arith.constant 16 : index
    %get3A_2044 = tpu.vector_load %arg12[%get3A_2042, %get3A_2043] {strides = array<i32>} : memref<32x32xf32, #tpu.memory_space<vmem>>, vector<16xf32>,
    %sub3A_2045 = vector.broadcast %squeeze3A_2040 : f32 to vector<16xf32>
    %sub3A_2046 = arith.subf %get3A_2044, %sub3A_2045 : vector<16xf32>
    %mul3A_2047 = arith.mulf %sub3A_2046, %sub3A_2046 : vector<16xf32>
    %add3A_2048 = arith.addf %add3A_2038, %mul3A_2047 : vector<16xf32>
    %slice3A_2049 = vector.extract_strided_slice %get3A_1640 {offsets = [2], sizes = [1], strides = [1]} : vector<16xf32> to vector<1xf32>
    %squeeze3A_2050 = vector.extract %slice3A_2049[0] : f32 from vector<1xf32>
    %get3A_2051 = arith.constant 2 : i32
    %get3A_2052 = arith.index_cast %get3A_2051 : i32 to index
    %get3A_2053 = arith.constant 16 : index
    %get3A_2054 = tpu.vector_load %arg12[%get3A_2052, %get3A_2053] {strides = array<i32>} : memref<32x32xf32, #tpu.memory_space<vmem>>, vector<16xf32>,
    %sub3A_2055 = vector.broadcast %squeeze3A_2050 : f32 to vector<16xf32>
    %sub3A_2056 = arith.subf %get3A_2054, %sub3A_2055 : vector<16xf32>
    %mul3A_2057 = arith.mulf %sub3A_2056, %sub3A_2056 : vector<16xf32>
    %add3A_2058 = arith.addf %add3A_2048, %mul3A_2057 : vector<16xf32>
    %slice3A_2059 = vector.extract_strided_slice %get3A_1640 {offsets = [3], sizes = [1], strides = [1]} : vector<16xf32> to vector<1xf32>
    %squeeze3A_2060 = vector.extract %slice3A_2059[0] : f32 from vector<1xf32>
    %get3A_2061 = arith.constant 3 : i32
    %get3A_2062 = arith.index_cast %get3A_2061 : i32 to index
    %get3A_2063 = arith.constant 16 : index
    %get3A_2064 = tpu.vector_load %arg12[%get3A_2062, %get3A_2063] {strides = array<i32>} : memref<32x32xf32, #tpu.memory_space<vmem>>, vector<16xf32>,
    %sub3A_2065 = vector.broadcast %squeeze3A_2060 : f32 to vector<16xf32>
    %sub3A_2066 = arith.subf %get3A_2064, %sub3A_2065 : vector<16xf32>
    %mul3A_2067 = arith.mulf %sub3A_2066, %sub3A_2066 : vector<16xf32>
    %add3A_2068 = arith.addf %add3A_2058, %mul3A_2067 : vector<16xf32>
    %slice3A_2069 = vector.extract_strided_slice %get3A_1640 {offsets = [4], sizes = [1], strides = [1]} : vector<16xf32> to vector<1xf32>
    %squeeze3A_2070 = vector.extract %slice3A_2069[0] : f32 from vector<1xf32>
    %get3A_2071 = arith.constant 4 : i32
    %get3A_2072 = arith.index_cast %get3A_2071 : i32 to index
    %get3A_2073 = arith.constant 16 : index
    %get3A_2074 = tpu.vector_load %arg12[%get3A_2072, %get3A_2073] {strides = array<i32>} : memref<32x32xf32, #tpu.memory_space<vmem>>, vector<16xf32>,
    %sub3A_2075 = vector.broadcast %squeeze3A_2070 : f32 to vector<16xf32>
    %sub3A_2076 = arith.subf %get3A_2074, %sub3A_2075 : vector<16xf32>
    %mul3A_2077 = arith.mulf %sub3A_2076, %sub3A_2076 : vector<16xf32>
    %add3A_2078 = arith.addf %add3A_2068, %mul3A_2077 : vector<16xf32>
    %slice3A_2079 = vector.extract_strided_slice %get3A_1640 {offsets = [5], sizes = [1], strides = [1]} : vector<16xf32> to vector<1xf32>
    %squeeze3A_2080 = vector.extract %slice3A_2079[0] : f32 from vector<1xf32>
    %get3A_2081 = arith.constant 5 : i32
    %get3A_2082 = arith.index_cast %get3A_2081 : i32 to index
    %get3A_2083 = arith.constant 16 : index
    %get3A_2084 = tpu.vector_load %arg12[%get3A_2082, %get3A_2083] {strides = array<i32>} : memref<32x32xf32, #tpu.memory_space<vmem>>, vector<16xf32>,
    %sub3A_2085 = vector.broadcast %squeeze3A_2080 : f32 to vector<16xf32>
    %sub3A_2086 = arith.subf %get3A_2084, %sub3A_2085 : vector<16xf32>
    %mul3A_2087 = arith.mulf %sub3A_2086, %sub3A_2086 : vector<16xf32>
    %add3A_2088 = arith.addf %add3A_2078, %mul3A_2087 : vector<16xf32>
    %slice3A_2089 = vector.extract_strided_slice %get3A_1640 {offsets = [6], sizes = [1], strides = [1]} : vector<16xf32> to vector<1xf32>
    %squeeze3A_2090 = vector.extract %slice3A_2089[0] : f32 from vector<1xf32>
    %get3A_2091 = arith.constant 6 : i32
    %get3A_2092 = arith.index_cast %get3A_2091 : i32 to index
    %get3A_2093 = arith.constant 16 : index
    %get3A_2094 = tpu.vector_load %arg12[%get3A_2092, %get3A_2093] {strides = array<i32>} : memref<32x32xf32, #tpu.memory_space<vmem>>, vector<16xf32>,
    %sub3A_2095 = vector.broadcast %squeeze3A_2090 : f32 to vector<16xf32>
    %sub3A_2096 = arith.subf %get3A_2094, %sub3A_2095 : vector<16xf32>
    %mul3A_2097 = arith.mulf %sub3A_2096, %sub3A_2096 : vector<16xf32>
    %add3A_2098 = arith.addf %add3A_2088, %mul3A_2097 : vector<16xf32>
    %slice3A_2099 = vector.extract_strided_slice %get3A_1640 {offsets = [7], sizes = [1], strides = [1]} : vector<16xf32> to vector<1xf32>
    %squeeze3A_2100 = vector.extract %slice3A_2099[0] : f32 from vector<1xf32>
    %get3A_2101 = arith.constant 7 : i32
    %get3A_2102 = arith.index_cast %get3A_2101 : i32 to index
    %get3A_2103 = arith.constant 16 : index
    %get3A_2104 = tpu.vector_load %arg12[%get3A_2102, %get3A_2103] {strides = array<i32>} : memref<32x32xf32, #tpu.memory_space<vmem>>, vector<16xf32>,
    %sub3A_2105 = vector.broadcast %squeeze3A_2100 : f32 to vector<16xf32>
    %sub3A_2106 = arith.subf %get3A_2104, %sub3A_2105 : vector<16xf32>
    %mul3A_2107 = arith.mulf %sub3A_2106, %sub3A_2106 : vector<16xf32>
    %add3A_2108 = arith.addf %add3A_2098, %mul3A_2107 : vector<16xf32>
    %slice3A_2109 = vector.extract_strided_slice %get3A_1640 {offsets = [8], sizes = [1], strides = [1]} : vector<16xf32> to vector<1xf32>
    %squeeze3A_2110 = vector.extract %slice3A_2109[0] : f32 from vector<1xf32>
    %get3A_2111 = arith.constant 8 : i32
    %get3A_2112 = arith.index_cast %get3A_2111 : i32 to index
    %get3A_2113 = arith.constant 16 : index
    %get3A_2114 = tpu.vector_load %arg12[%get3A_2112, %get3A_2113] {strides = array<i32>} : memref<32x32xf32, #tpu.memory_space<vmem>>, vector<16xf32>,
    %sub3A_2115 = vector.broadcast %squeeze3A_2110 : f32 to vector<16xf32>
    %sub3A_2116 = arith.subf %get3A_2114, %sub3A_2115 : vector<16xf32>
    %mul3A_2117 = arith.mulf %sub3A_2116, %sub3A_2116 : vector<16xf32>
    %add3A_2118 = arith.addf %add3A_2108, %mul3A_2117 : vector<16xf32>
    %slice3A_2119 = vector.extract_strided_slice %get3A_1640 {offsets = [9], sizes = [1], strides = [1]} : vector<16xf32> to vector<1xf32>
    %squeeze3A_2120 = vector.extract %slice3A_2119[0] : f32 from vector<1xf32>
    %get3A_2121 = arith.constant 9 : i32
    %get3A_2122 = arith.index_cast %get3A_2121 : i32 to index
    %get3A_2123 = arith.constant 16 : index
    %get3A_2124 = tpu.vector_load %arg12[%get3A_2122, %get3A_2123] {strides = array<i32>} : memref<32x32xf32, #tpu.memory_space<vmem>>, vector<16xf32>,
    %sub3A_2125 = vector.broadcast %squeeze3A_2120 : f32 to vector<16xf32>
    %sub3A_2126 = arith.subf %get3A_2124, %sub3A_2125 : vector<16xf32>
    %mul3A_2127 = arith.mulf %sub3A_2126, %sub3A_2126 : vector<16xf32>
    %add3A_2128 = arith.addf %add3A_2118, %mul3A_2127 : vector<16xf32>
    %slice3A_2129 = vector.extract_strided_slice %get3A_1640 {offsets = [10], sizes = [1], strides = [1]} : vector<16xf32> to vector<1xf32>
    %squeeze3A_2130 = vector.extract %slice3A_2129[0] : f32 from vector<1xf32>
    %get3A_2131 = arith.constant 10 : i32
    %get3A_2132 = arith.index_cast %get3A_2131 : i32 to index
    %get3A_2133 = arith.constant 16 : index
    %get3A_2134 = tpu.vector_load %arg12[%get3A_2132, %get3A_2133] {strides = array<i32>} : memref<32x32xf32, #tpu.memory_space<vmem>>, vector<16xf32>,
    %sub3A_2135 = vector.broadcast %squeeze3A_2130 : f32 to vector<16xf32>
    %sub3A_2136 = arith.subf %get3A_2134, %sub3A_2135 : vector<16xf32>
    %mul3A_2137 = arith.mulf %sub3A_2136, %sub3A_2136 : vector<16xf32>
    %add3A_2138 = arith.addf %add3A_2128, %mul3A_2137 : vector<16xf32>
    %slice3A_2139 = vector.extract_strided_slice %get3A_1640 {offsets = [11], sizes = [1], strides = [1]} : vector<16xf32> to vector<1xf32>
    %squeeze3A_2140 = vector.extract %slice3A_2139[0] : f32 from vector<1xf32>
    %get3A_2141 = arith.constant 11 : i32
    %get3A_2142 = arith.index_cast %get3A_2141 : i32 to index
    %get3A_2143 = arith.constant 16 : index
    %get3A_2144 = tpu.vector_load %arg12[%get3A_2142, %get3A_2143] {strides = array<i32>} : memref<32x32xf32, #tpu.memory_space<vmem>>, vector<16xf32>,
    %sub3A_2145 = vector.broadcast %squeeze3A_2140 : f32 to vector<16xf32>
    %sub3A_2146 = arith.subf %get3A_2144, %sub3A_2145 : vector<16xf32>
    %mul3A_2147 = arith.mulf %sub3A_2146, %sub3A_2146 : vector<16xf32>
    %add3A_2148 = arith.addf %add3A_2138, %mul3A_2147 : vector<16xf32>
    %slice3A_2149 = vector.extract_strided_slice %get3A_1640 {offsets = [12], sizes = [1], strides = [1]} : vector<16xf32> to vector<1xf32>
    %squeeze3A_2150 = vector.extract %slice3A_2149[0] : f32 from vector<1xf32>
    %get3A_2151 = arith.constant 12 : i32
    %get3A_2152 = arith.index_cast %get3A_2151 : i32 to index
    %get3A_2153 = arith.constant 16 : index
    %get3A_2154 = tpu.vector_load %arg12[%get3A_2152, %get3A_2153] {strides = array<i32>} : memref<32x32xf32, #tpu.memory_space<vmem>>, vector<16xf32>,
    %sub3A_2155 = vector.broadcast %squeeze3A_2150 : f32 to vector<16xf32>
    %sub3A_2156 = arith.subf %get3A_2154, %sub3A_2155 : vector<16xf32>
    %mul3A_2157 = arith.mulf %sub3A_2156, %sub3A_2156 : vector<16xf32>
    %add3A_2158 = arith.addf %add3A_2148, %mul3A_2157 : vector<16xf32>
    %slice3A_2159 = vector.extract_strided_slice %get3A_1640 {offsets = [13], sizes = [1], strides = [1]} : vector<16xf32> to vector<1xf32>
    %squeeze3A_2160 = vector.extract %slice3A_2159[0] : f32 from vector<1xf32>
    %get3A_2161 = arith.constant 13 : i32
    %get3A_2162 = arith.index_cast %get3A_2161 : i32 to index
    %get3A_2163 = arith.constant 16 : index
    %get3A_2164 = tpu.vector_load %arg12[%get3A_2162, %get3A_2163] {strides = array<i32>} : memref<32x32xf32, #tpu.memory_space<vmem>>, vector<16xf32>,
    %sub3A_2165 = vector.broadcast %squeeze3A_2160 : f32 to vector<16xf32>
    %sub3A_2166 = arith.subf %get3A_2164, %sub3A_2165 : vector<16xf32>
    %mul3A_2167 = arith.mulf %sub3A_2166, %sub3A_2166 : vector<16xf32>
    %add3A_2168 = arith.addf %add3A_2158, %mul3A_2167 : vector<16xf32>
    %slice3A_2169 = vector.extract_strided_slice %get3A_1640 {offsets = [14], sizes = [1], strides = [1]} : vector<16xf32> to vector<1xf32>
    %squeeze3A_2170 = vector.extract %slice3A_2169[0] : f32 from vector<1xf32>
    %get3A_2171 = arith.constant 14 : i32
    %get3A_2172 = arith.index_cast %get3A_2171 : i32 to index
    %get3A_2173 = arith.constant 16 : index
    %get3A_2174 = tpu.vector_load %arg12[%get3A_2172, %get3A_2173] {strides = array<i32>} : memref<32x32xf32, #tpu.memory_space<vmem>>, vector<16xf32>,
    %sub3A_2175 = vector.broadcast %squeeze3A_2170 : f32 to vector<16xf32>
    %sub3A_2176 = arith.subf %get3A_2174, %sub3A_2175 : vector<16xf32>
    %mul3A_2177 = arith.mulf %sub3A_2176, %sub3A_2176 : vector<16xf32>
    %add3A_2178 = arith.addf %add3A_2168, %mul3A_2177 : vector<16xf32>
    %slice3A_2179 = vector.extract_strided_slice %get3A_1640 {offsets = [15], sizes = [1], strides = [1]} : vector<16xf32> to vector<1xf32>
    %squeeze3A_2180 = vector.extract %slice3A_2179[0] : f32 from vector<1xf32>
    %get3A_2181 = arith.constant 15 : i32
    %get3A_2182 = arith.index_cast %get3A_2181 : i32 to index
    %get3A_2183 = arith.constant 16 : index
    %get3A_2184 = tpu.vector_load %arg12[%get3A_2182, %get3A_2183] {strides = array<i32>} : memref<32x32xf32, #tpu.memory_space<vmem>>, vector<16xf32>,
    %sub3A_2185 = vector.broadcast %squeeze3A_2180 : f32 to vector<16xf32>
    %sub3A_2186 = arith.subf %get3A_2184, %sub3A_2185 : vector<16xf32>
    %mul3A_2187 = arith.mulf %sub3A_2186, %sub3A_2186 : vector<16xf32>
    %add3A_2188 = arith.addf %add3A_2178, %mul3A_2187 : vector<16xf32>
    %slice3A_2189 = vector.extract_strided_slice %get3A_1646 {offsets = [0], sizes = [1], strides = [1]} : vector<16xf32> to vector<1xf32>
    %squeeze3A_2190 = vector.extract %slice3A_2189[0] : f32 from vector<1xf32>
    %get3A_2191 = arith.constant 16 : i32
    %get3A_2192 = arith.index_cast %get3A_2191 : i32 to index
    %get3A_2193 = arith.constant 16 : index
    %get3A_2194 = tpu.vector_load %arg12[%get3A_2192, %get3A_2193] {strides = array<i32>} : memref<32x32xf32, #tpu.memory_space<vmem>>, vector<16xf32>,
    %sub3A_2195 = vector.broadcast %squeeze3A_2190 : f32 to vector<16xf32>
    %sub3A_2196 = arith.subf %get3A_2194, %sub3A_2195 : vector<16xf32>
    %mul3A_2197 = arith.mulf %sub3A_2196, %sub3A_2196 : vector<16xf32>
    %add3A_2198 = arith.addf %add3A_2188, %mul3A_2197 : vector<16xf32>
    %slice3A_2199 = vector.extract_strided_slice %get3A_1646 {offsets = [1], sizes = [1], strides = [1]} : vector<16xf32> to vector<1xf32>
    %squeeze3A_2200 = vector.extract %slice3A_2199[0] : f32 from vector<1xf32>
    %get3A_2201 = arith.constant 17 : i32
    %get3A_2202 = arith.index_cast %get3A_2201 : i32 to index
    %get3A_2203 = arith.constant 16 : index
    %get3A_2204 = tpu.vector_load %arg12[%get3A_2202, %get3A_2203] {strides = array<i32>} : memref<32x32xf32, #tpu.memory_space<vmem>>, vector<16xf32>,
    %sub3A_2205 = vector.broadcast %squeeze3A_2200 : f32 to vector<16xf32>
    %sub3A_2206 = arith.subf %get3A_2204, %sub3A_2205 : vector<16xf32>
    %mul3A_2207 = arith.mulf %sub3A_2206, %sub3A_2206 : vector<16xf32>
    %add3A_2208 = arith.addf %add3A_2198, %mul3A_2207 : vector<16xf32>
    %slice3A_2209 = vector.extract_strided_slice %get3A_1646 {offsets = [2], sizes = [1], strides = [1]} : vector<16xf32> to vector<1xf32>
    %squeeze3A_2210 = vector.extract %slice3A_2209[0] : f32 from vector<1xf32>
    %get3A_2211 = arith.constant 18 : i32
    %get3A_2212 = arith.index_cast %get3A_2211 : i32 to index
    %get3A_2213 = arith.constant 16 : index
    %get3A_2214 = tpu.vector_load %arg12[%get3A_2212, %get3A_2213] {strides = array<i32>} : memref<32x32xf32, #tpu.memory_space<vmem>>, vector<16xf32>,
    %sub3A_2215 = vector.broadcast %squeeze3A_2210 : f32 to vector<16xf32>
    %sub3A_2216 = arith.subf %get3A_2214, %sub3A_2215 : vector<16xf32>
    %mul3A_2217 = arith.mulf %sub3A_2216, %sub3A_2216 : vector<16xf32>
    %add3A_2218 = arith.addf %add3A_2208, %mul3A_2217 : vector<16xf32>
    %slice3A_2219 = vector.extract_strided_slice %get3A_1646 {offsets = [3], sizes = [1], strides = [1]} : vector<16xf32> to vector<1xf32>
    %squeeze3A_2220 = vector.extract %slice3A_2219[0] : f32 from vector<1xf32>
    %get3A_2221 = arith.constant 19 : i32
    %get3A_2222 = arith.index_cast %get3A_2221 : i32 to index
    %get3A_2223 = arith.constant 16 : index
    %get3A_2224 = tpu.vector_load %arg12[%get3A_2222, %get3A_2223] {strides = array<i32>} : memref<32x32xf32, #tpu.memory_space<vmem>>, vector<16xf32>,
    %sub3A_2225 = vector.broadcast %squeeze3A_2220 : f32 to vector<16xf32>
    %sub3A_2226 = arith.subf %get3A_2224, %sub3A_2225 : vector<16xf32>
    %mul3A_2227 = arith.mulf %sub3A_2226, %sub3A_2226 : vector<16xf32>
    %add3A_2228 = arith.addf %add3A_2218, %mul3A_2227 : vector<16xf32>
    %slice3A_2229 = vector.extract_strided_slice %get3A_1646 {offsets = [4], sizes = [1], strides = [1]} : vector<16xf32> to vector<1xf32>
    %squeeze3A_2230 = vector.extract %slice3A_2229[0] : f32 from vector<1xf32>
    %get3A_2231 = arith.constant 20 : i32
    %get3A_2232 = arith.index_cast %get3A_2231 : i32 to index
    %get3A_2233 = arith.constant 16 : index
    %get3A_2234 = tpu.vector_load %arg12[%get3A_2232, %get3A_2233] {strides = array<i32>} : memref<32x32xf32, #tpu.memory_space<vmem>>, vector<16xf32>,
    %sub3A_2235 = vector.broadcast %squeeze3A_2230 : f32 to vector<16xf32>
    %sub3A_2236 = arith.subf %get3A_2234, %sub3A_2235 : vector<16xf32>
    %mul3A_2237 = arith.mulf %sub3A_2236, %sub3A_2236 : vector<16xf32>
    %add3A_2238 = arith.addf %add3A_2228, %mul3A_2237 : vector<16xf32>
    %slice3A_2239 = vector.extract_strided_slice %get3A_1646 {offsets = [5], sizes = [1], strides = [1]} : vector<16xf32> to vector<1xf32>
    %squeeze3A_2240 = vector.extract %slice3A_2239[0] : f32 from vector<1xf32>
    %get3A_2241 = arith.constant 21 : i32
    %get3A_2242 = arith.index_cast %get3A_2241 : i32 to index
    %get3A_2243 = arith.constant 16 : index
    %get3A_2244 = tpu.vector_load %arg12[%get3A_2242, %get3A_2243] {strides = array<i32>} : memref<32x32xf32, #tpu.memory_space<vmem>>, vector<16xf32>,
    %sub3A_2245 = vector.broadcast %squeeze3A_2240 : f32 to vector<16xf32>
    %sub3A_2246 = arith.subf %get3A_2244, %sub3A_2245 : vector<16xf32>
    %mul3A_2247 = arith.mulf %sub3A_2246, %sub3A_2246 : vector<16xf32>
    %add3A_2248 = arith.addf %add3A_2238, %mul3A_2247 : vector<16xf32>
    %slice3A_2249 = vector.extract_strided_slice %get3A_1646 {offsets = [6], sizes = [1], strides = [1]} : vector<16xf32> to vector<1xf32>
    %squeeze3A_2250 = vector.extract %slice3A_2249[0] : f32 from vector<1xf32>
    %get3A_2251 = arith.constant 22 : i32
    %get3A_2252 = arith.index_cast %get3A_2251 : i32 to index
    %get3A_2253 = arith.constant 16 : index
    %get3A_2254 = tpu.vector_load %arg12[%get3A_2252, %get3A_2253] {strides = array<i32>} : memref<32x32xf32, #tpu.memory_space<vmem>>, vector<16xf32>,
    %sub3A_2255 = vector.broadcast %squeeze3A_2250 : f32 to vector<16xf32>
    %sub3A_2256 = arith.subf %get3A_2254, %sub3A_2255 : vector<16xf32>
    %mul3A_2257 = arith.mulf %sub3A_2256, %sub3A_2256 : vector<16xf32>
    %add3A_2258 = arith.addf %add3A_2248, %mul3A_2257 : vector<16xf32>
    %slice3A_2259 = vector.extract_strided_slice %get3A_1646 {offsets = [7], sizes = [1], strides = [1]} : vector<16xf32> to vector<1xf32>
    %squeeze3A_2260 = vector.extract %slice3A_2259[0] : f32 from vector<1xf32>
    %get3A_2261 = arith.constant 23 : i32
    %get3A_2262 = arith.index_cast %get3A_2261 : i32 to index
    %get3A_2263 = arith.constant 16 : index
    %get3A_2264 = tpu.vector_load %arg12[%get3A_2262, %get3A_2263] {strides = array<i32>} : memref<32x32xf32, #tpu.memory_space<vmem>>, vector<16xf32>,
    %sub3A_2265 = vector.broadcast %squeeze3A_2260 : f32 to vector<16xf32>
    %sub3A_2266 = arith.subf %get3A_2264, %sub3A_2265 : vector<16xf32>
    %mul3A_2267 = arith.mulf %sub3A_2266, %sub3A_2266 : vector<16xf32>
    %add3A_2268 = arith.addf %add3A_2258, %mul3A_2267 : vector<16xf32>
    %slice3A_2269 = vector.extract_strided_slice %get3A_1646 {offsets = [8], sizes = [1], strides = [1]} : vector<16xf32> to vector<1xf32>
    %squeeze3A_2270 = vector.extract %slice3A_2269[0] : f32 from vector<1xf32>
    %get3A_2271 = arith.constant 24 : i32
    %get3A_2272 = arith.index_cast %get3A_2271 : i32 to index
    %get3A_2273 = arith.constant 16 : index
    %get3A_2274 = tpu.vector_load %arg12[%get3A_2272, %get3A_2273] {strides = array<i32>} : memref<32x32xf32, #tpu.memory_space<vmem>>, vector<16xf32>,
    %sub3A_2275 = vector.broadcast %squeeze3A_2270 : f32 to vector<16xf32>
    %sub3A_2276 = arith.subf %get3A_2274, %sub3A_2275 : vector<16xf32>
    %mul3A_2277 = arith.mulf %sub3A_2276, %sub3A_2276 : vector<16xf32>
    %add3A_2278 = arith.addf %add3A_2268, %mul3A_2277 : vector<16xf32>
    %slice3A_2279 = vector.extract_strided_slice %get3A_1646 {offsets = [9], sizes = [1], strides = [1]} : vector<16xf32> to vector<1xf32>
    %squeeze3A_2280 = vector.extract %slice3A_2279[0] : f32 from vector<1xf32>
    %get3A_2281 = arith.constant 25 : i32
    %get3A_2282 = arith.index_cast %get3A_2281 : i32 to index
    %get3A_2283 = arith.constant 16 : index
    %get3A_2284 = tpu.vector_load %arg12[%get3A_2282, %get3A_2283] {strides = array<i32>} : memref<32x32xf32, #tpu.memory_space<vmem>>, vector<16xf32>,
    %sub3A_2285 = vector.broadcast %squeeze3A_2280 : f32 to vector<16xf32>
    %sub3A_2286 = arith.subf %get3A_2284, %sub3A_2285 : vector<16xf32>
    %mul3A_2287 = arith.mulf %sub3A_2286, %sub3A_2286 : vector<16xf32>
    %add3A_2288 = arith.addf %add3A_2278, %mul3A_2287 : vector<16xf32>
    %slice3A_2289 = vector.extract_strided_slice %get3A_1646 {offsets = [10], sizes = [1], strides = [1]} : vector<16xf32> to vector<1xf32>
    %squeeze3A_2290 = vector.extract %slice3A_2289[0] : f32 from vector<1xf32>
    %get3A_2291 = arith.constant 26 : i32
    %get3A_2292 = arith.index_cast %get3A_2291 : i32 to index
    %get3A_2293 = arith.constant 16 : index
    %get3A_2294 = tpu.vector_load %arg12[%get3A_2292, %get3A_2293] {strides = array<i32>} : memref<32x32xf32, #tpu.memory_space<vmem>>, vector<16xf32>,
    %sub3A_2295 = vector.broadcast %squeeze3A_2290 : f32 to vector<16xf32>
    %sub3A_2296 = arith.subf %get3A_2294, %sub3A_2295 : vector<16xf32>
    %mul3A_2297 = arith.mulf %sub3A_2296, %sub3A_2296 : vector<16xf32>
    %add3A_2298 = arith.addf %add3A_2288, %mul3A_2297 : vector<16xf32>
    %slice3A_2299 = vector.extract_strided_slice %get3A_1646 {offsets = [11], sizes = [1], strides = [1]} : vector<16xf32> to vector<1xf32>
    %squeeze3A_2300 = vector.extract %slice3A_2299[0] : f32 from vector<1xf32>
    %get3A_2301 = arith.constant 27 : i32
    %get3A_2302 = arith.index_cast %get3A_2301 : i32 to index
    %get3A_2303 = arith.constant 16 : index
    %get3A_2304 = tpu.vector_load %arg12[%get3A_2302, %get3A_2303] {strides = array<i32>} : memref<32x32xf32, #tpu.memory_space<vmem>>, vector<16xf32>,
    %sub3A_2305 = vector.broadcast %squeeze3A_2300 : f32 to vector<16xf32>
    %sub3A_2306 = arith.subf %get3A_2304, %sub3A_2305 : vector<16xf32>
    %mul3A_2307 = arith.mulf %sub3A_2306, %sub3A_2306 : vector<16xf32>
    %add3A_2308 = arith.addf %add3A_2298, %mul3A_2307 : vector<16xf32>
    %slice3A_2309 = vector.extract_strided_slice %get3A_1646 {offsets = [12], sizes = [1], strides = [1]} : vector<16xf32> to vector<1xf32>
    %squeeze3A_2310 = vector.extract %slice3A_2309[0] : f32 from vector<1xf32>
    %get3A_2311 = arith.constant 28 : i32
    %get3A_2312 = arith.index_cast %get3A_2311 : i32 to index
    %get3A_2313 = arith.constant 16 : index
    %get3A_2314 = tpu.vector_load %arg12[%get3A_2312, %get3A_2313] {strides = array<i32>} : memref<32x32xf32, #tpu.memory_space<vmem>>, vector<16xf32>,
    %sub3A_2315 = vector.broadcast %squeeze3A_2310 : f32 to vector<16xf32>
    %sub3A_2316 = arith.subf %get3A_2314, %sub3A_2315 : vector<16xf32>
    %mul3A_2317 = arith.mulf %sub3A_2316, %sub3A_2316 : vector<16xf32>
    %add3A_2318 = arith.addf %add3A_2308, %mul3A_2317 : vector<16xf32>
    %slice3A_2319 = vector.extract_strided_slice %get3A_1646 {offsets = [13], sizes = [1], strides = [1]} : vector<16xf32> to vector<1xf32>
    %squeeze3A_2320 = vector.extract %slice3A_2319[0] : f32 from vector<1xf32>
    %get3A_2321 = arith.constant 29 : i32
    %get3A_2322 = arith.index_cast %get3A_2321 : i32 to index
    %get3A_2323 = arith.constant 16 : index
    %get3A_2324 = tpu.vector_load %arg12[%get3A_2322, %get3A_2323] {strides = array<i32>} : memref<32x32xf32, #tpu.memory_space<vmem>>, vector<16xf32>,
    %sub3A_2325 = vector.broadcast %squeeze3A_2320 : f32 to vector<16xf32>
    %sub3A_2326 = arith.subf %get3A_2324, %sub3A_2325 : vector<16xf32>
    %mul3A_2327 = arith.mulf %sub3A_2326, %sub3A_2326 : vector<16xf32>
    %add3A_2328 = arith.addf %add3A_2318, %mul3A_2327 : vector<16xf32>
    %slice3A_2329 = vector.extract_strided_slice %get3A_1646 {offsets = [14], sizes = [1], strides = [1]} : vector<16xf32> to vector<1xf32>
    %squeeze3A_2330 = vector.extract %slice3A_2329[0] : f32 from vector<1xf32>
    %get3A_2331 = arith.constant 30 : i32
    %get3A_2332 = arith.index_cast %get3A_2331 : i32 to index
    %get3A_2333 = arith.constant 16 : index
    %get3A_2334 = tpu.vector_load %arg12[%get3A_2332, %get3A_2333] {strides = array<i32>} : memref<32x32xf32, #tpu.memory_space<vmem>>, vector<16xf32>,
    %sub3A_2335 = vector.broadcast %squeeze3A_2330 : f32 to vector<16xf32>
    %sub3A_2336 = arith.subf %get3A_2334, %sub3A_2335 : vector<16xf32>
    %mul3A_2337 = arith.mulf %sub3A_2336, %sub3A_2336 : vector<16xf32>
    %add3A_2338 = arith.addf %add3A_2328, %mul3A_2337 : vector<16xf32>
    %slice3A_2339 = vector.extract_strided_slice %get3A_1646 {offsets = [15], sizes = [1], strides = [1]} : vector<16xf32> to vector<1xf32>
    %squeeze3A_2340 = vector.extract %slice3A_2339[0] : f32 from vector<1xf32>
    %get3A_2341 = arith.constant 31 : i32
    %get3A_2342 = arith.index_cast %get3A_2341 : i32 to index
    %get3A_2343 = arith.constant 16 : index
    %get3A_2344 = tpu.vector_load %arg12[%get3A_2342, %get3A_2343] {strides = array<i32>} : memref<32x32xf32, #tpu.memory_space<vmem>>, vector<16xf32>,
    %sub3A_2345 = vector.broadcast %squeeze3A_2340 : f32 to vector<16xf32>
    %sub3A_2346 = arith.subf %get3A_2344, %sub3A_2345 : vector<16xf32>
    %mul3A_2347 = arith.mulf %sub3A_2346, %sub3A_2346 : vector<16xf32>
    %add3A_2348 = arith.addf %add3A_2338, %mul3A_2347 : vector<16xf32>
    %add3A_2349 = arith.constant 16 : i32
    %add3A_2350 = vector.broadcast %add3A_2349 : i32 to vector<16xi32>
    %add3A_2351 = arith.addi %iota3A, %add3A_2350 : vector<16xi32>
    %eq3A_2352 = vector.broadcast %add3A_1636 : i32 to vector<16xi32>
    %eq3A_2353 = arith.cmpi eq, %add3A_2351, %eq3A_2352 : vector<16xi32>
    %max3A_2354 = arith.constant 9.99999996E-13 : f32
    %max3A_2355 = vector.broadcast %max3A_2354 : f32 to vector<16xf32>
    %max3A_2356 = arith.maximumf %add3A_2348, %max3A_2355 : vector<16xf32>
    %jit3A_2357 = arith.constant 1.000000e+00 : f32
    %broadcast_in_dim3A_2358 = vector.broadcast %jit3A_2357 : f32 to vector<16xf32>
    %select_n3A_2359 = arith.select %eq3A_2353, %broadcast_in_dim3A_2358, %max3A_2356 : vector<16xi1>, vector<16xf32>
    %bitcast3A_2360 = vector.bitcast %select_n3A_2359 : vector<16xf32> to vector<16xi32>
    %shift_right_arithmetic3A_2361 = arith.constant 1 : i32
    %shift_right_arithmetic3A_2362 = vector.broadcast %shift_right_arithmetic3A_2361 : i32 to vector<16xi32>
    %shift_right_arithmetic3A_2363 = arith.shrsi %bitcast3A_2360, %shift_right_arithmetic3A_2362 : vector<16xi32>
    %sub3A_2364 = arith.constant 1597463007 : i32
    %sub3A_2365 = vector.broadcast %sub3A_2364 : i32 to vector<16xi32>
    %sub3A_2366 = arith.subi %sub3A_2365, %shift_right_arithmetic3A_2363 : vector<16xi32>
    %bitcast3A_2367 = vector.bitcast %sub3A_2366 : vector<16xi32> to vector<16xf32>
    %mul3A_2368 = arith.constant 5.000000e-01 : f32
    %mul3A_2369 = vector.broadcast %mul3A_2368 : f32 to vector<16xf32>
    %mul3A_2370 = arith.mulf %mul3A_2369, %select_n3A_2359 : vector<16xf32>
    %mul3A_2371 = arith.mulf %mul3A_2370, %bitcast3A_2367 : vector<16xf32>
    %mul3A_2372 = arith.mulf %mul3A_2371, %bitcast3A_2367 : vector<16xf32>
    %sub3A_2373 = arith.constant 1.500000e+00 : f32
    %sub3A_2374 = vector.broadcast %sub3A_2373 : f32 to vector<16xf32>
    %sub3A_2375 = arith.subf %sub3A_2374, %mul3A_2372 : vector<16xf32>
    %mul3A_2376 = arith.mulf %bitcast3A_2367, %sub3A_2375 : vector<16xf32>
    %mul3A_2377 = arith.constant 5.000000e-01 : f32
    %mul3A_2378 = vector.broadcast %mul3A_2377 : f32 to vector<16xf32>
    %mul3A_2379 = arith.mulf %mul3A_2378, %select_n3A_2359 : vector<16xf32>
    %mul3A_2380 = arith.mulf %mul3A_2379, %mul3A_2376 : vector<16xf32>
    %mul3A_2381 = arith.mulf %mul3A_2380, %mul3A_2376 : vector<16xf32>
    %sub3A_2382 = arith.constant 1.500000e+00 : f32
    %sub3A_2383 = vector.broadcast %sub3A_2382 : f32 to vector<16xf32>
    %sub3A_2384 = arith.subf %sub3A_2383, %mul3A_2381 : vector<16xf32>
    %mul3A_2385 = arith.mulf %mul3A_2376, %sub3A_2384 : vector<16xf32>
    %mul3A_2386 = arith.constant 5.000000e-01 : f32
    %mul3A_2387 = vector.broadcast %mul3A_2386 : f32 to vector<16xf32>
    %mul3A_2388 = arith.mulf %mul3A_2387, %select_n3A_2359 : vector<16xf32>
    %mul3A_2389 = arith.mulf %mul3A_2388, %mul3A_2385 : vector<16xf32>
    %mul3A_2390 = arith.mulf %mul3A_2389, %mul3A_2385 : vector<16xf32>
    %sub3A_2391 = arith.constant 1.500000e+00 : f32
    %sub3A_2392 = vector.broadcast %sub3A_2391 : f32 to vector<16xf32>
    %sub3A_2393 = arith.subf %sub3A_2392, %mul3A_2390 : vector<16xf32>
    %mul3A_2394 = arith.mulf %mul3A_2385, %sub3A_2393 : vector<16xf32>
    %mul3A_2395 = arith.mulf %select_n3A_2359, %mul3A_2394 : vector<16xf32>
    %sub3A_2396 = arith.constant 3.000000e+00 : f32
    %sub3A_2397 = vector.broadcast %sub3A_2396 : f32 to vector<16xf32>
    %sub3A_2398 = arith.subf %sub3A_2397, %mul3A_2395 : vector<16xf32>
    %max3A_2399 = arith.constant 0.000000e+00 : f32
    %max3A_2400 = vector.broadcast %max3A_2399 : f32 to vector<16xf32>
    %max3A_2401 = arith.maximumf %sub3A_2398, %max3A_2400 : vector<16xf32>
    %mul3A_2402 = arith.mulf %max3A_2401, %max3A_2401 : vector<16xf32>
    %jit3A_2403 = arith.constant 0.000000e+00 : f32
    %broadcast_in_dim3A_2404 = vector.broadcast %jit3A_2403 : f32 to vector<16xf32>
    %select_n3A_2405 = arith.select %eq3A_2353, %broadcast_in_dim3A_2404, %mul3A_2402 : vector<16xi1>, vector<16xf32>
    %reduce_sum3A_2406 = arith.constant true
    %reduce_sum3A_2407 = vector.broadcast %reduce_sum3A_2406 : i1 to vector<16xi1>
    %reduce_sum3A_2408 = tpu.scan <sum>, %select_n3A_2405 masked %reduce_sum3A_2407 : vector<16xf32>, vector<16xi1> -> vector<16xf32>
    %reduce_sum3A_2409 = vector.extract %reduce_sum3A_2408[15] : f32 from vector<16xf32>
    %add3A_2410 = arith.addf %add3A_2028, %reduce_sum3A_2409 : f32
    %eq3A_2411 = arith.constant 0 : i32
    %eq3A_2412 = vector.broadcast %eq3A_2411 : i32 to vector<16xi32>
    %eq3A_2413 = arith.cmpi eq, %iota3A, %eq3A_2412 : vector<16xi32>
    %jit3A_2414 = arith.constant 0.000000e+00 : f32
    %broadcast_in_dim3A_2415 = vector.broadcast %add3A_2410 : f32 to vector<16xf32>
    %broadcast_in_dim3A_2416 = vector.broadcast %jit3A_2414 : f32 to vector<16xf32>
    %select_n3A_2417 = arith.select %eq3A_2413, %broadcast_in_dim3A_2415, %broadcast_in_dim3A_2416 : vector<16xi1>, vector<16xf32>
    %swap3A_2418 = arith.constant 512 : index
    %swap3A_2419 = tpu.vector_load %arg9[%swap3A_2418] {strides = array<i32>} : memref<528xf32, #tpu.memory_space<vmem>>, vector<16xf32>,
    tpu.vector_store %arg9[%swap3A_2418], %select_n3A_2417 {strides = array<i32>} : memref<528xf32, #tpu.memory_space<vmem>>, vector<16xf32>,
    "tpu.region"() ({
      %run_scoped3A = tpu.sem_alloc : memref<!tpu.dma_semaphore, #tpu.memory_space<semaphore_mem>>
      %dma_start3A = arith.constant 0 : i32
      %dma_start3A_2426 = tpu.memref_slice %arg21[%arg1, %dma_start3A] : memref<16x528xf32, #tpu.memory_space<vmem_shared>> -> memref<1x528xf32, #tpu.memory_space<vmem_shared>>
      %dma_start3A_2427 = tpu.memref_squeeze %dma_start3A_2426 : memref<1x528xf32, #tpu.memory_space<vmem_shared>> -> memref<528xf32, #tpu.memory_space<vmem_shared>>
      %dma_start3A_2428 = arith.constant 0 : i32
      %dma_start3A_2429 = tpu.memref_slice %arg21[%arg1, %dma_start3A_2428] : memref<16x528xf32, #tpu.memory_space<vmem_shared>> -> memref<1x528xf32, #tpu.memory_space<vmem_shared>>
      %dma_start3A_2430 = tpu.memref_squeeze %dma_start3A_2429 : memref<1x528xf32, #tpu.memory_space<vmem_shared>> -> memref<528xf32, #tpu.memory_space<vmem_shared>>
      tpu.enqueue_dma source(%arg9 : memref<528xf32, #tpu.memory_space<vmem>>) target(%dma_start3A_2430 : memref<528xf32, #tpu.memory_space<vmem_shared>>) target_semaphore(%run_scoped3A : memref<!tpu.dma_semaphore, #tpu.memory_space<semaphore_mem>>)
      %dma_wait3A = arith.constant 0 : i32
      %dma_wait3A_2431 = tpu.memref_slice %arg21[%arg1, %dma_wait3A] : memref<16x528xf32, #tpu.memory_space<vmem_shared>> -> memref<1x528xf32, #tpu.memory_space<vmem_shared>>
      %dma_wait3A_2432 = tpu.memref_squeeze %dma_wait3A_2431 : memref<1x528xf32, #tpu.memory_space<vmem_shared>> -> memref<528xf32, #tpu.memory_space<vmem_shared>>
      %dma_wait3A_2433 = arith.constant 0 : i32
      %dma_wait3A_2434 = tpu.memref_slice %arg21[%arg1, %dma_wait3A_2433] : memref<16x528xf32, #tpu.memory_space<vmem_shared>> -> memref<1x528xf32, #tpu.memory_space<vmem_shared>>
      %dma_wait3A_2435 = tpu.memref_squeeze %dma_wait3A_2434 : memref<1x528xf32, #tpu.memory_space<vmem_shared>> -> memref<528xf32, #tpu.memory_space<vmem_shared>>
      tpu.wait_dma2 semaphore(%run_scoped3A : memref<!tpu.dma_semaphore, #tpu.memory_space<semaphore_mem>>) src(%arg9 : memref<528xf32, #tpu.memory_space<vmem>>) dst(%dma_wait3A_2435 : memref<528xf32, #tpu.memory_space<vmem_shared>>)
      tpu.yield
    }) : () -> ()
    %barrier3A_2420 = arith.constant 0 : index
    tpu.barrier barrier_id(%barrier3A_2420)
    %eq3A_2421 = arith.constant 0 : i32
    %eq3A_2422 = arith.cmpi eq, %arg1, %eq3A_2421 : i32
    %eq3A_2423 = arith.constant 0 : i32
    %eq3A_2424 = arith.cmpi eq, %arg0, %eq3A_2423 : i32
    %and3A = arith.andi %eq3A_2422, %eq3A_2424 : i1
    %convert_element_type3A = arith.extui %and3A : i1 to i32
    %cond3A = arith.constant 0 : i32
    %cond3A_2425 = arith.cmpi ne, %convert_element_type3A, %cond3A : i32
    scf.if %cond3A_2425 {
      "tpu.region"() ({
        %run_scoped3A = tpu.sem_alloc : memref<!tpu.dma_semaphore, #tpu.memory_space<semaphore_mem>>
        tpu.enqueue_dma source(%arg21 : memref<16x528xf32, #tpu.memory_space<vmem_shared>>) target(%arg15 : memref<16x528xf32, #tpu.memory_space<vmem>>) target_semaphore(%run_scoped3A : memref<!tpu.dma_semaphore, #tpu.memory_space<semaphore_mem>>)
        tpu.wait_dma2 semaphore(%run_scoped3A : memref<!tpu.dma_semaphore, #tpu.memory_space<semaphore_mem>>) src(%arg21 : memref<16x528xf32, #tpu.memory_space<vmem_shared>>) dst(%arg15 : memref<16x528xf32, #tpu.memory_space<vmem>>)
        tpu.yield
      }) : () -> ()
      %scan3A_2426 = arith.constant 0 : i32
      %scan3A_2427 = arith.constant 32 : i32
      %scan3A_2428 = arith.addi %scan3A_2426, %scan3A_2427 : i32
      %scan3A_2429 = arith.constant 1 : i32
      %scan3A_2430 = scf.for %scan3A_2484 = %scan3A_2426 to %scan3A_2428 step %scan3A_2429 iter_args(%scan3A_2485 = %broadcast_in_dim3A_2) -> (vector<16xf32>)  : i32 {
        %mul3A_2486 = arith.constant 1 : i32
        %mul3A_2487 = arith.muli %scan3A_2484, %mul3A_2486 : i32
        %add3A_2488 = arith.constant 0 : i32
        %add3A_2489 = arith.addi %add3A_2488, %mul3A_2487 : i32
        %scan3A_2490 = arith.constant 0 : i32
        %scan3A_2491 = arith.constant 16 : i32
        %scan3A_2492 = arith.addi %scan3A_2490, %scan3A_2491 : i32
        %scan3A_2493 = arith.constant 1 : i32
        %scan3A_2494 = scf.for %scan3A_2502 = %scan3A_2490 to %scan3A_2492 step %scan3A_2493 iter_args(%scan3A_2503 = %broadcast_in_dim3A_2) -> (vector<16xf32>)  : i32 {
          %mul3A_2504 = arith.constant 1 : i32
          %mul3A_2505 = arith.muli %scan3A_2502, %mul3A_2504 : i32
          %add3A_2506 = arith.constant 0 : i32
          %add3A_2507 = arith.addi %add3A_2506, %mul3A_2505 : i32
          %mul3A_2508 = arith.constant 16 : i32
          %mul3A_2509 = arith.muli %add3A_2489, %mul3A_2508 : i32
          %get3A_2510 = arith.index_cast %add3A_2507 : i32 to index
          %get3A_2511 = arith.index_cast %mul3A_2509 : i32 to index
          %get3A_2512 = tpu.vector_load %arg15[%get3A_2510, %get3A_2511] {strides = array<i32>} : memref<16x528xf32, #tpu.memory_space<vmem>>, vector<16xf32>,
          %add3A_2513 = arith.addf %scan3A_2503, %get3A_2512 : vector<16xf32>
          scf.yield %add3A_2513 : vector<16xf32>
        }
        %scan3A_2495 = arith.constant 16 : i32
        %mul3A_2496 = arith.constant 16 : i32
        %mul3A_2497 = arith.muli %add3A_2489, %mul3A_2496 : i32
        %get3A_2498 = arith.index_cast %mul3A_2497 : i32 to index
        %get3A_2499 = tpu.vector_load %arg11[%get3A_2498] {strides = array<i32>} : memref<512xf32, #tpu.memory_space<vmem>>, vector<16xf32>,
        %div3A_2500 = arith.divf %scan3A_2494, %get3A_2499 : vector<16xf32>
        %add3A_2501 = arith.addf %scan3A_2485, %div3A_2500 : vector<16xf32>
        scf.yield %add3A_2501 : vector<16xf32>
      }
      %scan3A_2431 = arith.constant 32 : i32
      %reduce_sum3A_2432 = arith.constant true
      %reduce_sum3A_2433 = vector.broadcast %reduce_sum3A_2432 : i1 to vector<16xi1>
      %reduce_sum3A_2434 = tpu.scan <sum>, %scan3A_2430 masked %reduce_sum3A_2433 : vector<16xf32>, vector<16xi1> -> vector<16xf32>
      %reduce_sum3A_2435 = vector.extract %reduce_sum3A_2434[15] : f32 from vector<16xf32>
      %mul3A_2436 = arith.constant 3.125000e-02 : f32
      %mul3A_2437 = arith.mulf %reduce_sum3A_2435, %mul3A_2436 : f32
      %scan3A_2438 = arith.constant 0 : i32
      %scan3A_2439 = arith.constant 16 : i32
      %scan3A_2440 = arith.addi %scan3A_2438, %scan3A_2439 : i32
      %scan3A_2441 = arith.constant 1 : i32
      %scan3A_2442 = scf.for %scan3A_2484 = %scan3A_2438 to %scan3A_2440 step %scan3A_2441 iter_args(%scan3A_2485 = %broadcast_in_dim3A_2) -> (vector<16xf32>)  : i32 {
        %mul3A_2486 = arith.constant 1 : i32
        %mul3A_2487 = arith.muli %scan3A_2484, %mul3A_2486 : i32
        %add3A_2488 = arith.constant 0 : i32
        %add3A_2489 = arith.addi %add3A_2488, %mul3A_2487 : i32
        %get3A_2490 = arith.index_cast %add3A_2489 : i32 to index
        %get3A_2491 = arith.constant 512 : index
        %get3A_2492 = tpu.vector_load %arg15[%get3A_2490, %get3A_2491] {strides = array<i32>} : memref<16x528xf32, #tpu.memory_space<vmem>>, vector<16xf32>,
        %add3A_2493 = arith.addf %scan3A_2485, %get3A_2492 : vector<16xf32>
        scf.yield %add3A_2493 : vector<16xf32>
      }
      %scan3A_2443 = arith.constant 16 : i32
      %reduce_sum3A_2444 = arith.constant true
      %reduce_sum3A_2445 = vector.broadcast %reduce_sum3A_2444 : i1 to vector<16xi1>
      %reduce_sum3A_2446 = tpu.scan <sum>, %scan3A_2442 masked %reduce_sum3A_2445 : vector<16xf32>, vector<16xi1> -> vector<16xf32>
      %reduce_sum3A_2447 = vector.extract %reduce_sum3A_2446[15] : f32 from vector<16xf32>
      %mul3A_2448 = arith.constant 0.00100806449 : f32
      %mul3A_2449 = arith.mulf %reduce_sum3A_2447, %mul3A_2448 : f32
      %mul3A_2450 = arith.constant 3.125000e-02 : f32
      %mul3A_2451 = arith.mulf %add3A_856, %mul3A_2450 : f32
      %mul3A_2452 = arith.constant 1.000000e-01 : f32
      %mul3A_2453 = arith.mulf %mul3A_2452, %mul3A_2437 : f32
      %mul3A_2454 = arith.constant 1.000000e+00 : f32
      %mul3A_2455 = arith.mulf %mul3A_2454, %mul3A_2449 : f32
      %add3A_2456 = arith.addf %mul3A_2453, %mul3A_2455 : f32
      %mul3A_2457 = arith.constant 1.000000e-03 : f32
      %mul3A_2458 = arith.mulf %mul3A_2457, %mul3A_2451 : f32
      %add3A_2459 = arith.addf %add3A_2456, %mul3A_2458 : f32
      %eq3A_2460 = arith.constant 0 : i32
      %eq3A_2461 = vector.broadcast %eq3A_2460 : i32 to vector<16xi32>
      %eq3A_2462 = arith.cmpi eq, %iota3A, %eq3A_2461 : vector<16xi32>
      %eq3A_2463 = arith.constant 1 : i32
      %eq3A_2464 = vector.broadcast %eq3A_2463 : i32 to vector<16xi32>
      %eq3A_2465 = arith.cmpi eq, %iota3A, %eq3A_2464 : vector<16xi32>
      %eq3A_2466 = arith.constant 2 : i32
      %eq3A_2467 = vector.broadcast %eq3A_2466 : i32 to vector<16xi32>
      %eq3A_2468 = arith.cmpi eq, %iota3A, %eq3A_2467 : vector<16xi32>
      %eq3A_2469 = arith.constant 3 : i32
      %eq3A_2470 = vector.broadcast %eq3A_2469 : i32 to vector<16xi32>
      %eq3A_2471 = arith.cmpi eq, %iota3A, %eq3A_2470 : vector<16xi32>
      %jit3A_2472 = arith.constant 0.000000e+00 : f32
      %broadcast_in_dim3A_2473 = vector.broadcast %mul3A_2451 : f32 to vector<16xf32>
      %broadcast_in_dim3A_2474 = vector.broadcast %jit3A_2472 : f32 to vector<16xf32>
      %select_n3A_2475 = arith.select %eq3A_2471, %broadcast_in_dim3A_2473, %broadcast_in_dim3A_2474 : vector<16xi1>, vector<16xf32>
      %broadcast_in_dim3A_2476 = vector.broadcast %mul3A_2449 : f32 to vector<16xf32>
      %select_n3A_2477 = arith.select %eq3A_2468, %broadcast_in_dim3A_2476, %select_n3A_2475 : vector<16xi1>, vector<16xf32>
      %broadcast_in_dim3A_2478 = vector.broadcast %mul3A_2437 : f32 to vector<16xf32>
      %select_n3A_2479 = arith.select %eq3A_2465, %broadcast_in_dim3A_2478, %select_n3A_2477 : vector<16xi1>, vector<16xf32>
      %broadcast_in_dim3A_2480 = vector.broadcast %add3A_2459 : f32 to vector<16xf32>
      %select_n3A_2481 = arith.select %eq3A_2462, %broadcast_in_dim3A_2480, %select_n3A_2479 : vector<16xi1>, vector<16xf32>
      %swap3A_2482 = arith.constant 0 : index
      %swap3A_2483 = tpu.vector_load %arg16[%swap3A_2482] {strides = array<i32>} : memref<16xf32, #tpu.memory_space<vmem>>, vector<16xf32>,
      tpu.vector_store %arg16[%swap3A_2482], %select_n3A_2481 {strides = array<i32>} : memref<16xf32, #tpu.memory_space<vmem>>, vector<16xf32>,
      "tpu.region"() ({
        %run_scoped3A = tpu.sem_alloc : memref<!tpu.dma_semaphore, #tpu.memory_space<semaphore_mem>>
        tpu.enqueue_dma source(%arg16 : memref<16xf32, #tpu.memory_space<vmem>>) target(%arg4 : memref<16xf32, #tpu.memory_space<hbm>>) target_semaphore(%run_scoped3A : memref<!tpu.dma_semaphore, #tpu.memory_space<semaphore_mem>>)
        tpu.wait_dma2 semaphore(%run_scoped3A : memref<!tpu.dma_semaphore, #tpu.memory_space<semaphore_mem>>) src(%arg16 : memref<16xf32, #tpu.memory_space<vmem>>) dst(%arg4 : memref<16xf32, #tpu.memory_space<hbm>>)
        tpu.yield
      }) : () -> ()
    } else {
    }
    return
  }
}

</mosaic_0001>

<sc_bundles>
// kernel: _run.3.cloned.1.call-start
scs
__scs_entry_jumppad:
0x0: {  	(pc) =	sbr.rel $0x88, $3  }
0x1: {  	(tag) =	ssettag $0x0;
	lr =	simm.s32 $0x1  }
0x2: {  	[smem:$0x3F9F] =	sst lr;
	_ =	strace $0xD0000000  }
0x3: {  	_ = 	snop  }
0x4: {  	_ = 	snop  }
0x5: {  	_ = 	snop  }
0x6: {  	_ = 	snop  }
0x7: {  	_ = 	snop  }
__scs_overlays_trampoline_lowered:
0x8: {  	[smem:$0x3FAE] =	sst s0  }
0x9: {  	[smem:$0x3FAF] =	sst s1  }
0xa: {  	[smem:$0x3FB0] =	sst s2  }
0xb: {  	[smem:$0x3FB1] =	sst s3  }
0xc: {  	[smem:$0x3FB2] =	sst s4  }
0xd: {  	[smem:$0x3FB3] =	sst s5  }
0xe: {  	[smem:$0x3FB4] =	sst s6  }
0xf: {  	[smem:$0x3FB5] =	sst s7  }
0x10: {  	[smem:$0x3FB6] =	sst s8  }
0x11: {  	[smem:$0x3FB7] =	sst s9;
	s0 =	simm.s32 @!p0 $0x0  }
0x12: {  	s1 =	sld [smem:$0x3F9D];
	s0 =	simm.s32 @p0 $0x1  }
0x13: {  	[smem:$0x3FB8] =	sst s0;
	s0 =	simm.s32 @!p1 $0x0  }
0x14: {  	s2 =	sld [smem:$0x3F9C];
	s0 =	simm.s32 @p1 $0x1  }
0x15: {  	[smem:$0x3FB9] =	sst s0;
	s0 =	simm.s32 @!p2 $0x0  }
0x16: {  	s3 =	sld [smem:$0x3FDB];
	s0 =	simm.s32 @p2 $0x1  }
0x17: {  	s4 =	simm.s32 $0x1BF5;
	[smem:$0x3FBB] =	sst s0  }
0x18: {  	s0 =	sld [smem:$0x3F9E];
	_ =	swait.ge [sflag:s4], $0x0  }
0x19: {  	s7 =	sld [smem:$0x3F9F]  }
0x1a: {  	s8 =	sadd.s32 $0xFFFFE003, lr  }
0x1b: {  	s9 =	sadd.s32 $0xFFFFFEF7, lr;
	s5 =	simm.s32 $0xFFFFFFFF;
	p2 =	slt.u32 s8, $0xFFFFF086  }
0x1c: {  	p1 =	slt.u32 s9, $0xF7A;
	s5 =	simm.s32 @!p2 $0x0  }
0x1d: {  	s5 =	simm.s32 @p1 $0x1;
	p0 =	seq.s32 s7, s2  }
0x1e: {  	s7 =	smul.u32 @!p0 $0xF7A, s2;
	p2 =	seq.s32 @!p0 s5, $0x0  }
0x1f: {  	s9 =	smul.u32 $0xF7A, s1;
	s8 =	simm.s32 @!p0 $0x1BF5;
	p2 =	por !p2, p0  }
0x20: {  	[sflag:s8] =	ssyncset.s32 @!p0 $0xFFFFF086;
	s6 =	sadd.s32 @!p0 s3, s7;
	s7 =	simm.s32 @!p0 $0x108  }
0x21: {  	s3 =	sadd.s32 s3, s9;
	s6 =	sadd.s32 @!p0 $0x88, s6;
	s7 =	simm.s32 @p2 $0x1082  }
0x22: {  	[simem:s7], [sflag:s8] =	dma.local @!p0 [hbm:s6], $0xF7A  }
0x23: {  	s9 =	sor.u32 $0xD0000000, s2;
	s6 =	simm.s32 $0x108;
	_ =	swait.ge @!p0 [sflag:s8], $0x0  }
0x24: {  	s3 =	sadd.s32 $0x88, s3;
	s6 =	simm.s32 @!p1 $0x1082;
	[sflag:s4] =	ssyncset.s32 $0xFFFFF086  }
0x25: {  	[simem:s6], [sflag:s4] =	dma.local [hbm:s3], $0xF7A  }
0x26: {  	[smem:$0x3F9F] =	sst s1;
	(tag) =	ssettag s2;
	_ =	strace s9  }
0x27: {  	s1 =	sld [smem:$0x3FAF]  }
0x28: {  	s2 =	sld [smem:$0x3FB0]  }
0x29: {  	s4 =	sld [smem:$0x3FB2]  }
0x2a: {  	p0 =	seq.s32 s5, $0x0;
	s5 =	sld [smem:$0x3FB3]  }
0x2b: {  	s6 =	sld [smem:$0x3FB4]  }
0x2c: {  	s7 =	sld [smem:$0x3FB5]  }
0x2d: {  	s3 =	simm.s32 $0x108;
	s8 =	sld [smem:$0x3FB6]  }
0x2e: {  	s3 =	simm.s32 @!p0 $0x1082;
	s9 =	sld [smem:$0x3FB7]  }
0x2f: {  	lr =	sadd.s32 s0, s3;
	s0 =	sld [smem:$0x3FAE]  }
0x30: {  	s3 =	sld [smem:$0x3FB1]  }
0x31: {  	[smem:$0x3FBA] =	sst s10  }
0x32: {  	s10 =	sld [smem:$0x3FB8];
	_ =	sdelay $0x3  }
0x33: {  	p0 =	seq.s32 s10, $0x1;
	s10 =	sld [smem:$0x3FBA];
	_ =	sdelay $0x3  }
0x34: {  	[smem:$0x3FBA] =	sst s10  }
0x35: {  	s10 =	sld [smem:$0x3FB9];
	_ =	sdelay $0x3  }
0x36: {  	p1 =	seq.s32 s10, $0x1;
	s10 =	sld [smem:$0x3FBA];
	_ =	sdelay $0x3  }
0x37: {  	[smem:$0x3FBA] =	sst s10  }
0x38: {  	s10 =	sld [smem:$0x3FBB]  }
0x39: {  	_ = 	snop;
	(pc) =	sbr.ind lr, $3  }
0x3a: {  	_ = 	snop  }
0x3b: {  	_ = 	snop  }
0x3c: {  	p2 =	seq.s32 s10, $0x1;
	s10 =	sld [smem:$0x3FBA]  }
0x3d: {  	_ =	shalt  }
0x3e: {  	_ =	shalt  }
0x3f: {  	_ =	shalt  }
0x40: {  	_ =	shalt  }
0x41: {  	_ =	shalt  }
0x42: {  	_ =	shalt  }
0x43: {  	_ =	shalt  }
0x44: {  	_ =	shalt  }
0x45: {  	_ =	shalt  }
0x46: {  	_ =	shalt  }
0x47: {  	_ =	shalt  }
0x48: {  	_ =	shalt  }
0x49: {  	_ =	shalt  }
0x4a: {  	_ =	shalt  }
0x4b: {  	_ =	shalt  }
0x4c: {  	_ =	shalt  }
0x4d: {  	_ =	shalt  }
0x4e: {  	_ =	shalt  }
0x4f: {  	_ =	shalt  }
0x50: {  	_ =	shalt  }
0x51: {  	_ =	shalt  }
0x52: {  	_ =	shalt  }
0x53: {  	_ =	shalt  }
0x54: {  	_ =	shalt  }
0x55: {  	_ =	shalt  }
0x56: {  	_ =	shalt  }
0x57: {  	_ =	shalt  }
0x58: {  	_ =	shalt  }
0x59: {  	_ =	shalt  }
0x5a: {  	_ =	shalt  }
0x5b: {  	_ =	shalt  }
0x5c: {  	_ =	shalt  }
0x5d: {  	_ =	shalt  }
0x5e: {  	_ =	shalt  }
0x5f: {  	_ =	shalt  }
0x60: {  	_ =	shalt  }
0x61: {  	_ =	shalt  }
0x62: {  	_ =	shalt  }
0x63: {  	_ =	shalt  }
0x64: {  	_ =	shalt  }
0x65: {  	_ =	shalt  }
0x66: {  	_ =	shalt  }
0x67: {  	_ =	shalt  }
0x68: {  	_ =	shalt  }
0x69: {  	_ =	shalt  }
0x6a: {  	_ =	shalt  }
0x6b: {  	_ =	shalt  }
0x6c: {  	_ =	shalt  }
0x6d: {  	_ =	shalt  }
0x6e: {  	_ =	shalt  }
0x6f: {  	_ =	shalt  }
0x70: {  	_ =	shalt  }
0x71: {  	_ =	shalt  }
0x72: {  	_ =	shalt  }
0x73: {  	_ =	shalt  }
0x74: {  	_ =	shalt  }
0x75: {  	_ =	shalt  }
0x76: {  	_ =	shalt  }
0x77: {  	_ =	shalt  }
0x78: {  	_ =	shalt  }
0x79: {  	_ =	shalt  }
0x7a: {  	_ =	shalt  }
0x7b: {  	_ =	shalt  }
0x7c: {  	_ =	shalt  }
0x7d: {  	_ =	shalt  }
0x7e: {  	_ =	shalt  }
0x7f: {  	_ =	shalt  }
0x80: {  	_ =	shalt  }
0x81: {  	_ =	shalt  }
0x82: {  	_ =	shalt  }
0x83: {  	_ =	shalt  }
0x84: {  	_ =	shalt  }
0x85: {  	_ =	shalt  }
0x86: {  	_ =	shalt  }
0x87: {  	_ =	shalt  }
.Lfunc_end0:
.L_simem_size_0:
called_computation_lowered:
.L_overlay_start_0:
0x88: {  	s2 =	sld [smem:$0x3FD9]  }
0x89: {  	s3 =	sld [smem:$0x3FFE];
	_ =	sdelay $0x1  }
0x8a: {  	s1 =	srdreg.scid  }
0x8b: {  	s0 =	sand.u32 $0x1, s1  }
0x8c: {  	s17 =	sshll.u32 s0, $0xA;
	s2 =	sadd.s32 s3, s2  }
0x8d: {  	s2 =	sadd.s32 s2, s17  }
0x8e: {  	[smem:$0x3FC6] =	sst s2  }
0x8f: {  	_ = 	snop  }
0x90: {  	s2 =	sld [smem:$0x3FC8]  }
0x91: {  	s18 =	sld [smem:$0x3FD0];
	(tm) =	ssettm $0x1  }
0x92: {  	s4 =	sld [smem:$0x3FFB];
	_ =	sdelay $0x3  }
0x93: {  	_ =	strace s4  }
0x94: {  	s4 =	sld [smem:$0x3FFC];
	_ =	sdelay $0x3  }
0x95: {  	_ =	strace s4  }
0x96: {  	s4 =	sld [smem:$0x3FFD];
	_ =	sdelay $0x3  }
0x97: {  	_ =	strace s4  }
0x98: {  	_ =	strace $0x8FFFFFFF  }
0x99: {  	s19 =	sld [smem:$0x3FDB];
	_ =	sdelay $0x1  }
0x9a: {  	s5 =	simm.s32 $_scs_section_size  }
0x9b: {  	s6 =	simm.s32 $_size__tile_overlayer_lowered;
	s7 =	simm.s32 $_tile_overlayer_lowered  }
0x9c: {  	s22 =	simm.s32 $0x1BFF;
	s21 =	sshll.u32 s7, $0x1;
	s4 =	sadd.s32 s5, s19  }
0x9d: {  	s8 =	simm.s32 $0x0;
	s20 =	sshll.u32 s6, $0x1;
	s6 =	sadd.s32 s21, s4  }
0x9e: {  	[timem:s8], [sflag:s22] =	dma.local [hbm:s6], s20  }
0x9f: {  	_ =	swait.ge [sflag:s22], s20  }
0xa0: {  	s5 =	ssub.s32 $0x0, s20;
	[sflag:s22] =	ssyncset.done $0x0  }
0xa1: {  	[sflag:s22] =	ssyncadd.s32 s5;
	_ =	sdelay $0x1  }
0xa2: {  	s23 =	simm.s32 $0x1B8B  }
0xa3: {  	_ =	swait.ge [sflag:s23], $0x1  }
0xa4: {  	[sflag:s23] =	ssyncset.done $0x0  }
0xa5: {  	s25 =	simm.s32 $0x1B8E;
	s24 =	sld [smem:$0x3FFE];
	[sflag:s23] =	ssyncadd.s32 $0xFFFFFFFF  }
0xa6: {  	s26 =	simm.s32 $execute0_lowered;
	[smem:$0x3FD2] =	sst s25  }
0xa7: {  	s6 =	sshll.u32 s26, $0x1;
	_ =	strace $0x80000046;
	[dreg:$0x1] =	wrdreg $0xFFFFFFFF  }
0xa8: {  	s28 =	simm.s32 $_size_execute0_lowered;
	s4 =	sadd.s32 s4, s6;
	[dreg:$0x0] =	wrdreg $0x0  }
0xa9: {  	s6 =	sshll.u32 s28, $0x1;
	[dreg:$0x2] =	wrdreg s4  }
0xaa: {  	[dreg:$0x3] =	wrdreg s6  }
0xab: {  	[dreg:$0x4] =	wrdreg $0xC0  }
0xac: {  	_ =	task [dreg:s8], $0x5FFFF  }
0xad: {  	[dreg:$0x1] =	wrdreg $0xFFFFFFFF  }
0xae: {  	[dreg:$0x0] =	wrdreg $0x60  }
0xaf: {  	[dreg:$0x2] =	wrdreg s24  }
0xb0: {  	[dreg:$0x3] =	wrdreg s2  }
0xb1: {  	[dreg:$0x4] =	wrdreg s18  }
0xb2: {  	[dreg:$0x5] =	wrdreg $0x15F000  }
0xb3: {  	[dreg:$0x6] =	wrdreg $0x163000  }
0xb4: {  	[dreg:$0x7] =	wrdreg $0x165000  }
0xb5: {  	[dreg:$0x8] =	wrdreg $0x165400  }
0xb6: {  	[dreg:$0x9] =	wrdreg $0x165600  }
0xb7: {  	[dreg:$0xa] =	wrdreg $0x9  }
0xb8: {  	_ =	task.clear_ibuf [dreg:s8], $0xBFFFF;
	_ =	strace $0x90000046  }
0xb9: {  	s29 =	simm.s32 $0x9;
	_ =	strace $0x80000048  }
0xba: {  	_ =	swait.ge [sflag:s29], $0x1  }
0xbb: {  	[sflag:s29] =	ssyncadd.s32 $0xFFFFFFFF  }
0xbc: {  	_ =	strace $0x90000048  }
0xbd: {  	_ =	sfence  }
0xbe: {  	s30 =	sld [smem:$0x0];
	_ =	sdelay $0x2  }
0xbf: {  	s31 =	sshll.u32 s1, $0xD;
	s1 =	sshrl.u32 s1, $0x2  }
0xc0: {  	s3 =	sand.u32 $0x4000, s31;
	s1 =	sadd.s32 s1, s30  }
0xc1: {  	s0 =	sor.u32 s3, s0;
	s1 =	sshll.u32 s1, $0x11  }
0xc2: {  	s0 =	sor.u32 s1, s0  }
0xc3: {  	s0 =	sadd.s32 $0x8F2B, s0  }
0xc4: {  	[sflag:s0] =	ssyncadd.remote.s32 $0x1  }
0xc5: {  	_ =	sfence.sel $0xFFFF  }
0xc6: {  	[dreg:$0x0] =	wrdreg $0xFFFFFFFF;
	(pc) =	sbr.abs _section_cstart, $3  }
0xc7: {  	[dreg:$0x1] =	wrdreg $0xFFFFFFFF  }
0xc8: {  	_ =	task.clear_ibuf [dreg:s8], $0x2FFFF;
	_ =	strace $0x9FFFFFFF  }
0xc9: {  	(tm) =	ssettm $0x7FFFFFFF  }
tec
execute0_lowered:
.L_overlay_start_1:
0x0: {  	(tag) =	ssettag $0x1  }
0x1: {  	s0 =	rddreg [dreg:$0x0]  }
0x2: {  	s1 =	rddreg [dreg:$0x1]  }
0x3: {  	s2 =	rddreg [dreg:$0x3]  }
0x4: {  	s3 =	rddreg [dreg:$0x4]  }
0x5: {  	s18 =	rddreg [dreg:$0x5]  }
0x6: {  	s20 =	rddreg [dreg:$0x6]  }
0x7: {  	s19 =	rddreg [dreg:$0x7]  }
0x8: {  	s4 =	srdreg.scid;
	s6 =	simm.s32 $0x0;
	s21 =	stileid.u32  }
0x9: {  	s28 =	simm.s32 $0x400;
	s30 =	simm.s32 $0x11080;
	s4 =	sand.u32 $0x1, s4  }
0xa: {  	[smem:$0x7FF] =	sst s6;
	s7 =	sshll.u32 s21, $0xD;
	s22 =	sshll.u32 s21, $0x8  }
0xb: {  	s15 =	sshrl.u32 s21, $0x3;
	s23 =	sshll.u32 s21, $0x7;
	s12 =	sshll.u32 s21, $0x9  }
0xc: {  	s26 =	sshllo.u32 s21, $0x1;
	s29 =	sshll.u32 s21, $0x1;
	s5 =	ssub.s32 $0x2, s4  }
0xd: {  	_ =	strace $0x80000047;
	s0 =	sadd.s32 s7, s0;
	s1 =	sadd.s32 s1, s22  }
0xe: {  	s9 =	sshll.u32 s15, $0xD;
	s10 =	sshll.u32 s15, $0xC;
	s14 =	sand.u32 $0x1C00, s12  }
0xf: {  	s12 =	sshll.u32 s21, $0x5;
	s25 =	smul.u32 $0x5000, s15;
	s17 =	sshll.u32 s26, $0x5  }
0x10: {  	s31 =	sor.u32 s4, s21;
	s8 =	sshrl.u32 s5, $0x1;
	s0 =	sadd.s32 $0x400, s0  }
0x11: {  	[dreg:$0xa] =	wrdreg s1;
	s1 =	sand.u32 $0x380, s23;
	s9 =	sadd.s32 s9, s2  }
0x12: {  	s11 =	sadd.s32 s10, s3;
	s10 =	sshll.u32 s21, $0x6;
	s2 =	sadd.s32 s14, s2  }
0x13: {  	s24 =	sand.u32 $0x60, s12;
	s16 =	sadd.s32 $0x11480, s12;
	s23 =	sshll.u32 s26, $0x6  }
0x14: {  	v1 =	vmov s26;
	s20 =	sadd.s32 s12, s20;
	p0 =	sne.s32 s31, $0x0;
	s26 =	simm.s32 $0x80  }
0x15: {  	s5 =	ssub.s32 s5, s8;
	[dreg:$0x9] =	wrdreg s0;
	s9 =	sadd.s32 s1, s9  }
0x16: {  	s11 =	sadd.s32 s1, s11;
	s13 =	sand.u32 $0x40, s10;
	s0 =	sand.u32 $0xC00, s22  }
.Ltmp0:
0x17: {  	s15 =	sadd.s32 $0x11080, s10;
	s18 =	sadd.s32 s10, s18;
	(pc) =	sbr.rel .LBB2_1-.Ltmp0, $4  }
0x18: {  	v59 =	vlaneseq.u32;
	v3 =	vimm.f32 $0.0e+00;
	s22 =	simm.s32 $0x1;
	s0 =	sadd.s32 s0, s3;
	s13 =	sadd.s32 s13, s2  }
0x19: {  	v2 =	vimm.f32 $1.000000000e+00;
	vm2 =	vcmask $0x300;
	vm3 =	vcmask $0x704;
	s21 =	smax.u32 s5, $0x1;
	s14 =	sadd.s32 s24, s0;
	s0 =	sshrl.u32 s25, $0x2  }
0x1a: {  	vm4 =	vcmask $0xB08;
	vm5 =	vcmask $0xF0C;
	v0 =	vmov s29;
	[tilespmem:$0x1FFE0] =	vst v1;
	s5 =	simm.s32 $0x0;
	s24 =	simm.s32 $0x10C00;
	s0 =	sadd.s32 s0, s19  }
0x1b: {  	v5 =	vmul.u32 $0x20, v59;
	vm0 =	veq.s32 v1, v59;
	[tilespmem:$0x1FFF0] =	vst v0;
	vm1 =	veq.s32 v0, v59;
	s25 =	sshrl.u32 s23, $0x2;
	s19 =	sadd.s32 s1, s0;
	s1 =	simm.s32 $0x10E00  }
.LBB2_19:
0x1c: {  	_ = 	snop  }
0x1d: {  	v0 =	vor.u32 $0x200, v5;
	_ =	sdelay $0x3  }
0x1e: {  	v6 =	vld.idx.msk [tilespmem:v5+s30+$0x0], $0xffff  }
0x1f: {  	v7 =	vld.idx.msk [tilespmem:v0+s30+$0x0], $0xffff  }
0x20: {  	v0 =	vor.u32 $0x1, v5  }
0x21: {  	v1 =	vor.u32 $0x201, v5;
	_ =	sdelay $0x1  }
0x22: {  	[tilespmem:$0x11680] =	vst v6  }
0x23: {  	[tilespmem:$0x11690] =	vst v7  }
0x24: {  	v60 =	vld.idx.msk [tilespmem:v0+s30+$0x0], $0xffff  }
0x25: {  	v19 =	vld.idx.msk [tilespmem:v1+s30+$0x0], $0xffff  }
0x26: {  	v0 =	vor.u32 $0x2, v5  }
0x27: {  	v1 =	vor.u32 $0x202, v5;
	_ =	sdelay $0x1  }
0x28: {  	[tilespmem:$0x11700] =	vst v60  }
0x29: {  	[tilespmem:$0x11710] =	vst v19  }
0x2a: {  	v63 =	vld.idx.msk [tilespmem:v0+s30+$0x0], $0xffff  }
0x2b: {  	v9 =	vld.idx.msk [tilespmem:v1+s30+$0x0], $0xffff  }
0x2c: {  	v0 =	vor.u32 $0x3, v5  }
0x2d: {  	v1 =	vor.u32 $0x203, v5;
	_ =	sdelay $0x1  }
0x2e: {  	[tilespmem:$0x11780] =	vst v63  }
0x2f: {  	[tilespmem:$0x11790] =	vst v9  }
0x30: {  	v56 =	vld.idx.msk [tilespmem:v0+s30+$0x0], $0xffff  }
0x31: {  	v37 =	vld.idx.msk [tilespmem:v1+s30+$0x0], $0xffff  }
0x32: {  	v0 =	vor.u32 $0x4, v5  }
0x33: {  	v1 =	vor.u32 $0x204, v5;
	_ =	sdelay $0x1  }
0x34: {  	[tilespmem:$0x11800] =	vst v56  }
0x35: {  	[tilespmem:$0x11810] =	vst v37  }
0x36: {  	v53 =	vld.idx.msk [tilespmem:v0+s30+$0x0], $0xffff  }
0x37: {  	v44 =	vld.idx.msk [tilespmem:v1+s30+$0x0], $0xffff  }
0x38: {  	v0 =	vor.u32 $0x5, v5  }
0x39: {  	v1 =	vor.u32 $0x205, v5;
	_ =	sdelay $0x1  }
0x3a: {  	[tilespmem:$0x11880] =	vst v53  }
0x3b: {  	[tilespmem:$0x11890] =	vst v44  }
0x3c: {  	v54 =	vld.idx.msk [tilespmem:v0+s30+$0x0], $0xffff  }
0x3d: {  	v46 =	vld.idx.msk [tilespmem:v1+s30+$0x0], $0xffff  }
0x3e: {  	v0 =	vor.u32 $0x6, v5  }
0x3f: {  	v1 =	vor.u32 $0x206, v5;
	_ =	sdelay $0x1  }
0x40: {  	[tilespmem:$0x11900] =	vst v54  }
0x41: {  	[tilespmem:$0x11910] =	vst v46  }
0x42: {  	v49 =	vld.idx.msk [tilespmem:v0+s30+$0x0], $0xffff  }
0x43: {  	v43 =	vld.idx.msk [tilespmem:v1+s30+$0x0], $0xffff  }
0x44: {  	v0 =	vor.u32 $0x7, v5  }
0x45: {  	v1 =	vor.u32 $0x207, v5;
	_ =	sdelay $0x1  }
0x46: {  	[tilespmem:$0x11980] =	vst v49  }
0x47: {  	[tilespmem:$0x11990] =	vst v43  }
0x48: {  	v52 =	vld.idx.msk [tilespmem:v0+s30+$0x0], $0xffff  }
0x49: {  	v48 =	vld.idx.msk [tilespmem:v1+s30+$0x0], $0xffff  }
0x4a: {  	v0 =	vor.u32 $0x8, v5  }
0x4b: {  	v1 =	vor.u32 $0x208, v5;
	_ =	sdelay $0x1  }
0x4c: {  	[tilespmem:$0x11A00] =	vst v52  }
0x4d: {  	[tilespmem:$0x11A10] =	vst v48  }
0x4e: {  	v11 =	vld.idx.msk [tilespmem:v0+s30+$0x0], $0xffff  }
0x4f: {  	v22 =	vld.idx.msk [tilespmem:v1+s30+$0x0], $0xffff  }
0x50: {  	v0 =	vor.u32 $0x9, v5  }
0x51: {  	v1 =	vor.u32 $0x209, v5;
	_ =	sdelay $0x1  }
0x52: {  	[tilespmem:$0x11A80] =	vst v11  }
0x53: {  	[tilespmem:$0x11A90] =	vst v22  }
0x54: {  	v50 =	vld.idx.msk [tilespmem:v0+s30+$0x0], $0xffff  }
0x55: {  	v25 =	vld.idx.msk [tilespmem:v1+s30+$0x0], $0xffff  }
0x56: {  	v0 =	vor.u32 $0xA, v5  }
0x57: {  	v1 =	vor.u32 $0x20A, v5;
	_ =	sdelay $0x1  }
0x58: {  	[tilespmem:$0x11B00] =	vst v50  }
0x59: {  	[tilespmem:$0x11B10] =	vst v25  }
0x5a: {  	v17 =	vld.idx.msk [tilespmem:v0+s30+$0x0], $0xffff  }
0x5b: {  	v28 =	vld.idx.msk [tilespmem:v1+s30+$0x0], $0xffff  }
0x5c: {  	v0 =	vor.u32 $0xB, v5  }
0x5d: {  	v1 =	vor.u32 $0x20B, v5;
	_ =	sdelay $0x1  }
0x5e: {  	[tilespmem:$0x11B80] =	vst v17  }
0x5f: {  	[tilespmem:$0x11B90] =	vst v28  }
0x60: {  	v35 =	vld.idx.msk [tilespmem:v0+s30+$0x0], $0xffff  }
0x61: {  	v20 =	vld.idx.msk [tilespmem:v1+s30+$0x0], $0xffff  }
0x62: {  	v0 =	vor.u32 $0xC, v5  }
0x63: {  	v1 =	vor.u32 $0x20C, v5;
	_ =	sdelay $0x1  }
0x64: {  	[tilespmem:$0x11C00] =	vst v35  }
0x65: {  	[tilespmem:$0x11C10] =	vst v20  }
0x66: {  	v16 =	vld.idx.msk [tilespmem:v0+s30+$0x0], $0xffff  }
0x67: {  	v30 =	vld.idx.msk [tilespmem:v1+s30+$0x0], $0xffff  }
0x68: {  	v0 =	vor.u32 $0xD, v5  }
0x69: {  	v1 =	vor.u32 $0x20D, v5;
	_ =	sdelay $0x1  }
0x6a: {  	[tilespmem:$0x11C80] =	vst v16  }
0x6b: {  	[tilespmem:$0x11C90] =	vst v30  }
0x6c: {  	v15 =	vld.idx.msk [tilespmem:v0+s30+$0x0], $0xffff  }
0x6d: {  	v40 =	vld.idx.msk [tilespmem:v1+s30+$0x0], $0xffff  }
0x6e: {  	v0 =	vor.u32 $0xE, v5  }
0x6f: {  	v1 =	vor.u32 $0x20E, v5;
	_ =	sdelay $0x1  }
0x70: {  	[tilespmem:$0x11D00] =	vst v15  }
0x71: {  	[tilespmem:$0x11D10] =	vst v40  }
0x72: {  	v14 =	vld.idx.msk [tilespmem:v0+s30+$0x0], $0xffff  }
0x73: {  	v41 =	vld.idx.msk [tilespmem:v1+s30+$0x0], $0xffff  }
0x74: {  	v0 =	vor.u32 $0xF, v5  }
0x75: {  	v1 =	vor.u32 $0x20F, v5;
	_ =	sdelay $0x1  }
0x76: {  	[tilespmem:$0x11D80] =	vst v14  }
0x77: {  	[tilespmem:$0x11D90] =	vst v41  }
0x78: {  	v13 =	vld.idx.msk [tilespmem:v0+s30+$0x0], $0xffff  }
0x79: {  	v42 =	vld.idx.msk [tilespmem:v1+s30+$0x0], $0xffff  }
0x7a: {  	v0 =	vor.u32 $0x10, v5  }
0x7b: {  	v1 =	vor.u32 $0x210, v5;
	_ =	sdelay $0x1  }
0x7c: {  	[tilespmem:$0x11E00] =	vst v13  }
0x7d: {  	[tilespmem:$0x11E10] =	vst v42  }
0x7e: {  	v51 =	vld.idx.msk [tilespmem:v0+s30+$0x0], $0xffff  }
0x7f: {  	v8 =	vld.idx.msk [tilespmem:v1+s30+$0x0], $0xffff  }
0x80: {  	v0 =	vor.u32 $0x11, v5  }
0x81: {  	v1 =	vor.u32 $0x211, v5;
	_ =	sdelay $0x1  }
0x82: {  	[tilespmem:$0x11E80] =	vst v51  }
0x83: {  	[tilespmem:$0x11E90] =	vst v8  }
0x84: {  	v10 =	vld.idx.msk [tilespmem:v0+s30+$0x0], $0xffff  }
0x85: {  	v61 =	vld.idx.msk [tilespmem:v1+s30+$0x0], $0xffff  }
0x86: {  	v0 =	vor.u32 $0x12, v5  }
0x87: {  	v1 =	vor.u32 $0x212, v5;
	_ =	sdelay $0x1  }
0x88: {  	[tilespmem:$0x11F00] =	vst v10  }
0x89: {  	[tilespmem:$0x11F10] =	vst v61  }
0x8a: {  	v55 =	vld.idx.msk [tilespmem:v0+s30+$0x0], $0xffff  }
0x8b: {  	v21 =	vld.idx.msk [tilespmem:v1+s30+$0x0], $0xffff  }
0x8c: {  	v0 =	vor.u32 $0x13, v5  }
0x8d: {  	v1 =	vor.u32 $0x213, v5;
	_ =	sdelay $0x1  }
0x8e: {  	[tilespmem:$0x11F80] =	vst v55  }
0x8f: {  	[tilespmem:$0x11F90] =	vst v21  }
0x90: {  	v47 =	vld.idx.msk [tilespmem:v0+s30+$0x0], $0xffff  }
0x91: {  	v23 =	vld.idx.msk [tilespmem:v1+s30+$0x0], $0xffff  }
0x92: {  	v0 =	vor.u32 $0x14, v5  }
0x93: {  	v1 =	vor.u32 $0x214, v5;
	_ =	sdelay $0x1  }
0x94: {  	[tilespmem:$0x12000] =	vst v47  }
0x95: {  	[tilespmem:$0x12010] =	vst v23  }
0x96: {  	v38 =	vld.idx.msk [tilespmem:v0+s30+$0x0], $0xffff  }
0x97: {  	v26 =	vld.idx.msk [tilespmem:v1+s30+$0x0], $0xffff  }
0x98: {  	v0 =	vor.u32 $0x15, v5  }
0x99: {  	v1 =	vor.u32 $0x215, v5;
	_ =	sdelay $0x1  }
0x9a: {  	[tilespmem:$0x12080] =	vst v38  }
0x9b: {  	[tilespmem:$0x12090] =	vst v26  }
0x9c: {  	v45 =	vld.idx.msk [tilespmem:v0+s30+$0x0], $0xffff  }
0x9d: {  	v27 =	vld.idx.msk [tilespmem:v1+s30+$0x0], $0xffff  }
0x9e: {  	v0 =	vor.u32 $0x16, v5  }
0x9f: {  	v1 =	vor.u32 $0x216, v5;
	_ =	sdelay $0x1  }
0xa0: {  	[tilespmem:$0x12100] =	vst v45  }
0xa1: {  	[tilespmem:$0x12110] =	vst v27  }
0xa2: {  	v39 =	vld.idx.msk [tilespmem:v0+s30+$0x0], $0xffff  }
0xa3: {  	v29 =	vld.idx.msk [tilespmem:v1+s30+$0x0], $0xffff  }
0xa4: {  	v0 =	vor.u32 $0x17, v5  }
0xa5: {  	v1 =	vor.u32 $0x217, v5;
	_ =	sdelay $0x1  }
0xa6: {  	[tilespmem:$0x12180] =	vst v39  }
0xa7: {  	[tilespmem:$0x12190] =	vst v29  }
0xa8: {  	v57 =	vld.idx.msk [tilespmem:v0+s30+$0x0], $0xffff  }
0xa9: {  	v33 =	vld.idx.msk [tilespmem:v1+s30+$0x0], $0xffff  }
0xaa: {  	v0 =	vor.u32 $0x18, v5  }
0xab: {  	v1 =	vor.u32 $0x218, v5;
	_ =	sdelay $0x1  }
0xac: {  	[tilespmem:$0x12200] =	vst v57  }
0xad: {  	[tilespmem:$0x12210] =	vst v33  }
0xae: {  	v4 =	vld.idx.msk [tilespmem:v0+s30+$0x0], $0xffff  }
0xaf: {  	v31 =	vld.idx.msk [tilespmem:v1+s30+$0x0], $0xffff  }
0xb0: {  	v0 =	vor.u32 $0x19, v5  }
0xb1: {  	v1 =	vor.u32 $0x219, v5;
	_ =	sdelay $0x1  }
0xb2: {  	[tilespmem:$0x12280] =	vst v4  }
0xb3: {  	[tilespmem:$0x12290] =	vst v31  }
0xb4: {  	v62 =	vld.idx.msk [tilespmem:v0+s30+$0x0], $0xffff  }
0xb5: {  	v32 =	vld.idx.msk [tilespmem:v1+s30+$0x0], $0xffff  }
0xb6: {  	v0 =	vor.u32 $0x1A, v5  }
0xb7: {  	v1 =	vor.u32 $0x21A, v5;
	_ =	sdelay $0x1  }
0xb8: {  	[tilespmem:$0x12300] =	vst v62  }
0xb9: {  	[tilespmem:$0x12310] =	vst v32  }
0xba: {  	[tilespmem:$0x1FF60] =	vst v4;
	v4 =	vld.idx.msk [tilespmem:v0+s30+$0x0], $0xffff  }
0xbb: {  	v34 =	vld.idx.msk [tilespmem:v1+s30+$0x0], $0xffff  }
0xbc: {  	v0 =	vor.u32 $0x1B, v5  }
0xbd: {  	v1 =	vor.u32 $0x21B, v5;
	_ =	sdelay $0x1  }
0xbe: {  	[tilespmem:$0x12380] =	vst v4  }
0xbf: {  	[tilespmem:$0x12390] =	vst v34  }
0xc0: {  	[tilespmem:$0x1FF80] =	vst v4;
	v4 =	vld.idx.msk [tilespmem:v0+s30+$0x0], $0xffff  }
0xc1: {  	v36 =	vld.idx.msk [tilespmem:v1+s30+$0x0], $0xffff  }
0xc2: {  	v0 =	vor.u32 $0x1C, v5  }
0xc3: {  	v1 =	vor.u32 $0x21C, v5  }
0xc4: {  	[tilespmem:$0x1FDF0] =	vst v6  }
0xc5: {  	[tilespmem:$0x12400] =	vst v4  }
0xc6: {  	[tilespmem:$0x12410] =	vst v36  }
0xc7: {  	v12 =	vmul.f32 v60, v60;
	[tilespmem:$0x1FF90] =	vst v4;
	v4 =	vmul.f32 v6, v6;
	v58 =	vld.idx.msk [tilespmem:v0+s30+$0x0], $0xffff  }
0xc8: {  	[tilespmem:$0x1FC90] =	vst v7;
	v18 =	vmul.f32 v7, v7;
	v24 =	vmul.f32 v19, v19;
	v2 =	vld.idx.msk [tilespmem:v1+s30+$0x0], $0xffff  }
0xc9: {  	[tilespmem:$0x1FCB0] =	vst v9;
	v0 =	vadd.f32 v12, v4;
	v12 =	vmul.f32 v9, v9;
	v9 =	vor.u32 $0x1D, v5  }
0xca: {  	[tilespmem:$0x1FCA0] =	vst v19;
	v1 =	vadd.f32 v24, v18;
	v24 =	vor.u32 $0x21D, v5;
	v4 =	vmul.f32 v63, v63  }
0xcb: {  	[tilespmem:$0x1FCC0] =	vst v37;
	v37 =	vmul.f32 v37, v37  }
0xcc: {  	v0 =	vadd.f32 v4, v0;
	v4 =	vmul.f32 v56, v56;
	[tilespmem:$0x12480] =	vst v58  }
0xcd: {  	v1 =	vadd.f32 v12, v1;
	[tilespmem:$0x12490] =	vst v2  }
0xce: {  	[tilespmem:$0x1FE00] =	vst v60;
	v0 =	vadd.f32 v4, v0;
	v4 =	vmul.f32 v53, v53;
	v9 =	vld.idx.msk [tilespmem:v9+s30+$0x0], $0xffff  }
0xcf: {  	[tilespmem:$0x1FCD0] =	vst v44;
	v44 =	vmul.f32 v44, v44;
	v1 =	vadd.f32 v37, v1;
	v37 =	vmov v2;
	v2 =	vld.idx.msk [tilespmem:v24+s30+$0x0], $0xffff  }
0xd0: {  	[tilespmem:$0x1FE20] =	vst v56;
	v18 =	vor.u32 $0x21E, v5;
	v0 =	vadd.f32 v4, v0;
	v4 =	vmul.f32 v54, v54  }
0xd1: {  	v19 =	vmul.f32 v46, v46;
	[tilespmem:$0x1FE60] =	vst v52;
	v24 =	vor.u32 $0x1E, v5;
	v1 =	vadd.f32 v44, v1  }
0xd2: {  	[tilespmem:$0x1FD10] =	vst v22;
	v0 =	vadd.f32 v4, v0;
	v4 =	vmul.f32 v49, v49  }
0xd3: {  	v12 =	vmul.f32 v43, v43;
	v1 =	vadd.f32 v19, v1;
	[tilespmem:$0x12500] =	vst v9  }
0xd4: {  	v7 =	vmov v52;
	v0 =	vadd.f32 v4, v0;
	v4 =	vmul.f32 v52, v52;
	[tilespmem:$0x12510] =	vst v2  }
0xd5: {  	v22 =	vmul.f32 v22, v22;
	v19 =	vmul.f32 v48, v48;
	v1 =	vadd.f32 v12, v1;
	v18 =	vld.idx.msk [tilespmem:v18+s30+$0x0], $0xffff  }
0xd6: {  	[tilespmem:$0x1FE70] =	vst v11;
	v52 =	vmov v11;
	v0 =	vadd.f32 v4, v0;
	v4 =	vmul.f32 v11, v11;
	v11 =	vld.idx.msk [tilespmem:v24+s30+$0x0], $0xffff  }
0xd7: {  	[tilespmem:$0x1FD20] =	vst v25;
	v12 =	vmovc v9;
	v1 =	vadd.f32 v19, v1;
	v24 =	vmul.f32 v25, v25;
	v25 =	vor.u32 $0x1F, v5  }
0xd8: {  	v9 =	vmovc v2;
	[tilespmem:$0x1FF00] =	vst v2;
	v2 =	vor.u32 $0x21F, v5;
	v0 =	vadd.f32 v4, v0;
	v4 =	vmul.f32 v50, v50  }
0xd9: {  	[tilespmem:$0x1FD30] =	vst v28;
	v1 =	vadd.f32 v22, v1  }
0xda: {  	v0 =	vadd.f32 v4, v0;
	v4 =	vmul.f32 v17, v17;
	[tilespmem:$0x12590] =	vst v18  }
0xdb: {  	v28 =	vmul.f32 v28, v28;
	v1 =	vadd.f32 v24, v1;
	[tilespmem:$0x12580] =	vst v11  }
0xdc: {  	[tilespmem:$0x1FD00] =	vst v48;
	v0 =	vadd.f32 v4, v0;
	v4 =	vmul.f32 v35, v35;
	v48 =	vld.idx.msk [tilespmem:v25+s30+$0x0], $0xffff  }
0xdd: {  	[tilespmem:$0x1FCF0] =	vst v43;
	v43 =	vmul.f32 v20, v20;
	v1 =	vadd.f32 v28, v1;
	v28 =	vld.idx.msk [tilespmem:v2+s30+$0x0], $0xffff  }
0xde: {  	[tilespmem:$0x1FE30] =	vst v53;
	v0 =	vadd.f32 v4, v0;
	v4 =	vmul.f32 v16, v16  }
0xdf: {  	[tilespmem:$0x1FCE0] =	vst v46;
	v2 =	vmul.f32 v30, v30;
	v1 =	vadd.f32 v43, v1  }
0xe0: {  	[tilespmem:$0x1FD40] =	vst v20;
	v0 =	vadd.f32 v4, v0;
	v4 =	vmul.f32 v15, v15  }
0xe1: {  	v1 =	vadd.f32 v2, v1;
	v2 =	vmul.f32 v40, v40;
	[tilespmem:$0x12600] =	vst v48  }
0xe2: {  	[tilespmem:$0x12610] =	vst v28;
	v0 =	vadd.f32 v4, v0;
	v4 =	vmul.f32 v14, v14  }
0xe3: {  	[tilespmem:$0x1FD50] =	vst v30;
	v1 =	vadd.f32 v2, v1;
	v2 =	vmul.f32 v41, v41;
	v19 =	vld [tilespmem:s10+$0x11080]  }
0xe4: {  	[tilespmem:$0x1FD60] =	vst v41;
	v0 =	vadd.f32 v4, v0;
	v4 =	vmul.f32 v13, v13  }
0xe5: {  	[tilespmem:$0x1FD70] =	vst v42;
	v1 =	vadd.f32 v2, v1;
	v2 =	vmul.f32 v42, v42  }
0xe6: {  	v24 =	vmovc v40;
	v30 =	vmul.f32 v26, v26;
	v0 =	vadd.f32 v4, v0;
	v4 =	vmul.f32 v51, v51  }
0xe7: {  	v40 =	vmovc v48;
	v48 =	vmul.f32 v23, v23;
	v1 =	vadd.f32 v2, v1;
	v2 =	vmul.f32 v8, v8  }
0xe8: {  	[tilespmem:$0x1FD80] =	vst v8;
	v41 =	vmul.f32 v21, v21;
	v22 =	vbroadcast v19, $0x1;
	v0 =	vadd.f32 v4, v0  }
0xe9: {  	[tilespmem:$0x1FD90] =	vst v61;
	v4 =	vmul.f32 v10, v10;
	v1 =	vadd.f32 v2, v1;
	v2 =	vmul.f32 v61, v61  }
0xea: {  	[tilespmem:$0x1FDA0] =	vst v23;
	v25 =	vbroadcast v19, $0x2;
	v23 =	vbroadcast v19, $0x5  }
0xeb: {  	[tilespmem:$0x1FDC0] =	vst v26;
	v0 =	vadd.f32 v4, v0;
	v1 =	vadd.f32 v2, v1;
	v2 =	vmul.f32 v55, v55  }
0xec: {  	[tilespmem:$0x1FDD0] =	vst v27;
	v26 =	vbroadcast v19, $0x3;
	v8 =	vsub.f32 v60, v22;
	v4 =	vbroadcast v19, $0x0  }
0xed: {  	[tilespmem:$0x1FF20] =	vst v45;
	v60 =	vsub.f32 v54, v23;
	v0 =	vadd.f32 v2, v0;
	v2 =	vmul.f32 v47, v47  }
0xee: {  	[tilespmem:$0x1FDB0] =	vst v28;
	v28 =	vmul.f32 v8, v8;
	v8 =	vmul.f32 v33, v33;
	v42 =	vsub.f32 v6, v4  }
0xef: {  	[tilespmem:$0x1FE10] =	vst v33;
	v33 =	vmul.f32 v60, v60;
	v0 =	vadd.f32 v2, v0;
	v2 =	vmul.f32 v38, v38  }
0xf0: {  	v61 =	vmovc v47;
	v60 =	vmul.f32 v32, v32;
	v1 =	vadd.f32 v41, v1;
	v43 =	vmul.f32 v42, v42  }
0xf1: {  	v47 =	vmovc v38;
	v41 =	vmul.f32 v27, v27;
	v38 =	vmul.f32 v45, v45;
	v0 =	vadd.f32 v2, v0  }
0xf2: {  	[tilespmem:$0x1FF40] =	vst v39;
	v2 =	vsub.f32 v63, v25;
	v20 =	vadd.f32 v28, v43;
	v43 =	vmul.f32 v39, v39  }
0xf3: {  	v44 =	vmovc v45;
	v27 =	vbroadcast v19, $0xA;
	v1 =	vadd.f32 v48, v1;
	v42 =	vsub.f32 v56, v26;
	v45 =	vmovc v39;
	v39 =	vld [tilespmem:$0x1FF60]  }
0xf4: {  	[tilespmem:$0x1FE40] =	vst v54;
	v56 =	vmul.f32 v29, v29;
	v2 =	vmul.f32 v2, v2;
	v0 =	vadd.f32 v38, v0  }
0xf5: {  	[tilespmem:$0x1FF50] =	vst v57;
	v1 =	vadd.f32 v30, v1;
	v28 =	vbroadcast v19, $0x4;
	v48 =	vmul.f32 v42, v42  }
0xf6: {  	v2 =	vadd.f32 v20, v2;
	v0 =	vadd.f32 v43, v0;
	v43 =	vmovc v57;
	v57 =	vmul.f32 v57, v57  }
0xf7: {  	v46 =	vmovc v51;
	[tilespmem:$0x1FDE0] =	vst v29;
	v6 =	vld [tilespmem:$0x1FF80];
	v29 =	vbroadcast v19, $0x7;
	v1 =	vadd.f32 v41, v1;
	v53 =	vsub.f32 v53, v28  }
0xf8: {  	[tilespmem:$0x1FED0] =	vst v51;
	v2 =	vadd.f32 v2, v48;
	v0 =	vadd.f32 v57, v0;
	v48 =	vmul.f32 v39, v39  }
0xf9: {  	[tilespmem:$0x1FEF0] =	vst v55;
	v51 =	vmovc v55;
	v30 =	vbroadcast v19, $0x6;
	v54 =	vsub.f32 v7, v29;
	v1 =	vadd.f32 v56, v1  }
0xfa: {  	v55 =	vmovc v21;
	v21 =	vmul.f32 v53, v53;
	v56 =	vmul.f32 v62, v62;
	v0 =	vadd.f32 v48, v0  }
0xfb: {  	v7 =	vbroadcast v19, $0xB;
	v42 =	vsub.f32 v49, v30;
	v1 =	vadd.f32 v8, v1  }
0xfc: {  	v8 =	vmul.f32 v6, v6;
	v2 =	vadd.f32 v2, v21;
	v0 =	vadd.f32 v56, v0  }
0xfd: {  	[tilespmem:$0x1FE50] =	vst v49;
	v49 =	vmul.f32 v42, v42;
	v53 =	vmul.f32 v31, v31  }
0xfe: {  	v57 =	vmovc v31;
	v31 =	vbroadcast v19, $0x8;
	v2 =	vadd.f32 v2, v33;
	v0 =	vadd.f32 v8, v0;
	v8 =	vld [tilespmem:$0x1FF90]  }
0xff: {  	v20 =	vmul.f32 v54, v54;
	v42 =	vmul.f32 v34, v34;
	v54 =	vsub.f32 v35, v7  }
0x100: {  	[tilespmem:$0x1FF70] =	vst v62;
	v41 =	vmovc v62;
	v62 =	vsub.f32 v52, v31;
	v33 =	vbroadcast v19, $0x9;
	v2 =	vadd.f32 v2, v49  }
0x101: {  	v1 =	vadd.f32 v53, v1;
	v52 =	vmul.f32 v36, v36;
	v56 =	vmul.f32 v58, v58  }
0x102: {  	v49 =	vmovc v32;
	v32 =	vmul.f32 v62, v62;
	v38 =	vsub.f32 v50, v33;
	v2 =	vadd.f32 v2, v20  }
0x103: {  	v1 =	vadd.f32 v60, v1;
	v60 =	vmovc v36;
	v36 =	vbroadcast v19, $0xD;
	v48 =	vmul.f32 v8, v8  }
0x104: {  	[tilespmem:$0x1FE80] =	vst v50;
	v50 =	vsub.f32 v17, v27;
	v21 =	vmul.f32 v38, v38;
	v2 =	vadd.f32 v2, v32  }
0x105: {  	v1 =	vadd.f32 v42, v1;
	v62 =	vmovc v34;
	v34 =	vbroadcast v19, $0xC;
	v0 =	vadd.f32 v48, v0  }
0x106: {  	[tilespmem:$0x1FE90] =	vst v17;
	v17 =	vmul.f32 v54, v54;
	v54 =	vsub.f32 v15, v36;
	v2 =	vadd.f32 v2, v21  }
0x107: {  	v53 =	vmul.f32 v50, v50;
	v20 =	vadd.f32 v56, v0;
	v0 =	vsub.f32 v16, v34  }
0x108: {  	[tilespmem:$0x1FF10] =	vst v18;
	v18 =	vmul.f32 v18, v18;
	v42 =	vmul.f32 v37, v37;
	v1 =	vadd.f32 v52, v1  }
0x109: {  	[tilespmem:$0x1FEB0] =	vst v15;
	v15 =	vmul.f32 v54, v54;
	v2 =	vadd.f32 v2, v53;
	v50 =	vmul.f32 v0, v0;
	v0 =	vld [tilespmem:s10+$0x11090]  }
0x10a: {  	v1 =	vadd.f32 v42, v1;
	v48 =	vmul.f32 v12, v12;
	v53 =	vmul.f32 v9, v9  }
0x10b: {  	v42 =	vbroadcast v19, $0xE;
	v19 =	vbroadcast v19, $0xF;
	v2 =	vadd.f32 v2, v17  }
0x10c: {  	v9 =	vmul.f32 v11, v11;
	v1 =	vadd.f32 v53, v1;
	v20 =	vadd.f32 v48, v20  }
0x10d: {  	[tilespmem:$0x1FEC0] =	vst v13;
	v54 =	vmul.f32 v40, v40;
	v17 =	vsub.f32 v14, v42;
	v48 =	vld [tilespmem:$0x1FCA0];
	v2 =	vadd.f32 v2, v50  }
0x10e: {  	v53 =	vmovc v14;
	v14 =	vsub.f32 v13, v19;
	v13 =	vld [tilespmem:$0x1FCB0];
	v20 =	vadd.f32 v9, v20;
	v50 =	vmovc v40;
	v40 =	vbroadcast v0, $0x0  }
0x10f: {  	v9 =	vadd.f32 v18, v1;
	v2 =	vadd.f32 v2, v15  }
0x110: {  	v21 =	vmul.f32 v17, v17;
	v1 =	vadd.f32 v54, v20;
	v15 =	vsub.f32 v46, v40;
	v46 =	vld [tilespmem:$0x1FC90]  }
0x111: {  	v56 =	vmov v16  }
0x112: {  	v16 =	vsub.f32 v48, v22;
	[tilespmem:$0x1FF30] =	vst v1;
	v1 =	vadd.f32 v2, v21;
	v2 =	vmul.f32 v14, v14;
	v14 =	vld [tilespmem:$0x1FCC0]  }
0x113: {  	v20 =	vbroadcast v0, $0x1;
	v17 =	vsub.f32 v13, v25  }
0x114: {  	v21 =	vmul.f32 v16, v16;
	v16 =	vld [tilespmem:$0x1FCE0];
	v1 =	vadd.f32 v1, v2;
	v2 =	vmul.f32 v15, v15  }
0x115: {  	v52 =	vmovc v37;
	v37 =	vbroadcast v0, $0x3;
	v25 =	vbroadcast v0, $0x2;
	v15 =	vld [tilespmem:$0x1FCD0];
	v4 =	vsub.f32 v46, v4  }
0x116: {  	v18 =	vmul.f32 v17, v17;
	v1 =	vadd.f32 v1, v2;
	v2 =	vsub.f32 v10, v20  }
0x117: {  	[tilespmem:$0x1FEA0] =	vst v35;
	v35 =	vsub.f32 v51, v25;
	v32 =	vsub.f32 v14, v26;
	v4 =	vmul.f32 v4, v4  }
0x118: {  	[tilespmem:$0x1FEE0] =	vst v10;
	v17 =	vld [tilespmem:$0x1FCF0];
	v10 =	vsub.f32 v61, v37;
	v26 =	vbroadcast v0, $0x5;
	v2 =	vmul.f32 v2, v2  }
0x119: {  	v51 =	vmul.f32 v32, v32;
	v32 =	vsub.f32 v16, v23;
	v4 =	vadd.f32 v21, v4  }
0x11a: {  	v54 =	vsub.f32 v15, v28;
	v1 =	vadd.f32 v1, v2;
	v2 =	vmul.f32 v35, v35  }
0x11b: {  	v35 =	vmul.f32 v32, v32;
	v32 =	vsub.f32 v44, v26;
	v44 =	vld [tilespmem:$0x1FD10];
	v4 =	vadd.f32 v4, v18  }
0x11c: {  	v23 =	vbroadcast v0, $0x4;
	v1 =	vadd.f32 v1, v2;
	v2 =	vmul.f32 v10, v10;
	v18 =	vld [tilespmem:$0x1FD00]  }
0x11d: {  	v38 =	vsub.f32 v17, v30;
	v28 =	vmul.f32 v54, v54;
	v4 =	vadd.f32 v4, v51  }
0x11e: {  	v1 =	vadd.f32 v1, v2;
	v2 =	vsub.f32 v47, v23  }
0x11f: {  	v4 =	vadd.f32 v4, v28  }
0x120: {  	v54 =	vmul.f32 v38, v38;
	v38 =	vsub.f32 v44, v31;
	v2 =	vmul.f32 v2, v2  }
0x121: {  	v10 =	vsub.f32 v18, v29;
	v29 =	vbroadcast v0, $0x6;
	v4 =	vadd.f32 v4, v35  }
0x122: {  	v1 =	vadd.f32 v1, v2;
	v2 =	vmul.f32 v32, v32  }
0x123: {  	v51 =	vmovc v47;
	v47 =	vsub.f32 v45, v29;
	v4 =	vadd.f32 v4, v54;
	v54 =	vmul.f32 v38, v38;
	v38 =	vld [tilespmem:$0x1FD30]  }
0x124: {  	v32 =	vld [tilespmem:$0x1FD20]  }
0x125: {  	v28 =	vbroadcast v0, $0x7;
	v1 =	vadd.f32 v1, v2;
	v2 =	vmul.f32 v47, v47  }
0x126: {  	v35 =	vmul.f32 v10, v10  }
0x127: {  	v1 =	vadd.f32 v1, v2;
	v2 =	vsub.f32 v43, v28;
	v43 =	vld [tilespmem:$0x1FD40]  }
0x128: {  	v4 =	vadd.f32 v4, v35;
	v35 =	vsub.f32 v38, v27;
	v27 =	vbroadcast v0, $0x8  }
0x129: {  	v10 =	vsub.f32 v32, v33  }
0x12a: {  	v4 =	vadd.f32 v4, v54;
	v54 =	vsub.f32 v39, v27;
	v39 =	vld [tilespmem:$0x1FD50];
	_ =	sdelay $0x1  }
0x12b: {  	v33 =	vmul.f32 v10, v10;
	v47 =	vsub.f32 v43, v7  }
0x12c: {  	v2 =	vmul.f32 v2, v2  }
0x12d: {  	v31 =	vbroadcast v0, $0x9;
	v4 =	vadd.f32 v4, v33  }
0x12e: {  	v1 =	vadd.f32 v1, v2;
	v2 =	vmul.f32 v54, v54;
	v33 =	vsub.f32 v39, v34  }
0x12f: {  	v10 =	vmul.f32 v47, v47;
	v34 =	vsub.f32 v41, v31;
	v41 =	vsub.f32 v24, v36;
	v47 =	vmovc v24;
	v24 =	vld [tilespmem:$0x1FD60]  }
0x130: {  	v45 =	vmul.f32 v35, v35  }
0x131: {  	v30 =	vbroadcast v0, $0xA;
	v1 =	vadd.f32 v1, v2;
	v2 =	vmul.f32 v34, v34  }
0x132: {  	v4 =	vadd.f32 v4, v45;
	v35 =	vmul.f32 v33, v33;
	v54 =	vmul.f32 v41, v41  }
0x133: {  	v33 =	vbroadcast v0, $0xB;
	v41 =	vld [tilespmem:$0x1FD80];
	v1 =	vadd.f32 v1, v2;
	v2 =	vsub.f32 v6, v30  }
0x134: {  	v4 =	vadd.f32 v4, v10;
	v10 =	vsub.f32 v24, v42;
	v42 =	vld [tilespmem:$0x1FD70]  }
0x135: {  	v45 =	vsub.f32 v8, v33;
	v2 =	vmul.f32 v2, v2  }
0x136: {  	v4 =	vadd.f32 v4, v35  }
0x137: {  	v1 =	vadd.f32 v1, v2;
	v2 =	vmul.f32 v45, v45  }
0x138: {  	v4 =	vadd.f32 v4, v54;
	v36 =	vmul.f32 v10, v10;
	v54 =	vsub.f32 v41, v40;
	v40 =	vld [tilespmem:$0x1FD90]  }
0x139: {  	v19 =	vsub.f32 v42, v19;
	v2 =	vadd.f32 v1, v2;
	v1 =	vbroadcast v0, $0xD;
	_ =	sdelay $0x1  }
0x13a: {  	v4 =	vadd.f32 v4, v36;
	v19 =	vmul.f32 v19, v19;
	v45 =	vsub.f32 v12, v1  }
0x13b: {  	v34 =	vbroadcast v0, $0xC;
	v10 =	vmul.f32 v54, v54;
	v54 =	vld [tilespmem:$0x1FDA0]  }
0x13c: {  	v20 =	vsub.f32 v40, v20;
	v4 =	vadd.f32 v4, v19;
	v21 =	vmul.f32 v45, v45;
	v45 =	vld [tilespmem:$0x1FDB0]  }
0x13d: {  	v8 =	vsub.f32 v58, v34  }
0x13e: {  	v36 =	vsub.f32 v55, v25;
	v20 =	vmul.f32 v20, v20;
	v19 =	vadd.f32 v4, v10  }
0x13f: {  	v35 =	vmul.f32 v8, v8  }
0x140: {  	[tilespmem:$0x1FFB0] =	vst v58;
	v58 =	vmul.f32 v36, v36;
	v8 =	vsub.f32 v54, v37;
	v19 =	vadd.f32 v19, v20  }
0x141: {  	v37 =	vld [tilespmem:$0x1FDC0];
	v10 =	vmul.f32 v45, v45  }
0x142: {  	[tilespmem:$0x1FFC0] =	vst v12;
	v25 =	vld [tilespmem:s17+$0x11080];
	v12 =	vmul.f32 v8, v8;
	v19 =	vadd.f32 v19, v58  }
0x143: {  	v6 =	vadd.f32 v10, v9  }
0x144: {  	v4 =	vbroadcast v0, $0xE;
	v19 =	vadd.f32 v19, v12;
	v12 =	vld [tilespmem:$0x1FDD0]  }
0x145: {  	v2 =	vadd.f32 v2, v35;
	[tilespmem:$0x1FFA0] =	vst v6;
	v6 =	vld [tilespmem:$0x1FDF0]  }
0x146: {  	[tilespmem:$0x1FFD0] =	vst v11;
	v11 =	vsub.f32 v11, v4;
	v58 =	vsub.f32 v37, v23  }
0x147: {  	v2 =	vadd.f32 v2, v21;
	v21 =	vbroadcast v25, $0x0  }
0x148: {  	v10 =	vmul.f32 v11, v11;
	v11 =	vmul.f32 v58, v58  }
0x149: {  	v35 =	vsub.f32 v12, v26  }
0x14a: {  	v19 =	vadd.f32 v19, v11;
	v11 =	vsub.f32 v6, v21;
	v6 =	vld [tilespmem:$0x1FE00]  }
0x14b: {  	v36 =	vmul.f32 v35, v35;
	v35 =	vld [tilespmem:$0x1FDE0];
	_ =	sdelay $0x2  }
0x14c: {  	v23 =	vbroadcast v25, $0x1;
	v19 =	vadd.f32 v19, v36;
	v36 =	vld [tilespmem:$0x1FE10];
	_ =	sdelay $0x1  }
0x14d: {  	v26 =	vbroadcast v25, $0x2;
	v6 =	vsub.f32 v6, v23;
	v58 =	vsub.f32 v35, v29  }
0x14e: {  	v11 =	vmul.f32 v11, v11  }
0x14f: {  	v7 =	vsub.f32 v63, v26;
	v6 =	vmul.f32 v6, v6;
	v29 =	vmul.f32 v58, v58  }
0x150: {  	v58 =	vsub.f32 v36, v28;
	v28 =	vsub.f32 v57, v27  }
0x151: {  	v7 =	vmul.f32 v7, v7;
	v6 =	vadd.f32 v6, v11;
	v19 =	vadd.f32 v19, v29;
	v29 =	vld [tilespmem:$0x1FE20];
	_ =	sdelay $0x1  }
0x152: {  	v6 =	vadd.f32 v6, v7;
	v7 =	vmul.f32 v28, v28;
	v28 =	vld [tilespmem:$0x1FE30]  }
0x153: {  	v22 =	vbroadcast v25, $0x3;
	_ =	sdelay $0x1  }
0x154: {  	v20 =	vbroadcast v25, $0x4;
	v63 =	vmul.f32 v58, v58;
	v58 =	vsub.f32 v29, v22;
	_ =	sdelay $0x1  }
0x155: {  	v8 =	vsub.f32 v28, v20;
	v9 =	vmul.f32 v58, v58  }
0x156: {  	v19 =	vadd.f32 v19, v63;
	v63 =	vsub.f32 v49, v31  }
0x157: {  	v29 =	vsub.f32 v62, v30;
	v30 =	vld [tilespmem:$0x1FE40];
	v8 =	vmul.f32 v8, v8;
	v6 =	vadd.f32 v6, v9  }
0x158: {  	v7 =	vadd.f32 v19, v7  }
0x159: {  	v11 =	vmul.f32 v63, v63;
	v8 =	vadd.f32 v6, v8;
	v6 =	vbroadcast v0, $0xF;
	v0 =	vld [tilespmem:$0x1FE50]  }
0x15a: {  	v27 =	vbroadcast v25, $0x5  }
0x15b: {  	v7 =	vadd.f32 v7, v11;
	v31 =	vmul.f32 v29, v29;
	v58 =	vsub.f32 v60, v33  }
0x15c: {  	v11 =	vbroadcast v25, $0x6;
	v9 =	vsub.f32 v30, v27  }
0x15d: {  	v48 =	vsub.f32 v48, v23;
	v7 =	vadd.f32 v7, v31;
	v63 =	vmul.f32 v58, v58;
	v58 =	vld [tilespmem:$0x1FE60]  }
0x15e: {  	v2 =	vadd.f32 v2, v10;
	v9 =	vmul.f32 v9, v9;
	v0 =	vsub.f32 v0, v11  }
0x15f: {  	v10 =	vbroadcast v25, $0x7;
	v33 =	vsub.f32 v52, v34;
	v7 =	vadd.f32 v7, v63;
	v63 =	vld [tilespmem:$0x1FE70]  }
0x160: {  	v34 =	vsub.f32 v50, v6;
	v8 =	vadd.f32 v8, v9;
	v0 =	vmul.f32 v0, v0  }
0x161: {  	v46 =	vsub.f32 v46, v21;
	v21 =	vmul.f32 v48, v48;
	v29 =	vbroadcast v25, $0x8  }
0x162: {  	v9 =	vsub.f32 v58, v10;
	v8 =	vadd.f32 v8, v0;
	v0 =	vmul.f32 v34, v34;
	v34 =	vld [tilespmem:$0x1FE80]  }
0x163: {  	v19 =	vmul.f32 v33, v33;
	v30 =	vbroadcast v25, $0x9  }
0x164: {  	v9 =	vmul.f32 v9, v9;
	v28 =	vsub.f32 v63, v29;
	v63 =	vsub.f32 v13, v26  }
0x165: {  	v0 =	vadd.f32 v2, v0;
	v2 =	vadd.f32 v7, v19;
	v19 =	vmul.f32 v46, v46  }
0x166: {  	v26 =	vld [tilespmem:$0x1FE90];
	v33 =	vmul.f32 v28, v28;
	v28 =	vsub.f32 v14, v22;
	v7 =	vadd.f32 v8, v9  }
0x167: {  	v31 =	vmul.f32 v63, v63;
	v19 =	vadd.f32 v21, v19;
	v9 =	vsub.f32 v34, v30  }
0x168: {  	v13 =	vmul.f32 v28, v28;
	v7 =	vadd.f32 v7, v33;
	v33 =	vld [tilespmem:$0x1FEA0]  }
0x169: {  	v19 =	vadd.f32 v19, v31;
	v58 =	vmul.f32 v9, v9;
	v9 =	vbroadcast v25, $0xA  }
0x16a: {  	v46 =	vsub.f32 v15, v20  }
0x16b: {  	v13 =	vadd.f32 v19, v13;
	v8 =	vsub.f32 v26, v9;
	v26 =	vbroadcast v25, $0xB  }
0x16c: {  	v14 =	vmul.f32 v46, v46;
	v7 =	vadd.f32 v7, v58;
	v58 =	vsub.f32 v16, v27  }
0x16d: {  	v23 =	vbroadcast v25, $0xC;
	v8 =	vmul.f32 v8, v8;
	v34 =	vsub.f32 v33, v26  }
0x16e: {  	v11 =	vsub.f32 v17, v11;
	v13 =	vadd.f32 v13, v14;
	v20 =	vmul.f32 v58, v58  }
0x16f: {  	v56 =	vsub.f32 v56, v23;
	v7 =	vadd.f32 v7, v8;
	v48 =	vmul.f32 v34, v34  }
0x170: {  	v10 =	vsub.f32 v18, v10;
	v11 =	vmul.f32 v11, v11;
	v13 =	vadd.f32 v13, v20  }
0x171: {  	v63 =	vmul.f32 v56, v56;
	v7 =	vadd.f32 v7, v48  }
0x172: {  	v10 =	vmul.f32 v10, v10;
	v28 =	vsub.f32 v44, v29;
	v11 =	vadd.f32 v13, v11  }
0x173: {  	v6 =	vsub.f32 v45, v6;
	v17 =	vbroadcast v25, $0xF;
	v8 =	vadd.f32 v7, v63;
	v7 =	vld [tilespmem:$0x1FEB0]  }
0x174: {  	v33 =	vsub.f32 v32, v30;
	v13 =	vmul.f32 v28, v28;
	v10 =	vadd.f32 v11, v10  }
0x175: {  	v31 =	vld [tilespmem:$0x1FEC0];
	v19 =	vbroadcast v25, $0xD;
	v16 =	vbroadcast v25, $0xE;
	v9 =	vsub.f32 v38, v9  }
0x176: {  	v25 =	vsub.f32 v39, v23;
	v11 =	vmul.f32 v33, v33;
	v10 =	vadd.f32 v10, v13  }
0x177: {  	v0 =	vmax.f32 v0, $9.999999960e-13;
	v23 =	vld [tilespmem:$0x1FF10];
	v27 =	vsub.f32 v53, v16;
	v53 =	vsub.f32 v43, v26  }
0x178: {  	v9 =	vmul.f32 v9, v9;
	v10 =	vadd.f32 v10, v11;
	v21 =	vsub.f32 v7, v19;
	v7 =	vld [tilespmem:s17+$0x11090]  }
0x179: {  	v6 =	vmul.f32 v6, v6;
	v0 =	vsel vm1, $0x3F800000, v0;
	v38 =	vsub.f32 v42, v17  }
0x17a: {  	v56 =	vld [tilespmem:$0x1FEE0];
	v15 =	vsub.f32 v31, v17;
	v11 =	vmul.f32 v53, v53;
	v9 =	vadd.f32 v10, v9  }
0x17b: {  	v46 =	vld [tilespmem:$0x1FED0];
	v32 =	vsub.f32 v24, v16;
	v29 =	vmul.f32 v27, v27;
	v22 =	vmul.f32 v21, v21  }
0x17c: {  	v34 =	vmul.f32 v15, v15;
	v27 =	vld [tilespmem:$0x1FEF0];
	v10 =	vmul.f32 v25, v25;
	v9 =	vadd.f32 v9, v11  }
0x17d: {  	v4 =	vsub.f32 v23, v4;
	v8 =	vadd.f32 v8, v22;
	v44 =	vbroadcast v7, $0x0  }
0x17e: {  	v48 =	vbroadcast v7, $0x1;
	v63 =	vbroadcast v7, $0x2;
	v9 =	vadd.f32 v9, v10  }
0x17f: {  	v31 =	vbroadcast v7, $0x3;
	v8 =	vadd.f32 v8, v29;
	v29 =	vsub.f32 v47, v19  }
0x180: {  	v4 =	vmul.f32 v4, v4;
	v53 =	vld [tilespmem:$0x1FFF0];
	v13 =	vsub.f32 v46, v44;
	v58 =	vsub.f32 v56, v48  }
0x181: {  	v10 =	vmul.f32 v32, v32;
	v28 =	vsub.f32 v27, v63;
	v33 =	vsub.f32 v61, v31  }
0x182: {  	v22 =	vld [tilespmem:$0x1FF00];
	v41 =	vsub.f32 v41, v44;
	v43 =	vsub.f32 v40, v48;
	v44 =	vbroadcast v7, $0x5  }
0x183: {  	v46 =	vor.u32 $0x10, v59;
	v61 =	vsub.f32 v54, v31;
	v11 =	vmul.f32 v29, v29  }
0x184: {  	v8 =	vadd.f32 v8, v34;
	v34 =	vbroadcast v7, $0x4;
	v13 =	vmul.f32 v13, v13  }
0x185: {  	vm7 =	veq.s32 v53, v46;
	v26 =	vmul.f32 v58, v58;
	v30 =	vmul.f32 v28, v28  }
0x186: {  	v47 =	vmul.f32 v43, v43;
	v58 =	vsub.f32 v55, v63;
	v63 =	vbroadcast v7, $0x6  }
0x187: {  	v48 =	vld [tilespmem:$0x1FFE0];
	v1 =	vsub.f32 v22, v1;
	v24 =	vmul.f32 v61, v61;
	v43 =	vbroadcast v7, $0xB  }
0x188: {  	v9 =	vadd.f32 v9, v11;
	v39 =	vsub.f32 v51, v34;
	v11 =	vmul.f32 v38, v38  }
0x189: {  	v25 =	vsub.f32 v37, v34;
	v34 =	vbroadcast v7, $0x9;
	v8 =	vadd.f32 v8, v13  }
0x18a: {  	v51 =	vld [tilespmem:$0x1FF20];
	v13 =	vmul.f32 v33, v33;
	v1 =	vmul.f32 v1, v1;
	v15 =	vsub.f32 v35, v63  }
0x18b: {  	v28 =	vld [tilespmem:$0x1FF50];
	v60 =	vsub.f32 v60, v43;
	v9 =	vadd.f32 v9, v10;
	v42 =	vmul.f32 v39, v39  }
0x18c: {  	v10 =	vmul.f32 v41, v41;
	vm6 =	veq.s32 v48, v46;
	v14 =	vmul.f32 v25, v25  }
0x18d: {  	v37 =	vld [tilespmem:$0x1FF70];
	v39 =	vbroadcast v7, $0xA;
	v8 =	vadd.f32 v8, v26;
	v2 =	vadd.f32 v2, v1  }
0x18e: {  	v32 =	vld [tilespmem:$0x1FF60];
	v26 =	vbroadcast v7, $0x7;
	v15 =	vmul.f32 v15, v15;
	v9 =	vadd.f32 v9, v11  }
0x18f: {  	v54 =	vld [tilespmem:$0x1FFB0];
	v16 =	vmul.f32 v60, v60;
	v8 =	vadd.f32 v8, v30;
	v11 =	vsub.f32 v51, v44  }
0x190: {  	v41 =	vld [tilespmem:$0x1FF80];
	v2 =	vadd.f32 v2, v4;
	v29 =	vsub.f32 v28, v26;
	v30 =	vbroadcast v7, $0x8  }
0x191: {  	v46 =	vld [tilespmem:$0x1FF90];
	v36 =	vsub.f32 v36, v26;
	v51 =	vbroadcast v7, $0xC;
	v1 =	vadd.f32 v9, v10  }
0x192: {  	v4 =	vld [tilespmem:$0x1FF40];
	v38 =	vsub.f32 v37, v34;
	v26 =	vbroadcast v7, $0xE;
	v10 =	vmul.f32 v58, v58  }
0x193: {  	v8 =	vadd.f32 v8, v13;
	v11 =	vmul.f32 v11, v11;
	v56 =	vadd.f32 v1, v47;
	v1 =	vld [tilespmem:$0x1FF30]  }
0x194: {  	v13 =	vsub.f32 v12, v44;
	v31 =	vmul.f32 v29, v29;
	v33 =	vsub.f32 v32, v30  }
0x195: {  	v40 =	vmul.f32 v38, v38;
	v2 =	vadd.f32 v2, v6;
	v55 =	vsub.f32 v54, v51  }
0x196: {  	v29 =	vmul.f32 $5.000000000e-01, v0;
	v32 =	vsub.f32 v23, v26;
	v47 =	vsub.f32 v46, v43  }
0x197: {  	v8 =	vadd.f32 v8, v42;
	v13 =	vmul.f32 v13, v13;
	v35 =	vmul.f32 v33, v33  }
0x198: {  	v42 =	vsub.f32 v41, v39;
	v21 =	vsub.f32 v4, v63;
	v1 =	vmax.f32 v1, $9.999999960e-13  }
0x199: {  	v9 =	vadd.f32 v56, v10;
	v20 =	vshra.s32 v1, $0x1;
	v4 =	vmul.f32 $5.000000000e-01, v1  }
0x19a: {  	v2 =	vmax.f32 v2, $9.999999960e-13;
	v8 =	vadd.f32 v8, v11;
	v11 =	vsub.s32 $0x5F3759DF, v20  }
0x19b: {  	v6 =	vld [tilespmem:$0x1FFA0];
	v53 =	vmul.f32 v47, v47;
	v9 =	vadd.f32 v9, v24;
	v27 =	vmul.f32 v11, v4  }
0x19c: {  	v56 =	vsub.f32 v62, v39;
	v63 =	vbroadcast v7, $0xD;
	v17 =	vmul.f32 v21, v21  }
0x19d: {  	v7 =	vbroadcast v7, $0xF;
	v9 =	vadd.f32 v9, v14;
	v10 =	vmul.f32 v11, v27  }
0x19e: {  	v2 =	vsel vm7, $0x3F800000, v2;
	v44 =	vmul.f32 v42, v42;
	v8 =	vadd.f32 v8, v17  }
0x19f: {  	v37 =	vmul.f32 $5.000000000e-01, v2;
	v9 =	vadd.f32 v9, v13;
	v10 =	vsub.f32 $1.500000000e+00, v10  }
0x1a0: {  	v6 =	vmax.f32 v6, $9.999999960e-13;
	v17 =	vsub.f32 v57, v30;
	v8 =	vadd.f32 v8, v31  }
0x1a1: {  	v9 =	vadd.f32 v9, v15;
	v10 =	vmul.f32 v11, v10;
	v11 =	vmul.f32 v36, v36  }
0x1a2: {  	v58 =	vmul.f32 $5.000000000e-01, v6;
	v14 =	vsub.f32 v49, v34;
	v8 =	vadd.f32 v8, v35  }
0x1a3: {  	v21 =	vld [tilespmem:$0x1FFC0];
	v57 =	vshra.s32 v6, $0x1;
	v48 =	vmul.f32 v17, v17;
	v9 =	vadd.f32 v9, v11  }
0x1a4: {  	v34 =	vmul.f32 v32, v32;
	v17 =	vsub.f32 v52, v51;
	v8 =	vadd.f32 v8, v40  }
0x1a5: {  	v14 =	vmul.f32 v14, v14;
	v31 =	vsub.f32 v50, v7;
	v27 =	vld [tilespmem:$0x1FFD0];
	v9 =	vadd.f32 v9, v48  }
0x1a6: {  	v13 =	vsub.s32 $0x5F3759DF, v57;
	v7 =	vsub.f32 v45, v7;
	v8 =	vadd.f32 v8, v44  }
0x1a7: {  	v62 =	vmul.f32 v13, v58;
	v11 =	vmul.f32 v56, v56;
	v9 =	vadd.f32 v9, v14  }
0x1a8: {  	v24 =	vsub.f32 v21, v63;
	v15 =	vmul.f32 v55, v55;
	v8 =	vadd.f32 v8, v53  }
0x1a9: {  	v17 =	vmul.f32 v17, v17;
	v33 =	vmul.f32 v31, v31;
	v9 =	vadd.f32 v9, v11  }
0x1aa: {  	v18 =	vmul.f32 v24, v24;
	v28 =	vsub.f32 v27, v26;
	v8 =	vadd.f32 v8, v15  }
0x1ab: {  	v36 =	vshra.s32 v2, $0x1;
	v11 =	vsub.f32 v22, v63;
	v9 =	vadd.f32 v9, v16  }
0x1ac: {  	v39 =	vsub.s32 $0x5F3759DF, v36;
	v61 =	vmul.f32 v10, v4;
	v30 =	vmul.f32 v28, v28  }
0x1ad: {  	v8 =	vadd.f32 v8, v18;
	v11 =	vmul.f32 v11, v11;
	v9 =	vadd.f32 v9, v17  }
0x1ae: {  	v25 =	vshra.s32 v0, $0x1;
	v20 =	vmul.f32 v39, v37;
	v15 =	vmul.f32 v13, v62  }
0x1af: {  	v7 =	vmul.f32 v7, v7;
	v8 =	vadd.f32 v8, v30;
	v9 =	vadd.f32 v9, v11  }
0x1b0: {  	v19 =	vmul.f32 v61, v10;
	v20 =	vmul.f32 v39, v20;
	v15 =	vsub.f32 $1.500000000e+00, v15  }
0x1b1: {  	v16 =	vsub.s32 $0x5F3759DF, v25;
	v8 =	vadd.f32 v8, v33;
	v9 =	vadd.f32 v9, v34  }
0x1b2: {  	v20 =	vsub.f32 $1.500000000e+00, v20;
	v19 =	vsub.f32 $1.500000000e+00, v19;
	v35 =	vmul.f32 v16, v29  }
0x1b3: {  	v13 =	vmul.f32 v13, v15;
	v8 =	vmax.f32 v8, $9.999999960e-13;
	v7 =	vadd.f32 v9, v7  }
0x1b4: {  	v10 =	vmul.f32 v19, v10;
	v38 =	vmul.f32 v16, v35;
	v8 =	vsel vm0, $0x3F800000, v8  }
0x1b5: {  	v41 =	vshra.s32 v8, $0x1;
	v42 =	vmul.f32 $5.000000000e-01, v8;
	v7 =	vmax.f32 v7, $9.999999960e-13  }
0x1b6: {  	v40 =	vsub.f32 $1.500000000e+00, v38;
	v11 =	vsub.s32 $0x5F3759DF, v41;
	v7 =	vsel vm6, $0x3F800000, v7  }
0x1b7: {  	v43 =	vmul.f32 v11, v42;
	v44 =	vshra.s32 v7, $0x1;
	v45 =	vmul.f32 $5.000000000e-01, v7  }
0x1b8: {  	v17 =	vmul.f32 v39, v20;
	v9 =	vmul.f32 v16, v40;
	v22 =	vsub.s32 $0x5F3759DF, v44  }
0x1b9: {  	v16 =	vmul.f32 v11, v43;
	v47 =	vmul.f32 v22, v45  }
0x1ba: {  	v49 =	vmul.f32 v17, v37;
	v46 =	vmul.f32 v9, v29  }
0x1bb: {  	v4 =	vmul.f32 v10, v4;
	v16 =	vsub.f32 $1.500000000e+00, v16;
	v20 =	vmul.f32 v22, v47  }
0x1bc: {  	v51 =	vmul.f32 v49, v17;
	v48 =	vmul.f32 v46, v9  }
0x1bd: {  	v50 =	vmul.f32 v13, v58;
	v11 =	vmul.f32 v11, v16;
	v20 =	vsub.f32 $1.500000000e+00, v20  }
0x1be: {  	v4 =	vmul.f32 v4, v10;
	v19 =	vsub.f32 $1.500000000e+00, v51;
	v15 =	vsub.f32 $1.500000000e+00, v48  }
0x1bf: {  	v52 =	vmul.f32 v11, v42;
	v20 =	vmul.f32 v22, v20  }
0x1c0: {  	v17 =	vmul.f32 v19, v17;
	v9 =	vmul.f32 v15, v9  }
0x1c1: {  	v15 =	vmul.f32 v52, v11;
	v53 =	vmul.f32 v20, v45  }
0x1c2: {  	v16 =	vmul.f32 v50, v13;
	v12 =	vmul.f32 v9, v29  }
0x1c3: {  	v4 =	vsub.f32 $1.500000000e+00, v4;
	v15 =	vsub.f32 $1.500000000e+00, v15;
	v19 =	vmul.f32 v53, v20  }
0x1c4: {  	v54 =	vmul.f32 v17, v37;
	v16 =	vsub.f32 $1.500000000e+00, v16;
	v12 =	vmul.f32 v12, v9  }
0x1c5: {  	v4 =	vmul.f32 v4, v10;
	v11 =	vmul.f32 v15, v11;
	v55 =	vsub.f32 $1.500000000e+00, v19  }
0x1c6: {  	v13 =	vmul.f32 v16, v13;
	v15 =	vmul.f32 v54, v17;
	v12 =	vsub.f32 $1.500000000e+00, v12  }
0x1c7: {  	v56 =	vmul.f32 v11, v42;
	v16 =	vmul.f32 v55, v20  }
0x1c8: {  	v14 =	vmul.f32 v13, v58;
	v57 =	vsub.f32 $1.500000000e+00, v15;
	v9 =	vmul.f32 v12, v9  }
0x1c9: {  	v12 =	vmul.f32 v56, v11;
	v58 =	vmul.f32 v16, v45  }
0x1ca: {  	v60 =	vmul.f32 v14, v13;
	v10 =	vmul.f32 v57, v17  }
0x1cb: {  	v0 =	vmul.f32 v9, v0;
	v12 =	vsub.f32 $1.500000000e+00, v12;
	v61 =	vmul.f32 v58, v16  }
0x1cc: {  	v1 =	vmul.f32 v4, v1;
	v9 =	vsub.f32 $1.500000000e+00, v60;
	v2 =	vmul.f32 v10, v2  }
0x1cd: {  	v4 =	vmul.f32 v12, v11;
	v0 =	vsub.f32 $3.000000000e+00, v0;
	v62 =	vsub.f32 $1.500000000e+00, v61  }
0x1ce: {  	v9 =	vmul.f32 v9, v13;
	v2 =	vsub.f32 $3.000000000e+00, v2  }
0x1cf: {  	v4 =	vmul.f32 v4, v8;
	v0 =	vmax.f32 v0, $0.0e+00;
	v63 =	vmul.f32 v62, v16  }
0x1d0: {  	v6 =	vmul.f32 v9, v6;
	v0 =	vmul.f32 v0, v0  }
0x1d1: {  	(xrf2) =	vadd.scan.msk.f32 $0xffff, v1;
	v2 =	vmax.f32 v2, $0.0e+00;
	v4 =	vsub.f32 $3.000000000e+00, v4;
	v1 =	vmul.f32 v63, v7  }
0x1d2: {  	v2 =	vmul.f32 v2, v2;
	(xrf2) =	vadd.scan.msk.f32 $0xffff, v6;
	v0 =	vsel vm1, $0x0, v0  }
0x1d3: {  	(xrf2) =	vadd.scan.msk.f32 $0xffff, v0;
	v0 =	vmax.f32 v4, $0.0e+00;
	v1 =	vsub.f32 $3.000000000e+00, v1  }
0x1d4: {  	v2 =	vsel vm7, $0x0, v2;
	v0 =	vmul.f32 v0, v0  }
0x1d5: {  	(xrf2) =	vadd.scan.msk.f32 $0xffff, v2;
	v1 =	vmax.f32 v1, $0.0e+00  }
0x1d6: {  	v0 =	vsel vm0, $0x0, v0;
	v1 =	vmul.f32 v1, v1  }
0x1d7: {  	(xrf2) =	vadd.scan.msk.f32 $0xffff, v0  }
0x1d8: {  	v0 =	vsel vm6, $0x0, v1  }
0x1d9: {  	(xrf2) =	vadd.scan.msk.f32 $0xffff, v0;
	_ =	sdelay $0x1  }
0x1da: {  	v0, _, _ =	vpop (xrf2)  }
0x1db: {  	(v2sf) =	vpush v0, $0xF;
	v0, _, _ =	vpop (xrf2)  }
0x1dc: {  	(v2sf) =	vpush v0, $0xF;
	v0, _, _ =	vpop (xrf2)  }
0x1dd: {  	(v2sf) =	vpush v0, $0xF  }
0x1de: {  	v0, _, _ =	vpop (xrf2)  }
0x1df: {  	(v2sf) =	vpush v0, $0xF  }
0x1e0: {  	v0, _, _ =	vpop (xrf2)  }
0x1e1: {  	(v2sf) =	vpush v0, $0xF  }
0x1e2: {  	v0, _, _ =	vpop (xrf2)  }
0x1e3: {  	(v2sf) =	vpush v0, $0xF;
	_ =	sdelay $0x6  }
0x1e4: {  	s0 =	spop (v2sf)  }
0x1e5: {  	s4 =	spop (v2sf)  }
0x1e6: {  	s2 =	spop (v2sf)  }
0x1e7: {  	s2 =	sadd.f32 $0.0e+00, s2  }
0x1e8: {  	s3 =	spop (v2sf)  }
0x1e9: {  	s2 =	sadd.f32 s2, s3  }
0x1ea: {  	s29 =	spop (v2sf)  }
0x1eb: {  	s2 =	sadd.f32 s29, s2  }
0x1ec: {  	s31 =	spop (v2sf)  }
0x1ed: {  	s2 =	sadd.f32 s2, s31;
	_ =	sdelay $0x1  }
0x1ee: {  	v0 =	vmov s2  }
0x1ef: {  	v0 =	vnsel vm2, $0x0, v0  }
0x1f0: {  	[tilespmem:$0x11000] =	vst v0  }
0x1f1: {  	[spmem:s19] =	stream.strided.scatter [tilespmem:s1], [sflag:$0x1], $0x280, s28, s26, $0x38;
	[tilespmem:$0x16770] =	vst v63  }
.Ltmp1:
0x1f2: {  	_ =	swait.ge [sflag:s22], $0x280;
	(pc) =	sbr.rel @!p0 .LBB2_20-.Ltmp1, $3  }
0x1f3: {  	[sflag:s22] =	ssyncset.done $0x0  }
0x1f4: {  	[sflag:s22] =	ssyncadd.s32 $0xFFFFFD80  }
0x1f5: {  	[bflag:$0x0] =	sbarrier.arrive $0xFFFF;
	_ =	sdelay $0x1  }
.LBB2_23:
0x1f6: {  	s5 =	sadd.s32 $0x1, s5  }
0x1f7: {  	p1 =	sne.s32 s5, s21  }
.Ltmp2:
0x1f8: {  	_ = 	snop;
	(pc) =	sbr.rel @!p1 .LBB2_24-.Ltmp2, $2  }
0x1f9: {  	_ =	sdelay $0x2  }
0x1fa: {  	v2 =	vimm.f32 $1.000000000e+00  }
.LBB2_1:
0x1fb: {  	s0 =	rddreg [dreg:$0x9]  }
0x1fc: {  	[tilespmem:s6], [sflag:$0x1] =	stream.linear.gather [hbm4b:s0+s6], $0x10000, $0x38;
	[tilespmem:$0x16770] =	vst v63  }
0x1fd: {  	_ =	swait.ge [sflag:s22], $0x10000  }
0x1fe: {  	[sflag:s22] =	ssyncset.done $0x0  }
0x1ff: {  	s2 =	simm.s32 $0x10000;
	s31 =	rddreg [dreg:$0xa];
	[sflag:s22] =	ssyncadd.s32 $0xFFFF0000  }
0x200: {  	[tilespmem:s2], [sflag:$0x1] =	stream.linear.gather [hbm4b:s31+s6], $0x800, $0x38;
	[tilespmem:$0x16770] =	vst v63  }
0x201: {  	_ =	swait.ge [sflag:s22], $0x800  }
0x202: {  	[sflag:s22] =	ssyncset.done $0x0  }
0x203: {  	s0 =	simm.s32 $0x10810;
	[sflag:s22] =	ssyncadd.s32 $0xFFFFF800  }
0x204: {  	[tilespmem:s0+$0xFFFFFFF0] =	vst v3  }
0x205: {  	s3 =	simm.s32 $0x0;
	s2 =	simm.s32 $0x40;
	[tilespmem:s0+$0x0] =	vst v3  }
.LBB2_2:
0x206: {  	p1 =	sne.s32 s2, $0x7C0  }
0x207: {  	[tilespmem:s3+$0x10C00] =	vst v3;
	s0 =	sadd.s32 $0x20, s0;
	s4 =	smov.u32 s2;
	s2 =	sadd.s32 $0x40, s2  }
.Ltmp3:
0x208: {  	[tilespmem:s3+$0x10E00] =	vst v3;
	(pc) =	sbr.rel @p1 .LBB2_2-.Ltmp3, $3  }
0x209: {  	_ =	sdelay $0x1  }
0x20a: {  	[tilespmem:s0+$0xFFFFFFF0] =	vst v3  }
0x20b: {  	s3 =	sshra.s32 s4, $0x2;
	[tilespmem:s0+$0x0] =	vst v3  }
0x20c: {  	[tilespmem:s3+$0x10C00] =	vst v3  }
0x20d: {  	[tilespmem:s3+$0x10E00] =	vst v3  }
0x20e: {  	v0 =	vld [tilespmem:$0x10000];
	_ =	sdelay $0x4  }
0x20f: {  	(v2sf) =	vpush v0, $0x0;
	_ =	sdelay $0xa  }
.Ltmp4:
0x210: {  	_ = 	snop;
	(pc) =	sbr.rel .LBB2_4-.Ltmp4, $3  }
0x211: {  	_ =	sdelay $0x1  }
0x212: {  	v0 =	vimm.f32 $0.0e+00  }
0x213: {  	s0 =	simm.s32 $0x0;
	s4 =	simm.s32 $0x100;
	v1 =	vimm.f32 $0.0e+00;
	[tilespmem:$0x11000] =	vst v0;
	s2 =	spop (v2sf)  }
.LBB2_6:
0x214: {  	s3 =	sshll.u32 s2, $0x7  }
0x215: {  	s3 =	sshra.s32 s3, $0x2  }
0x216: {  	[tilespmem:s3+$0x10800] =	vst.add.f32.msk $0xffff, v1  }
0x217: {  	[tilespmem:s3+$0x10810] =	vst.add.f32.msk $0xffff, v0;
	v0 =	vshll.u32 v4, $0x7  }
0x218: {  	v1 =	vld [tilespmem:s4+$0xFFFFFF00];
	v0 =	vshra.s32 v0, $0x2  }
0x219: {  	(v2sf) =	vpush v0, $0x1;
	_ =	sdelay $0x1  }
0x21a: {  	s7 =	sshll.u32 s29, $0x7  }
0x21b: {  	s3 =	sshra.s32 s7, $0x2  }
0x21c: {  	[tilespmem:s3+$0x10800] =	vst.add.f32.msk $0xffff, v1  }
0x21d: {  	v1 =	vld [tilespmem:s4+$0xFFFFFF10];
	_ =	sdelay $0x4  }
0x21e: {  	[tilespmem:s3+$0x10810] =	vst.add.f32.msk $0xffff, v1  }
0x21f: {  	v1 =	vld [tilespmem:s4+$0xFFFFFF20]  }
0x220: {  	(v2sf) =	vpush v0, $0x2;
	_ =	sdelay $0x2  }
0x221: {  	s8 =	spop (v2sf)  }
0x222: {  	[tilespmem:s8+$0x10800] =	vst.add.f32.msk $0xffff, v1  }
0x223: {  	v1 =	vld [tilespmem:s4+$0xFFFFFF30];
	_ =	sdelay $0x4  }
0x224: {  	[tilespmem:s8+$0x10810] =	vst.add.f32.msk $0xffff, v1  }
0x225: {  	v1 =	vld [tilespmem:s4+$0xFFFFFF40]  }
0x226: {  	(v2sf) =	vpush v0, $0x3;
	_ =	sdelay $0x2  }
0x227: {  	s29 =	spop (v2sf)  }
0x228: {  	[tilespmem:s29+$0x10800] =	vst.add.f32.msk $0xffff, v1  }
0x229: {  	v1 =	vld [tilespmem:s4+$0xFFFFFF50];
	_ =	sdelay $0x4  }
0x22a: {  	[tilespmem:s29+$0x10810] =	vst.add.f32.msk $0xffff, v1  }
0x22b: {  	v1 =	vld [tilespmem:s4+$0xFFFFFF60]  }
0x22c: {  	(v2sf) =	vpush v0, $0x4;
	_ =	sdelay $0x2  }
0x22d: {  	s31 =	spop (v2sf)  }
0x22e: {  	[tilespmem:s31+$0x10800] =	vst.add.f32.msk $0xffff, v1  }
0x22f: {  	v1 =	vld [tilespmem:s4+$0xFFFFFF70];
	_ =	sdelay $0x4  }
0x230: {  	[tilespmem:s31+$0x10810] =	vst.add.f32.msk $0xffff, v1  }
0x231: {  	v1 =	vld [tilespmem:s4+$0xFFFFFF80]  }
0x232: {  	(v2sf) =	vpush v0, $0x5;
	_ =	sdelay $0x2  }
0x233: {  	s7 =	spop (v2sf)  }
0x234: {  	[tilespmem:s7+$0x10800] =	vst.add.f32.msk $0xffff, v1  }
0x235: {  	v1 =	vld [tilespmem:s4+$0xFFFFFF90];
	_ =	sdelay $0x4  }
0x236: {  	[tilespmem:s7+$0x10810] =	vst.add.f32.msk $0xffff, v1  }
0x237: {  	v1 =	vld [tilespmem:s4+$0xFFFFFFA0]  }
0x238: {  	(v2sf) =	vpush v0, $0x6;
	_ =	sdelay $0x2  }
0x239: {  	s8 =	spop (v2sf)  }
0x23a: {  	[tilespmem:s8+$0x10800] =	vst.add.f32.msk $0xffff, v1  }
0x23b: {  	v1 =	vld [tilespmem:s4+$0xFFFFFFB0];
	_ =	sdelay $0x4  }
0x23c: {  	[tilespmem:s8+$0x10810] =	vst.add.f32.msk $0xffff, v1  }
0x23d: {  	v1 =	vld [tilespmem:s4+$0xFFFFFFC0]  }
0x23e: {  	(v2sf) =	vpush v0, $0x7;
	_ =	sdelay $0x2  }
0x23f: {  	s29 =	spop (v2sf)  }
0x240: {  	[tilespmem:s29+$0x10800] =	vst.add.f32.msk $0xffff, v1  }
0x241: {  	v1 =	vld [tilespmem:s4+$0xFFFFFFD0];
	_ =	sdelay $0x4  }
0x242: {  	[tilespmem:s29+$0x10810] =	vst.add.f32.msk $0xffff, v1  }
0x243: {  	v1 =	vld [tilespmem:s4+$0xFFFFFFE0]  }
0x244: {  	(v2sf) =	vpush v0, $0x8;
	_ =	sdelay $0x2  }
0x245: {  	s31 =	spop (v2sf)  }
0x246: {  	[tilespmem:s31+$0x10800] =	vst.add.f32.msk $0xffff, v1  }
0x247: {  	v1 =	vld [tilespmem:s4+$0xFFFFFFF0];
	_ =	sdelay $0x4  }
0x248: {  	[tilespmem:s31+$0x10810] =	vst.add.f32.msk $0xffff, v1  }
0x249: {  	v1 =	vld [tilespmem:s4+$0x0]  }
0x24a: {  	(v2sf) =	vpush v0, $0x9;
	_ =	sdelay $0x2  }
0x24b: {  	s7 =	spop (v2sf)  }
0x24c: {  	[tilespmem:s7+$0x10800] =	vst.add.f32.msk $0xffff, v1  }
0x24d: {  	v1 =	vld [tilespmem:s4+$0x10];
	_ =	sdelay $0x4  }
0x24e: {  	[tilespmem:s7+$0x10810] =	vst.add.f32.msk $0xffff, v1  }
0x24f: {  	v1 =	vld [tilespmem:s4+$0x20]  }
0x250: {  	(v2sf) =	vpush v0, $0xA;
	_ =	sdelay $0x2  }
0x251: {  	s8 =	spop (v2sf)  }
0x252: {  	[tilespmem:s8+$0x10800] =	vst.add.f32.msk $0xffff, v1  }
0x253: {  	v1 =	vld [tilespmem:s4+$0x30];
	_ =	sdelay $0x4  }
0x254: {  	[tilespmem:s8+$0x10810] =	vst.add.f32.msk $0xffff, v1  }
0x255: {  	v1 =	vld [tilespmem:s4+$0x40]  }
0x256: {  	(v2sf) =	vpush v0, $0xB;
	_ =	sdelay $0x2  }
0x257: {  	s29 =	spop (v2sf)  }
0x258: {  	[tilespmem:s29+$0x10800] =	vst.add.f32.msk $0xffff, v1  }
0x259: {  	v1 =	vld [tilespmem:s4+$0x50];
	_ =	sdelay $0x4  }
0x25a: {  	[tilespmem:s29+$0x10810] =	vst.add.f32.msk $0xffff, v1  }
0x25b: {  	v1 =	vld [tilespmem:s4+$0x60]  }
0x25c: {  	(v2sf) =	vpush v0, $0xC;
	_ =	sdelay $0x2  }
0x25d: {  	s31 =	spop (v2sf)  }
0x25e: {  	[tilespmem:s31+$0x10800] =	vst.add.f32.msk $0xffff, v1  }
0x25f: {  	v1 =	vld [tilespmem:s4+$0x70];
	_ =	sdelay $0x4  }
0x260: {  	[tilespmem:s31+$0x10810] =	vst.add.f32.msk $0xffff, v1  }
0x261: {  	v1 =	vld [tilespmem:s4+$0x80]  }
0x262: {  	(v2sf) =	vpush v0, $0xD;
	_ =	sdelay $0x2  }
0x263: {  	s7 =	spop (v2sf)  }
0x264: {  	[tilespmem:s7+$0x10800] =	vst.add.f32.msk $0xffff, v1  }
0x265: {  	v1 =	vld [tilespmem:s4+$0x90];
	_ =	sdelay $0x4  }
0x266: {  	[tilespmem:s7+$0x10810] =	vst.add.f32.msk $0xffff, v1  }
0x267: {  	v1 =	vld [tilespmem:s4+$0xA0]  }
0x268: {  	(v2sf) =	vpush v0, $0xE;
	_ =	sdelay $0x2  }
0x269: {  	s8 =	spop (v2sf)  }
0x26a: {  	[tilespmem:s8+$0x10800] =	vst.add.f32.msk $0xffff, v1  }
0x26b: {  	v0 =	vld [tilespmem:s4+$0xB0];
	_ =	sdelay $0x4  }
0x26c: {  	[tilespmem:s8+$0x10810] =	vst.add.f32.msk $0xffff, v0  }
0x26d: {  	v0 =	vld [tilespmem:s4+$0xC0];
	_ =	sdelay $0x3  }
0x26e: {  	s29 =	spop (v2sf)  }
0x26f: {  	[tilespmem:s29+$0x10800] =	vst.add.f32.msk $0xffff, v0  }
0x270: {  	v0 =	vld [tilespmem:s4+$0xD0];
	_ =	sdelay $0x4  }
0x271: {  	[tilespmem:s29+$0x10810] =	vst.add.f32.msk $0xffff, v0  }
0x272: {  	v0 =	vld [tilespmem:s4+$0xE0];
	_ =	sdelay $0x2  }
0x273: {  	s31 =	sshll.u32 s23, $0x7  }
0x274: {  	s3 =	sshra.s32 s31, $0x2  }
0x275: {  	[tilespmem:s3+$0x10800] =	vst.add.f32.msk $0xffff, v0  }
0x276: {  	v0 =	vld [tilespmem:s4+$0xF0];
	_ =	sdelay $0x4  }
0x277: {  	v1 =	vimm.f32 $0.0e+00;
	[tilespmem:s3+$0x10810] =	vst.add.f32.msk $0xffff, v0;
	v0 =	vimm.f32 $0.0e+00  }
.LBB2_7:
0x278: {  	s0 =	sadd.s32 $0x40, s0  }
0x279: {  	s23 =	smov.u32 @p1 s2;
	p1 =	sne.s32 s0, $0x2000  }
.Ltmp5:
0x27a: {  	_ = 	snop;
	(pc) =	sbr.rel @!p1 .LBB2_8-.Ltmp5, $2  }
0x27b: {  	_ =	sdelay $0x2  }
0x27c: {  	s4 =	sadd.s32 $0x200, s4;
	s2 =	smov.u32 s23  }
.LBB2_4:
0x27d: {  	s3 =	sshra.s32 s0, $0x2  }
0x27e: {  	v4 =	vld [tilespmem:s3+$0x10000];
	_ =	sdelay $0x4  }
0x27f: {  	(v2sf) =	vpush v4, $0x0  }
0x280: {  	(v2sf) =	vpush v4, $0xF;
	_ =	sdelay $0xd  }
0x281: {  	s29 =	spop (v2sf)  }
0x282: {  	s23 =	spop (v2sf)  }
0x283: {  	p1 =	seq.s32 s29, s2;
	p2 =	seq.s32 s29, s23  }
0x284: {  	v6 =	vshll.u32 v4, $0x4;
	p1 =	por !p1, !p2  }
0x285: {  	v6 =	vor.u32 v59, v6;
	p1 =	por !p1, !p1  }
.Ltmp6:
0x286: {  	_ = 	snop;
	(pc) =	sbr.rel @!p1 .LBB2_6-.Ltmp6, $2  }
0x287: {  	_ =	sdelay $0x2  }
0x288: {  	[tilespmem:v6+s24+$0x0] =	vst.idx.add.f32.msk $0xffff, v2  }
0x289: {  	v4 =	vld [tilespmem:s4+$0xFFFFFF00]  }
0x28a: {  	v6 =	vld [tilespmem:s4+$0xFFFFFF10]  }
0x28b: {  	v7 =	vld [tilespmem:s4+$0xFFFFFF20]  }
0x28c: {  	v8 =	vld [tilespmem:s4+$0xFFFFFF30]  }
0x28d: {  	v9 =	vld [tilespmem:s4+$0xFFFFFF40]  }
0x28e: {  	v10 =	vld [tilespmem:s4+$0xFFFFFF50]  }
0x28f: {  	v1 =	vadd.f32 v4, v1;
	v0 =	vadd.f32 v6, v0;
	v4 =	vld [tilespmem:s4+$0xFFFFFF60]  }
0x290: {  	v6 =	vld [tilespmem:s4+$0xFFFFFF70]  }
0x291: {  	v51 =	vld [tilespmem:s4+$0xFFFFFF90];
	v1 =	vadd.f32 v7, v1;
	v0 =	vadd.f32 v8, v0  }
0x292: {  	v7 =	vld [tilespmem:s4+$0xFFFFFF80]  }
0x293: {  	v52 =	vld [tilespmem:s4+$0xFFFFFFA0];
	v1 =	vadd.f32 v9, v1;
	v0 =	vadd.f32 v10, v0  }
0x294: {  	v53 =	vld [tilespmem:s4+$0xFFFFFFB0]  }
0x295: {  	v1 =	vadd.f32 v4, v1;
	v0 =	vadd.f32 v6, v0;
	v4 =	vld [tilespmem:s4+$0xFFFFFFC0]  }
0x296: {  	v6 =	vld [tilespmem:s4+$0xFFFFFFD0]  }
0x297: {  	v54 =	vld [tilespmem:s4+$0xFFFFFFF0];
	v1 =	vadd.f32 v7, v1;
	v0 =	vadd.f32 v51, v0  }
0x298: {  	v7 =	vld [tilespmem:s4+$0xFFFFFFE0]  }
0x299: {  	v55 =	vld [tilespmem:s4+$0x0];
	v1 =	vadd.f32 v52, v1;
	v0 =	vadd.f32 v53, v0  }
0x29a: {  	v56 =	vld [tilespmem:s4+$0x10]  }
0x29b: {  	v1 =	vadd.f32 v4, v1;
	v0 =	vadd.f32 v6, v0;
	v4 =	vld [tilespmem:s4+$0x20]  }
0x29c: {  	v6 =	vld [tilespmem:s4+$0x30]  }
0x29d: {  	v57 =	vld [tilespmem:s4+$0x50];
	v1 =	vadd.f32 v7, v1;
	v0 =	vadd.f32 v54, v0  }
0x29e: {  	v7 =	vld [tilespmem:s4+$0x40]  }
0x29f: {  	v58 =	vld [tilespmem:s4+$0x60];
	v1 =	vadd.f32 v55, v1;
	v0 =	vadd.f32 v56, v0  }
0x2a0: {  	v60 =	vld [tilespmem:s4+$0x70]  }
0x2a1: {  	v1 =	vadd.f32 v4, v1;
	v0 =	vadd.f32 v6, v0;
	v4 =	vld [tilespmem:s4+$0x80]  }
0x2a2: {  	v6 =	vld [tilespmem:s4+$0x90]  }
0x2a3: {  	v61 =	vld [tilespmem:s4+$0xB0];
	v1 =	vadd.f32 v7, v1;
	v0 =	vadd.f32 v57, v0  }
0x2a4: {  	v7 =	vld [tilespmem:s4+$0xA0]  }
0x2a5: {  	v62 =	vld [tilespmem:s4+$0xC0];
	v1 =	vadd.f32 v58, v1;
	v0 =	vadd.f32 v60, v0  }
0x2a6: {  	v63 =	vld [tilespmem:s4+$0xD0]  }
0x2a7: {  	v1 =	vadd.f32 v4, v1;
	v0 =	vadd.f32 v6, v0;
	v4 =	vld [tilespmem:s4+$0xE0]  }
0x2a8: {  	v6 =	vld [tilespmem:s4+$0xF0]  }
.Ltmp7:
0x2a9: {  	v1 =	vadd.f32 v7, v1;
	v0 =	vadd.f32 v61, v0;
	(pc) =	sbr.rel .LBB2_7-.Ltmp7, $3  }
0x2aa: {  	_ = 	snop  }
0x2ab: {  	v1 =	vadd.f32 v62, v1;
	v0 =	vadd.f32 v63, v0;
	_ =	sdelay $0x1  }
0x2ac: {  	v1 =	vadd.f32 v4, v1;
	v0 =	vadd.f32 v6, v0  }
.LBB2_8:
0x2ad: {  	s0 =	sshll.u32 s23, $0x7  }
0x2ae: {  	s0 =	sshra.s32 s0, $0x2  }
0x2af: {  	[tilespmem:s0+$0x10800] =	vst.add.f32.msk $0xffff, v1  }
0x2b0: {  	s8 =	simm.s32 $0x10800;
	[tilespmem:s0+$0x10810] =	vst.add.f32.msk $0xffff, v0  }
0x2b1: {  	[spmem:s9] =	stream.strided.scatter [tilespmem:s8], [sflag:$0x1], $0x400, s28, s26, $0x38;
	[tilespmem:$0x16770] =	vst v63  }
0x2b2: {  	_ =	swait.ge [sflag:s22], $0x400  }
0x2b3: {  	[sflag:s22] =	ssyncset.done $0x0  }
0x2b4: {  	[sflag:s22] =	ssyncadd.s32 $0xFFFFFC00  }
0x2b5: {  	[spmem:s11] =	stream.strided.scatter [tilespmem:s24], [sflag:$0x1], $0x200, s28, s26, $0x38;
	[tilespmem:$0x16770] =	vst v63  }
0x2b6: {  	s23 =	simm.s32 $0x0;
	s2 =	simm.s32 $0x0;
	_ =	swait.ge [sflag:s22], $0x200  }
0x2b7: {  	s3 =	simm.s32 $0x12680;
	s0 =	sand.u32 $0x3FFFE000, s23;
	[sflag:s22] =	ssyncset.done $0x0  }
0x2b8: {  	s2 =	sand.u32 $0x380, s2;
	s0 =	sadd.s32 s0, s13;
	[sflag:s22] =	ssyncadd.s32 $0xFFFFFE00  }
0x2b9: {  	s4 =	simm.s32 $0x0;
	s0 =	sadd.s32 s2, s0;
	[bflag:$0x0] =	sbarrier.arrive $0xFFFF  }
0x2ba: {  	[tilespmem:s3], [sflag:$0x1] =	stream.linear.gather [spmem:s0], $0x40, $0x38;
	[tilespmem:$0x16770] =	vst v63  }
0x2bb: {  	s31 =	simm.s32 $0x12E80;
	s4 =	sand.u32 $0x3FFFF000, s4;
	_ =	swait.ge [sflag:s22], $0x40  }
0x2bc: {  	s29 =	simm.s32 $0x2;
	s4 =	sadd.s32 s4, s14;
	[sflag:s22] =	ssyncset.done $0x0  }
0x2bd: {  	s23 =	simm.s32 $0x80;
	s2 =	sadd.s32 s2, s4;
	[sflag:s22] =	ssyncadd.s32 $0xFFFFFFC0  }
0x2be: {  	[tilespmem:s31], [sflag:$0x1] =	stream.linear.gather [spmem:s2], $0x20, $0x38;
	[tilespmem:$0x16770] =	vst v63  }
0x2bf: {  	s4 =	simm.s32 $0x12700;
	s0 =	simm.s32 $0x1;
	_ =	swait.ge [sflag:s22], $0x20  }
0x2c0: {  	s3 =	simm.s32 $0x400;
	s2 =	simm.s32 $0x12F00;
	[sflag:s22] =	ssyncset.done $0x0  }
.LBB2_9:
0x2c1: {  	s3 =	sand.u32 $0x3FFFE000, s3  }
0x2c2: {  	[sflag:s22] =	ssyncadd.s32 $0xFFFFFFE0;
	s31 =	smov.u32 s29;
	s7 =	sadd.s32 $0x1, s29  }
0x2c3: {  	p1 =	sne.s32 s29, $0xF;
	s29 =	sand.u32 $0x380, s23;
	s3 =	sadd.s32 s3, s13  }
0x2c4: {  	s8 =	sshll.u32 s0, $0x9;
	s0 =	smov.u32 s31;
	s3 =	sadd.s32 s29, s3  }
0x2c5: {  	[tilespmem:s4], [sflag:$0x1] =	stream.linear.gather [spmem:s3], $0x40, $0x38;
	[tilespmem:$0x16770] =	vst v63  }
0x2c6: {  	s3 =	sand.u32 $0x3FFFF000, s8;
	_ =	swait.ge [sflag:s22], $0x40  }
.Ltmp8:
0x2c7: {  	s3 =	sadd.s32 s3, s14;
	[sflag:s22] =	ssyncset.done $0x0;
	(pc) =	sbr.rel @p1 .LBB2_9-.Ltmp8, $4  }
0x2c8: {  	s23 =	sadd.s32 $0x80, s23;
	s3 =	sadd.s32 s29, s3;
	[sflag:s22] =	ssyncadd.s32 $0xFFFFFFC0  }
0x2c9: {  	[tilespmem:s2], [sflag:$0x1] =	stream.linear.gather [spmem:s3], $0x20, $0x38;
	[tilespmem:$0x16770] =	vst v63  }
0x2ca: {  	s4 =	sadd.s32 $0x80, s4;
	s2 =	sadd.s32 $0x80, s2;
	_ =	swait.ge [sflag:s22], $0x20  }
0x2cb: {  	s29 =	smov.u32 s7;
	s3 =	sshll.u32 s0, $0xA;
	[sflag:s22] =	ssyncset.done $0x0  }
0x2cc: {  	s3 =	sand.u32 $0x3FFFE000, s3  }
0x2cd: {  	s7 =	sand.u32 $0x380, s23;
	s3 =	sadd.s32 s3, s13  }
0x2ce: {  	[sflag:s22] =	ssyncadd.s32 $0xFFFFFFE0;
	s0 =	sshll.u32 s0, $0x9;
	s3 =	sadd.s32 s7, s3  }
0x2cf: {  	[tilespmem:s4], [sflag:$0x1] =	stream.linear.gather [spmem:s3], $0x40, $0x38;
	[tilespmem:$0x16770] =	vst v63  }
0x2d0: {  	s0 =	sand.u32 $0x3FFFF000, s0;
	_ =	swait.ge [sflag:s22], $0x40  }
0x2d1: {  	s0 =	sadd.s32 s0, s14;
	[sflag:s22] =	ssyncset.done $0x0  }
0x2d2: {  	s0 =	sadd.s32 s7, s0;
	[sflag:s22] =	ssyncadd.s32 $0xFFFFFFC0  }
0x2d3: {  	[tilespmem:s2], [sflag:$0x1] =	stream.linear.gather [spmem:s0], $0x20, $0x38;
	[tilespmem:$0x16770] =	vst v63  }
0x2d4: {  	_ =	swait.ge [sflag:s22], $0x20  }
0x2d5: {  	[sflag:s22] =	ssyncset.done $0x0  }
0x2d6: {  	s31 =	simm.s32 $0x0;
	[sflag:s22] =	ssyncadd.s32 $0xFFFFFFE0  }
0x2d7: {  	v8 =	vld [tilespmem:s31+$0x12E80]  }
0x2d8: {  	v0 =	vld [tilespmem:s31+$0x12680]  }
0x2d9: {  	v7 =	vimm.f32 $0.0e+00;
	v1 =	vimm.f32 $0.0e+00;
	v4 =	vimm.f32 $0.0e+00;
	s0 =	simm.s32 $0x200;
	v6 =	vld [tilespmem:s31+$0x12690]  }
.LBB2_11:
0x2da: {  	p1 =	sne.s32 s0, $0x1E00  }
.Ltmp9:
0x2db: {  	_ = 	snop;
	(pc) =	sbr.rel @p1 .LBB2_11-.Ltmp9, $4  }
0x2dc: {  	s2 =	sshra.s32 s0, $0x2  }
0x2dd: {  	v7 =	vadd.f32 v8, v7;
	v8 =	vld [tilespmem:s2+$0x12E80]  }
0x2de: {  	v1 =	vadd.f32 v0, v1;
	v0 =	vld [tilespmem:s2+$0x12680]  }
0x2df: {  	s0 =	sadd.s32 $0x200, s0;
	v4 =	vadd.f32 v6, v4;
	v6 =	vld [tilespmem:s2+$0x12690]  }
0x2e0: {  	_ =	sdelay $0x1  }
0x2e1: {  	v7 =	vadd.f32 v8, v7;
	_ =	sdelay $0x1  }
0x2e2: {  	(xrf2) =	vadd.scan.msk.f32 $0xffff, v7;
	_ =	sdelay $0x9  }
0x2e3: {  	v7, _, _ =	vpop (xrf2)  }
0x2e4: {  	(v2sf) =	vpush v7, $0xF;
	_ =	sdelay $0xe  }
0x2e5: {  	s0 =	spop (v2sf)  }
0x2e6: {  	s0 =	smax.f32 s0, $1.000000000e+00  }
0x2e7: {  	v7 =	vmov s0  }
0x2e8: {  	(erf) = vrcp.f32 v7;
	_ =	sdelay $0x7  }
0x2e9: {  	v0 =	vadd.f32 v0, v1  }
0x2ea: {  	v1 =	vadd.f32 v6, v4;
	v4 =	vpop (erf)  }
0x2eb: {  	v0 =	vmul.f32 v4, v0  }
0x2ec: {  	v1 =	vmul.f32 v4, v1  }
0x2ed: {  	[tilespmem:s10+$0x11080] =	vst v0  }
0x2ee: {  	[tilespmem:s10+$0x11090] =	vst v1  }
0x2ef: {  	s2 =	simm.s32 $0x0;
	[tilespmem:s12+$0x11480] =	vst v7  }
0x2f0: {  	v8 =	vld [tilespmem:s2+$0x12E90]  }
0x2f1: {  	v0 =	vld [tilespmem:s2+$0x126A0]  }
0x2f2: {  	s0 =	simm.s32 $0x200;
	v4 =	vimm.f32 $0.0e+00;
	v1 =	vimm.f32 $0.0e+00;
	v7 =	vimm.f32 $0.0e+00;
	v6 =	vld [tilespmem:s2+$0x126B0]  }
.LBB2_13:
0x2f3: {  	p1 =	sne.s32 s0, $0x1E00  }
.Ltmp10:
0x2f4: {  	_ = 	snop;
	(pc) =	sbr.rel @p1 .LBB2_13-.Ltmp10, $4  }
0x2f5: {  	s2 =	sshra.s32 s0, $0x2  }
0x2f6: {  	v7 =	vadd.f32 v8, v7;
	v8 =	vld [tilespmem:s2+$0x12E90]  }
0x2f7: {  	v1 =	vadd.f32 v0, v1;
	v0 =	vld [tilespmem:s2+$0x126A0]  }
0x2f8: {  	s0 =	sadd.s32 $0x200, s0;
	v4 =	vadd.f32 v6, v4;
	v6 =	vld [tilespmem:s2+$0x126B0]  }
0x2f9: {  	_ =	sdelay $0x1  }
0x2fa: {  	v7 =	vadd.f32 v8, v7;
	_ =	sdelay $0x1  }
0x2fb: {  	(xrf2) =	vadd.scan.msk.f32 $0xffff, v7;
	_ =	sdelay $0x9  }
0x2fc: {  	v7, _, _ =	vpop (xrf2)  }
0x2fd: {  	(v2sf) =	vpush v7, $0xF;
	_ =	sdelay $0xe  }
0x2fe: {  	s0 =	spop (v2sf)  }
0x2ff: {  	s0 =	smax.f32 s0, $1.000000000e+00  }
0x300: {  	v7 =	vmov s0  }
0x301: {  	(erf) = vrcp.f32 v7;
	_ =	sdelay $0x7  }
0x302: {  	v0 =	vadd.f32 v0, v1  }
0x303: {  	v1 =	vadd.f32 v6, v4;
	v4 =	vpop (erf)  }
0x304: {  	v0 =	vmul.f32 v4, v0  }
0x305: {  	v1 =	vmul.f32 v4, v1  }
0x306: {  	[tilespmem:s17+$0x11080] =	vst v0  }
0x307: {  	[tilespmem:s17+$0x11090] =	vst v1  }
0x308: {  	[tilespmem:s25+$0x11480] =	vst v7  }
0x309: {  	[spmem:s18] =	stream.linear.scatter [tilespmem:s15], [sflag:$0x1], $0x40, $0x38;
	[tilespmem:$0x16770] =	vst v63  }
0x30a: {  	_ =	swait.ge [sflag:s22], $0x40  }
0x30b: {  	[sflag:s22] =	ssyncset.done $0x0  }
0x30c: {  	[sflag:s22] =	ssyncadd.s32 $0xFFFFFFC0  }
0x30d: {  	[spmem:s20] =	stream.linear.scatter [tilespmem:s16], [sflag:$0x1], $0x20, $0x38;
	[tilespmem:$0x16770] =	vst v63  }
0x30e: {  	_ =	swait.ge [sflag:s22], $0x20  }
0x30f: {  	[sflag:s22] =	ssyncset.done $0x0  }
0x310: {  	[sflag:s22] =	ssyncadd.s32 $0xFFFFFFE0  }
0x311: {  	[bflag:$0x0] =	sbarrier.arrive $0xFFFF  }
0x312: {  	s29 =	rddreg [dreg:$0x5]  }
0x313: {  	[tilespmem:s30], [sflag:$0x1] =	stream.linear.gather [spmem:s29], $0x400, $0x38;
	[tilespmem:$0x16770] =	vst v63  }
0x314: {  	_ =	swait.ge [sflag:s22], $0x400  }
0x315: {  	[sflag:s22] =	ssyncset.done $0x0  }
0x316: {  	[sflag:s22] =	ssyncadd.s32 $0xFFFFFC00  }
.Ltmp11:
0x317: {  	s2 =	simm.s32 $0x11480;
	s31 =	rddreg [dreg:$0x6];
	(pc) =	sbr.rel .LBB2_15-.Ltmp11, $4  }
0x318: {  	[tilespmem:s2], [sflag:$0x1] =	stream.linear.gather [spmem:s31], $0x200, $0x38;
	[tilespmem:$0x16770] =	vst v63  }
0x319: {  	_ =	swait.ge [sflag:s22], $0x200  }
0x31a: {  	[sflag:s22] =	ssyncset.done $0x0  }
0x31b: {  	s4 =	simm.s32 $0x10000;
	s0 =	simm.s32 $0x0;
	[sflag:s22] =	ssyncadd.s32 $0xFFFFFE00  }
.LBB2_17:
0x31c: {  	v4 =	vshll.u32 v0, $0x5;
	v6 =	vor.u32 $0x1, v1  }
0x31d: {  	v7 =	vor.u32 $0x1, v4;
	_ =	sdelay $0x1  }
0x31e: {  	v8 =	vor.u32 $0x2, v1  }
0x31f: {  	v9 =	vld.idx.msk [tilespmem:v1+s6+$0x0], $0xffff;
	v10 =	vor.u32 $0x2, v4  }
0x320: {  	v12 =	vor.u32 $0x3, v1;
	v6 =	vld.idx.msk [tilespmem:v6+s6+$0x0], $0xffff  }
0x321: {  	v13 =	vor.u32 $0x3, v4;
	v7 =	vld.idx.msk [tilespmem:v7+s30+$0x0], $0xffff  }
0x322: {  	v14 =	vor.u32 $0x4, v1;
	v11 =	vld.idx.msk [tilespmem:v4+s30+$0x0], $0xffff  }
0x323: {  	v15 =	vor.u32 $0x4, v4;
	v8 =	vld.idx.msk [tilespmem:v8+s6+$0x0], $0xffff  }
0x324: {  	v10 =	vld.idx.msk [tilespmem:v10+s30+$0x0], $0xffff  }
0x325: {  	v51 =	vor.u32 $0x5, v1;
	v50 =	vld.idx.msk [tilespmem:v12+s6+$0x0], $0xffff  }
0x326: {  	v52 =	vor.u32 $0x5, v4;
	v6 =	vsub.f32 v6, v7;
	v7 =	vld.idx.msk [tilespmem:v13+s30+$0x0], $0xffff  }
0x327: {  	v16 =	vor.u32 $0x6, v1;
	v14 =	vld.idx.msk [tilespmem:v14+s6+$0x0], $0xffff;
	v9 =	vsub.f32 v9, v11  }
0x328: {  	v56 =	vor.u32 $0x7, v1;
	v54 =	vor.u32 $0x6, v4;
	v53 =	vld.idx.msk [tilespmem:v15+s30+$0x0], $0xffff  }
0x329: {  	v8 =	vsub.f32 v8, v10;
	v9 =	vmul.f32 v9, v9;
	v6 =	vmul.f32 v6, v6  }
0x32a: {  	v58 =	vor.u32 $0x7, v4;
	v63 =	vor.u32 $0x8, v4;
	v55 =	vld.idx.msk [tilespmem:v51+s6+$0x0], $0xffff  }
0x32b: {  	v57 =	vld.idx.msk [tilespmem:v52+s30+$0x0], $0xffff;
	v8 =	vmul.f32 v8, v8;
	v6 =	vadd.f32 v6, v9;
	v7 =	vsub.f32 v50, v7  }
0x32c: {  	v61 =	vor.u32 $0x8, v1;
	v60 =	vld.idx.msk [tilespmem:v16+s6+$0x0], $0xffff  }
0x32d: {  	v62 =	vld.idx.msk [tilespmem:v54+s30+$0x0], $0xffff;
	v10 =	vsub.f32 v14, v53;
	v6 =	vadd.f32 v8, v6;
	v7 =	vmul.f32 v7, v7  }
0x32e: {  	v21 =	vor.u32 $0x9, v1;
	v20 =	vld.idx.msk [tilespmem:v56+s6+$0x0], $0xffff  }
0x32f: {  	v23 =	vor.u32 $0x9, v4;
	v22 =	vld.idx.msk [tilespmem:v58+s30+$0x0], $0xffff;
	v6 =	vadd.f32 v7, v6;
	v7 =	vmul.f32 v10, v10  }
0x330: {  	v24 =	vor.u32 $0xA, v1;
	v25 =	vld.idx.msk [tilespmem:v63+s30+$0x0], $0xffff;
	v9 =	vsub.f32 v55, v57  }
0x331: {  	v26 =	vor.u32 $0xA, v4;
	v6 =	vadd.f32 v7, v6;
	v7 =	vld.idx.msk [tilespmem:v61+s6+$0x0], $0xffff  }
0x332: {  	v28 =	vor.u32 $0xB, v1;
	v9 =	vmul.f32 v9, v9;
	v8 =	vsub.f32 v60, v62  }
0x333: {  	v30 =	vor.u32 $0xB, v4;
	v34 =	vor.u32 $0xC, v4;
	v27 =	vld.idx.msk [tilespmem:v21+s6+$0x0], $0xffff  }
0x334: {  	v29 =	vld.idx.msk [tilespmem:v23+s30+$0x0], $0xffff;
	v8 =	vmul.f32 v8, v8;
	v10 =	vsub.f32 v20, v22;
	v6 =	vadd.f32 v9, v6  }
0x335: {  	v32 =	vor.u32 $0xC, v1;
	v31 =	vld.idx.msk [tilespmem:v24+s6+$0x0], $0xffff  }
0x336: {  	v33 =	vld.idx.msk [tilespmem:v26+s30+$0x0], $0xffff;
	v10 =	vmul.f32 v10, v10;
	v6 =	vadd.f32 v8, v6;
	v7 =	vsub.f32 v7, v25  }
0x337: {  	v36 =	vor.u32 $0xD, v1;
	v35 =	vld.idx.msk [tilespmem:v28+s6+$0x0], $0xffff  }
0x338: {  	v38 =	vor.u32 $0xD, v4;
	v37 =	vld.idx.msk [tilespmem:v30+s30+$0x0], $0xffff;
	v6 =	vadd.f32 v10, v6;
	v7 =	vmul.f32 v7, v7  }
0x339: {  	v39 =	vor.u32 $0xE, v1;
	v40 =	vld.idx.msk [tilespmem:v34+s30+$0x0], $0xffff;
	v9 =	vsub.f32 v27, v29  }
0x33a: {  	v41 =	vor.u32 $0xE, v4;
	v6 =	vadd.f32 v7, v6;
	v7 =	vld.idx.msk [tilespmem:v32+s6+$0x0], $0xffff  }
0x33b: {  	v45 =	vor.u32 $0xF, v4;
	v9 =	vmul.f32 v9, v9;
	v8 =	vsub.f32 v31, v33  }
0x33c: {  	v43 =	vor.u32 $0xF, v1;
	v49 =	vor.u32 $0x10, v4;
	v42 =	vld.idx.msk [tilespmem:v36+s6+$0x0], $0xffff  }
0x33d: {  	v44 =	vld.idx.msk [tilespmem:v38+s30+$0x0], $0xffff;
	v8 =	vmul.f32 v8, v8;
	v10 =	vsub.f32 v35, v37;
	v6 =	vadd.f32 v9, v6  }
0x33e: {  	v47 =	vor.u32 $0x10, v1;
	v46 =	vld.idx.msk [tilespmem:v39+s6+$0x0], $0xffff  }
0x33f: {  	v48 =	vld.idx.msk [tilespmem:v41+s30+$0x0], $0xffff;
	v10 =	vmul.f32 v10, v10;
	v6 =	vadd.f32 v8, v6;
	v7 =	vsub.f32 v7, v40  }
0x340: {  	v51 =	vor.u32 $0x11, v1;
	v52 =	vld.idx.msk [tilespmem:v45+s30+$0x0], $0xffff  }
0x341: {  	v53 =	vor.u32 $0x11, v4;
	v50 =	vld.idx.msk [tilespmem:v43+s6+$0x0], $0xffff;
	v6 =	vadd.f32 v10, v6;
	v7 =	vmul.f32 v7, v7  }
0x342: {  	v54 =	vor.u32 $0x12, v1;
	v55 =	vld.idx.msk [tilespmem:v49+s30+$0x0], $0xffff;
	v9 =	vsub.f32 v42, v44  }
0x343: {  	v56 =	vor.u32 $0x12, v4;
	v6 =	vadd.f32 v7, v6;
	v7 =	vld.idx.msk [tilespmem:v47+s6+$0x0], $0xffff  }
0x344: {  	v58 =	vor.u32 $0x13, v1;
	v9 =	vmul.f32 v9, v9;
	v8 =	vsub.f32 v46, v48  }
0x345: {  	v21 =	vor.u32 $0x14, v4;
	v57 =	vld.idx.msk [tilespmem:v51+s6+$0x0], $0xffff;
	v61 =	vor.u32 $0x13, v4  }
0x346: {  	v60 =	vld.idx.msk [tilespmem:v53+s30+$0x0], $0xffff;
	v8 =	vmul.f32 v8, v8;
	v10 =	vsub.f32 v50, v52;
	v6 =	vadd.f32 v9, v6  }
0x347: {  	v63 =	vor.u32 $0x14, v1;
	v62 =	vld.idx.msk [tilespmem:v54+s6+$0x0], $0xffff  }
0x348: {  	v20 =	vld.idx.msk [tilespmem:v56+s30+$0x0], $0xffff;
	v10 =	vmul.f32 v10, v10;
	v6 =	vadd.f32 v8, v6;
	v7 =	vsub.f32 v7, v55  }
0x349: {  	v23 =	vor.u32 $0x15, v1;
	v22 =	vld.idx.msk [tilespmem:v58+s6+$0x0], $0xffff  }
0x34a: {  	v24 =	vld.idx.msk [tilespmem:v61+s30+$0x0], $0xffff;
	v25 =	vor.u32 $0x15, v4;
	v6 =	vadd.f32 v10, v6;
	v7 =	vmul.f32 v7, v7  }
0x34b: {  	v26 =	vor.u32 $0x16, v1;
	v27 =	vld.idx.msk [tilespmem:v21+s30+$0x0], $0xffff;
	v9 =	vsub.f32 v57, v60  }
0x34c: {  	v28 =	vor.u32 $0x16, v4;
	v6 =	vadd.f32 v7, v6;
	v7 =	vld.idx.msk [tilespmem:v63+s6+$0x0], $0xffff  }
0x34d: {  	v30 =	vor.u32 $0x17, v1;
	v9 =	vmul.f32 v9, v9;
	v8 =	vsub.f32 v62, v20  }
0x34e: {  	v36 =	vor.u32 $0x18, v4;
	v29 =	vld.idx.msk [tilespmem:v23+s6+$0x0], $0xffff;
	v32 =	vor.u32 $0x17, v4  }
0x34f: {  	v31 =	vld.idx.msk [tilespmem:v25+s30+$0x0], $0xffff;
	v8 =	vmul.f32 v8, v8;
	v10 =	vsub.f32 v22, v24;
	v6 =	vadd.f32 v9, v6  }
0x350: {  	v34 =	vor.u32 $0x18, v1;
	v33 =	vld.idx.msk [tilespmem:v26+s6+$0x0], $0xffff  }
0x351: {  	v35 =	vld.idx.msk [tilespmem:v28+s30+$0x0], $0xffff;
	v10 =	vmul.f32 v10, v10;
	v6 =	vadd.f32 v8, v6;
	v7 =	vsub.f32 v7, v27  }
0x352: {  	v38 =	vor.u32 $0x19, v1;
	v37 =	vld.idx.msk [tilespmem:v30+s6+$0x0], $0xffff  }
0x353: {  	v39 =	vld.idx.msk [tilespmem:v32+s30+$0x0], $0xffff;
	v40 =	vor.u32 $0x19, v4;
	v6 =	vadd.f32 v10, v6;
	v7 =	vmul.f32 v7, v7  }
0x354: {  	v41 =	vor.u32 $0x1A, v1;
	v42 =	vld.idx.msk [tilespmem:v36+s30+$0x0], $0xffff;
	v9 =	vsub.f32 v29, v31  }
0x355: {  	v43 =	vor.u32 $0x1A, v4;
	v6 =	vadd.f32 v7, v6;
	v7 =	vld.idx.msk [tilespmem:v34+s6+$0x0], $0xffff  }
0x356: {  	v17 =	vor.u32 $0x1B, v1;
	v9 =	vmul.f32 v9, v9;
	v8 =	vsub.f32 v33, v35  }
0x357: {  	v45 =	vor.u32 $0x1B, v4;
	v44 =	vld.idx.msk [tilespmem:v38+s6+$0x0], $0xffff;
	v47 =	vor.u32 $0x1C, v1  }
0x358: {  	v46 =	vld.idx.msk [tilespmem:v40+s30+$0x0], $0xffff;
	v8 =	vmul.f32 v8, v8;
	v10 =	vsub.f32 v37, v39;
	v6 =	vadd.f32 v9, v6  }
0x359: {  	v49 =	vor.u32 $0x1C, v4;
	v51 =	vor.u32 $0x1D, v1;
	v48 =	vld.idx.msk [tilespmem:v41+s6+$0x0], $0xffff  }
0x35a: {  	v50 =	vld.idx.msk [tilespmem:v43+s30+$0x0], $0xffff;
	v10 =	vmul.f32 v10, v10;
	v6 =	vadd.f32 v8, v6;
	v7 =	vsub.f32 v7, v42  }
0x35b: {  	v18 =	vor.u32 $0x1D, v4;
	v17 =	vld.idx.msk [tilespmem:v17+s6+$0x0], $0xffff  }
0x35c: {  	v53 =	vor.u32 $0x1E, v1;
	v52 =	vld.idx.msk [tilespmem:v45+s30+$0x0], $0xffff;
	v6 =	vadd.f32 v10, v6;
	v7 =	vmul.f32 v7, v7  }
0x35d: {  	v54 =	vld.idx.msk [tilespmem:v47+s6+$0x0], $0xffff;
	v55 =	vor.u32 $0x1E, v4;
	v9 =	vsub.f32 v44, v46  }
0x35e: {  	v1 =	vor.u32 $0x1F, v1;
	v6 =	vadd.f32 v7, v6;
	v7 =	vld.idx.msk [tilespmem:v49+s30+$0x0], $0xffff  }
0x35f: {  	v56 =	vld.idx.msk [tilespmem:v51+s6+$0x0], $0xffff;
	v4 =	vor.u32 $0x1F, v4;
	v8 =	vsub.f32 v48, v50;
	v9 =	vmul.f32 v9, v9  }
0x360: {  	v57 =	vld.idx.msk [tilespmem:v18+s30+$0x0], $0xffff  }
0x361: {  	v58 =	vsub.f32 v17, v52;
	v60 =	vld.idx.msk [tilespmem:v53+s6+$0x0], $0xffff;
	v8 =	vmul.f32 v8, v8;
	v6 =	vadd.f32 v9, v6  }
0x362: {  	v61 =	vld.idx.msk [tilespmem:v55+s30+$0x0], $0xffff  }
0x363: {  	v62 =	vmul.f32 v58, v58;
	v1 =	vld.idx.msk [tilespmem:v1+s6+$0x0], $0xffff;
	v6 =	vadd.f32 v8, v6;
	v7 =	vsub.f32 v54, v7  }
0x364: {  	v4 =	vld.idx.msk [tilespmem:v4+s30+$0x0], $0xffff  }
0x365: {  	v63 =	vsub.f32 v56, v57;
	v6 =	vadd.f32 v62, v6;
	v7 =	vmul.f32 v7, v7;
	_ =	sdelay $0x1  }
0x366: {  	v8 =	vmul.f32 v63, v63;
	v6 =	vadd.f32 v7, v6;
	v7 =	vsub.f32 v60, v61;
	_ =	sdelay $0x1  }
0x367: {  	v1 =	vsub.f32 v1, v4;
	v6 =	vadd.f32 v8, v6;
	v7 =	vmul.f32 v7, v7;
	_ =	sdelay $0x1  }
0x368: {  	v1 =	vmul.f32 v1, v1;
	v4 =	vadd.f32 v7, v6;
	_ =	sdelay $0x1  }
0x369: {  	v1 =	vadd.f32 v1, v4  }
.LBB2_18:
0x36a: {  	_ = 	snop  }
0x36b: {  	v1 =	vmax.f32 v1, $9.999999960e-13  }
0x36c: {  	v4 =	vshra.s32 v1, $0x1;
	v6 =	vmul.f32 $5.000000000e-01, v1  }
0x36d: {  	v4 =	vsub.s32 $0x5F3759DF, v4  }
0x36e: {  	v7 =	vmul.f32 v4, v6;
	_ =	sdelay $0x1  }
0x36f: {  	v7 =	vmul.f32 v4, v7;
	_ =	sdelay $0x1  }
0x370: {  	v7 =	vsub.f32 $1.500000000e+00, v7;
	_ =	sdelay $0x1  }
0x371: {  	v4 =	vmul.f32 v4, v7;
	_ =	sdelay $0x1  }
0x372: {  	v7 =	vmul.f32 v4, v6;
	_ =	sdelay $0x1  }
0x373: {  	v7 =	vmul.f32 v7, v4;
	_ =	sdelay $0x1  }
0x374: {  	v7 =	vsub.f32 $1.500000000e+00, v7;
	_ =	sdelay $0x1  }
0x375: {  	v4 =	vmul.f32 v7, v4;
	_ =	sdelay $0x1  }
0x376: {  	v6 =	vmul.f32 v4, v6;
	_ =	sdelay $0x1  }
0x377: {  	v6 =	vmul.f32 v6, v4;
	_ =	sdelay $0x1  }
0x378: {  	v6 =	vsub.f32 $1.500000000e+00, v6;
	_ =	sdelay $0x1  }
0x379: {  	v4 =	vmul.f32 v6, v4;
	_ =	sdelay $0x1  }
0x37a: {  	v1 =	vmul.f32 v4, v1  }
0x37b: {  	v0 =	vshll.u32 v0, $0x4;
	s0 =	sadd.s32 $0x10, s0  }
0x37c: {  	v0 =	vor.u32 v59, v0;
	p1 =	sne.s32 s0, $0x800;
	v1 =	vadd.f32 $-5.000000000e-01, v1  }
.Ltmp12:
0x37d: {  	_ = 	snop;
	(pc) =	sbr.rel @!p1 .LBB2_19-.Ltmp12, $3  }
0x37e: {  	v1 =	vmax.f32 v1, $0.0e+00  }
0x37f: {  	v1 =	vmul.f32 v1, v1;
	_ =	sdelay $0x1  }
0x380: {  	s4 =	sadd.s32 $0x10, s4;
	[tilespmem:v0+s1+$0x0] =	vst.idx.add.f32.msk $0xffff, v1  }
.LBB2_15:
0x381: {  	v0 =	vld [tilespmem:s4+$0x0];
	_ =	sdelay $0x4  }
0x382: {  	(v2sf) =	vpush v0, $0x0  }
0x383: {  	(v2sf) =	vpush v0, $0xF;
	_ =	sdelay $0xd  }
0x384: {  	s2 =	spop (v2sf)  }
0x385: {  	s3 =	spop (v2sf)  }
0x386: {  	p1 =	sne.s32 s2, s3  }
.Ltmp13:
0x387: {  	_ = 	snop;
	(pc) =	sbr.rel @p1 .LBB2_17-.Ltmp13, $4  }
0x388: {  	_ = 	snop  }
0x389: {  	v1 =	vmov s0  }
0x38a: {  	v1 =	vshll.u32 v1, $0x5  }
0x38b: {  	v1 =	vor.u32 v5, v1  }
0x38c: {  	v4 =	vor.u32 $0x1, v1  }
0x38d: {  	s2 =	sshll.u32 s2, $0x7  }
0x38e: {  	v7 =	vor.u32 $0x2, v1;
	s2 =	sshra.s32 s2, $0x2  }
0x38f: {  	v6 =	vld [tilespmem:s2+$0x11080]  }
0x390: {  	v8 =	vld.idx.msk [tilespmem:v1+s6+$0x0], $0xffff;
	v9 =	vor.u32 $0x3, v1  }
0x391: {  	v4 =	vld.idx.msk [tilespmem:v4+s6+$0x0], $0xffff  }
0x392: {  	v12 =	vor.u32 $0x4, v1  }
0x393: {  	v7 =	vld.idx.msk [tilespmem:v7+s6+$0x0], $0xffff  }
0x394: {  	v25 =	vor.u32 $0x5, v1;
	v10 =	vbroadcast v6, $0x0;
	v11 =	vbroadcast v6, $0x1  }
0x395: {  	v13 =	vor.u32 $0x6, v1;
	v9 =	vld.idx.msk [tilespmem:v9+s6+$0x0], $0xffff  }
0x396: {  	v26 =	vbroadcast v6, $0x2;
	v8 =	vsub.f32 v8, v10;
	v4 =	vsub.f32 v4, v11  }
0x397: {  	v30 =	vor.u32 $0x7, v1;
	v12 =	vld.idx.msk [tilespmem:v12+s6+$0x0], $0xffff;
	v27 =	vbroadcast v6, $0x3  }
0x398: {  	v7 =	vsub.f32 v7, v26;
	v8 =	vmul.f32 v8, v8;
	v4 =	vmul.f32 v4, v4  }
0x399: {  	v35 =	vor.u32 $0x8, v1;
	v29 =	vld.idx.msk [tilespmem:v25+s6+$0x0], $0xffff;
	v31 =	vbroadcast v6, $0x4  }
0x39a: {  	v28 =	vsub.f32 v9, v27;
	v7 =	vmul.f32 v7, v7;
	v4 =	vadd.f32 v4, v8  }
0x39b: {  	v38 =	vor.u32 $0x9, v1;
	v34 =	vld.idx.msk [tilespmem:v13+s6+$0x0], $0xffff;
	v33 =	vbroadcast v6, $0x5  }
0x39c: {  	v32 =	vsub.f32 v12, v31;
	v4 =	vadd.f32 v7, v4;
	v7 =	vmul.f32 v28, v28  }
0x39d: {  	v43 =	vor.u32 $0xA, v1;
	v37 =	vld.idx.msk [tilespmem:v30+s6+$0x0], $0xffff;
	v39 =	vbroadcast v6, $0x6  }
0x39e: {  	v36 =	vsub.f32 v29, v33;
	v4 =	vadd.f32 v7, v4;
	v7 =	vmul.f32 v32, v32  }
0x39f: {  	v46 =	vor.u32 $0xB, v1;
	v42 =	vld.idx.msk [tilespmem:v35+s6+$0x0], $0xffff;
	v41 =	vbroadcast v6, $0x7  }
0x3a0: {  	v40 =	vsub.f32 v34, v39;
	v4 =	vadd.f32 v7, v4;
	v7 =	vmul.f32 v36, v36  }
0x3a1: {  	v51 =	vor.u32 $0xC, v1;
	v45 =	vld.idx.msk [tilespmem:v38+s6+$0x0], $0xffff;
	v47 =	vbroadcast v6, $0x8  }
0x3a2: {  	v44 =	vsub.f32 v37, v41;
	v4 =	vadd.f32 v7, v4;
	v7 =	vmul.f32 v40, v40  }
0x3a3: {  	v54 =	vor.u32 $0xD, v1;
	v50 =	vld.idx.msk [tilespmem:v43+s6+$0x0], $0xffff;
	v49 =	vbroadcast v6, $0x9  }
0x3a4: {  	v48 =	vsub.f32 v42, v47;
	v4 =	vadd.f32 v7, v4;
	v7 =	vmul.f32 v44, v44  }
0x3a5: {  	v60 =	vor.u32 $0xE, v1;
	v53 =	vld.idx.msk [tilespmem:v46+s6+$0x0], $0xffff;
	v55 =	vbroadcast v6, $0xA  }
0x3a6: {  	v52 =	vsub.f32 v45, v49;
	v4 =	vadd.f32 v7, v4;
	v7 =	vmul.f32 v48, v48  }
0x3a7: {  	v63 =	vor.u32 $0xF, v1;
	v58 =	vld.idx.msk [tilespmem:v51+s6+$0x0], $0xffff;
	v57 =	vbroadcast v6, $0xB  }
0x3a8: {  	v62 =	vld.idx.msk [tilespmem:v54+s6+$0x0], $0xffff;
	v56 =	vsub.f32 v50, v55;
	v4 =	vadd.f32 v7, v4;
	v7 =	vmul.f32 v52, v52  }
0x3a9: {  	v19 =	vor.u32 $0x10, v1;
	v15 =	vbroadcast v6, $0xC  }
0x3aa: {  	v18 =	vld.idx.msk [tilespmem:v60+s6+$0x0], $0xffff;
	v61 =	vsub.f32 v53, v57;
	v4 =	vadd.f32 v7, v4;
	v7 =	vmul.f32 v56, v56  }
0x3ab: {  	v22 =	vor.u32 $0x11, v1;
	v23 =	vld [tilespmem:s2+$0x11090];
	v17 =	vbroadcast v6, $0xD  }
0x3ac: {  	v21 =	vld.idx.msk [tilespmem:v63+s6+$0x0], $0xffff;
	v16 =	vsub.f32 v58, v15;
	v4 =	vadd.f32 v7, v4;
	v7 =	vmul.f32 v61, v61  }
0x3ad: {  	v14 =	vbroadcast v6, $0xE;
	v20 =	vsub.f32 v62, v17  }
0x3ae: {  	v26 =	vor.u32 $0x12, v1;
	v4 =	vadd.f32 v7, v4;
	v7 =	vmul.f32 v16, v16  }
0x3af: {  	v25 =	vld.idx.msk [tilespmem:v19+s6+$0x0], $0xffff;
	v6 =	vbroadcast v6, $0xF;
	v24 =	vsub.f32 v18, v14  }
0x3b0: {  	v28 =	vor.u32 $0x13, v1;
	v4 =	vadd.f32 v7, v4;
	v7 =	vmul.f32 v20, v20  }
0x3b1: {  	v6 =	vsub.f32 v21, v6;
	v27 =	vld.idx.msk [tilespmem:v22+s6+$0x0], $0xffff;
	v29 =	vbroadcast v23, $0x0  }
0x3b2: {  	v32 =	vor.u32 $0x14, v1;
	v4 =	vadd.f32 v7, v4;
	v7 =	vmul.f32 v24, v24  }
0x3b3: {  	v30 =	vbroadcast v23, $0x1;
	v34 =	vor.u32 $0x15, v1;
	v31 =	vld.idx.msk [tilespmem:v26+s6+$0x0], $0xffff  }
0x3b4: {  	v6 =	vmul.f32 v6, v6;
	v4 =	vadd.f32 v7, v4;
	v7 =	vsub.f32 v25, v29  }
0x3b5: {  	v38 =	vor.u32 $0x16, v1;
	v35 =	vbroadcast v23, $0x2;
	v33 =	vld.idx.msk [tilespmem:v28+s6+$0x0], $0xffff  }
0x3b6: {  	v4 =	vadd.f32 v6, v4;
	v6 =	vmul.f32 v7, v7;
	v7 =	vsub.f32 v27, v30  }
0x3b7: {  	v36 =	vbroadcast v23, $0x3;
	v40 =	vor.u32 $0x17, v1;
	v37 =	vld.idx.msk [tilespmem:v32+s6+$0x0], $0xffff  }
0x3b8: {  	v4 =	vadd.f32 v6, v4;
	v6 =	vmul.f32 v7, v7;
	v7 =	vsub.f32 v31, v35  }
0x3b9: {  	v41 =	vbroadcast v23, $0x4;
	v39 =	vld.idx.msk [tilespmem:v34+s6+$0x0], $0xffff  }
0x3ba: {  	v4 =	vadd.f32 v6, v4;
	v6 =	vmul.f32 v7, v7;
	v7 =	vsub.f32 v33, v36  }
0x3bb: {  	v42 =	vbroadcast v23, $0x5;
	v43 =	vld.idx.msk [tilespmem:v38+s6+$0x0], $0xffff;
	v44 =	vor.u32 $0x18, v1  }
0x3bc: {  	v4 =	vadd.f32 v6, v4;
	v6 =	vmul.f32 v7, v7;
	v7 =	vsub.f32 v37, v41  }
0x3bd: {  	v46 =	vor.u32 $0x19, v1;
	v47 =	vbroadcast v23, $0x6;
	v45 =	vld.idx.msk [tilespmem:v40+s6+$0x0], $0xffff  }
0x3be: {  	v4 =	vadd.f32 v6, v4;
	v6 =	vmul.f32 v7, v7;
	v7 =	vsub.f32 v39, v42  }
0x3bf: {  	v50 =	vor.u32 $0x1A, v1;
	v48 =	vbroadcast v23, $0x7  }
0x3c0: {  	v4 =	vadd.f32 v6, v4;
	v6 =	vmul.f32 v7, v7;
	v7 =	vsub.f32 v43, v47  }
0x3c1: {  	v52 =	vor.u32 $0x1B, v1;
	v49 =	vld.idx.msk [tilespmem:v44+s6+$0x0], $0xffff  }
0x3c2: {  	v4 =	vadd.f32 v6, v4;
	v6 =	vmul.f32 v7, v7;
	v7 =	vsub.f32 v45, v48  }
0x3c3: {  	v51 =	vld.idx.msk [tilespmem:v46+s6+$0x0], $0xffff;
	v53 =	vbroadcast v23, $0x8  }
0x3c4: {  	v13 =	vld.idx.msk [tilespmem:v50+s6+$0x0], $0xffff;
	v4 =	vadd.f32 v6, v4;
	v6 =	vmul.f32 v7, v7;
	v7 =	vor.u32 $0x1C, v1;
	_ =	sdelay $0x1  }
0x3c5: {  	v54 =	vbroadcast v23, $0x9;
	v55 =	vor.u32 $0x1D, v1;
	v10 =	vsub.f32 v49, v53  }
0x3c6: {  	v57 =	vor.u32 $0x1E, v1;
	v56 =	vbroadcast v23, $0xA;
	v9 =	vld.idx.msk [tilespmem:v52+s6+$0x0], $0xffff  }
0x3c7: {  	v8 =	vsub.f32 v51, v54;
	v4 =	vadd.f32 v6, v4;
	v6 =	vmul.f32 v10, v10  }
0x3c8: {  	v58 =	vbroadcast v23, $0xB;
	v12 =	vsub.f32 v13, v56;
	v7 =	vld.idx.msk [tilespmem:v7+s6+$0x0], $0xffff  }
0x3c9: {  	v1 =	vor.u32 $0x1F, v1;
	v4 =	vadd.f32 v6, v4;
	v6 =	vmul.f32 v8, v8  }
0x3ca: {  	v60 =	vbroadcast v23, $0xC;
	v10 =	vld.idx.msk [tilespmem:v55+s6+$0x0], $0xffff  }
0x3cb: {  	v9 =	vsub.f32 v9, v58;
	v4 =	vadd.f32 v6, v4;
	v6 =	vmul.f32 v12, v12  }
0x3cc: {  	v61 =	vbroadcast v23, $0xD;
	v8 =	vld.idx.msk [tilespmem:v57+s6+$0x0], $0xffff  }
0x3cd: {  	v4 =	vadd.f32 v6, v4;
	v6 =	vmul.f32 v9, v9;
	v7 =	vsub.f32 v7, v60  }
0x3ce: {  	v62 =	vbroadcast v23, $0xE;
	v1 =	vld.idx.msk [tilespmem:v1+s6+$0x0], $0xffff  }
0x3cf: {  	v4 =	vadd.f32 v6, v4;
	v6 =	vmul.f32 v7, v7;
	v7 =	vsub.f32 v10, v61  }
0x3d0: {  	v63 =	vbroadcast v23, $0xF  }
0x3d1: {  	v4 =	vadd.f32 v6, v4;
	v6 =	vmul.f32 v7, v7;
	v7 =	vsub.f32 v8, v62;
	_ =	sdelay $0x1  }
.Ltmp14:
0x3d2: {  	v1 =	vsub.f32 v1, v63;
	v4 =	vadd.f32 v6, v4;
	v6 =	vmul.f32 v7, v7;
	(pc) =	sbr.rel .LBB2_18-.Ltmp14, $3  }
0x3d3: {  	_ = 	snop  }
0x3d4: {  	v1 =	vmul.f32 v1, v1;
	v4 =	vadd.f32 v6, v4;
	_ =	sdelay $0x1  }
0x3d5: {  	v1 =	vadd.f32 v1, v4  }
.LBB2_20:
0x3d6: {  	s2 =	rddreg [dreg:$0x7];
	s3 =	simm.s32 $0x13680  }
0x3d7: {  	[tilespmem:s3], [sflag:$0x1] =	stream.linear.gather [spmem:s2], $0x2800, $0x38;
	[tilespmem:$0x16770] =	vst v63  }
0x3d8: {  	s7 =	simm.s32 $0x0;
	_ =	swait.ge [sflag:s22], $0x2800  }
0x3d9: {  	s8 =	sand.u32 $0x70, s7;
	s2 =	sand.u32 $0xC00, s7;
	[sflag:s22] =	ssyncset.done $0x0  }
0x3da: {  	s3 =	sor.u32 s8, s2;
	[sflag:s22] =	ssyncadd.s32 $0xFFFFD800  }
0x3db: {  	v0 =	vld [tilespmem:s3+$0x13680];
	_ =	sdelay $0x1  }
0x3dc: {  	v1 =	vld [tilespmem:s3+$0x13700];
	_ =	sdelay $0x1  }
0x3dd: {  	v2 =	vld [tilespmem:s3+$0x13780]  }
0x3de: {  	v0 =	vadd.f32 $0.0e+00, v0  }
0x3df: {  	v4 =	vld [tilespmem:s3+$0x13800]  }
0x3e0: {  	v0 =	vadd.f32 v1, v0  }
0x3e1: {  	v1 =	vld [tilespmem:s3+$0x13880]  }
0x3e2: {  	v0 =	vadd.f32 v2, v0  }
0x3e3: {  	v2 =	vld [tilespmem:s3+$0x13900]  }
0x3e4: {  	v0 =	vadd.f32 v4, v0  }
0x3e5: {  	v4 =	vld [tilespmem:s3+$0x13980]  }
0x3e6: {  	v0 =	vadd.f32 v1, v0  }
0x3e7: {  	s23 =	simm.s32 $0x11480;
	s7 =	simm.s32 $0x10;
	s8 =	simm.s32 $0x80;
	v1 =	vld [tilespmem:s3+$0x13A00]  }
0x3e8: {  	s7 =	sand.u32 $0x70, s7;
	s8 =	sand.u32 $0xC00, s8;
	v6 =	vld [tilespmem:s23+$0x0];
	v0 =	vadd.f32 v2, v0  }
0x3e9: {  	s2 =	sor.u32 s7, s8;
	v2 =	vld [tilespmem:s3+$0x14A80]  }
0x3ea: {  	v7 =	vld [tilespmem:s2+$0x13680];
	v0 =	vadd.f32 v4, v0  }
0x3eb: {  	v4 =	vld [tilespmem:s3+$0x14B00]  }
0x3ec: {  	v8 =	vld [tilespmem:s2+$0x13700];
	v0 =	vadd.f32 v1, v0  }
0x3ed: {  	v1 =	vld [tilespmem:s3+$0x14B80]  }
0x3ee: {  	v9 =	vld [tilespmem:s2+$0x13780];
	v0 =	vadd.f32 v2, v0  }
0x3ef: {  	v2 =	vadd.f32 $0.0e+00, v7;
	v7 =	vld [tilespmem:s3+$0x14C00]  }
0x3f0: {  	v10 =	vld [tilespmem:s2+$0x13800];
	v0 =	vadd.f32 v4, v0  }
0x3f1: {  	v11 =	vld [tilespmem:s3+$0x14C80];
	v2 =	vadd.f32 v8, v2  }
0x3f2: {  	v12 =	vld [tilespmem:s2+$0x13880];
	v0 =	vadd.f32 v1, v0  }
0x3f3: {  	v1 =	vadd.f32 v9, v2;
	v2 =	vld [tilespmem:s3+$0x14D00]  }
0x3f4: {  	v13 =	vld [tilespmem:s2+$0x13900];
	(erf) = vrcp.f32 v6;
	v0 =	vadd.f32 v7, v0  }
0x3f5: {  	v4 =	vld [tilespmem:s3+$0x14D80];
	v1 =	vadd.f32 v10, v1  }
0x3f6: {  	v8 =	vld [tilespmem:s2+$0x13980];
	v7 =	vadd.f32 v11, v0  }
0x3f7: {  	s0 =	sadd.f32 s4, s0;
	v10 =	vadd.f32 v12, v1;
	v1 =	vld [tilespmem:s3+$0x14E00]  }
0x3f8: {  	s4 =	simm.s32 $0x11490;
	s8 =	simm.s32 $0x20;
	s23 =	simm.s32 $0x100;
	v9 =	vld [tilespmem:s2+$0x13A00];
	v7 =	vadd.f32 v2, v7  }
0x3f9: {  	s29 =	simm.s32 $0x30;
	s31 =	sand.u32 $0xC00, s23;
	v6 =	vld [tilespmem:s4+$0x0];
	v0 =	vimm.f32 $0.0e+00;
	s3 =	sand.u32 $0x70, s8;
	v10 =	vadd.f32 v13, v10  }
.LBB2_21:
0x3fa: {  	p1 =	sne.s32 s29, $0x1F0;
	s3 =	sor.u32 s3, s31;
	v2 =	vld [tilespmem:s2+$0x14A80];
	v4 =	vadd.f32 v4, v7  }
0x3fb: {  	v7 =	vld [tilespmem:s3+$0x13680];
	v8 =	vadd.f32 v8, v10  }
0x3fc: {  	v10 =	vld [tilespmem:s2+$0x14B00];
	v1 =	vadd.f32 v1, v4  }
0x3fd: {  	v4 =	vld [tilespmem:s3+$0x13700];
	v8 =	vadd.f32 v9, v8;
	v9 =	vpop (erf)  }
0x3fe: {  	v11 =	vld [tilespmem:s2+$0x14B80];
	v1 =	vmul.f32 v9, v1  }
0x3ff: {  	v9 =	vld [tilespmem:s3+$0x13780];
	v2 =	vadd.f32 v2, v8  }
0x400: {  	v7 =	vadd.f32 $0.0e+00, v7;
	v8 =	vld [tilespmem:s2+$0x14C00];
	v0 =	vadd.f32 v1, v0  }
0x401: {  	v1 =	vld [tilespmem:s3+$0x13800];
	v2 =	vadd.f32 v10, v2  }
0x402: {  	v4 =	vadd.f32 v4, v7;
	v7 =	vld [tilespmem:s2+$0x14C80]  }
0x403: {  	v10 =	vld [tilespmem:s3+$0x13880];
	v2 =	vadd.f32 v11, v2  }
0x404: {  	v4 =	vadd.f32 v9, v4;
	v11 =	vld [tilespmem:s2+$0x14D00]  }
0x405: {  	v12 =	vld [tilespmem:s3+$0x13900];
	v2 =	vadd.f32 v8, v2;
	(erf) = vrcp.f32 v6  }
.Ltmp15:
0x406: {  	v1 =	vadd.f32 v1, v4;
	v4 =	vld [tilespmem:s2+$0x14D80];
	(pc) =	sbr.rel @p1 .LBB2_21-.Ltmp15, $4  }
0x407: {  	v8 =	vld [tilespmem:s3+$0x13980];
	v2 =	vadd.f32 v7, v2  }
0x408: {  	v6 =	vadd.f32 v10, v1;
	v1 =	vld [tilespmem:s2+$0x14E00];
	s2 =	smov.u32 s3  }
0x409: {  	s23 =	sadd.s32 $0x80, s23;
	s4 =	sadd.s32 $0x10, s4;
	v9 =	vld [tilespmem:s2+$0x13A00];
	v7 =	vadd.f32 v11, v2  }
0x40a: {  	s31 =	sand.u32 $0xC00, s23;
	s3 =	sand.u32 $0x70, s29;
	s29 =	sadd.s32 $0x10, s29;
	v10 =	vadd.f32 v12, v6;
	v6 =	vld [tilespmem:s4+$0x0]  }
0x40b: {  	v2 =	vld [tilespmem:s2+$0x14A80]  }
0x40c: {  	v12 =	vld [tilespmem:s2+$0x14B00]  }
0x40d: {  	v14 =	vld [tilespmem:s2+$0x14B80]  }
0x40e: {  	v16 =	vld [tilespmem:s2+$0x14C00]  }
0x40f: {  	v18 =	vld [tilespmem:s2+$0x14C80]  }
0x410: {  	v20 =	vld [tilespmem:s2+$0x14D00]  }
0x411: {  	s23 =	sor.u32 s3, s31;
	v22 =	vld [tilespmem:$0x14680]  }
0x412: {  	v11 =	vld [tilespmem:s23+$0x13680]  }
0x413: {  	v23 =	vld [tilespmem:s2+$0x14D80]  }
0x414: {  	v13 =	vld [tilespmem:s23+$0x13700]  }
0x415: {  	v35 =	vld [tilespmem:$0x14700]  }
0x416: {  	v15 =	vld [tilespmem:s23+$0x13780]  }
0x417: {  	v36 =	vld [tilespmem:$0x14780];
	v11 =	vadd.f32 $0.0e+00, v11  }
0x418: {  	v17 =	vld [tilespmem:s23+$0x13800]  }
0x419: {  	v25 =	vld [tilespmem:s2+$0x14E00];
	v11 =	vadd.f32 v13, v11  }
0x41a: {  	v19 =	vld [tilespmem:s23+$0x13880]  }
0x41b: {  	v37 =	vld [tilespmem:$0x14800];
	v11 =	vadd.f32 v15, v11  }
0x41c: {  	v21 =	vld [tilespmem:s23+$0x13900];
	v22 =	vadd.f32 $0.0e+00, v22  }
0x41d: {  	v39 =	vld [tilespmem:$0x14880];
	v11 =	vadd.f32 v17, v11  }
0x41e: {  	v24 =	vld [tilespmem:s23+$0x13980];
	v13 =	vadd.f32 v35, v22  }
0x41f: {  	v42 =	vld [tilespmem:$0x14900];
	v11 =	vadd.f32 v19, v11  }
0x420: {  	v38 =	vld [tilespmem:s23+$0x13A00];
	v13 =	vadd.f32 v36, v13  }
0x421: {  	v45 =	vld [tilespmem:$0x14980];
	v8 =	vadd.f32 v8, v10;
	v41 =	vadd.f32 v21, v11  }
0x422: {  	v43 =	vld [tilespmem:s23+$0x14A80];
	v13 =	vadd.f32 v37, v13  }
0x423: {  	v48 =	vld [tilespmem:$0x14A00];
	v8 =	vadd.f32 v9, v8;
	v44 =	vadd.f32 v24, v41  }
0x424: {  	v46 =	vld [tilespmem:s23+$0x14B00];
	v13 =	vadd.f32 v39, v13  }
0x425: {  	v50 =	vld [tilespmem:$0x15A80];
	v2 =	vadd.f32 v2, v8;
	v47 =	vadd.f32 v38, v44  }
0x426: {  	s4 =	sadd.s32 $0x10, s4;
	v49 =	vld [tilespmem:s23+$0x14B80];
	v11 =	vadd.f32 v42, v13  }
0x427: {  	v40 =	vld [tilespmem:s4+$0x0];
	v2 =	vadd.f32 v12, v2;
	v8 =	vadd.f32 v43, v47  }
0x428: {  	v51 =	vld [tilespmem:s23+$0x14C00];
	v10 =	vadd.f32 v45, v11  }
0x429: {  	v52 =	vld [tilespmem:$0x15B00];
	v2 =	vadd.f32 v14, v2;
	v8 =	vadd.f32 v46, v8  }
0x42a: {  	v53 =	vld [tilespmem:s23+$0x14C80];
	v9 =	vadd.f32 v48, v10  }
0x42b: {  	v54 =	vld [tilespmem:$0x15B80];
	(erf) = vrcp.f32 v6;
	v2 =	vadd.f32 v16, v2;
	v6 =	vadd.f32 v49, v8  }
0x42c: {  	v55 =	vld [tilespmem:s23+$0x14D00];
	v9 =	vadd.f32 v50, v9  }
0x42d: {  	v56 =	vld [tilespmem:$0x15C00];
	(erf) = vrcp.f32 v40;
	v2 =	vadd.f32 v18, v2;
	v6 =	vadd.f32 v51, v6  }
0x42e: {  	v4 =	vadd.f32 v4, v7;
	v57 =	vld [tilespmem:s23+$0x14D80];
	v7 =	vadd.f32 v52, v9  }
0x42f: {  	v58 =	vld [tilespmem:$0x15C80];
	v2 =	vadd.f32 v20, v2;
	v6 =	vadd.f32 v53, v6  }
0x430: {  	v1 =	vadd.f32 v1, v4;
	v4 =	vadd.f32 v54, v7;
	v7 =	vld [tilespmem:s23+$0x14E00]  }
0x431: {  	v60 =	vld [tilespmem:$0x15D00];
	v2 =	vadd.f32 v23, v2;
	v6 =	vadd.f32 v55, v6  }
0x432: {  	v61 =	vpop (erf);
	v4 =	vadd.f32 v56, v4  }
0x433: {  	v62 =	vld [tilespmem:$0x15D80];
	v1 =	vmul.f32 v61, v1;
	v2 =	vadd.f32 v25, v2;
	v6 =	vadd.f32 v57, v6  }
0x434: {  	v63 =	vpop (erf);
	v4 =	vadd.f32 v58, v4  }
0x435: {  	v0 =	vadd.f32 v1, v0;
	v1 =	vmul.f32 v63, v2;
	v2 =	vadd.f32 v7, v6;
	v6 =	vld [tilespmem:$0x15E00]  }
0x436: {  	v4 =	vadd.f32 v60, v4;
	v7 =	vpop (erf)  }
0x437: {  	v0 =	vadd.f32 v1, v0;
	v1 =	vmul.f32 v7, v2  }
0x438: {  	v2 =	vadd.f32 v62, v4  }
0x439: {  	v0 =	vadd.f32 v1, v0  }
0x43a: {  	v1 =	vadd.f32 v6, v2  }
0x43b: {  	(xrf2) =	vadd.scan.msk.f32 $0xffff, v0  }
0x43c: {  	(xrf2) =	vadd.scan.msk.f32 $0xffff, v1;
	_ =	sdelay $0x8  }
0x43d: {  	v0, _, _ =	vpop (xrf2)  }
0x43e: {  	(v2sf) =	vpush v0, $0xF;
	v0, _, _ =	vpop (xrf2)  }
0x43f: {  	(v2sf) =	vpush v0, $0xF;
	_ =	sdelay $0xd  }
0x440: {  	s0 =	smul.f32 $3.125000000e-02, s0;
	s7 =	spop (v2sf)  }
0x441: {  	s2 =	smul.f32 $3.125000000e-02, s7;
	s8 =	spop (v2sf)  }
0x442: {  	s3 =	smul.f32 $1.008064490e-03, s8  }
0x443: {  	s23 =	smul.f32 $1.000000010e-01, s2;
	_ =	sdelay $0x1  }
0x444: {  	s7 =	smul.f32 $1.000000050e-03, s0;
	s4 =	sadd.f32 s3, s23  }
0x445: {  	_ = 	snop  }
0x446: {  	s4 =	sadd.f32 s4, s7;
	_ =	sdelay $0x1  }
0x447: {  	v0 =	vmov s4  }
0x448: {  	v0 =	vnsel vm2, $0x0, v0  }
0x449: {  	v0 =	vsel vm3, s2, v0  }
0x44a: {  	v0 =	vsel vm4, s3, v0  }
0x44b: {  	v0 =	vsel vm5, s0, v0  }
.Ltmp16:
0x44c: {  	s29 =	rddreg [dreg:$0x2];
	s31 =	simm.s32 $0x15E80;
	[tilespmem:$0x15E80] =	vst v0;
	(pc) =	sbr.rel .LBB2_23-.Ltmp16, $4  }
0x44d: {  	[hbm4b:s29+s6] =	stream.linear.scatter [tilespmem:s31], [sflag:$0x1], $0x80, $0x38;
	[tilespmem:$0x16770] =	vst v63  }
0x44e: {  	_ =	swait.ge [sflag:s22], $0x80  }
0x44f: {  	[sflag:s22] =	ssyncset.done $0x0  }
0x450: {  	[sflag:s22] =	ssyncadd.s32 $0xFFFFFF80  }
.LBB2_24:
0x451: {  	_ =	sfence.sel $0x180000  }
0x452: {  	[bflag:$0x0] =	sbarrier.arrive $0xFFFF  }
0x453: {  	_ =	strace $0x90000047  }
0x454: {  	s0 =	stileid.u32;
	[bflag:$0x2] =	sbarrier.arrive $0xFFFF  }
0x455: {  	p0 =	sne.s32 s0, $0x0;
	s0 =	rddreg [dreg:$0x8]  }
0x456: {  	s0 =	sadd.s32 @!p0 $0x100000, s0  }
0x457: {  	[sflag:s0] =	ssyncadd.tile.s32 @!p0 $0x1;
	_ =	shalt  }
.Lfunc_end2:
_tile_overlayer_lowered:
.L_overlay_start_2:
0x458: {  	(tag) =	ssettag $0x2  }
0x459: {  	s0 =	rddreg [dreg:$0x0];
	s2 =	stileid.u32  }
0x45a: {  	s1 =	rddreg [dreg:$0x1];
	p0 =	sne.s32 s2, $0x0  }
0x45b: {  	s3 =	rddreg [dreg:$0x2];
	[bflag:$0x3] =	sbarrier.arrive $0xFFFF;
	s2 =	simm.s32 @!p0 $0x1C01  }
0x45c: {  	[timem:s3], [sflag:s2] =	dma.local @!p0 [hbm:s0], s1  }
0x45d: {  	s0 =	simm.s32 @!p0 $0x1  }
0x45e: {  	_ =	swait.ge @!p0 [sflag:s0], s1  }
0x45f: {  	s1 =	ssub.s32 @!p0 $0x0, s1;
	[sflag:s0] =	ssyncset.done @!p0 $0x0  }
0x460: {  	[sflag:s0] =	ssyncadd.s32 @!p0 s1  }
0x461: {  	[bflag:$0x3] =	sbarrier.arrive $0xFFFF  }
0x462: {  	_ =	shalt  }

</sc_bundles>
